<compile_context>
chip_gen: v7x
topology: tpu7x:2x2x1
jax: 0.10.2.dev20260603
libtpu: 0.0.44.dev20260713+nightly
codegen_flags: <defaults>
</compile_context>

<pallas_src>
import functools

import jax
import jax.numpy as jnp
from jax import lax
from jax.experimental import pallas as pl
from jax.experimental.pallas import tpu as pltpu
from jax.experimental.pallas import tpu_sc as plsc

_CK = 16
_NS = 3


def _sc_body(t_hbm, i_hbm, a_hbm, e_hbm, out_hbm, ids_hbm,
             b0, b1, b2, bias_v, ids_v,
             is0, is1, is2, os0, os1, os2, idsem,
             *, B, H, seg_lens, tot, nw, nc):
    cid = lax.axis_index("c")
    sid = lax.axis_index("s")
    wid = sid * nc + cid

    bufs = (b0, b1, b2)
    isems = (is0, is1, is2)
    osems = (os0, os1, os2)

    pltpu.sync_copy(e_hbm.at[pl.ds(0, len(seg_lens)), :], bias_v)

    hbms = (t_hbm, i_hbm, a_hbm)
    ids_cps = []
    off = 0
    for m, lm in enumerate(seg_lens):
        x_hbm = hbms[m]
        rm = B * lm // nw
        in_base = wid * rm
        b = in_base // lm
        l0 = in_base - b * lm
        out_base = b * tot + off + l0
        nck = rm // _CK

        ids_off = sum(B * l // nw for l in seg_lens[:m])
        for i in range(rm // 16):
            ids_v[pl.ds(ids_off + i * 16, 16)] = jnp.full((16,), m, jnp.int32)
        cp = pltpu.make_async_copy(ids_v.at[pl.ds(ids_off, rm)],
                                   ids_hbm.at[pl.ds(out_base, rm)], idsem)
        cp.start()
        ids_cps.append(cp)

        def in_cp(kk, s, in_base=in_base, x_hbm=x_hbm):
            return pltpu.make_async_copy(
                x_hbm.at[pl.ds(in_base + kk * _CK, _CK), :], bufs[s], isems[s])

        def out_cp(kk, s, out_base=out_base):
            return pltpu.make_async_copy(
                bufs[s], out_hbm.at[pl.ds(out_base + kk * _CK, _CK), :], osems[s])

        in_cp(0, 0).start()

        def make_branch(s, nck=nck, m=m, in_cp=in_cp, out_cp=out_cp):
            s1 = (s + 1) % _NS

            def br(kk):
                in_cp(kk, s).wait()

                @pl.when(kk >= 2)
                def _():
                    out_cp(kk - 2, s1).wait()

                @pl.when(kk + 1 < nck)
                def _():
                    in_cp(kk + 1, s1).start()

                @plsc.parallel_loop(0, H // 16, unroll=8)
                def _(c):
                    sl = pl.ds(c * 16, 16)
                    bv = bias_v[m, sl]
                    for r in range(_CK):
                        bufs[s][r, sl] = bufs[s][r, sl] + bv

                out_cp(kk, s).start()
                return 0

            return br

        branches = tuple(make_branch(s) for s in range(_NS))

        def step(kk, _, branches=branches):
            lax.switch(kk % _NS, branches, kk)
            return 0

        lax.fori_loop(0, nck, step, 0)
        for j in (nck - 2, nck - 1):
            out_cp(j, j % _NS).wait()
        off += lm
    for cp in ids_cps:
        cp.wait()


def kernel(text, image, audio, modality_embed):
    B, l_t, H = text.shape
    l_i = image.shape[1]
    l_a = audio.shape[1]
    tot = l_t + l_i + l_a

    info = plsc.get_sparse_core_info()
    nc, ns = info.num_cores, info.num_subcores
    nw = nc * ns
    mesh = plsc.VectorSubcoreMesh(core_axis_name="c", subcore_axis_name="s")

    body = functools.partial(_sc_body, B=B, H=H, seg_lens=(l_t, l_i, l_a),
                             tot=tot, nw=nw, nc=nc)

    sck = pl.kernel(
        body,
        mesh=mesh,
        out_type=[
            jax.ShapeDtypeStruct((B * tot, H), jnp.float32),
            jax.ShapeDtypeStruct((B * tot,), jnp.int32),
        ],
        scratch_types=[
            pltpu.VMEM((_CK, H), jnp.float32),
            pltpu.VMEM((_CK, H), jnp.float32),
            pltpu.VMEM((_CK, H), jnp.float32),
            pltpu.VMEM((3, H), jnp.float32),
            pltpu.VMEM((B * tot // nw,), jnp.int32),
            pltpu.SemaphoreType.DMA,
            pltpu.SemaphoreType.DMA,
            pltpu.SemaphoreType.DMA,
            pltpu.SemaphoreType.DMA,
            pltpu.SemaphoreType.DMA,
            pltpu.SemaphoreType.DMA,
            pltpu.SemaphoreType.DMA,
        ],
    )
    out2, ids1 = sck(
        text.reshape(B * l_t, H),
        image.reshape(B * l_i, H),
        audio.reshape(B * l_a, H),
        modality_embed,
    )
    return out2.reshape(B, tot, H), ids1.reshape(B, tot)

# --- scband reference (transcript-rebuilt; emitter-appended) ---
"""Pipeline reference for scband-multimodal-projector-38001870635032 (READ-ONLY COPY).

The authoritative reference and input builder live on the scoring server;
editing this copy changes nothing except your own understanding.
"""

import jax, jax.numpy as jnp
import numpy as np

MODALITY_TYPES = ['text', 'image', 'audio', 'video', 'code']
MOD_IDX = {m: i for i, m in enumerate(MODALITY_TYPES)}
H = 2048


def setup_inputs(seed: int = 0) -> dict:
    key = jax.random.key(seed)
    k1, k2, k3, k4 = jax.random.split(key, 4)
    text = jax.random.normal(k1, (2, 4096, H), dtype=jnp.float32)
    image = jax.random.normal(k2, (2, 1024, H), dtype=jnp.float32)
    audio = jax.random.normal(k3, (2, 512, H), dtype=jnp.float32)
    # learned parameter: modality type embedding table (5 rows, llm_hidden_size)
    modality_embed = jax.random.normal(k4, (len(MODALITY_TYPES), H), dtype=jnp.float32) * 0.02
    return {"text": text, "image": image, "audio": audio, "modality_embed": modality_embed}


def reference(text, image, audio, modality_embed):
    combined = []
    modality_ids = []
    for name, tokens in (("text", text), ("image", image), ("audio", audio)):
        mod_idx = MOD_IDX[name]
        # embedding lookup: gather a single row -> shape (1, H)
        mod_embed = jnp.take(modality_embed, jnp.array([mod_idx], dtype=jnp.int32), axis=0)
        tokens = tokens + mod_embed  # broadcast (B, L, H) + (1, H)
        combined.append(tokens)
        B, L, _ = tokens.shape
        modality_ids.append(jnp.full((B, L), mod_idx, dtype=jnp.int32))
    combined_tokens = jnp.concatenate(combined, axis=1)
    modality_ids = jnp.concatenate(modality_ids, axis=1)
    return combined_tokens, modality_ids

if __name__ == "__main__":
    import jax
    _d = setup_inputs()
    print(jax.jit(kernel)(*tuple(_d.values())))

</pallas_src>

<mosaic_0001>
#map = affine_map<(d0, d1) -> (0, 0)>
#map1 = affine_map<(d0, d1) -> (0)>
module attributes {stable_mosaic.version = 14 : i64} {
  func.func @_sc_body(%arg0: i32, %arg1: i32, %arg2: memref<8192x2048xf32, #tpu.memory_space<hbm>>, %arg3: memref<2048x2048xf32, #tpu.memory_space<hbm>>, %arg4: memref<1024x2048xf32, #tpu.memory_space<hbm>>, %arg5: memref<5x2048xf32, #tpu.memory_space<hbm>>, %arg6: memref<11264x2048xf32, #tpu.memory_space<hbm>>, %arg7: memref<11264xi32, #tpu.memory_space<hbm>>, %arg8: memref<16x2048xf32, #tpu.memory_space<vmem>>, %arg9: memref<16x2048xf32, #tpu.memory_space<vmem>>, %arg10: memref<16x2048xf32, #tpu.memory_space<vmem>>, %arg11: memref<3x2048xf32, #tpu.memory_space<vmem>>, %arg12: memref<352xi32, #tpu.memory_space<vmem>>, %arg13: memref<!tpu.dma_semaphore, #tpu.memory_space<semaphore_mem>>, %arg14: memref<!tpu.dma_semaphore, #tpu.memory_space<semaphore_mem>>, %arg15: memref<!tpu.dma_semaphore, #tpu.memory_space<semaphore_mem>>, %arg16: memref<!tpu.dma_semaphore, #tpu.memory_space<semaphore_mem>>, %arg17: memref<!tpu.dma_semaphore, #tpu.memory_space<semaphore_mem>>, %arg18: memref<!tpu.dma_semaphore, #tpu.memory_space<semaphore_mem>>, %arg19: memref<!tpu.dma_semaphore, #tpu.memory_space<semaphore_mem>>) attributes {dimension_semantics = [#tpu.dimension_semantics<core_parallel>, #tpu.dimension_semantics<subcore_parallel>], iteration_bounds = array<i64: 2, 16>, scalar_prefetch = 0 : i64, scratch_operands = 12 : i64, tpu.core_type = #tpu.core_type<sc_vector_subcore>, window_params = [{transform_indices = #map}, {transform_indices = #map}, {transform_indices = #map}, {transform_indices = #map}, {transform_indices = #map}, {transform_indices = #map1}]} {
    %mul3A = arith.constant 2 : i32
    %mul3A_0 = arith.muli %arg1, %mul3A : i32
    %add3A = arith.addi %mul3A_0, %arg0 : i32
    "tpu.region"() ({
      %run_scoped3A = tpu.sem_alloc : memref<!tpu.dma_semaphore, #tpu.memory_space<semaphore_mem>>
      %dma_start3A_333 = arith.constant 0 : i32
      %dma_start3A_334 = arith.constant 0 : i32
      %dma_start3A_335 = tpu.memref_slice %arg5[%dma_start3A_333, %dma_start3A_334] : memref<5x2048xf32, #tpu.memory_space<hbm>> -> memref<3x2048xf32, #tpu.memory_space<hbm>>
      %dma_start3A_336 = arith.constant 0 : i32
      %dma_start3A_337 = arith.constant 0 : i32
      %dma_start3A_338 = tpu.memref_slice %arg5[%dma_start3A_336, %dma_start3A_337] : memref<5x2048xf32, #tpu.memory_space<hbm>> -> memref<3x2048xf32, #tpu.memory_space<hbm>>
      tpu.enqueue_dma source(%dma_start3A_338 : memref<3x2048xf32, #tpu.memory_space<hbm>>) target(%arg11 : memref<3x2048xf32, #tpu.memory_space<vmem>>) target_semaphore(%run_scoped3A : memref<!tpu.dma_semaphore, #tpu.memory_space<semaphore_mem>>)
      %dma_wait3A_339 = arith.constant 0 : i32
      %dma_wait3A_340 = arith.constant 0 : i32
      %dma_wait3A_341 = tpu.memref_slice %arg5[%dma_wait3A_339, %dma_wait3A_340] : memref<5x2048xf32, #tpu.memory_space<hbm>> -> memref<3x2048xf32, #tpu.memory_space<hbm>>
      %dma_wait3A_342 = arith.constant 0 : i32
      %dma_wait3A_343 = arith.constant 0 : i32
      %dma_wait3A_344 = tpu.memref_slice %arg5[%dma_wait3A_342, %dma_wait3A_343] : memref<5x2048xf32, #tpu.memory_space<hbm>> -> memref<3x2048xf32, #tpu.memory_space<hbm>>
      tpu.wait_dma2 semaphore(%run_scoped3A : memref<!tpu.dma_semaphore, #tpu.memory_space<semaphore_mem>>) src(%dma_wait3A_344 : memref<3x2048xf32, #tpu.memory_space<hbm>>) dst(%arg11 : memref<3x2048xf32, #tpu.memory_space<vmem>>)
      tpu.yield
    }) : () -> ()
    %mul3A_1 = arith.constant 256 : i32
    %mul3A_2 = arith.muli %add3A, %mul3A_1 : i32
    %jit3A = arith.constant 4096 : i32
    %div3A = arith.divsi %mul3A_2, %jit3A : i32
    %sign3A = arith.constant 0 : i32
    %sign3A_3 = arith.cmpi sgt, %mul3A_2, %sign3A : i32
    %sign3A_4 = arith.extui %sign3A_3 : i1 to i32
    %sign3A_5 = arith.constant 0 : i32
    %sign3A_6 = arith.cmpi slt, %mul3A_2, %sign3A_5 : i32
    %sign3A_7 = arith.extui %sign3A_6 : i1 to i32
    %sign3A_8 = arith.subi %sign3A_4, %sign3A_7 : i32
    %sign3A_9 = arith.constant 0 : i32
    %sign3A_10 = arith.cmpi sgt, %jit3A, %sign3A_9 : i32
    %sign3A_11 = arith.extui %sign3A_10 : i1 to i32
    %sign3A_12 = arith.constant 0 : i32
    %sign3A_13 = arith.cmpi slt, %jit3A, %sign3A_12 : i32
    %sign3A_14 = arith.extui %sign3A_13 : i1 to i32
    %sign3A_15 = arith.subi %sign3A_11, %sign3A_14 : i32
    %ne3A = arith.cmpi ne, %sign3A_8, %sign3A_15 : i32
    %rem3A = arith.remsi %mul3A_2, %jit3A : i32
    %ne3A_16 = arith.constant 0 : i32
    %ne3A_17 = arith.cmpi ne, %rem3A, %ne3A_16 : i32
    %and3A = arith.andi %ne3A, %ne3A_17 : i1
    %sub3A = arith.constant 1 : i32
    %sub3A_18 = arith.subi %div3A, %sub3A : i32
    %select_n3A = arith.select %and3A, %sub3A_18, %div3A : i32
    %mul3A_19 = arith.constant 4096 : i32
    %mul3A_20 = arith.muli %select_n3A, %mul3A_19 : i32
    %sub3A_21 = arith.subi %mul3A_2, %mul3A_20 : i32
    %mul3A_22 = arith.constant 5632 : i32
    %mul3A_23 = arith.muli %select_n3A, %mul3A_22 : i32
    %add3A_24 = arith.constant 0 : i32
    %add3A_25 = arith.addi %mul3A_23, %add3A_24 : i32
    %add3A_26 = arith.addi %add3A_25, %sub3A_21 : i32
    %broadcast_in_dim3A = arith.constant 0 : i32
    %broadcast_in_dim3A_27 = vector.broadcast %broadcast_in_dim3A : i32 to vector<16xi32>
    %swap3A = arith.constant 0 : index
    %swap3A_28 = tpu.vector_load %arg12[%swap3A] {strides = array<i32>} : memref<352xi32, #tpu.memory_space<vmem>>, vector<16xi32>,
    %swap3A_29 = vector.shape_cast %swap3A_28 : vector<16xi32> to vector<16xi32>
    %swap3A_30 = vector.shape_cast %broadcast_in_dim3A_27 : vector<16xi32> to vector<16xi32>
    tpu.vector_store %arg12[%swap3A], %swap3A_30 {strides = array<i32>} : memref<352xi32, #tpu.memory_space<vmem>>, vector<16xi32>,
    %broadcast_in_dim3A_31 = arith.constant 0 : i32
    %broadcast_in_dim3A_32 = vector.broadcast %broadcast_in_dim3A_31 : i32 to vector<16xi32>
    %swap3A_33 = arith.constant 16 : index
    %swap3A_34 = tpu.vector_load %arg12[%swap3A_33] {strides = array<i32>} : memref<352xi32, #tpu.memory_space<vmem>>, vector<16xi32>,
    %swap3A_35 = vector.shape_cast %swap3A_34 : vector<16xi32> to vector<16xi32>
    %swap3A_36 = vector.shape_cast %broadcast_in_dim3A_32 : vector<16xi32> to vector<16xi32>
    tpu.vector_store %arg12[%swap3A_33], %swap3A_36 {strides = array<i32>} : memref<352xi32, #tpu.memory_space<vmem>>, vector<16xi32>,
    %broadcast_in_dim3A_37 = arith.constant 0 : i32
    %broadcast_in_dim3A_38 = vector.broadcast %broadcast_in_dim3A_37 : i32 to vector<16xi32>
    %swap3A_39 = arith.constant 32 : index
    %swap3A_40 = tpu.vector_load %arg12[%swap3A_39] {strides = array<i32>} : memref<352xi32, #tpu.memory_space<vmem>>, vector<16xi32>,
    %swap3A_41 = vector.shape_cast %swap3A_40 : vector<16xi32> to vector<16xi32>
    %swap3A_42 = vector.shape_cast %broadcast_in_dim3A_38 : vector<16xi32> to vector<16xi32>
    tpu.vector_store %arg12[%swap3A_39], %swap3A_42 {strides = array<i32>} : memref<352xi32, #tpu.memory_space<vmem>>, vector<16xi32>,
    %broadcast_in_dim3A_43 = arith.constant 0 : i32
    %broadcast_in_dim3A_44 = vector.broadcast %broadcast_in_dim3A_43 : i32 to vector<16xi32>
    %swap3A_45 = arith.constant 48 : index
    %swap3A_46 = tpu.vector_load %arg12[%swap3A_45] {strides = array<i32>} : memref<352xi32, #tpu.memory_space<vmem>>, vector<16xi32>,
    %swap3A_47 = vector.shape_cast %swap3A_46 : vector<16xi32> to vector<16xi32>
    %swap3A_48 = vector.shape_cast %broadcast_in_dim3A_44 : vector<16xi32> to vector<16xi32>
    tpu.vector_store %arg12[%swap3A_45], %swap3A_48 {strides = array<i32>} : memref<352xi32, #tpu.memory_space<vmem>>, vector<16xi32>,
    %broadcast_in_dim3A_49 = arith.constant 0 : i32
    %broadcast_in_dim3A_50 = vector.broadcast %broadcast_in_dim3A_49 : i32 to vector<16xi32>
    %swap3A_51 = arith.constant 64 : index
    %swap3A_52 = tpu.vector_load %arg12[%swap3A_51] {strides = array<i32>} : memref<352xi32, #tpu.memory_space<vmem>>, vector<16xi32>,
    %swap3A_53 = vector.shape_cast %swap3A_52 : vector<16xi32> to vector<16xi32>
    %swap3A_54 = vector.shape_cast %broadcast_in_dim3A_50 : vector<16xi32> to vector<16xi32>
    tpu.vector_store %arg12[%swap3A_51], %swap3A_54 {strides = array<i32>} : memref<352xi32, #tpu.memory_space<vmem>>, vector<16xi32>,
    %broadcast_in_dim3A_55 = arith.constant 0 : i32
    %broadcast_in_dim3A_56 = vector.broadcast %broadcast_in_dim3A_55 : i32 to vector<16xi32>
    %swap3A_57 = arith.constant 80 : index
    %swap3A_58 = tpu.vector_load %arg12[%swap3A_57] {strides = array<i32>} : memref<352xi32, #tpu.memory_space<vmem>>, vector<16xi32>,
    %swap3A_59 = vector.shape_cast %swap3A_58 : vector<16xi32> to vector<16xi32>
    %swap3A_60 = vector.shape_cast %broadcast_in_dim3A_56 : vector<16xi32> to vector<16xi32>
    tpu.vector_store %arg12[%swap3A_57], %swap3A_60 {strides = array<i32>} : memref<352xi32, #tpu.memory_space<vmem>>, vector<16xi32>,
    %broadcast_in_dim3A_61 = arith.constant 0 : i32
    %broadcast_in_dim3A_62 = vector.broadcast %broadcast_in_dim3A_61 : i32 to vector<16xi32>
    %swap3A_63 = arith.constant 96 : index
    %swap3A_64 = tpu.vector_load %arg12[%swap3A_63] {strides = array<i32>} : memref<352xi32, #tpu.memory_space<vmem>>, vector<16xi32>,
    %swap3A_65 = vector.shape_cast %swap3A_64 : vector<16xi32> to vector<16xi32>
    %swap3A_66 = vector.shape_cast %broadcast_in_dim3A_62 : vector<16xi32> to vector<16xi32>
    tpu.vector_store %arg12[%swap3A_63], %swap3A_66 {strides = array<i32>} : memref<352xi32, #tpu.memory_space<vmem>>, vector<16xi32>,
    %broadcast_in_dim3A_67 = arith.constant 0 : i32
    %broadcast_in_dim3A_68 = vector.broadcast %broadcast_in_dim3A_67 : i32 to vector<16xi32>
    %swap3A_69 = arith.constant 112 : index
    %swap3A_70 = tpu.vector_load %arg12[%swap3A_69] {strides = array<i32>} : memref<352xi32, #tpu.memory_space<vmem>>, vector<16xi32>,
    %swap3A_71 = vector.shape_cast %swap3A_70 : vector<16xi32> to vector<16xi32>
    %swap3A_72 = vector.shape_cast %broadcast_in_dim3A_68 : vector<16xi32> to vector<16xi32>
    tpu.vector_store %arg12[%swap3A_69], %swap3A_72 {strides = array<i32>} : memref<352xi32, #tpu.memory_space<vmem>>, vector<16xi32>,
    %broadcast_in_dim3A_73 = arith.constant 0 : i32
    %broadcast_in_dim3A_74 = vector.broadcast %broadcast_in_dim3A_73 : i32 to vector<16xi32>
    %swap3A_75 = arith.constant 128 : index
    %swap3A_76 = tpu.vector_load %arg12[%swap3A_75] {strides = array<i32>} : memref<352xi32, #tpu.memory_space<vmem>>, vector<16xi32>,
    %swap3A_77 = vector.shape_cast %swap3A_76 : vector<16xi32> to vector<16xi32>
    %swap3A_78 = vector.shape_cast %broadcast_in_dim3A_74 : vector<16xi32> to vector<16xi32>
    tpu.vector_store %arg12[%swap3A_75], %swap3A_78 {strides = array<i32>} : memref<352xi32, #tpu.memory_space<vmem>>, vector<16xi32>,
    %broadcast_in_dim3A_79 = arith.constant 0 : i32
    %broadcast_in_dim3A_80 = vector.broadcast %broadcast_in_dim3A_79 : i32 to vector<16xi32>
    %swap3A_81 = arith.constant 144 : index
    %swap3A_82 = tpu.vector_load %arg12[%swap3A_81] {strides = array<i32>} : memref<352xi32, #tpu.memory_space<vmem>>, vector<16xi32>,
    %swap3A_83 = vector.shape_cast %swap3A_82 : vector<16xi32> to vector<16xi32>
    %swap3A_84 = vector.shape_cast %broadcast_in_dim3A_80 : vector<16xi32> to vector<16xi32>
    tpu.vector_store %arg12[%swap3A_81], %swap3A_84 {strides = array<i32>} : memref<352xi32, #tpu.memory_space<vmem>>, vector<16xi32>,
    %broadcast_in_dim3A_85 = arith.constant 0 : i32
    %broadcast_in_dim3A_86 = vector.broadcast %broadcast_in_dim3A_85 : i32 to vector<16xi32>
    %swap3A_87 = arith.constant 160 : index
    %swap3A_88 = tpu.vector_load %arg12[%swap3A_87] {strides = array<i32>} : memref<352xi32, #tpu.memory_space<vmem>>, vector<16xi32>,
    %swap3A_89 = vector.shape_cast %swap3A_88 : vector<16xi32> to vector<16xi32>
    %swap3A_90 = vector.shape_cast %broadcast_in_dim3A_86 : vector<16xi32> to vector<16xi32>
    tpu.vector_store %arg12[%swap3A_87], %swap3A_90 {strides = array<i32>} : memref<352xi32, #tpu.memory_space<vmem>>, vector<16xi32>,
    %broadcast_in_dim3A_91 = arith.constant 0 : i32
    %broadcast_in_dim3A_92 = vector.broadcast %broadcast_in_dim3A_91 : i32 to vector<16xi32>
    %swap3A_93 = arith.constant 176 : index
    %swap3A_94 = tpu.vector_load %arg12[%swap3A_93] {strides = array<i32>} : memref<352xi32, #tpu.memory_space<vmem>>, vector<16xi32>,
    %swap3A_95 = vector.shape_cast %swap3A_94 : vector<16xi32> to vector<16xi32>
    %swap3A_96 = vector.shape_cast %broadcast_in_dim3A_92 : vector<16xi32> to vector<16xi32>
    tpu.vector_store %arg12[%swap3A_93], %swap3A_96 {strides = array<i32>} : memref<352xi32, #tpu.memory_space<vmem>>, vector<16xi32>,
    %broadcast_in_dim3A_97 = arith.constant 0 : i32
    %broadcast_in_dim3A_98 = vector.broadcast %broadcast_in_dim3A_97 : i32 to vector<16xi32>
    %swap3A_99 = arith.constant 192 : index
    %swap3A_100 = tpu.vector_load %arg12[%swap3A_99] {strides = array<i32>} : memref<352xi32, #tpu.memory_space<vmem>>, vector<16xi32>,
    %swap3A_101 = vector.shape_cast %swap3A_100 : vector<16xi32> to vector<16xi32>
    %swap3A_102 = vector.shape_cast %broadcast_in_dim3A_98 : vector<16xi32> to vector<16xi32>
    tpu.vector_store %arg12[%swap3A_99], %swap3A_102 {strides = array<i32>} : memref<352xi32, #tpu.memory_space<vmem>>, vector<16xi32>,
    %broadcast_in_dim3A_103 = arith.constant 0 : i32
    %broadcast_in_dim3A_104 = vector.broadcast %broadcast_in_dim3A_103 : i32 to vector<16xi32>
    %swap3A_105 = arith.constant 208 : index
    %swap3A_106 = tpu.vector_load %arg12[%swap3A_105] {strides = array<i32>} : memref<352xi32, #tpu.memory_space<vmem>>, vector<16xi32>,
    %swap3A_107 = vector.shape_cast %swap3A_106 : vector<16xi32> to vector<16xi32>
    %swap3A_108 = vector.shape_cast %broadcast_in_dim3A_104 : vector<16xi32> to vector<16xi32>
    tpu.vector_store %arg12[%swap3A_105], %swap3A_108 {strides = array<i32>} : memref<352xi32, #tpu.memory_space<vmem>>, vector<16xi32>,
    %broadcast_in_dim3A_109 = arith.constant 0 : i32
    %broadcast_in_dim3A_110 = vector.broadcast %broadcast_in_dim3A_109 : i32 to vector<16xi32>
    %swap3A_111 = arith.constant 224 : index
    %swap3A_112 = tpu.vector_load %arg12[%swap3A_111] {strides = array<i32>} : memref<352xi32, #tpu.memory_space<vmem>>, vector<16xi32>,
    %swap3A_113 = vector.shape_cast %swap3A_112 : vector<16xi32> to vector<16xi32>
    %swap3A_114 = vector.shape_cast %broadcast_in_dim3A_110 : vector<16xi32> to vector<16xi32>
    tpu.vector_store %arg12[%swap3A_111], %swap3A_114 {strides = array<i32>} : memref<352xi32, #tpu.memory_space<vmem>>, vector<16xi32>,
    %broadcast_in_dim3A_115 = arith.constant 0 : i32
    %broadcast_in_dim3A_116 = vector.broadcast %broadcast_in_dim3A_115 : i32 to vector<16xi32>
    %swap3A_117 = arith.constant 240 : index
    %swap3A_118 = tpu.vector_load %arg12[%swap3A_117] {strides = array<i32>} : memref<352xi32, #tpu.memory_space<vmem>>, vector<16xi32>,
    %swap3A_119 = vector.shape_cast %swap3A_118 : vector<16xi32> to vector<16xi32>
    %swap3A_120 = vector.shape_cast %broadcast_in_dim3A_116 : vector<16xi32> to vector<16xi32>
    tpu.vector_store %arg12[%swap3A_117], %swap3A_120 {strides = array<i32>} : memref<352xi32, #tpu.memory_space<vmem>>, vector<16xi32>,
    %dma_start3A = arith.constant 0 : i32
    %dma_start3A_121 = tpu.memref_slice %arg12[%dma_start3A] : memref<352xi32, #tpu.memory_space<vmem>> -> memref<256xi32, #tpu.memory_space<vmem>>
    %dma_start3A_122 = tpu.memref_slice %arg7[%add3A_26] : memref<11264xi32, #tpu.memory_space<hbm>> -> memref<256xi32, #tpu.memory_space<hbm>>
    %dma_start3A_123 = tpu.memref_slice %arg7[%add3A_26] : memref<11264xi32, #tpu.memory_space<hbm>> -> memref<256xi32, #tpu.memory_space<hbm>>
    %dma_start3A_124 = arith.constant 0 : i32
    %dma_start3A_125 = tpu.memref_slice %arg12[%dma_start3A_124] : memref<352xi32, #tpu.memory_space<vmem>> -> memref<256xi32, #tpu.memory_space<vmem>>
    tpu.enqueue_dma source(%dma_start3A_125 : memref<256xi32, #tpu.memory_space<vmem>>) target(%dma_start3A_123 : memref<256xi32, #tpu.memory_space<hbm>>) target_semaphore(%arg19 : memref<!tpu.dma_semaphore, #tpu.memory_space<semaphore_mem>>)
    %add3A_126 = arith.constant 0 : i32
    %add3A_127 = arith.addi %mul3A_2, %add3A_126 : i32
    %dma_start3A_128 = arith.constant 0 : i32
    %dma_start3A_129 = tpu.memref_slice %arg2[%add3A_127, %dma_start3A_128] : memref<8192x2048xf32, #tpu.memory_space<hbm>> -> memref<16x2048xf32, #tpu.memory_space<hbm>>
    %dma_start3A_130 = arith.constant 0 : i32
    %dma_start3A_131 = tpu.memref_slice %arg2[%add3A_127, %dma_start3A_130] : memref<8192x2048xf32, #tpu.memory_space<hbm>> -> memref<16x2048xf32, #tpu.memory_space<hbm>>
    tpu.enqueue_dma source(%dma_start3A_131 : memref<16x2048xf32, #tpu.memory_space<hbm>>) target(%arg8 : memref<16x2048xf32, #tpu.memory_space<vmem>>) target_semaphore(%arg13 : memref<!tpu.dma_semaphore, #tpu.memory_space<semaphore_mem>>)
    %scan3A = arith.constant 0 : i32
    %scan3A_132 = arith.constant 0 : i32
    %scan3A_133 = arith.constant 16 : i32
    %scan3A_134 = arith.addi %scan3A_132, %scan3A_133 : i32
    %scan3A_135 = arith.constant 1 : i32
    %scan3A_136 = scf.for %scan3A_333 = %scan3A_132 to %scan3A_134 step %scan3A_135 iter_args(%scan3A_334 = %scan3A) -> (i32)  : i32 {
      %jit3A_335 = arith.constant 3 : i32
      %eq3A = arith.constant 0 : i32
      %eq3A_336 = arith.cmpi eq, %jit3A_335, %eq3A : i32
      %jit3A_337 = arith.constant 1 : i32
      %select_n3A_338 = arith.select %eq3A_336, %jit3A_337, %jit3A_335 : i32
      %rem3A_339 = arith.remsi %scan3A_333, %select_n3A_338 : i32
      %ne3A_340 = arith.constant 0 : i32
      %ne3A_341 = arith.cmpi ne, %rem3A_339, %ne3A_340 : i32
      %lt3A = arith.constant 0 : i32
      %lt3A_342 = arith.cmpi slt, %rem3A_339, %lt3A : i32
      %lt3A_343 = arith.constant 0 : i32
      %lt3A_344 = arith.cmpi slt, %select_n3A_338, %lt3A_343 : i32
      %ne3A_345 = arith.xori %lt3A_342, %lt3A_344 : i1
      %and3A_346 = arith.andi %ne3A_345, %ne3A_341 : i1
      %add3A_347 = arith.addi %rem3A_339, %select_n3A_338 : i32
      %select_n3A_348 = arith.select %and3A_346, %add3A_347, %rem3A_339 : i32
      %clamp3A = arith.constant 0 : i32
      %clamp3A_349 = arith.constant 2 : i32
      %clamp3A_350 = arith.maxsi %select_n3A_348, %clamp3A : i32
      %clamp3A_351 = arith.minsi %clamp3A_350, %clamp3A_349 : i32
      %cond3A = arith.constant 0 : i32
      %cond3A_352 = arith.cmpi ne, %clamp3A_351, %cond3A : i32
      %cond3A_353 = scf.if %cond3A_352 -> (i32) {
        %cond3A_355 = arith.constant 1 : i32
        %cond3A_356 = arith.subi %clamp3A_351, %cond3A_355 : i32
        %cond3A_357 = arith.constant 0 : i32
        %cond3A_358 = arith.cmpi ne, %cond3A_356, %cond3A_357 : i32
        %cond3A_359 = scf.if %cond3A_358 -> (i32) {
          %mul3A_360 = arith.constant 16 : i32
          %mul3A_361 = arith.muli %scan3A_333, %mul3A_360 : i32
          %add3A_362 = arith.addi %mul3A_2, %mul3A_361 : i32
          %dma_wait3A_363 = arith.constant 0 : i32
          %dma_wait3A_364 = tpu.memref_slice %arg2[%add3A_362, %dma_wait3A_363] : memref<8192x2048xf32, #tpu.memory_space<hbm>> -> memref<16x2048xf32, #tpu.memory_space<hbm>>
          %dma_wait3A_365 = arith.constant 0 : i32
          %dma_wait3A_366 = tpu.memref_slice %arg2[%add3A_362, %dma_wait3A_365] : memref<8192x2048xf32, #tpu.memory_space<hbm>> -> memref<16x2048xf32, #tpu.memory_space<hbm>>
          tpu.wait_dma2 semaphore(%arg15 : memref<!tpu.dma_semaphore, #tpu.memory_space<semaphore_mem>>) src(%dma_wait3A_366 : memref<16x2048xf32, #tpu.memory_space<hbm>>) dst(%arg10 : memref<16x2048xf32, #tpu.memory_space<vmem>>)
          %ge3A = arith.constant 2 : i32
          %ge3A_367 = arith.cmpi sge, %scan3A_333, %ge3A : i32
          %convert_element_type3A = arith.extui %ge3A_367 : i1 to i32
          %cond3A_368 = arith.constant 0 : i32
          %cond3A_369 = arith.cmpi ne, %convert_element_type3A, %cond3A_368 : i32
          scf.if %cond3A_369 {
            %sub3A_387 = arith.constant 2 : i32
            %sub3A_388 = arith.subi %scan3A_333, %sub3A_387 : i32
            %mul3A_389 = arith.constant 16 : i32
            %mul3A_390 = arith.muli %sub3A_388, %mul3A_389 : i32
            %add3A_391 = arith.addi %add3A_26, %mul3A_390 : i32
            %dma_wait3A_392 = arith.constant 0 : i32
            %dma_wait3A_393 = tpu.memref_slice %arg6[%add3A_391, %dma_wait3A_392] : memref<11264x2048xf32, #tpu.memory_space<hbm>> -> memref<16x2048xf32, #tpu.memory_space<hbm>>
            %dma_wait3A_394 = arith.constant 0 : i32
            %dma_wait3A_395 = tpu.memref_slice %arg6[%add3A_391, %dma_wait3A_394] : memref<11264x2048xf32, #tpu.memory_space<hbm>> -> memref<16x2048xf32, #tpu.memory_space<hbm>>
            tpu.wait_dma2 semaphore(%arg16 : memref<!tpu.dma_semaphore, #tpu.memory_space<semaphore_mem>>) src(%arg8 : memref<16x2048xf32, #tpu.memory_space<vmem>>) dst(%dma_wait3A_395 : memref<16x2048xf32, #tpu.memory_space<hbm>>)
          } else {
          }
          %add3A_370 = arith.constant 1 : i32
          %add3A_371 = arith.addi %scan3A_333, %add3A_370 : i32
          %lt3A_372 = arith.constant 16 : i32
          %lt3A_373 = arith.cmpi slt, %add3A_371, %lt3A_372 : i32
          %convert_element_type3A_374 = arith.extui %lt3A_373 : i1 to i32
          %cond3A_375 = arith.constant 0 : i32
          %cond3A_376 = arith.cmpi ne, %convert_element_type3A_374, %cond3A_375 : i32
          scf.if %cond3A_376 {
            %add3A_387 = arith.constant 1 : i32
            %add3A_388 = arith.addi %scan3A_333, %add3A_387 : i32
            %mul3A_389 = arith.constant 16 : i32
            %mul3A_390 = arith.muli %add3A_388, %mul3A_389 : i32
            %add3A_391 = arith.addi %mul3A_2, %mul3A_390 : i32
            %dma_start3A_392 = arith.constant 0 : i32
            %dma_start3A_393 = tpu.memref_slice %arg2[%add3A_391, %dma_start3A_392] : memref<8192x2048xf32, #tpu.memory_space<hbm>> -> memref<16x2048xf32, #tpu.memory_space<hbm>>
            %dma_start3A_394 = arith.constant 0 : i32
            %dma_start3A_395 = tpu.memref_slice %arg2[%add3A_391, %dma_start3A_394] : memref<8192x2048xf32, #tpu.memory_space<hbm>> -> memref<16x2048xf32, #tpu.memory_space<hbm>>
            tpu.enqueue_dma source(%dma_start3A_395 : memref<16x2048xf32, #tpu.memory_space<hbm>>) target(%arg8 : memref<16x2048xf32, #tpu.memory_space<vmem>>) target_semaphore(%arg13 : memref<!tpu.dma_semaphore, #tpu.memory_space<semaphore_mem>>)
          } else {
          }
          %parallel_loop3A = arith.constant 0 : i32
          %parallel_loop3A_377 = arith.constant 128 : i32
          %parallel_loop3A_378 = arith.constant 1 : i32
          scf.for %parallel_loop3A_387 = %parallel_loop3A to %parallel_loop3A_377 step %parallel_loop3A_378  : i32 {
            %parallel_loop3A_388 = arith.constant 16 : i32
            %parallel_loop3A_389 = arith.muli %parallel_loop3A_387, %parallel_loop3A_388 : i32
            %parallel_loop3A_390 = arith.constant 0 : i32
            %parallel_loop3A_391 = arith.index_cast %parallel_loop3A_390 : i32 to index
            %parallel_loop3A_392 = arith.index_cast %parallel_loop3A_389 : i32 to index
            %parallel_loop3A_393 = tpu.vector_load %arg11[%parallel_loop3A_391, %parallel_loop3A_392] {strides = array<i32>} : memref<3x2048xf32, #tpu.memory_space<vmem>>, vector<1x16xf32>,
            %parallel_loop3A_394 = vector.shape_cast %parallel_loop3A_393 : vector<1x16xf32> to vector<16xf32>
            %parallel_loop3A_395 = arith.constant 0 : i32
            %parallel_loop3A_396 = arith.index_cast %parallel_loop3A_395 : i32 to index
            %parallel_loop3A_397 = arith.index_cast %parallel_loop3A_389 : i32 to index
            %parallel_loop3A_398 = tpu.vector_load %arg10[%parallel_loop3A_396, %parallel_loop3A_397] {strides = array<i32>} : memref<16x2048xf32, #tpu.memory_space<vmem>>, vector<1x16xf32>,
            %parallel_loop3A_399 = vector.shape_cast %parallel_loop3A_398 : vector<1x16xf32> to vector<16xf32>
            %parallel_loop3A_400 = arith.addf %parallel_loop3A_399, %parallel_loop3A_394 : vector<16xf32>
            %parallel_loop3A_401 = arith.constant 0 : i32
            %parallel_loop3A_402 = arith.index_cast %parallel_loop3A_401 : i32 to index
            %parallel_loop3A_403 = arith.index_cast %parallel_loop3A_389 : i32 to index
            %parallel_loop3A_404 = tpu.vector_load %arg10[%parallel_loop3A_402, %parallel_loop3A_403] {strides = array<i32>} : memref<16x2048xf32, #tpu.memory_space<vmem>>, vector<1x16xf32>,
            %parallel_loop3A_405 = vector.shape_cast %parallel_loop3A_404 : vector<1x16xf32> to vector<16xf32>
            %parallel_loop3A_406 = vector.shape_cast %parallel_loop3A_400 : vector<16xf32> to vector<1x16xf32>
            tpu.vector_store %arg10[%parallel_loop3A_402, %parallel_loop3A_403], %parallel_loop3A_406 {strides = array<i32>} : memref<16x2048xf32, #tpu.memory_space<vmem>>, vector<1x16xf32>,
            %parallel_loop3A_407 = arith.constant 1 : i32
            %parallel_loop3A_408 = arith.index_cast %parallel_loop3A_407 : i32 to index
            %parallel_loop3A_409 = arith.index_cast %parallel_loop3A_389 : i32 to index
            %parallel_loop3A_410 = tpu.vector_load %arg10[%parallel_loop3A_408, %parallel_loop3A_409] {strides = array<i32>} : memref<16x2048xf32, #tpu.memory_space<vmem>>, vector<1x16xf32>,
            %parallel_loop3A_411 = vector.shape_cast %parallel_loop3A_410 : vector<1x16xf32> to vector<16xf32>
            %parallel_loop3A_412 = arith.addf %parallel_loop3A_411, %parallel_loop3A_394 : vector<16xf32>
            %parallel_loop3A_413 = arith.constant 1 : i32
            %parallel_loop3A_414 = arith.index_cast %parallel_loop3A_413 : i32 to index
            %parallel_loop3A_415 = arith.index_cast %parallel_loop3A_389 : i32 to index
            %parallel_loop3A_416 = tpu.vector_load %arg10[%parallel_loop3A_414, %parallel_loop3A_415] {strides = array<i32>} : memref<16x2048xf32, #tpu.memory_space<vmem>>, vector<1x16xf32>,
            %parallel_loop3A_417 = vector.shape_cast %parallel_loop3A_416 : vector<1x16xf32> to vector<16xf32>
            %parallel_loop3A_418 = vector.shape_cast %parallel_loop3A_412 : vector<16xf32> to vector<1x16xf32>
            tpu.vector_store %arg10[%parallel_loop3A_414, %parallel_loop3A_415], %parallel_loop3A_418 {strides = array<i32>} : memref<16x2048xf32, #tpu.memory_space<vmem>>, vector<1x16xf32>,
            %parallel_loop3A_419 = arith.constant 2 : i32
            %parallel_loop3A_420 = arith.index_cast %parallel_loop3A_419 : i32 to index
            %parallel_loop3A_421 = arith.index_cast %parallel_loop3A_389 : i32 to index
            %parallel_loop3A_422 = tpu.vector_load %arg10[%parallel_loop3A_420, %parallel_loop3A_421] {strides = array<i32>} : memref<16x2048xf32, #tpu.memory_space<vmem>>, vector<1x16xf32>,
            %parallel_loop3A_423 = vector.shape_cast %parallel_loop3A_422 : vector<1x16xf32> to vector<16xf32>
            %parallel_loop3A_424 = arith.addf %parallel_loop3A_423, %parallel_loop3A_394 : vector<16xf32>
            %parallel_loop3A_425 = arith.constant 2 : i32
            %parallel_loop3A_426 = arith.index_cast %parallel_loop3A_425 : i32 to index
            %parallel_loop3A_427 = arith.index_cast %parallel_loop3A_389 : i32 to index
            %parallel_loop3A_428 = tpu.vector_load %arg10[%parallel_loop3A_426, %parallel_loop3A_427] {strides = array<i32>} : memref<16x2048xf32, #tpu.memory_space<vmem>>, vector<1x16xf32>,
            %parallel_loop3A_429 = vector.shape_cast %parallel_loop3A_428 : vector<1x16xf32> to vector<16xf32>
            %parallel_loop3A_430 = vector.shape_cast %parallel_loop3A_424 : vector<16xf32> to vector<1x16xf32>
            tpu.vector_store %arg10[%parallel_loop3A_426, %parallel_loop3A_427], %parallel_loop3A_430 {strides = array<i32>} : memref<16x2048xf32, #tpu.memory_space<vmem>>, vector<1x16xf32>,
            %parallel_loop3A_431 = arith.constant 3 : i32
            %parallel_loop3A_432 = arith.index_cast %parallel_loop3A_431 : i32 to index
            %parallel_loop3A_433 = arith.index_cast %parallel_loop3A_389 : i32 to index
            %parallel_loop3A_434 = tpu.vector_load %arg10[%parallel_loop3A_432, %parallel_loop3A_433] {strides = array<i32>} : memref<16x2048xf32, #tpu.memory_space<vmem>>, vector<1x16xf32>,
            %parallel_loop3A_435 = vector.shape_cast %parallel_loop3A_434 : vector<1x16xf32> to vector<16xf32>
            %parallel_loop3A_436 = arith.addf %parallel_loop3A_435, %parallel_loop3A_394 : vector<16xf32>
            %parallel_loop3A_437 = arith.constant 3 : i32
            %parallel_loop3A_438 = arith.index_cast %parallel_loop3A_437 : i32 to index
            %parallel_loop3A_439 = arith.index_cast %parallel_loop3A_389 : i32 to index
            %parallel_loop3A_440 = tpu.vector_load %arg10[%parallel_loop3A_438, %parallel_loop3A_439] {strides = array<i32>} : memref<16x2048xf32, #tpu.memory_space<vmem>>, vector<1x16xf32>,
            %parallel_loop3A_441 = vector.shape_cast %parallel_loop3A_440 : vector<1x16xf32> to vector<16xf32>
            %parallel_loop3A_442 = vector.shape_cast %parallel_loop3A_436 : vector<16xf32> to vector<1x16xf32>
            tpu.vector_store %arg10[%parallel_loop3A_438, %parallel_loop3A_439], %parallel_loop3A_442 {strides = array<i32>} : memref<16x2048xf32, #tpu.memory_space<vmem>>, vector<1x16xf32>,
            %parallel_loop3A_443 = arith.constant 4 : i32
            %parallel_loop3A_444 = arith.index_cast %parallel_loop3A_443 : i32 to index
            %parallel_loop3A_445 = arith.index_cast %parallel_loop3A_389 : i32 to index
            %parallel_loop3A_446 = tpu.vector_load %arg10[%parallel_loop3A_444, %parallel_loop3A_445] {strides = array<i32>} : memref<16x2048xf32, #tpu.memory_space<vmem>>, vector<1x16xf32>,
            %parallel_loop3A_447 = vector.shape_cast %parallel_loop3A_446 : vector<1x16xf32> to vector<16xf32>
            %parallel_loop3A_448 = arith.addf %parallel_loop3A_447, %parallel_loop3A_394 : vector<16xf32>
            %parallel_loop3A_449 = arith.constant 4 : i32
            %parallel_loop3A_450 = arith.index_cast %parallel_loop3A_449 : i32 to index
            %parallel_loop3A_451 = arith.index_cast %parallel_loop3A_389 : i32 to index
            %parallel_loop3A_452 = tpu.vector_load %arg10[%parallel_loop3A_450, %parallel_loop3A_451] {strides = array<i32>} : memref<16x2048xf32, #tpu.memory_space<vmem>>, vector<1x16xf32>,
            %parallel_loop3A_453 = vector.shape_cast %parallel_loop3A_452 : vector<1x16xf32> to vector<16xf32>
            %parallel_loop3A_454 = vector.shape_cast %parallel_loop3A_448 : vector<16xf32> to vector<1x16xf32>
            tpu.vector_store %arg10[%parallel_loop3A_450, %parallel_loop3A_451], %parallel_loop3A_454 {strides = array<i32>} : memref<16x2048xf32, #tpu.memory_space<vmem>>, vector<1x16xf32>,
            %parallel_loop3A_455 = arith.constant 5 : i32
            %parallel_loop3A_456 = arith.index_cast %parallel_loop3A_455 : i32 to index
            %parallel_loop3A_457 = arith.index_cast %parallel_loop3A_389 : i32 to index
            %parallel_loop3A_458 = tpu.vector_load %arg10[%parallel_loop3A_456, %parallel_loop3A_457] {strides = array<i32>} : memref<16x2048xf32, #tpu.memory_space<vmem>>, vector<1x16xf32>,
            %parallel_loop3A_459 = vector.shape_cast %parallel_loop3A_458 : vector<1x16xf32> to vector<16xf32>
            %parallel_loop3A_460 = arith.addf %parallel_loop3A_459, %parallel_loop3A_394 : vector<16xf32>
            %parallel_loop3A_461 = arith.constant 5 : i32
            %parallel_loop3A_462 = arith.index_cast %parallel_loop3A_461 : i32 to index
            %parallel_loop3A_463 = arith.index_cast %parallel_loop3A_389 : i32 to index
            %parallel_loop3A_464 = tpu.vector_load %arg10[%parallel_loop3A_462, %parallel_loop3A_463] {strides = array<i32>} : memref<16x2048xf32, #tpu.memory_space<vmem>>, vector<1x16xf32>,
            %parallel_loop3A_465 = vector.shape_cast %parallel_loop3A_464 : vector<1x16xf32> to vector<16xf32>
            %parallel_loop3A_466 = vector.shape_cast %parallel_loop3A_460 : vector<16xf32> to vector<1x16xf32>
            tpu.vector_store %arg10[%parallel_loop3A_462, %parallel_loop3A_463], %parallel_loop3A_466 {strides = array<i32>} : memref<16x2048xf32, #tpu.memory_space<vmem>>, vector<1x16xf32>,
            %parallel_loop3A_467 = arith.constant 6 : i32
            %parallel_loop3A_468 = arith.index_cast %parallel_loop3A_467 : i32 to index
            %parallel_loop3A_469 = arith.index_cast %parallel_loop3A_389 : i32 to index
            %parallel_loop3A_470 = tpu.vector_load %arg10[%parallel_loop3A_468, %parallel_loop3A_469] {strides = array<i32>} : memref<16x2048xf32, #tpu.memory_space<vmem>>, vector<1x16xf32>,
            %parallel_loop3A_471 = vector.shape_cast %parallel_loop3A_470 : vector<1x16xf32> to vector<16xf32>
            %parallel_loop3A_472 = arith.addf %parallel_loop3A_471, %parallel_loop3A_394 : vector<16xf32>
            %parallel_loop3A_473 = arith.constant 6 : i32
            %parallel_loop3A_474 = arith.index_cast %parallel_loop3A_473 : i32 to index
            %parallel_loop3A_475 = arith.index_cast %parallel_loop3A_389 : i32 to index
            %parallel_loop3A_476 = tpu.vector_load %arg10[%parallel_loop3A_474, %parallel_loop3A_475] {strides = array<i32>} : memref<16x2048xf32, #tpu.memory_space<vmem>>, vector<1x16xf32>,
            %parallel_loop3A_477 = vector.shape_cast %parallel_loop3A_476 : vector<1x16xf32> to vector<16xf32>
            %parallel_loop3A_478 = vector.shape_cast %parallel_loop3A_472 : vector<16xf32> to vector<1x16xf32>
            tpu.vector_store %arg10[%parallel_loop3A_474, %parallel_loop3A_475], %parallel_loop3A_478 {strides = array<i32>} : memref<16x2048xf32, #tpu.memory_space<vmem>>, vector<1x16xf32>,
            %parallel_loop3A_479 = arith.constant 7 : i32
            %parallel_loop3A_480 = arith.index_cast %parallel_loop3A_479 : i32 to index
            %parallel_loop3A_481 = arith.index_cast %parallel_loop3A_389 : i32 to index
            %parallel_loop3A_482 = tpu.vector_load %arg10[%parallel_loop3A_480, %parallel_loop3A_481] {strides = array<i32>} : memref<16x2048xf32, #tpu.memory_space<vmem>>, vector<1x16xf32>,
            %parallel_loop3A_483 = vector.shape_cast %parallel_loop3A_482 : vector<1x16xf32> to vector<16xf32>
            %parallel_loop3A_484 = arith.addf %parallel_loop3A_483, %parallel_loop3A_394 : vector<16xf32>
            %parallel_loop3A_485 = arith.constant 7 : i32
            %parallel_loop3A_486 = arith.index_cast %parallel_loop3A_485 : i32 to index
            %parallel_loop3A_487 = arith.index_cast %parallel_loop3A_389 : i32 to index
            %parallel_loop3A_488 = tpu.vector_load %arg10[%parallel_loop3A_486, %parallel_loop3A_487] {strides = array<i32>} : memref<16x2048xf32, #tpu.memory_space<vmem>>, vector<1x16xf32>,
            %parallel_loop3A_489 = vector.shape_cast %parallel_loop3A_488 : vector<1x16xf32> to vector<16xf32>
            %parallel_loop3A_490 = vector.shape_cast %parallel_loop3A_484 : vector<16xf32> to vector<1x16xf32>
            tpu.vector_store %arg10[%parallel_loop3A_486, %parallel_loop3A_487], %parallel_loop3A_490 {strides = array<i32>} : memref<16x2048xf32, #tpu.memory_space<vmem>>, vector<1x16xf32>,
            %parallel_loop3A_491 = arith.constant 8 : i32
            %parallel_loop3A_492 = arith.index_cast %parallel_loop3A_491 : i32 to index
            %parallel_loop3A_493 = arith.index_cast %parallel_loop3A_389 : i32 to index
            %parallel_loop3A_494 = tpu.vector_load %arg10[%parallel_loop3A_492, %parallel_loop3A_493] {strides = array<i32>} : memref<16x2048xf32, #tpu.memory_space<vmem>>, vector<1x16xf32>,
            %parallel_loop3A_495 = vector.shape_cast %parallel_loop3A_494 : vector<1x16xf32> to vector<16xf32>
            %parallel_loop3A_496 = arith.addf %parallel_loop3A_495, %parallel_loop3A_394 : vector<16xf32>
            %parallel_loop3A_497 = arith.constant 8 : i32
            %parallel_loop3A_498 = arith.index_cast %parallel_loop3A_497 : i32 to index
            %parallel_loop3A_499 = arith.index_cast %parallel_loop3A_389 : i32 to index
            %parallel_loop3A_500 = tpu.vector_load %arg10[%parallel_loop3A_498, %parallel_loop3A_499] {strides = array<i32>} : memref<16x2048xf32, #tpu.memory_space<vmem>>, vector<1x16xf32>,
            %parallel_loop3A_501 = vector.shape_cast %parallel_loop3A_500 : vector<1x16xf32> to vector<16xf32>
            %parallel_loop3A_502 = vector.shape_cast %parallel_loop3A_496 : vector<16xf32> to vector<1x16xf32>
            tpu.vector_store %arg10[%parallel_loop3A_498, %parallel_loop3A_499], %parallel_loop3A_502 {strides = array<i32>} : memref<16x2048xf32, #tpu.memory_space<vmem>>, vector<1x16xf32>,
            %parallel_loop3A_503 = arith.constant 9 : i32
            %parallel_loop3A_504 = arith.index_cast %parallel_loop3A_503 : i32 to index
            %parallel_loop3A_505 = arith.index_cast %parallel_loop3A_389 : i32 to index
            %parallel_loop3A_506 = tpu.vector_load %arg10[%parallel_loop3A_504, %parallel_loop3A_505] {strides = array<i32>} : memref<16x2048xf32, #tpu.memory_space<vmem>>, vector<1x16xf32>,
            %parallel_loop3A_507 = vector.shape_cast %parallel_loop3A_506 : vector<1x16xf32> to vector<16xf32>
            %parallel_loop3A_508 = arith.addf %parallel_loop3A_507, %parallel_loop3A_394 : vector<16xf32>
            %parallel_loop3A_509 = arith.constant 9 : i32
            %parallel_loop3A_510 = arith.index_cast %parallel_loop3A_509 : i32 to index
            %parallel_loop3A_511 = arith.index_cast %parallel_loop3A_389 : i32 to index
            %parallel_loop3A_512 = tpu.vector_load %arg10[%parallel_loop3A_510, %parallel_loop3A_511] {strides = array<i32>} : memref<16x2048xf32, #tpu.memory_space<vmem>>, vector<1x16xf32>,
            %parallel_loop3A_513 = vector.shape_cast %parallel_loop3A_512 : vector<1x16xf32> to vector<16xf32>
            %parallel_loop3A_514 = vector.shape_cast %parallel_loop3A_508 : vector<16xf32> to vector<1x16xf32>
            tpu.vector_store %arg10[%parallel_loop3A_510, %parallel_loop3A_511], %parallel_loop3A_514 {strides = array<i32>} : memref<16x2048xf32, #tpu.memory_space<vmem>>, vector<1x16xf32>,
            %parallel_loop3A_515 = arith.constant 10 : i32
            %parallel_loop3A_516 = arith.index_cast %parallel_loop3A_515 : i32 to index
            %parallel_loop3A_517 = arith.index_cast %parallel_loop3A_389 : i32 to index
            %parallel_loop3A_518 = tpu.vector_load %arg10[%parallel_loop3A_516, %parallel_loop3A_517] {strides = array<i32>} : memref<16x2048xf32, #tpu.memory_space<vmem>>, vector<1x16xf32>,
            %parallel_loop3A_519 = vector.shape_cast %parallel_loop3A_518 : vector<1x16xf32> to vector<16xf32>
            %parallel_loop3A_520 = arith.addf %parallel_loop3A_519, %parallel_loop3A_394 : vector<16xf32>
            %parallel_loop3A_521 = arith.constant 10 : i32
            %parallel_loop3A_522 = arith.index_cast %parallel_loop3A_521 : i32 to index
            %parallel_loop3A_523 = arith.index_cast %parallel_loop3A_389 : i32 to index
            %parallel_loop3A_524 = tpu.vector_load %arg10[%parallel_loop3A_522, %parallel_loop3A_523] {strides = array<i32>} : memref<16x2048xf32, #tpu.memory_space<vmem>>, vector<1x16xf32>,
            %parallel_loop3A_525 = vector.shape_cast %parallel_loop3A_524 : vector<1x16xf32> to vector<16xf32>
            %parallel_loop3A_526 = vector.shape_cast %parallel_loop3A_520 : vector<16xf32> to vector<1x16xf32>
            tpu.vector_store %arg10[%parallel_loop3A_522, %parallel_loop3A_523], %parallel_loop3A_526 {strides = array<i32>} : memref<16x2048xf32, #tpu.memory_space<vmem>>, vector<1x16xf32>,
            %parallel_loop3A_527 = arith.constant 11 : i32
            %parallel_loop3A_528 = arith.index_cast %parallel_loop3A_527 : i32 to index
            %parallel_loop3A_529 = arith.index_cast %parallel_loop3A_389 : i32 to index
            %parallel_loop3A_530 = tpu.vector_load %arg10[%parallel_loop3A_528, %parallel_loop3A_529] {strides = array<i32>} : memref<16x2048xf32, #tpu.memory_space<vmem>>, vector<1x16xf32>,
            %parallel_loop3A_531 = vector.shape_cast %parallel_loop3A_530 : vector<1x16xf32> to vector<16xf32>
            %parallel_loop3A_532 = arith.addf %parallel_loop3A_531, %parallel_loop3A_394 : vector<16xf32>
            %parallel_loop3A_533 = arith.constant 11 : i32
            %parallel_loop3A_534 = arith.index_cast %parallel_loop3A_533 : i32 to index
            %parallel_loop3A_535 = arith.index_cast %parallel_loop3A_389 : i32 to index
            %parallel_loop3A_536 = tpu.vector_load %arg10[%parallel_loop3A_534, %parallel_loop3A_535] {strides = array<i32>} : memref<16x2048xf32, #tpu.memory_space<vmem>>, vector<1x16xf32>,
            %parallel_loop3A_537 = vector.shape_cast %parallel_loop3A_536 : vector<1x16xf32> to vector<16xf32>
            %parallel_loop3A_538 = vector.shape_cast %parallel_loop3A_532 : vector<16xf32> to vector<1x16xf32>
            tpu.vector_store %arg10[%parallel_loop3A_534, %parallel_loop3A_535], %parallel_loop3A_538 {strides = array<i32>} : memref<16x2048xf32, #tpu.memory_space<vmem>>, vector<1x16xf32>,
            %parallel_loop3A_539 = arith.constant 12 : i32
            %parallel_loop3A_540 = arith.index_cast %parallel_loop3A_539 : i32 to index
            %parallel_loop3A_541 = arith.index_cast %parallel_loop3A_389 : i32 to index
            %parallel_loop3A_542 = tpu.vector_load %arg10[%parallel_loop3A_540, %parallel_loop3A_541] {strides = array<i32>} : memref<16x2048xf32, #tpu.memory_space<vmem>>, vector<1x16xf32>,
            %parallel_loop3A_543 = vector.shape_cast %parallel_loop3A_542 : vector<1x16xf32> to vector<16xf32>
            %parallel_loop3A_544 = arith.addf %parallel_loop3A_543, %parallel_loop3A_394 : vector<16xf32>
            %parallel_loop3A_545 = arith.constant 12 : i32
            %parallel_loop3A_546 = arith.index_cast %parallel_loop3A_545 : i32 to index
            %parallel_loop3A_547 = arith.index_cast %parallel_loop3A_389 : i32 to index
            %parallel_loop3A_548 = tpu.vector_load %arg10[%parallel_loop3A_546, %parallel_loop3A_547] {strides = array<i32>} : memref<16x2048xf32, #tpu.memory_space<vmem>>, vector<1x16xf32>,
            %parallel_loop3A_549 = vector.shape_cast %parallel_loop3A_548 : vector<1x16xf32> to vector<16xf32>
            %parallel_loop3A_550 = vector.shape_cast %parallel_loop3A_544 : vector<16xf32> to vector<1x16xf32>
            tpu.vector_store %arg10[%parallel_loop3A_546, %parallel_loop3A_547], %parallel_loop3A_550 {strides = array<i32>} : memref<16x2048xf32, #tpu.memory_space<vmem>>, vector<1x16xf32>,
            %parallel_loop3A_551 = arith.constant 13 : i32
            %parallel_loop3A_552 = arith.index_cast %parallel_loop3A_551 : i32 to index
            %parallel_loop3A_553 = arith.index_cast %parallel_loop3A_389 : i32 to index
            %parallel_loop3A_554 = tpu.vector_load %arg10[%parallel_loop3A_552, %parallel_loop3A_553] {strides = array<i32>} : memref<16x2048xf32, #tpu.memory_space<vmem>>, vector<1x16xf32>,
            %parallel_loop3A_555 = vector.shape_cast %parallel_loop3A_554 : vector<1x16xf32> to vector<16xf32>
            %parallel_loop3A_556 = arith.addf %parallel_loop3A_555, %parallel_loop3A_394 : vector<16xf32>
            %parallel_loop3A_557 = arith.constant 13 : i32
            %parallel_loop3A_558 = arith.index_cast %parallel_loop3A_557 : i32 to index
            %parallel_loop3A_559 = arith.index_cast %parallel_loop3A_389 : i32 to index
            %parallel_loop3A_560 = tpu.vector_load %arg10[%parallel_loop3A_558, %parallel_loop3A_559] {strides = array<i32>} : memref<16x2048xf32, #tpu.memory_space<vmem>>, vector<1x16xf32>,
            %parallel_loop3A_561 = vector.shape_cast %parallel_loop3A_560 : vector<1x16xf32> to vector<16xf32>
            %parallel_loop3A_562 = vector.shape_cast %parallel_loop3A_556 : vector<16xf32> to vector<1x16xf32>
            tpu.vector_store %arg10[%parallel_loop3A_558, %parallel_loop3A_559], %parallel_loop3A_562 {strides = array<i32>} : memref<16x2048xf32, #tpu.memory_space<vmem>>, vector<1x16xf32>,
            %parallel_loop3A_563 = arith.constant 14 : i32
            %parallel_loop3A_564 = arith.index_cast %parallel_loop3A_563 : i32 to index
            %parallel_loop3A_565 = arith.index_cast %parallel_loop3A_389 : i32 to index
            %parallel_loop3A_566 = tpu.vector_load %arg10[%parallel_loop3A_564, %parallel_loop3A_565] {strides = array<i32>} : memref<16x2048xf32, #tpu.memory_space<vmem>>, vector<1x16xf32>,
            %parallel_loop3A_567 = vector.shape_cast %parallel_loop3A_566 : vector<1x16xf32> to vector<16xf32>
            %parallel_loop3A_568 = arith.addf %parallel_loop3A_567, %parallel_loop3A_394 : vector<16xf32>
            %parallel_loop3A_569 = arith.constant 14 : i32
            %parallel_loop3A_570 = arith.index_cast %parallel_loop3A_569 : i32 to index
            %parallel_loop3A_571 = arith.index_cast %parallel_loop3A_389 : i32 to index
            %parallel_loop3A_572 = tpu.vector_load %arg10[%parallel_loop3A_570, %parallel_loop3A_571] {strides = array<i32>} : memref<16x2048xf32, #tpu.memory_space<vmem>>, vector<1x16xf32>,
            %parallel_loop3A_573 = vector.shape_cast %parallel_loop3A_572 : vector<1x16xf32> to vector<16xf32>
            %parallel_loop3A_574 = vector.shape_cast %parallel_loop3A_568 : vector<16xf32> to vector<1x16xf32>
            tpu.vector_store %arg10[%parallel_loop3A_570, %parallel_loop3A_571], %parallel_loop3A_574 {strides = array<i32>} : memref<16x2048xf32, #tpu.memory_space<vmem>>, vector<1x16xf32>,
            %parallel_loop3A_575 = arith.constant 15 : i32
            %parallel_loop3A_576 = arith.index_cast %parallel_loop3A_575 : i32 to index
            %parallel_loop3A_577 = arith.index_cast %parallel_loop3A_389 : i32 to index
            %parallel_loop3A_578 = tpu.vector_load %arg10[%parallel_loop3A_576, %parallel_loop3A_577] {strides = array<i32>} : memref<16x2048xf32, #tpu.memory_space<vmem>>, vector<1x16xf32>,
            %parallel_loop3A_579 = vector.shape_cast %parallel_loop3A_578 : vector<1x16xf32> to vector<16xf32>
            %parallel_loop3A_580 = arith.addf %parallel_loop3A_579, %parallel_loop3A_394 : vector<16xf32>
            %parallel_loop3A_581 = arith.constant 15 : i32
            %parallel_loop3A_582 = arith.index_cast %parallel_loop3A_581 : i32 to index
            %parallel_loop3A_583 = arith.index_cast %parallel_loop3A_389 : i32 to index
            %parallel_loop3A_584 = tpu.vector_load %arg10[%parallel_loop3A_582, %parallel_loop3A_583] {strides = array<i32>} : memref<16x2048xf32, #tpu.memory_space<vmem>>, vector<1x16xf32>,
            %parallel_loop3A_585 = vector.shape_cast %parallel_loop3A_584 : vector<1x16xf32> to vector<16xf32>
            %parallel_loop3A_586 = vector.shape_cast %parallel_loop3A_580 : vector<16xf32> to vector<1x16xf32>
            tpu.vector_store %arg10[%parallel_loop3A_582, %parallel_loop3A_583], %parallel_loop3A_586 {strides = array<i32>} : memref<16x2048xf32, #tpu.memory_space<vmem>>, vector<1x16xf32>,
          } {sc.loop_unroll_factor = 8 : i64, sc.parallel_access}
          %mul3A_379 = arith.constant 16 : i32
          %mul3A_380 = arith.muli %scan3A_333, %mul3A_379 : i32
          %add3A_381 = arith.addi %add3A_26, %mul3A_380 : i32
          %dma_start3A_382 = arith.constant 0 : i32
          %dma_start3A_383 = tpu.memref_slice %arg6[%add3A_381, %dma_start3A_382] : memref<11264x2048xf32, #tpu.memory_space<hbm>> -> memref<16x2048xf32, #tpu.memory_space<hbm>>
          %dma_start3A_384 = arith.constant 0 : i32
          %dma_start3A_385 = tpu.memref_slice %arg6[%add3A_381, %dma_start3A_384] : memref<11264x2048xf32, #tpu.memory_space<hbm>> -> memref<16x2048xf32, #tpu.memory_space<hbm>>
          tpu.enqueue_dma source(%arg10 : memref<16x2048xf32, #tpu.memory_space<vmem>>) target(%dma_start3A_385 : memref<16x2048xf32, #tpu.memory_space<hbm>>) target_semaphore(%arg18 : memref<!tpu.dma_semaphore, #tpu.memory_space<semaphore_mem>>)
          %cond3A_386 = arith.constant 0 : i32
          scf.yield %cond3A_386 : i32
        } else {
          %mul3A_360 = arith.constant 16 : i32
          %mul3A_361 = arith.muli %scan3A_333, %mul3A_360 : i32
          %add3A_362 = arith.addi %mul3A_2, %mul3A_361 : i32
          %dma_wait3A_363 = arith.constant 0 : i32
          %dma_wait3A_364 = tpu.memref_slice %arg2[%add3A_362, %dma_wait3A_363] : memref<8192x2048xf32, #tpu.memory_space<hbm>> -> memref<16x2048xf32, #tpu.memory_space<hbm>>
          %dma_wait3A_365 = arith.constant 0 : i32
          %dma_wait3A_366 = tpu.memref_slice %arg2[%add3A_362, %dma_wait3A_365] : memref<8192x2048xf32, #tpu.memory_space<hbm>> -> memref<16x2048xf32, #tpu.memory_space<hbm>>
          tpu.wait_dma2 semaphore(%arg14 : memref<!tpu.dma_semaphore, #tpu.memory_space<semaphore_mem>>) src(%dma_wait3A_366 : memref<16x2048xf32, #tpu.memory_space<hbm>>) dst(%arg9 : memref<16x2048xf32, #tpu.memory_space<vmem>>)
          %ge3A = arith.constant 2 : i32
          %ge3A_367 = arith.cmpi sge, %scan3A_333, %ge3A : i32
          %convert_element_type3A = arith.extui %ge3A_367 : i1 to i32
          %cond3A_368 = arith.constant 0 : i32
          %cond3A_369 = arith.cmpi ne, %convert_element_type3A, %cond3A_368 : i32
          scf.if %cond3A_369 {
            %sub3A_387 = arith.constant 2 : i32
            %sub3A_388 = arith.subi %scan3A_333, %sub3A_387 : i32
            %mul3A_389 = arith.constant 16 : i32
            %mul3A_390 = arith.muli %sub3A_388, %mul3A_389 : i32
            %add3A_391 = arith.addi %add3A_26, %mul3A_390 : i32
            %dma_wait3A_392 = arith.constant 0 : i32
            %dma_wait3A_393 = tpu.memref_slice %arg6[%add3A_391, %dma_wait3A_392] : memref<11264x2048xf32, #tpu.memory_space<hbm>> -> memref<16x2048xf32, #tpu.memory_space<hbm>>
            %dma_wait3A_394 = arith.constant 0 : i32
            %dma_wait3A_395 = tpu.memref_slice %arg6[%add3A_391, %dma_wait3A_394] : memref<11264x2048xf32, #tpu.memory_space<hbm>> -> memref<16x2048xf32, #tpu.memory_space<hbm>>
            tpu.wait_dma2 semaphore(%arg18 : memref<!tpu.dma_semaphore, #tpu.memory_space<semaphore_mem>>) src(%arg10 : memref<16x2048xf32, #tpu.memory_space<vmem>>) dst(%dma_wait3A_395 : memref<16x2048xf32, #tpu.memory_space<hbm>>)
          } else {
          }
          %add3A_370 = arith.constant 1 : i32
          %add3A_371 = arith.addi %scan3A_333, %add3A_370 : i32
          %lt3A_372 = arith.constant 16 : i32
          %lt3A_373 = arith.cmpi slt, %add3A_371, %lt3A_372 : i32
          %convert_element_type3A_374 = arith.extui %lt3A_373 : i1 to i32
          %cond3A_375 = arith.constant 0 : i32
          %cond3A_376 = arith.cmpi ne, %convert_element_type3A_374, %cond3A_375 : i32
          scf.if %cond3A_376 {
            %add3A_387 = arith.constant 1 : i32
            %add3A_388 = arith.addi %scan3A_333, %add3A_387 : i32
            %mul3A_389 = arith.constant 16 : i32
            %mul3A_390 = arith.muli %add3A_388, %mul3A_389 : i32
            %add3A_391 = arith.addi %mul3A_2, %mul3A_390 : i32
            %dma_start3A_392 = arith.constant 0 : i32
            %dma_start3A_393 = tpu.memref_slice %arg2[%add3A_391, %dma_start3A_392] : memref<8192x2048xf32, #tpu.memory_space<hbm>> -> memref<16x2048xf32, #tpu.memory_space<hbm>>
            %dma_start3A_394 = arith.constant 0 : i32
            %dma_start3A_395 = tpu.memref_slice %arg2[%add3A_391, %dma_start3A_394] : memref<8192x2048xf32, #tpu.memory_space<hbm>> -> memref<16x2048xf32, #tpu.memory_space<hbm>>
            tpu.enqueue_dma source(%dma_start3A_395 : memref<16x2048xf32, #tpu.memory_space<hbm>>) target(%arg10 : memref<16x2048xf32, #tpu.memory_space<vmem>>) target_semaphore(%arg15 : memref<!tpu.dma_semaphore, #tpu.memory_space<semaphore_mem>>)
          } else {
          }
          %parallel_loop3A = arith.constant 0 : i32
          %parallel_loop3A_377 = arith.constant 128 : i32
          %parallel_loop3A_378 = arith.constant 1 : i32
          scf.for %parallel_loop3A_387 = %parallel_loop3A to %parallel_loop3A_377 step %parallel_loop3A_378  : i32 {
            %parallel_loop3A_388 = arith.constant 16 : i32
            %parallel_loop3A_389 = arith.muli %parallel_loop3A_387, %parallel_loop3A_388 : i32
            %parallel_loop3A_390 = arith.constant 0 : i32
            %parallel_loop3A_391 = arith.index_cast %parallel_loop3A_390 : i32 to index
            %parallel_loop3A_392 = arith.index_cast %parallel_loop3A_389 : i32 to index
            %parallel_loop3A_393 = tpu.vector_load %arg11[%parallel_loop3A_391, %parallel_loop3A_392] {strides = array<i32>} : memref<3x2048xf32, #tpu.memory_space<vmem>>, vector<1x16xf32>,
            %parallel_loop3A_394 = vector.shape_cast %parallel_loop3A_393 : vector<1x16xf32> to vector<16xf32>
            %parallel_loop3A_395 = arith.constant 0 : i32
            %parallel_loop3A_396 = arith.index_cast %parallel_loop3A_395 : i32 to index
            %parallel_loop3A_397 = arith.index_cast %parallel_loop3A_389 : i32 to index
            %parallel_loop3A_398 = tpu.vector_load %arg9[%parallel_loop3A_396, %parallel_loop3A_397] {strides = array<i32>} : memref<16x2048xf32, #tpu.memory_space<vmem>>, vector<1x16xf32>,
            %parallel_loop3A_399 = vector.shape_cast %parallel_loop3A_398 : vector<1x16xf32> to vector<16xf32>
            %parallel_loop3A_400 = arith.addf %parallel_loop3A_399, %parallel_loop3A_394 : vector<16xf32>
            %parallel_loop3A_401 = arith.constant 0 : i32
            %parallel_loop3A_402 = arith.index_cast %parallel_loop3A_401 : i32 to index
            %parallel_loop3A_403 = arith.index_cast %parallel_loop3A_389 : i32 to index
            %parallel_loop3A_404 = tpu.vector_load %arg9[%parallel_loop3A_402, %parallel_loop3A_403] {strides = array<i32>} : memref<16x2048xf32, #tpu.memory_space<vmem>>, vector<1x16xf32>,
            %parallel_loop3A_405 = vector.shape_cast %parallel_loop3A_404 : vector<1x16xf32> to vector<16xf32>
            %parallel_loop3A_406 = vector.shape_cast %parallel_loop3A_400 : vector<16xf32> to vector<1x16xf32>
            tpu.vector_store %arg9[%parallel_loop3A_402, %parallel_loop3A_403], %parallel_loop3A_406 {strides = array<i32>} : memref<16x2048xf32, #tpu.memory_space<vmem>>, vector<1x16xf32>,
            %parallel_loop3A_407 = arith.constant 1 : i32
            %parallel_loop3A_408 = arith.index_cast %parallel_loop3A_407 : i32 to index
            %parallel_loop3A_409 = arith.index_cast %parallel_loop3A_389 : i32 to index
            %parallel_loop3A_410 = tpu.vector_load %arg9[%parallel_loop3A_408, %parallel_loop3A_409] {strides = array<i32>} : memref<16x2048xf32, #tpu.memory_space<vmem>>, vector<1x16xf32>,
            %parallel_loop3A_411 = vector.shape_cast %parallel_loop3A_410 : vector<1x16xf32> to vector<16xf32>
            %parallel_loop3A_412 = arith.addf %parallel_loop3A_411, %parallel_loop3A_394 : vector<16xf32>
            %parallel_loop3A_413 = arith.constant 1 : i32
            %parallel_loop3A_414 = arith.index_cast %parallel_loop3A_413 : i32 to index
            %parallel_loop3A_415 = arith.index_cast %parallel_loop3A_389 : i32 to index
            %parallel_loop3A_416 = tpu.vector_load %arg9[%parallel_loop3A_414, %parallel_loop3A_415] {strides = array<i32>} : memref<16x2048xf32, #tpu.memory_space<vmem>>, vector<1x16xf32>,
            %parallel_loop3A_417 = vector.shape_cast %parallel_loop3A_416 : vector<1x16xf32> to vector<16xf32>
            %parallel_loop3A_418 = vector.shape_cast %parallel_loop3A_412 : vector<16xf32> to vector<1x16xf32>
            tpu.vector_store %arg9[%parallel_loop3A_414, %parallel_loop3A_415], %parallel_loop3A_418 {strides = array<i32>} : memref<16x2048xf32, #tpu.memory_space<vmem>>, vector<1x16xf32>,
            %parallel_loop3A_419 = arith.constant 2 : i32
            %parallel_loop3A_420 = arith.index_cast %parallel_loop3A_419 : i32 to index
            %parallel_loop3A_421 = arith.index_cast %parallel_loop3A_389 : i32 to index
            %parallel_loop3A_422 = tpu.vector_load %arg9[%parallel_loop3A_420, %parallel_loop3A_421] {strides = array<i32>} : memref<16x2048xf32, #tpu.memory_space<vmem>>, vector<1x16xf32>,
            %parallel_loop3A_423 = vector.shape_cast %parallel_loop3A_422 : vector<1x16xf32> to vector<16xf32>
            %parallel_loop3A_424 = arith.addf %parallel_loop3A_423, %parallel_loop3A_394 : vector<16xf32>
            %parallel_loop3A_425 = arith.constant 2 : i32
            %parallel_loop3A_426 = arith.index_cast %parallel_loop3A_425 : i32 to index
            %parallel_loop3A_427 = arith.index_cast %parallel_loop3A_389 : i32 to index
            %parallel_loop3A_428 = tpu.vector_load %arg9[%parallel_loop3A_426, %parallel_loop3A_427] {strides = array<i32>} : memref<16x2048xf32, #tpu.memory_space<vmem>>, vector<1x16xf32>,
            %parallel_loop3A_429 = vector.shape_cast %parallel_loop3A_428 : vector<1x16xf32> to vector<16xf32>
            %parallel_loop3A_430 = vector.shape_cast %parallel_loop3A_424 : vector<16xf32> to vector<1x16xf32>
            tpu.vector_store %arg9[%parallel_loop3A_426, %parallel_loop3A_427], %parallel_loop3A_430 {strides = array<i32>} : memref<16x2048xf32, #tpu.memory_space<vmem>>, vector<1x16xf32>,
            %parallel_loop3A_431 = arith.constant 3 : i32
            %parallel_loop3A_432 = arith.index_cast %parallel_loop3A_431 : i32 to index
            %parallel_loop3A_433 = arith.index_cast %parallel_loop3A_389 : i32 to index
            %parallel_loop3A_434 = tpu.vector_load %arg9[%parallel_loop3A_432, %parallel_loop3A_433] {strides = array<i32>} : memref<16x2048xf32, #tpu.memory_space<vmem>>, vector<1x16xf32>,
            %parallel_loop3A_435 = vector.shape_cast %parallel_loop3A_434 : vector<1x16xf32> to vector<16xf32>
            %parallel_loop3A_436 = arith.addf %parallel_loop3A_435, %parallel_loop3A_394 : vector<16xf32>
            %parallel_loop3A_437 = arith.constant 3 : i32
            %parallel_loop3A_438 = arith.index_cast %parallel_loop3A_437 : i32 to index
            %parallel_loop3A_439 = arith.index_cast %parallel_loop3A_389 : i32 to index
            %parallel_loop3A_440 = tpu.vector_load %arg9[%parallel_loop3A_438, %parallel_loop3A_439] {strides = array<i32>} : memref<16x2048xf32, #tpu.memory_space<vmem>>, vector<1x16xf32>,
            %parallel_loop3A_441 = vector.shape_cast %parallel_loop3A_440 : vector<1x16xf32> to vector<16xf32>
            %parallel_loop3A_442 = vector.shape_cast %parallel_loop3A_436 : vector<16xf32> to vector<1x16xf32>
            tpu.vector_store %arg9[%parallel_loop3A_438, %parallel_loop3A_439], %parallel_loop3A_442 {strides = array<i32>} : memref<16x2048xf32, #tpu.memory_space<vmem>>, vector<1x16xf32>,
            %parallel_loop3A_443 = arith.constant 4 : i32
            %parallel_loop3A_444 = arith.index_cast %parallel_loop3A_443 : i32 to index
            %parallel_loop3A_445 = arith.index_cast %parallel_loop3A_389 : i32 to index
            %parallel_loop3A_446 = tpu.vector_load %arg9[%parallel_loop3A_444, %parallel_loop3A_445] {strides = array<i32>} : memref<16x2048xf32, #tpu.memory_space<vmem>>, vector<1x16xf32>,
            %parallel_loop3A_447 = vector.shape_cast %parallel_loop3A_446 : vector<1x16xf32> to vector<16xf32>
            %parallel_loop3A_448 = arith.addf %parallel_loop3A_447, %parallel_loop3A_394 : vector<16xf32>
            %parallel_loop3A_449 = arith.constant 4 : i32
            %parallel_loop3A_450 = arith.index_cast %parallel_loop3A_449 : i32 to index
            %parallel_loop3A_451 = arith.index_cast %parallel_loop3A_389 : i32 to index
            %parallel_loop3A_452 = tpu.vector_load %arg9[%parallel_loop3A_450, %parallel_loop3A_451] {strides = array<i32>} : memref<16x2048xf32, #tpu.memory_space<vmem>>, vector<1x16xf32>,
            %parallel_loop3A_453 = vector.shape_cast %parallel_loop3A_452 : vector<1x16xf32> to vector<16xf32>
            %parallel_loop3A_454 = vector.shape_cast %parallel_loop3A_448 : vector<16xf32> to vector<1x16xf32>
            tpu.vector_store %arg9[%parallel_loop3A_450, %parallel_loop3A_451], %parallel_loop3A_454 {strides = array<i32>} : memref<16x2048xf32, #tpu.memory_space<vmem>>, vector<1x16xf32>,
            %parallel_loop3A_455 = arith.constant 5 : i32
            %parallel_loop3A_456 = arith.index_cast %parallel_loop3A_455 : i32 to index
            %parallel_loop3A_457 = arith.index_cast %parallel_loop3A_389 : i32 to index
            %parallel_loop3A_458 = tpu.vector_load %arg9[%parallel_loop3A_456, %parallel_loop3A_457] {strides = array<i32>} : memref<16x2048xf32, #tpu.memory_space<vmem>>, vector<1x16xf32>,
            %parallel_loop3A_459 = vector.shape_cast %parallel_loop3A_458 : vector<1x16xf32> to vector<16xf32>
            %parallel_loop3A_460 = arith.addf %parallel_loop3A_459, %parallel_loop3A_394 : vector<16xf32>
            %parallel_loop3A_461 = arith.constant 5 : i32
            %parallel_loop3A_462 = arith.index_cast %parallel_loop3A_461 : i32 to index
            %parallel_loop3A_463 = arith.index_cast %parallel_loop3A_389 : i32 to index
            %parallel_loop3A_464 = tpu.vector_load %arg9[%parallel_loop3A_462, %parallel_loop3A_463] {strides = array<i32>} : memref<16x2048xf32, #tpu.memory_space<vmem>>, vector<1x16xf32>,
            %parallel_loop3A_465 = vector.shape_cast %parallel_loop3A_464 : vector<1x16xf32> to vector<16xf32>
            %parallel_loop3A_466 = vector.shape_cast %parallel_loop3A_460 : vector<16xf32> to vector<1x16xf32>
            tpu.vector_store %arg9[%parallel_loop3A_462, %parallel_loop3A_463], %parallel_loop3A_466 {strides = array<i32>} : memref<16x2048xf32, #tpu.memory_space<vmem>>, vector<1x16xf32>,
            %parallel_loop3A_467 = arith.constant 6 : i32
            %parallel_loop3A_468 = arith.index_cast %parallel_loop3A_467 : i32 to index
            %parallel_loop3A_469 = arith.index_cast %parallel_loop3A_389 : i32 to index
            %parallel_loop3A_470 = tpu.vector_load %arg9[%parallel_loop3A_468, %parallel_loop3A_469] {strides = array<i32>} : memref<16x2048xf32, #tpu.memory_space<vmem>>, vector<1x16xf32>,
            %parallel_loop3A_471 = vector.shape_cast %parallel_loop3A_470 : vector<1x16xf32> to vector<16xf32>
            %parallel_loop3A_472 = arith.addf %parallel_loop3A_471, %parallel_loop3A_394 : vector<16xf32>
            %parallel_loop3A_473 = arith.constant 6 : i32
            %parallel_loop3A_474 = arith.index_cast %parallel_loop3A_473 : i32 to index
            %parallel_loop3A_475 = arith.index_cast %parallel_loop3A_389 : i32 to index
            %parallel_loop3A_476 = tpu.vector_load %arg9[%parallel_loop3A_474, %parallel_loop3A_475] {strides = array<i32>} : memref<16x2048xf32, #tpu.memory_space<vmem>>, vector<1x16xf32>,
            %parallel_loop3A_477 = vector.shape_cast %parallel_loop3A_476 : vector<1x16xf32> to vector<16xf32>
            %parallel_loop3A_478 = vector.shape_cast %parallel_loop3A_472 : vector<16xf32> to vector<1x16xf32>
            tpu.vector_store %arg9[%parallel_loop3A_474, %parallel_loop3A_475], %parallel_loop3A_478 {strides = array<i32>} : memref<16x2048xf32, #tpu.memory_space<vmem>>, vector<1x16xf32>,
            %parallel_loop3A_479 = arith.constant 7 : i32
            %parallel_loop3A_480 = arith.index_cast %parallel_loop3A_479 : i32 to index
            %parallel_loop3A_481 = arith.index_cast %parallel_loop3A_389 : i32 to index
            %parallel_loop3A_482 = tpu.vector_load %arg9[%parallel_loop3A_480, %parallel_loop3A_481] {strides = array<i32>} : memref<16x2048xf32, #tpu.memory_space<vmem>>, vector<1x16xf32>,
            %parallel_loop3A_483 = vector.shape_cast %parallel_loop3A_482 : vector<1x16xf32> to vector<16xf32>
            %parallel_loop3A_484 = arith.addf %parallel_loop3A_483, %parallel_loop3A_394 : vector<16xf32>
            %parallel_loop3A_485 = arith.constant 7 : i32
            %parallel_loop3A_486 = arith.index_cast %parallel_loop3A_485 : i32 to index
            %parallel_loop3A_487 = arith.index_cast %parallel_loop3A_389 : i32 to index
            %parallel_loop3A_488 = tpu.vector_load %arg9[%parallel_loop3A_486, %parallel_loop3A_487] {strides = array<i32>} : memref<16x2048xf32, #tpu.memory_space<vmem>>, vector<1x16xf32>,
            %parallel_loop3A_489 = vector.shape_cast %parallel_loop3A_488 : vector<1x16xf32> to vector<16xf32>
            %parallel_loop3A_490 = vector.shape_cast %parallel_loop3A_484 : vector<16xf32> to vector<1x16xf32>
            tpu.vector_store %arg9[%parallel_loop3A_486, %parallel_loop3A_487], %parallel_loop3A_490 {strides = array<i32>} : memref<16x2048xf32, #tpu.memory_space<vmem>>, vector<1x16xf32>,
            %parallel_loop3A_491 = arith.constant 8 : i32
            %parallel_loop3A_492 = arith.index_cast %parallel_loop3A_491 : i32 to index
            %parallel_loop3A_493 = arith.index_cast %parallel_loop3A_389 : i32 to index
            %parallel_loop3A_494 = tpu.vector_load %arg9[%parallel_loop3A_492, %parallel_loop3A_493] {strides = array<i32>} : memref<16x2048xf32, #tpu.memory_space<vmem>>, vector<1x16xf32>,
            %parallel_loop3A_495 = vector.shape_cast %parallel_loop3A_494 : vector<1x16xf32> to vector<16xf32>
            %parallel_loop3A_496 = arith.addf %parallel_loop3A_495, %parallel_loop3A_394 : vector<16xf32>
            %parallel_loop3A_497 = arith.constant 8 : i32
            %parallel_loop3A_498 = arith.index_cast %parallel_loop3A_497 : i32 to index
            %parallel_loop3A_499 = arith.index_cast %parallel_loop3A_389 : i32 to index
            %parallel_loop3A_500 = tpu.vector_load %arg9[%parallel_loop3A_498, %parallel_loop3A_499] {strides = array<i32>} : memref<16x2048xf32, #tpu.memory_space<vmem>>, vector<1x16xf32>,
            %parallel_loop3A_501 = vector.shape_cast %parallel_loop3A_500 : vector<1x16xf32> to vector<16xf32>
            %parallel_loop3A_502 = vector.shape_cast %parallel_loop3A_496 : vector<16xf32> to vector<1x16xf32>
            tpu.vector_store %arg9[%parallel_loop3A_498, %parallel_loop3A_499], %parallel_loop3A_502 {strides = array<i32>} : memref<16x2048xf32, #tpu.memory_space<vmem>>, vector<1x16xf32>,
            %parallel_loop3A_503 = arith.constant 9 : i32
            %parallel_loop3A_504 = arith.index_cast %parallel_loop3A_503 : i32 to index
            %parallel_loop3A_505 = arith.index_cast %parallel_loop3A_389 : i32 to index
            %parallel_loop3A_506 = tpu.vector_load %arg9[%parallel_loop3A_504, %parallel_loop3A_505] {strides = array<i32>} : memref<16x2048xf32, #tpu.memory_space<vmem>>, vector<1x16xf32>,
            %parallel_loop3A_507 = vector.shape_cast %parallel_loop3A_506 : vector<1x16xf32> to vector<16xf32>
            %parallel_loop3A_508 = arith.addf %parallel_loop3A_507, %parallel_loop3A_394 : vector<16xf32>
            %parallel_loop3A_509 = arith.constant 9 : i32
            %parallel_loop3A_510 = arith.index_cast %parallel_loop3A_509 : i32 to index
            %parallel_loop3A_511 = arith.index_cast %parallel_loop3A_389 : i32 to index
            %parallel_loop3A_512 = tpu.vector_load %arg9[%parallel_loop3A_510, %parallel_loop3A_511] {strides = array<i32>} : memref<16x2048xf32, #tpu.memory_space<vmem>>, vector<1x16xf32>,
            %parallel_loop3A_513 = vector.shape_cast %parallel_loop3A_512 : vector<1x16xf32> to vector<16xf32>
            %parallel_loop3A_514 = vector.shape_cast %parallel_loop3A_508 : vector<16xf32> to vector<1x16xf32>
            tpu.vector_store %arg9[%parallel_loop3A_510, %parallel_loop3A_511], %parallel_loop3A_514 {strides = array<i32>} : memref<16x2048xf32, #tpu.memory_space<vmem>>, vector<1x16xf32>,
            %parallel_loop3A_515 = arith.constant 10 : i32
            %parallel_loop3A_516 = arith.index_cast %parallel_loop3A_515 : i32 to index
            %parallel_loop3A_517 = arith.index_cast %parallel_loop3A_389 : i32 to index
            %parallel_loop3A_518 = tpu.vector_load %arg9[%parallel_loop3A_516, %parallel_loop3A_517] {strides = array<i32>} : memref<16x2048xf32, #tpu.memory_space<vmem>>, vector<1x16xf32>,
            %parallel_loop3A_519 = vector.shape_cast %parallel_loop3A_518 : vector<1x16xf32> to vector<16xf32>
            %parallel_loop3A_520 = arith.addf %parallel_loop3A_519, %parallel_loop3A_394 : vector<16xf32>
            %parallel_loop3A_521 = arith.constant 10 : i32
            %parallel_loop3A_522 = arith.index_cast %parallel_loop3A_521 : i32 to index
            %parallel_loop3A_523 = arith.index_cast %parallel_loop3A_389 : i32 to index
            %parallel_loop3A_524 = tpu.vector_load %arg9[%parallel_loop3A_522, %parallel_loop3A_523] {strides = array<i32>} : memref<16x2048xf32, #tpu.memory_space<vmem>>, vector<1x16xf32>,
            %parallel_loop3A_525 = vector.shape_cast %parallel_loop3A_524 : vector<1x16xf32> to vector<16xf32>
            %parallel_loop3A_526 = vector.shape_cast %parallel_loop3A_520 : vector<16xf32> to vector<1x16xf32>
            tpu.vector_store %arg9[%parallel_loop3A_522, %parallel_loop3A_523], %parallel_loop3A_526 {strides = array<i32>} : memref<16x2048xf32, #tpu.memory_space<vmem>>, vector<1x16xf32>,
            %parallel_loop3A_527 = arith.constant 11 : i32
            %parallel_loop3A_528 = arith.index_cast %parallel_loop3A_527 : i32 to index
            %parallel_loop3A_529 = arith.index_cast %parallel_loop3A_389 : i32 to index
            %parallel_loop3A_530 = tpu.vector_load %arg9[%parallel_loop3A_528, %parallel_loop3A_529] {strides = array<i32>} : memref<16x2048xf32, #tpu.memory_space<vmem>>, vector<1x16xf32>,
            %parallel_loop3A_531 = vector.shape_cast %parallel_loop3A_530 : vector<1x16xf32> to vector<16xf32>
            %parallel_loop3A_532 = arith.addf %parallel_loop3A_531, %parallel_loop3A_394 : vector<16xf32>
            %parallel_loop3A_533 = arith.constant 11 : i32
            %parallel_loop3A_534 = arith.index_cast %parallel_loop3A_533 : i32 to index
            %parallel_loop3A_535 = arith.index_cast %parallel_loop3A_389 : i32 to index
            %parallel_loop3A_536 = tpu.vector_load %arg9[%parallel_loop3A_534, %parallel_loop3A_535] {strides = array<i32>} : memref<16x2048xf32, #tpu.memory_space<vmem>>, vector<1x16xf32>,
            %parallel_loop3A_537 = vector.shape_cast %parallel_loop3A_536 : vector<1x16xf32> to vector<16xf32>
            %parallel_loop3A_538 = vector.shape_cast %parallel_loop3A_532 : vector<16xf32> to vector<1x16xf32>
            tpu.vector_store %arg9[%parallel_loop3A_534, %parallel_loop3A_535], %parallel_loop3A_538 {strides = array<i32>} : memref<16x2048xf32, #tpu.memory_space<vmem>>, vector<1x16xf32>,
            %parallel_loop3A_539 = arith.constant 12 : i32
            %parallel_loop3A_540 = arith.index_cast %parallel_loop3A_539 : i32 to index
            %parallel_loop3A_541 = arith.index_cast %parallel_loop3A_389 : i32 to index
            %parallel_loop3A_542 = tpu.vector_load %arg9[%parallel_loop3A_540, %parallel_loop3A_541] {strides = array<i32>} : memref<16x2048xf32, #tpu.memory_space<vmem>>, vector<1x16xf32>,
            %parallel_loop3A_543 = vector.shape_cast %parallel_loop3A_542 : vector<1x16xf32> to vector<16xf32>
            %parallel_loop3A_544 = arith.addf %parallel_loop3A_543, %parallel_loop3A_394 : vector<16xf32>
            %parallel_loop3A_545 = arith.constant 12 : i32
            %parallel_loop3A_546 = arith.index_cast %parallel_loop3A_545 : i32 to index
            %parallel_loop3A_547 = arith.index_cast %parallel_loop3A_389 : i32 to index
            %parallel_loop3A_548 = tpu.vector_load %arg9[%parallel_loop3A_546, %parallel_loop3A_547] {strides = array<i32>} : memref<16x2048xf32, #tpu.memory_space<vmem>>, vector<1x16xf32>,
            %parallel_loop3A_549 = vector.shape_cast %parallel_loop3A_548 : vector<1x16xf32> to vector<16xf32>
            %parallel_loop3A_550 = vector.shape_cast %parallel_loop3A_544 : vector<16xf32> to vector<1x16xf32>
            tpu.vector_store %arg9[%parallel_loop3A_546, %parallel_loop3A_547], %parallel_loop3A_550 {strides = array<i32>} : memref<16x2048xf32, #tpu.memory_space<vmem>>, vector<1x16xf32>,
            %parallel_loop3A_551 = arith.constant 13 : i32
            %parallel_loop3A_552 = arith.index_cast %parallel_loop3A_551 : i32 to index
            %parallel_loop3A_553 = arith.index_cast %parallel_loop3A_389 : i32 to index
            %parallel_loop3A_554 = tpu.vector_load %arg9[%parallel_loop3A_552, %parallel_loop3A_553] {strides = array<i32>} : memref<16x2048xf32, #tpu.memory_space<vmem>>, vector<1x16xf32>,
            %parallel_loop3A_555 = vector.shape_cast %parallel_loop3A_554 : vector<1x16xf32> to vector<16xf32>
            %parallel_loop3A_556 = arith.addf %parallel_loop3A_555, %parallel_loop3A_394 : vector<16xf32>
            %parallel_loop3A_557 = arith.constant 13 : i32
            %parallel_loop3A_558 = arith.index_cast %parallel_loop3A_557 : i32 to index
            %parallel_loop3A_559 = arith.index_cast %parallel_loop3A_389 : i32 to index
            %parallel_loop3A_560 = tpu.vector_load %arg9[%parallel_loop3A_558, %parallel_loop3A_559] {strides = array<i32>} : memref<16x2048xf32, #tpu.memory_space<vmem>>, vector<1x16xf32>,
            %parallel_loop3A_561 = vector.shape_cast %parallel_loop3A_560 : vector<1x16xf32> to vector<16xf32>
            %parallel_loop3A_562 = vector.shape_cast %parallel_loop3A_556 : vector<16xf32> to vector<1x16xf32>
            tpu.vector_store %arg9[%parallel_loop3A_558, %parallel_loop3A_559], %parallel_loop3A_562 {strides = array<i32>} : memref<16x2048xf32, #tpu.memory_space<vmem>>, vector<1x16xf32>,
            %parallel_loop3A_563 = arith.constant 14 : i32
            %parallel_loop3A_564 = arith.index_cast %parallel_loop3A_563 : i32 to index
            %parallel_loop3A_565 = arith.index_cast %parallel_loop3A_389 : i32 to index
            %parallel_loop3A_566 = tpu.vector_load %arg9[%parallel_loop3A_564, %parallel_loop3A_565] {strides = array<i32>} : memref<16x2048xf32, #tpu.memory_space<vmem>>, vector<1x16xf32>,
            %parallel_loop3A_567 = vector.shape_cast %parallel_loop3A_566 : vector<1x16xf32> to vector<16xf32>
            %parallel_loop3A_568 = arith.addf %parallel_loop3A_567, %parallel_loop3A_394 : vector<16xf32>
            %parallel_loop3A_569 = arith.constant 14 : i32
            %parallel_loop3A_570 = arith.index_cast %parallel_loop3A_569 : i32 to index
            %parallel_loop3A_571 = arith.index_cast %parallel_loop3A_389 : i32 to index
            %parallel_loop3A_572 = tpu.vector_load %arg9[%parallel_loop3A_570, %parallel_loop3A_571] {strides = array<i32>} : memref<16x2048xf32, #tpu.memory_space<vmem>>, vector<1x16xf32>,
            %parallel_loop3A_573 = vector.shape_cast %parallel_loop3A_572 : vector<1x16xf32> to vector<16xf32>
            %parallel_loop3A_574 = vector.shape_cast %parallel_loop3A_568 : vector<16xf32> to vector<1x16xf32>
            tpu.vector_store %arg9[%parallel_loop3A_570, %parallel_loop3A_571], %parallel_loop3A_574 {strides = array<i32>} : memref<16x2048xf32, #tpu.memory_space<vmem>>, vector<1x16xf32>,
            %parallel_loop3A_575 = arith.constant 15 : i32
            %parallel_loop3A_576 = arith.index_cast %parallel_loop3A_575 : i32 to index
            %parallel_loop3A_577 = arith.index_cast %parallel_loop3A_389 : i32 to index
            %parallel_loop3A_578 = tpu.vector_load %arg9[%parallel_loop3A_576, %parallel_loop3A_577] {strides = array<i32>} : memref<16x2048xf32, #tpu.memory_space<vmem>>, vector<1x16xf32>,
            %parallel_loop3A_579 = vector.shape_cast %parallel_loop3A_578 : vector<1x16xf32> to vector<16xf32>
            %parallel_loop3A_580 = arith.addf %parallel_loop3A_579, %parallel_loop3A_394 : vector<16xf32>
            %parallel_loop3A_581 = arith.constant 15 : i32
            %parallel_loop3A_582 = arith.index_cast %parallel_loop3A_581 : i32 to index
            %parallel_loop3A_583 = arith.index_cast %parallel_loop3A_389 : i32 to index
            %parallel_loop3A_584 = tpu.vector_load %arg9[%parallel_loop3A_582, %parallel_loop3A_583] {strides = array<i32>} : memref<16x2048xf32, #tpu.memory_space<vmem>>, vector<1x16xf32>,
            %parallel_loop3A_585 = vector.shape_cast %parallel_loop3A_584 : vector<1x16xf32> to vector<16xf32>
            %parallel_loop3A_586 = vector.shape_cast %parallel_loop3A_580 : vector<16xf32> to vector<1x16xf32>
            tpu.vector_store %arg9[%parallel_loop3A_582, %parallel_loop3A_583], %parallel_loop3A_586 {strides = array<i32>} : memref<16x2048xf32, #tpu.memory_space<vmem>>, vector<1x16xf32>,
          } {sc.loop_unroll_factor = 8 : i64, sc.parallel_access}
          %mul3A_379 = arith.constant 16 : i32
          %mul3A_380 = arith.muli %scan3A_333, %mul3A_379 : i32
          %add3A_381 = arith.addi %add3A_26, %mul3A_380 : i32
          %dma_start3A_382 = arith.constant 0 : i32
          %dma_start3A_383 = tpu.memref_slice %arg6[%add3A_381, %dma_start3A_382] : memref<11264x2048xf32, #tpu.memory_space<hbm>> -> memref<16x2048xf32, #tpu.memory_space<hbm>>
          %dma_start3A_384 = arith.constant 0 : i32
          %dma_start3A_385 = tpu.memref_slice %arg6[%add3A_381, %dma_start3A_384] : memref<11264x2048xf32, #tpu.memory_space<hbm>> -> memref<16x2048xf32, #tpu.memory_space<hbm>>
          tpu.enqueue_dma source(%arg9 : memref<16x2048xf32, #tpu.memory_space<vmem>>) target(%dma_start3A_385 : memref<16x2048xf32, #tpu.memory_space<hbm>>) target_semaphore(%arg17 : memref<!tpu.dma_semaphore, #tpu.memory_space<semaphore_mem>>)
          %cond3A_386 = arith.constant 0 : i32
          scf.yield %cond3A_386 : i32
        }
        scf.yield %cond3A_359 : i32
      } else {
        %mul3A_355 = arith.constant 16 : i32
        %mul3A_356 = arith.muli %scan3A_333, %mul3A_355 : i32
        %add3A_357 = arith.addi %mul3A_2, %mul3A_356 : i32
        %dma_wait3A_358 = arith.constant 0 : i32
        %dma_wait3A_359 = tpu.memref_slice %arg2[%add3A_357, %dma_wait3A_358] : memref<8192x2048xf32, #tpu.memory_space<hbm>> -> memref<16x2048xf32, #tpu.memory_space<hbm>>
        %dma_wait3A_360 = arith.constant 0 : i32
        %dma_wait3A_361 = tpu.memref_slice %arg2[%add3A_357, %dma_wait3A_360] : memref<8192x2048xf32, #tpu.memory_space<hbm>> -> memref<16x2048xf32, #tpu.memory_space<hbm>>
        tpu.wait_dma2 semaphore(%arg13 : memref<!tpu.dma_semaphore, #tpu.memory_space<semaphore_mem>>) src(%dma_wait3A_361 : memref<16x2048xf32, #tpu.memory_space<hbm>>) dst(%arg8 : memref<16x2048xf32, #tpu.memory_space<vmem>>)
        %ge3A = arith.constant 2 : i32
        %ge3A_362 = arith.cmpi sge, %scan3A_333, %ge3A : i32
        %convert_element_type3A = arith.extui %ge3A_362 : i1 to i32
        %cond3A_363 = arith.constant 0 : i32
        %cond3A_364 = arith.cmpi ne, %convert_element_type3A, %cond3A_363 : i32
        scf.if %cond3A_364 {
          %sub3A_382 = arith.constant 2 : i32
          %sub3A_383 = arith.subi %scan3A_333, %sub3A_382 : i32
          %mul3A_384 = arith.constant 16 : i32
          %mul3A_385 = arith.muli %sub3A_383, %mul3A_384 : i32
          %add3A_386 = arith.addi %add3A_26, %mul3A_385 : i32
          %dma_wait3A_387 = arith.constant 0 : i32
          %dma_wait3A_388 = tpu.memref_slice %arg6[%add3A_386, %dma_wait3A_387] : memref<11264x2048xf32, #tpu.memory_space<hbm>> -> memref<16x2048xf32, #tpu.memory_space<hbm>>
          %dma_wait3A_389 = arith.constant 0 : i32
          %dma_wait3A_390 = tpu.memref_slice %arg6[%add3A_386, %dma_wait3A_389] : memref<11264x2048xf32, #tpu.memory_space<hbm>> -> memref<16x2048xf32, #tpu.memory_space<hbm>>
          tpu.wait_dma2 semaphore(%arg17 : memref<!tpu.dma_semaphore, #tpu.memory_space<semaphore_mem>>) src(%arg9 : memref<16x2048xf32, #tpu.memory_space<vmem>>) dst(%dma_wait3A_390 : memref<16x2048xf32, #tpu.memory_space<hbm>>)
        } else {
        }
        %add3A_365 = arith.constant 1 : i32
        %add3A_366 = arith.addi %scan3A_333, %add3A_365 : i32
        %lt3A_367 = arith.constant 16 : i32
        %lt3A_368 = arith.cmpi slt, %add3A_366, %lt3A_367 : i32
        %convert_element_type3A_369 = arith.extui %lt3A_368 : i1 to i32
        %cond3A_370 = arith.constant 0 : i32
        %cond3A_371 = arith.cmpi ne, %convert_element_type3A_369, %cond3A_370 : i32
        scf.if %cond3A_371 {
          %add3A_382 = arith.constant 1 : i32
          %add3A_383 = arith.addi %scan3A_333, %add3A_382 : i32
          %mul3A_384 = arith.constant 16 : i32
          %mul3A_385 = arith.muli %add3A_383, %mul3A_384 : i32
          %add3A_386 = arith.addi %mul3A_2, %mul3A_385 : i32
          %dma_start3A_387 = arith.constant 0 : i32
          %dma_start3A_388 = tpu.memref_slice %arg2[%add3A_386, %dma_start3A_387] : memref<8192x2048xf32, #tpu.memory_space<hbm>> -> memref<16x2048xf32, #tpu.memory_space<hbm>>
          %dma_start3A_389 = arith.constant 0 : i32
          %dma_start3A_390 = tpu.memref_slice %arg2[%add3A_386, %dma_start3A_389] : memref<8192x2048xf32, #tpu.memory_space<hbm>> -> memref<16x2048xf32, #tpu.memory_space<hbm>>
          tpu.enqueue_dma source(%dma_start3A_390 : memref<16x2048xf32, #tpu.memory_space<hbm>>) target(%arg9 : memref<16x2048xf32, #tpu.memory_space<vmem>>) target_semaphore(%arg14 : memref<!tpu.dma_semaphore, #tpu.memory_space<semaphore_mem>>)
        } else {
        }
        %parallel_loop3A = arith.constant 0 : i32
        %parallel_loop3A_372 = arith.constant 128 : i32
        %parallel_loop3A_373 = arith.constant 1 : i32
        scf.for %parallel_loop3A_382 = %parallel_loop3A to %parallel_loop3A_372 step %parallel_loop3A_373  : i32 {
          %parallel_loop3A_383 = arith.constant 16 : i32
          %parallel_loop3A_384 = arith.muli %parallel_loop3A_382, %parallel_loop3A_383 : i32
          %parallel_loop3A_385 = arith.constant 0 : i32
          %parallel_loop3A_386 = arith.index_cast %parallel_loop3A_385 : i32 to index
          %parallel_loop3A_387 = arith.index_cast %parallel_loop3A_384 : i32 to index
          %parallel_loop3A_388 = tpu.vector_load %arg11[%parallel_loop3A_386, %parallel_loop3A_387] {strides = array<i32>} : memref<3x2048xf32, #tpu.memory_space<vmem>>, vector<1x16xf32>,
          %parallel_loop3A_389 = vector.shape_cast %parallel_loop3A_388 : vector<1x16xf32> to vector<16xf32>
          %parallel_loop3A_390 = arith.constant 0 : i32
          %parallel_loop3A_391 = arith.index_cast %parallel_loop3A_390 : i32 to index
          %parallel_loop3A_392 = arith.index_cast %parallel_loop3A_384 : i32 to index
          %parallel_loop3A_393 = tpu.vector_load %arg8[%parallel_loop3A_391, %parallel_loop3A_392] {strides = array<i32>} : memref<16x2048xf32, #tpu.memory_space<vmem>>, vector<1x16xf32>,
          %parallel_loop3A_394 = vector.shape_cast %parallel_loop3A_393 : vector<1x16xf32> to vector<16xf32>
          %parallel_loop3A_395 = arith.addf %parallel_loop3A_394, %parallel_loop3A_389 : vector<16xf32>
          %parallel_loop3A_396 = arith.constant 0 : i32
          %parallel_loop3A_397 = arith.index_cast %parallel_loop3A_396 : i32 to index
          %parallel_loop3A_398 = arith.index_cast %parallel_loop3A_384 : i32 to index
          %parallel_loop3A_399 = tpu.vector_load %arg8[%parallel_loop3A_397, %parallel_loop3A_398] {strides = array<i32>} : memref<16x2048xf32, #tpu.memory_space<vmem>>, vector<1x16xf32>,
          %parallel_loop3A_400 = vector.shape_cast %parallel_loop3A_399 : vector<1x16xf32> to vector<16xf32>
          %parallel_loop3A_401 = vector.shape_cast %parallel_loop3A_395 : vector<16xf32> to vector<1x16xf32>
          tpu.vector_store %arg8[%parallel_loop3A_397, %parallel_loop3A_398], %parallel_loop3A_401 {strides = array<i32>} : memref<16x2048xf32, #tpu.memory_space<vmem>>, vector<1x16xf32>,
          %parallel_loop3A_402 = arith.constant 1 : i32
          %parallel_loop3A_403 = arith.index_cast %parallel_loop3A_402 : i32 to index
          %parallel_loop3A_404 = arith.index_cast %parallel_loop3A_384 : i32 to index
          %parallel_loop3A_405 = tpu.vector_load %arg8[%parallel_loop3A_403, %parallel_loop3A_404] {strides = array<i32>} : memref<16x2048xf32, #tpu.memory_space<vmem>>, vector<1x16xf32>,
          %parallel_loop3A_406 = vector.shape_cast %parallel_loop3A_405 : vector<1x16xf32> to vector<16xf32>
          %parallel_loop3A_407 = arith.addf %parallel_loop3A_406, %parallel_loop3A_389 : vector<16xf32>
          %parallel_loop3A_408 = arith.constant 1 : i32
          %parallel_loop3A_409 = arith.index_cast %parallel_loop3A_408 : i32 to index
          %parallel_loop3A_410 = arith.index_cast %parallel_loop3A_384 : i32 to index
          %parallel_loop3A_411 = tpu.vector_load %arg8[%parallel_loop3A_409, %parallel_loop3A_410] {strides = array<i32>} : memref<16x2048xf32, #tpu.memory_space<vmem>>, vector<1x16xf32>,
          %parallel_loop3A_412 = vector.shape_cast %parallel_loop3A_411 : vector<1x16xf32> to vector<16xf32>
          %parallel_loop3A_413 = vector.shape_cast %parallel_loop3A_407 : vector<16xf32> to vector<1x16xf32>
          tpu.vector_store %arg8[%parallel_loop3A_409, %parallel_loop3A_410], %parallel_loop3A_413 {strides = array<i32>} : memref<16x2048xf32, #tpu.memory_space<vmem>>, vector<1x16xf32>,
          %parallel_loop3A_414 = arith.constant 2 : i32
          %parallel_loop3A_415 = arith.index_cast %parallel_loop3A_414 : i32 to index
          %parallel_loop3A_416 = arith.index_cast %parallel_loop3A_384 : i32 to index
          %parallel_loop3A_417 = tpu.vector_load %arg8[%parallel_loop3A_415, %parallel_loop3A_416] {strides = array<i32>} : memref<16x2048xf32, #tpu.memory_space<vmem>>, vector<1x16xf32>,
          %parallel_loop3A_418 = vector.shape_cast %parallel_loop3A_417 : vector<1x16xf32> to vector<16xf32>
          %parallel_loop3A_419 = arith.addf %parallel_loop3A_418, %parallel_loop3A_389 : vector<16xf32>
          %parallel_loop3A_420 = arith.constant 2 : i32
          %parallel_loop3A_421 = arith.index_cast %parallel_loop3A_420 : i32 to index
          %parallel_loop3A_422 = arith.index_cast %parallel_loop3A_384 : i32 to index
          %parallel_loop3A_423 = tpu.vector_load %arg8[%parallel_loop3A_421, %parallel_loop3A_422] {strides = array<i32>} : memref<16x2048xf32, #tpu.memory_space<vmem>>, vector<1x16xf32>,
          %parallel_loop3A_424 = vector.shape_cast %parallel_loop3A_423 : vector<1x16xf32> to vector<16xf32>
          %parallel_loop3A_425 = vector.shape_cast %parallel_loop3A_419 : vector<16xf32> to vector<1x16xf32>
          tpu.vector_store %arg8[%parallel_loop3A_421, %parallel_loop3A_422], %parallel_loop3A_425 {strides = array<i32>} : memref<16x2048xf32, #tpu.memory_space<vmem>>, vector<1x16xf32>,
          %parallel_loop3A_426 = arith.constant 3 : i32
          %parallel_loop3A_427 = arith.index_cast %parallel_loop3A_426 : i32 to index
          %parallel_loop3A_428 = arith.index_cast %parallel_loop3A_384 : i32 to index
          %parallel_loop3A_429 = tpu.vector_load %arg8[%parallel_loop3A_427, %parallel_loop3A_428] {strides = array<i32>} : memref<16x2048xf32, #tpu.memory_space<vmem>>, vector<1x16xf32>,
          %parallel_loop3A_430 = vector.shape_cast %parallel_loop3A_429 : vector<1x16xf32> to vector<16xf32>
          %parallel_loop3A_431 = arith.addf %parallel_loop3A_430, %parallel_loop3A_389 : vector<16xf32>
          %parallel_loop3A_432 = arith.constant 3 : i32
          %parallel_loop3A_433 = arith.index_cast %parallel_loop3A_432 : i32 to index
          %parallel_loop3A_434 = arith.index_cast %parallel_loop3A_384 : i32 to index
          %parallel_loop3A_435 = tpu.vector_load %arg8[%parallel_loop3A_433, %parallel_loop3A_434] {strides = array<i32>} : memref<16x2048xf32, #tpu.memory_space<vmem>>, vector<1x16xf32>,
          %parallel_loop3A_436 = vector.shape_cast %parallel_loop3A_435 : vector<1x16xf32> to vector<16xf32>
          %parallel_loop3A_437 = vector.shape_cast %parallel_loop3A_431 : vector<16xf32> to vector<1x16xf32>
          tpu.vector_store %arg8[%parallel_loop3A_433, %parallel_loop3A_434], %parallel_loop3A_437 {strides = array<i32>} : memref<16x2048xf32, #tpu.memory_space<vmem>>, vector<1x16xf32>,
          %parallel_loop3A_438 = arith.constant 4 : i32
          %parallel_loop3A_439 = arith.index_cast %parallel_loop3A_438 : i32 to index
          %parallel_loop3A_440 = arith.index_cast %parallel_loop3A_384 : i32 to index
          %parallel_loop3A_441 = tpu.vector_load %arg8[%parallel_loop3A_439, %parallel_loop3A_440] {strides = array<i32>} : memref<16x2048xf32, #tpu.memory_space<vmem>>, vector<1x16xf32>,
          %parallel_loop3A_442 = vector.shape_cast %parallel_loop3A_441 : vector<1x16xf32> to vector<16xf32>
          %parallel_loop3A_443 = arith.addf %parallel_loop3A_442, %parallel_loop3A_389 : vector<16xf32>
          %parallel_loop3A_444 = arith.constant 4 : i32
          %parallel_loop3A_445 = arith.index_cast %parallel_loop3A_444 : i32 to index
          %parallel_loop3A_446 = arith.index_cast %parallel_loop3A_384 : i32 to index
          %parallel_loop3A_447 = tpu.vector_load %arg8[%parallel_loop3A_445, %parallel_loop3A_446] {strides = array<i32>} : memref<16x2048xf32, #tpu.memory_space<vmem>>, vector<1x16xf32>,
          %parallel_loop3A_448 = vector.shape_cast %parallel_loop3A_447 : vector<1x16xf32> to vector<16xf32>
          %parallel_loop3A_449 = vector.shape_cast %parallel_loop3A_443 : vector<16xf32> to vector<1x16xf32>
          tpu.vector_store %arg8[%parallel_loop3A_445, %parallel_loop3A_446], %parallel_loop3A_449 {strides = array<i32>} : memref<16x2048xf32, #tpu.memory_space<vmem>>, vector<1x16xf32>,
          %parallel_loop3A_450 = arith.constant 5 : i32
          %parallel_loop3A_451 = arith.index_cast %parallel_loop3A_450 : i32 to index
          %parallel_loop3A_452 = arith.index_cast %parallel_loop3A_384 : i32 to index
          %parallel_loop3A_453 = tpu.vector_load %arg8[%parallel_loop3A_451, %parallel_loop3A_452] {strides = array<i32>} : memref<16x2048xf32, #tpu.memory_space<vmem>>, vector<1x16xf32>,
          %parallel_loop3A_454 = vector.shape_cast %parallel_loop3A_453 : vector<1x16xf32> to vector<16xf32>
          %parallel_loop3A_455 = arith.addf %parallel_loop3A_454, %parallel_loop3A_389 : vector<16xf32>
          %parallel_loop3A_456 = arith.constant 5 : i32
          %parallel_loop3A_457 = arith.index_cast %parallel_loop3A_456 : i32 to index
          %parallel_loop3A_458 = arith.index_cast %parallel_loop3A_384 : i32 to index
          %parallel_loop3A_459 = tpu.vector_load %arg8[%parallel_loop3A_457, %parallel_loop3A_458] {strides = array<i32>} : memref<16x2048xf32, #tpu.memory_space<vmem>>, vector<1x16xf32>,
          %parallel_loop3A_460 = vector.shape_cast %parallel_loop3A_459 : vector<1x16xf32> to vector<16xf32>
          %parallel_loop3A_461 = vector.shape_cast %parallel_loop3A_455 : vector<16xf32> to vector<1x16xf32>
          tpu.vector_store %arg8[%parallel_loop3A_457, %parallel_loop3A_458], %parallel_loop3A_461 {strides = array<i32>} : memref<16x2048xf32, #tpu.memory_space<vmem>>, vector<1x16xf32>,
          %parallel_loop3A_462 = arith.constant 6 : i32
          %parallel_loop3A_463 = arith.index_cast %parallel_loop3A_462 : i32 to index
          %parallel_loop3A_464 = arith.index_cast %parallel_loop3A_384 : i32 to index
          %parallel_loop3A_465 = tpu.vector_load %arg8[%parallel_loop3A_463, %parallel_loop3A_464] {strides = array<i32>} : memref<16x2048xf32, #tpu.memory_space<vmem>>, vector<1x16xf32>,
          %parallel_loop3A_466 = vector.shape_cast %parallel_loop3A_465 : vector<1x16xf32> to vector<16xf32>
          %parallel_loop3A_467 = arith.addf %parallel_loop3A_466, %parallel_loop3A_389 : vector<16xf32>
          %parallel_loop3A_468 = arith.constant 6 : i32
          %parallel_loop3A_469 = arith.index_cast %parallel_loop3A_468 : i32 to index
          %parallel_loop3A_470 = arith.index_cast %parallel_loop3A_384 : i32 to index
          %parallel_loop3A_471 = tpu.vector_load %arg8[%parallel_loop3A_469, %parallel_loop3A_470] {strides = array<i32>} : memref<16x2048xf32, #tpu.memory_space<vmem>>, vector<1x16xf32>,
          %parallel_loop3A_472 = vector.shape_cast %parallel_loop3A_471 : vector<1x16xf32> to vector<16xf32>
          %parallel_loop3A_473 = vector.shape_cast %parallel_loop3A_467 : vector<16xf32> to vector<1x16xf32>
          tpu.vector_store %arg8[%parallel_loop3A_469, %parallel_loop3A_470], %parallel_loop3A_473 {strides = array<i32>} : memref<16x2048xf32, #tpu.memory_space<vmem>>, vector<1x16xf32>,
          %parallel_loop3A_474 = arith.constant 7 : i32
          %parallel_loop3A_475 = arith.index_cast %parallel_loop3A_474 : i32 to index
          %parallel_loop3A_476 = arith.index_cast %parallel_loop3A_384 : i32 to index
          %parallel_loop3A_477 = tpu.vector_load %arg8[%parallel_loop3A_475, %parallel_loop3A_476] {strides = array<i32>} : memref<16x2048xf32, #tpu.memory_space<vmem>>, vector<1x16xf32>,
          %parallel_loop3A_478 = vector.shape_cast %parallel_loop3A_477 : vector<1x16xf32> to vector<16xf32>
          %parallel_loop3A_479 = arith.addf %parallel_loop3A_478, %parallel_loop3A_389 : vector<16xf32>
          %parallel_loop3A_480 = arith.constant 7 : i32
          %parallel_loop3A_481 = arith.index_cast %parallel_loop3A_480 : i32 to index
          %parallel_loop3A_482 = arith.index_cast %parallel_loop3A_384 : i32 to index
          %parallel_loop3A_483 = tpu.vector_load %arg8[%parallel_loop3A_481, %parallel_loop3A_482] {strides = array<i32>} : memref<16x2048xf32, #tpu.memory_space<vmem>>, vector<1x16xf32>,
          %parallel_loop3A_484 = vector.shape_cast %parallel_loop3A_483 : vector<1x16xf32> to vector<16xf32>
          %parallel_loop3A_485 = vector.shape_cast %parallel_loop3A_479 : vector<16xf32> to vector<1x16xf32>
          tpu.vector_store %arg8[%parallel_loop3A_481, %parallel_loop3A_482], %parallel_loop3A_485 {strides = array<i32>} : memref<16x2048xf32, #tpu.memory_space<vmem>>, vector<1x16xf32>,
          %parallel_loop3A_486 = arith.constant 8 : i32
          %parallel_loop3A_487 = arith.index_cast %parallel_loop3A_486 : i32 to index
          %parallel_loop3A_488 = arith.index_cast %parallel_loop3A_384 : i32 to index
          %parallel_loop3A_489 = tpu.vector_load %arg8[%parallel_loop3A_487, %parallel_loop3A_488] {strides = array<i32>} : memref<16x2048xf32, #tpu.memory_space<vmem>>, vector<1x16xf32>,
          %parallel_loop3A_490 = vector.shape_cast %parallel_loop3A_489 : vector<1x16xf32> to vector<16xf32>
          %parallel_loop3A_491 = arith.addf %parallel_loop3A_490, %parallel_loop3A_389 : vector<16xf32>
          %parallel_loop3A_492 = arith.constant 8 : i32
          %parallel_loop3A_493 = arith.index_cast %parallel_loop3A_492 : i32 to index
          %parallel_loop3A_494 = arith.index_cast %parallel_loop3A_384 : i32 to index
          %parallel_loop3A_495 = tpu.vector_load %arg8[%parallel_loop3A_493, %parallel_loop3A_494] {strides = array<i32>} : memref<16x2048xf32, #tpu.memory_space<vmem>>, vector<1x16xf32>,
          %parallel_loop3A_496 = vector.shape_cast %parallel_loop3A_495 : vector<1x16xf32> to vector<16xf32>
          %parallel_loop3A_497 = vector.shape_cast %parallel_loop3A_491 : vector<16xf32> to vector<1x16xf32>
          tpu.vector_store %arg8[%parallel_loop3A_493, %parallel_loop3A_494], %parallel_loop3A_497 {strides = array<i32>} : memref<16x2048xf32, #tpu.memory_space<vmem>>, vector<1x16xf32>,
          %parallel_loop3A_498 = arith.constant 9 : i32
          %parallel_loop3A_499 = arith.index_cast %parallel_loop3A_498 : i32 to index
          %parallel_loop3A_500 = arith.index_cast %parallel_loop3A_384 : i32 to index
          %parallel_loop3A_501 = tpu.vector_load %arg8[%parallel_loop3A_499, %parallel_loop3A_500] {strides = array<i32>} : memref<16x2048xf32, #tpu.memory_space<vmem>>, vector<1x16xf32>,
          %parallel_loop3A_502 = vector.shape_cast %parallel_loop3A_501 : vector<1x16xf32> to vector<16xf32>
          %parallel_loop3A_503 = arith.addf %parallel_loop3A_502, %parallel_loop3A_389 : vector<16xf32>
          %parallel_loop3A_504 = arith.constant 9 : i32
          %parallel_loop3A_505 = arith.index_cast %parallel_loop3A_504 : i32 to index
          %parallel_loop3A_506 = arith.index_cast %parallel_loop3A_384 : i32 to index
          %parallel_loop3A_507 = tpu.vector_load %arg8[%parallel_loop3A_505, %parallel_loop3A_506] {strides = array<i32>} : memref<16x2048xf32, #tpu.memory_space<vmem>>, vector<1x16xf32>,
          %parallel_loop3A_508 = vector.shape_cast %parallel_loop3A_507 : vector<1x16xf32> to vector<16xf32>
          %parallel_loop3A_509 = vector.shape_cast %parallel_loop3A_503 : vector<16xf32> to vector<1x16xf32>
          tpu.vector_store %arg8[%parallel_loop3A_505, %parallel_loop3A_506], %parallel_loop3A_509 {strides = array<i32>} : memref<16x2048xf32, #tpu.memory_space<vmem>>, vector<1x16xf32>,
          %parallel_loop3A_510 = arith.constant 10 : i32
          %parallel_loop3A_511 = arith.index_cast %parallel_loop3A_510 : i32 to index
          %parallel_loop3A_512 = arith.index_cast %parallel_loop3A_384 : i32 to index
          %parallel_loop3A_513 = tpu.vector_load %arg8[%parallel_loop3A_511, %parallel_loop3A_512] {strides = array<i32>} : memref<16x2048xf32, #tpu.memory_space<vmem>>, vector<1x16xf32>,
          %parallel_loop3A_514 = vector.shape_cast %parallel_loop3A_513 : vector<1x16xf32> to vector<16xf32>
          %parallel_loop3A_515 = arith.addf %parallel_loop3A_514, %parallel_loop3A_389 : vector<16xf32>
          %parallel_loop3A_516 = arith.constant 10 : i32
          %parallel_loop3A_517 = arith.index_cast %parallel_loop3A_516 : i32 to index
          %parallel_loop3A_518 = arith.index_cast %parallel_loop3A_384 : i32 to index
          %parallel_loop3A_519 = tpu.vector_load %arg8[%parallel_loop3A_517, %parallel_loop3A_518] {strides = array<i32>} : memref<16x2048xf32, #tpu.memory_space<vmem>>, vector<1x16xf32>,
          %parallel_loop3A_520 = vector.shape_cast %parallel_loop3A_519 : vector<1x16xf32> to vector<16xf32>
          %parallel_loop3A_521 = vector.shape_cast %parallel_loop3A_515 : vector<16xf32> to vector<1x16xf32>
          tpu.vector_store %arg8[%parallel_loop3A_517, %parallel_loop3A_518], %parallel_loop3A_521 {strides = array<i32>} : memref<16x2048xf32, #tpu.memory_space<vmem>>, vector<1x16xf32>,
          %parallel_loop3A_522 = arith.constant 11 : i32
          %parallel_loop3A_523 = arith.index_cast %parallel_loop3A_522 : i32 to index
          %parallel_loop3A_524 = arith.index_cast %parallel_loop3A_384 : i32 to index
          %parallel_loop3A_525 = tpu.vector_load %arg8[%parallel_loop3A_523, %parallel_loop3A_524] {strides = array<i32>} : memref<16x2048xf32, #tpu.memory_space<vmem>>, vector<1x16xf32>,
          %parallel_loop3A_526 = vector.shape_cast %parallel_loop3A_525 : vector<1x16xf32> to vector<16xf32>
          %parallel_loop3A_527 = arith.addf %parallel_loop3A_526, %parallel_loop3A_389 : vector<16xf32>
          %parallel_loop3A_528 = arith.constant 11 : i32
          %parallel_loop3A_529 = arith.index_cast %parallel_loop3A_528 : i32 to index
          %parallel_loop3A_530 = arith.index_cast %parallel_loop3A_384 : i32 to index
          %parallel_loop3A_531 = tpu.vector_load %arg8[%parallel_loop3A_529, %parallel_loop3A_530] {strides = array<i32>} : memref<16x2048xf32, #tpu.memory_space<vmem>>, vector<1x16xf32>,
          %parallel_loop3A_532 = vector.shape_cast %parallel_loop3A_531 : vector<1x16xf32> to vector<16xf32>
          %parallel_loop3A_533 = vector.shape_cast %parallel_loop3A_527 : vector<16xf32> to vector<1x16xf32>
          tpu.vector_store %arg8[%parallel_loop3A_529, %parallel_loop3A_530], %parallel_loop3A_533 {strides = array<i32>} : memref<16x2048xf32, #tpu.memory_space<vmem>>, vector<1x16xf32>,
          %parallel_loop3A_534 = arith.constant 12 : i32
          %parallel_loop3A_535 = arith.index_cast %parallel_loop3A_534 : i32 to index
          %parallel_loop3A_536 = arith.index_cast %parallel_loop3A_384 : i32 to index
          %parallel_loop3A_537 = tpu.vector_load %arg8[%parallel_loop3A_535, %parallel_loop3A_536] {strides = array<i32>} : memref<16x2048xf32, #tpu.memory_space<vmem>>, vector<1x16xf32>,
          %parallel_loop3A_538 = vector.shape_cast %parallel_loop3A_537 : vector<1x16xf32> to vector<16xf32>
          %parallel_loop3A_539 = arith.addf %parallel_loop3A_538, %parallel_loop3A_389 : vector<16xf32>
          %parallel_loop3A_540 = arith.constant 12 : i32
          %parallel_loop3A_541 = arith.index_cast %parallel_loop3A_540 : i32 to index
          %parallel_loop3A_542 = arith.index_cast %parallel_loop3A_384 : i32 to index
          %parallel_loop3A_543 = tpu.vector_load %arg8[%parallel_loop3A_541, %parallel_loop3A_542] {strides = array<i32>} : memref<16x2048xf32, #tpu.memory_space<vmem>>, vector<1x16xf32>,
          %parallel_loop3A_544 = vector.shape_cast %parallel_loop3A_543 : vector<1x16xf32> to vector<16xf32>
          %parallel_loop3A_545 = vector.shape_cast %parallel_loop3A_539 : vector<16xf32> to vector<1x16xf32>
          tpu.vector_store %arg8[%parallel_loop3A_541, %parallel_loop3A_542], %parallel_loop3A_545 {strides = array<i32>} : memref<16x2048xf32, #tpu.memory_space<vmem>>, vector<1x16xf32>,
          %parallel_loop3A_546 = arith.constant 13 : i32
          %parallel_loop3A_547 = arith.index_cast %parallel_loop3A_546 : i32 to index
          %parallel_loop3A_548 = arith.index_cast %parallel_loop3A_384 : i32 to index
          %parallel_loop3A_549 = tpu.vector_load %arg8[%parallel_loop3A_547, %parallel_loop3A_548] {strides = array<i32>} : memref<16x2048xf32, #tpu.memory_space<vmem>>, vector<1x16xf32>,
          %parallel_loop3A_550 = vector.shape_cast %parallel_loop3A_549 : vector<1x16xf32> to vector<16xf32>
          %parallel_loop3A_551 = arith.addf %parallel_loop3A_550, %parallel_loop3A_389 : vector<16xf32>
          %parallel_loop3A_552 = arith.constant 13 : i32
          %parallel_loop3A_553 = arith.index_cast %parallel_loop3A_552 : i32 to index
          %parallel_loop3A_554 = arith.index_cast %parallel_loop3A_384 : i32 to index
          %parallel_loop3A_555 = tpu.vector_load %arg8[%parallel_loop3A_553, %parallel_loop3A_554] {strides = array<i32>} : memref<16x2048xf32, #tpu.memory_space<vmem>>, vector<1x16xf32>,
          %parallel_loop3A_556 = vector.shape_cast %parallel_loop3A_555 : vector<1x16xf32> to vector<16xf32>
          %parallel_loop3A_557 = vector.shape_cast %parallel_loop3A_551 : vector<16xf32> to vector<1x16xf32>
          tpu.vector_store %arg8[%parallel_loop3A_553, %parallel_loop3A_554], %parallel_loop3A_557 {strides = array<i32>} : memref<16x2048xf32, #tpu.memory_space<vmem>>, vector<1x16xf32>,
          %parallel_loop3A_558 = arith.constant 14 : i32
          %parallel_loop3A_559 = arith.index_cast %parallel_loop3A_558 : i32 to index
          %parallel_loop3A_560 = arith.index_cast %parallel_loop3A_384 : i32 to index
          %parallel_loop3A_561 = tpu.vector_load %arg8[%parallel_loop3A_559, %parallel_loop3A_560] {strides = array<i32>} : memref<16x2048xf32, #tpu.memory_space<vmem>>, vector<1x16xf32>,
          %parallel_loop3A_562 = vector.shape_cast %parallel_loop3A_561 : vector<1x16xf32> to vector<16xf32>
          %parallel_loop3A_563 = arith.addf %parallel_loop3A_562, %parallel_loop3A_389 : vector<16xf32>
          %parallel_loop3A_564 = arith.constant 14 : i32
          %parallel_loop3A_565 = arith.index_cast %parallel_loop3A_564 : i32 to index
          %parallel_loop3A_566 = arith.index_cast %parallel_loop3A_384 : i32 to index
          %parallel_loop3A_567 = tpu.vector_load %arg8[%parallel_loop3A_565, %parallel_loop3A_566] {strides = array<i32>} : memref<16x2048xf32, #tpu.memory_space<vmem>>, vector<1x16xf32>,
          %parallel_loop3A_568 = vector.shape_cast %parallel_loop3A_567 : vector<1x16xf32> to vector<16xf32>
          %parallel_loop3A_569 = vector.shape_cast %parallel_loop3A_563 : vector<16xf32> to vector<1x16xf32>
          tpu.vector_store %arg8[%parallel_loop3A_565, %parallel_loop3A_566], %parallel_loop3A_569 {strides = array<i32>} : memref<16x2048xf32, #tpu.memory_space<vmem>>, vector<1x16xf32>,
          %parallel_loop3A_570 = arith.constant 15 : i32
          %parallel_loop3A_571 = arith.index_cast %parallel_loop3A_570 : i32 to index
          %parallel_loop3A_572 = arith.index_cast %parallel_loop3A_384 : i32 to index
          %parallel_loop3A_573 = tpu.vector_load %arg8[%parallel_loop3A_571, %parallel_loop3A_572] {strides = array<i32>} : memref<16x2048xf32, #tpu.memory_space<vmem>>, vector<1x16xf32>,
          %parallel_loop3A_574 = vector.shape_cast %parallel_loop3A_573 : vector<1x16xf32> to vector<16xf32>
          %parallel_loop3A_575 = arith.addf %parallel_loop3A_574, %parallel_loop3A_389 : vector<16xf32>
          %parallel_loop3A_576 = arith.constant 15 : i32
          %parallel_loop3A_577 = arith.index_cast %parallel_loop3A_576 : i32 to index
          %parallel_loop3A_578 = arith.index_cast %parallel_loop3A_384 : i32 to index
          %parallel_loop3A_579 = tpu.vector_load %arg8[%parallel_loop3A_577, %parallel_loop3A_578] {strides = array<i32>} : memref<16x2048xf32, #tpu.memory_space<vmem>>, vector<1x16xf32>,
          %parallel_loop3A_580 = vector.shape_cast %parallel_loop3A_579 : vector<1x16xf32> to vector<16xf32>
          %parallel_loop3A_581 = vector.shape_cast %parallel_loop3A_575 : vector<16xf32> to vector<1x16xf32>
          tpu.vector_store %arg8[%parallel_loop3A_577, %parallel_loop3A_578], %parallel_loop3A_581 {strides = array<i32>} : memref<16x2048xf32, #tpu.memory_space<vmem>>, vector<1x16xf32>,
        } {sc.loop_unroll_factor = 8 : i64, sc.parallel_access}
        %mul3A_374 = arith.constant 16 : i32
        %mul3A_375 = arith.muli %scan3A_333, %mul3A_374 : i32
        %add3A_376 = arith.addi %add3A_26, %mul3A_375 : i32
        %dma_start3A_377 = arith.constant 0 : i32
        %dma_start3A_378 = tpu.memref_slice %arg6[%add3A_376, %dma_start3A_377] : memref<11264x2048xf32, #tpu.memory_space<hbm>> -> memref<16x2048xf32, #tpu.memory_space<hbm>>
        %dma_start3A_379 = arith.constant 0 : i32
        %dma_start3A_380 = tpu.memref_slice %arg6[%add3A_376, %dma_start3A_379] : memref<11264x2048xf32, #tpu.memory_space<hbm>> -> memref<16x2048xf32, #tpu.memory_space<hbm>>
        tpu.enqueue_dma source(%arg8 : memref<16x2048xf32, #tpu.memory_space<vmem>>) target(%dma_start3A_380 : memref<16x2048xf32, #tpu.memory_space<hbm>>) target_semaphore(%arg16 : memref<!tpu.dma_semaphore, #tpu.memory_space<semaphore_mem>>)
        %cond3A_381 = arith.constant 0 : i32
        scf.yield %cond3A_381 : i32
      }
      %scan3A_354 = arith.constant 0 : i32
      scf.yield %scan3A_354 : i32
    }
    %scan3A_137 = arith.constant 16 : i32
    %add3A_138 = arith.constant 224 : i32
    %add3A_139 = arith.addi %add3A_26, %add3A_138 : i32
    %dma_wait3A = arith.constant 0 : i32
    %dma_wait3A_140 = tpu.memref_slice %arg6[%add3A_139, %dma_wait3A] : memref<11264x2048xf32, #tpu.memory_space<hbm>> -> memref<16x2048xf32, #tpu.memory_space<hbm>>
    %dma_wait3A_141 = arith.constant 0 : i32
    %dma_wait3A_142 = tpu.memref_slice %arg6[%add3A_139, %dma_wait3A_141] : memref<11264x2048xf32, #tpu.memory_space<hbm>> -> memref<16x2048xf32, #tpu.memory_space<hbm>>
    tpu.wait_dma2 semaphore(%arg18 : memref<!tpu.dma_semaphore, #tpu.memory_space<semaphore_mem>>) src(%arg10 : memref<16x2048xf32, #tpu.memory_space<vmem>>) dst(%dma_wait3A_142 : memref<16x2048xf32, #tpu.memory_space<hbm>>)
    %add3A_143 = arith.constant 240 : i32
    %add3A_144 = arith.addi %add3A_26, %add3A_143 : i32
    %dma_wait3A_145 = arith.constant 0 : i32
    %dma_wait3A_146 = tpu.memref_slice %arg6[%add3A_144, %dma_wait3A_145] : memref<11264x2048xf32, #tpu.memory_space<hbm>> -> memref<16x2048xf32, #tpu.memory_space<hbm>>
    %dma_wait3A_147 = arith.constant 0 : i32
    %dma_wait3A_148 = tpu.memref_slice %arg6[%add3A_144, %dma_wait3A_147] : memref<11264x2048xf32, #tpu.memory_space<hbm>> -> memref<16x2048xf32, #tpu.memory_space<hbm>>
    tpu.wait_dma2 semaphore(%arg16 : memref<!tpu.dma_semaphore, #tpu.memory_space<semaphore_mem>>) src(%arg8 : memref<16x2048xf32, #tpu.memory_space<vmem>>) dst(%dma_wait3A_148 : memref<16x2048xf32, #tpu.memory_space<hbm>>)
    %mul3A_149 = arith.constant 64 : i32
    %mul3A_150 = arith.muli %add3A, %mul3A_149 : i32
    %jit3A_151 = arith.constant 1024 : i32
    %div3A_152 = arith.divsi %mul3A_150, %jit3A_151 : i32
    %sign3A_153 = arith.constant 0 : i32
    %sign3A_154 = arith.cmpi sgt, %mul3A_150, %sign3A_153 : i32
    %sign3A_155 = arith.extui %sign3A_154 : i1 to i32
    %sign3A_156 = arith.constant 0 : i32
    %sign3A_157 = arith.cmpi slt, %mul3A_150, %sign3A_156 : i32
    %sign3A_158 = arith.extui %sign3A_157 : i1 to i32
    %sign3A_159 = arith.subi %sign3A_155, %sign3A_158 : i32
    %sign3A_160 = arith.constant 0 : i32
    %sign3A_161 = arith.cmpi sgt, %jit3A_151, %sign3A_160 : i32
    %sign3A_162 = arith.extui %sign3A_161 : i1 to i32
    %sign3A_163 = arith.constant 0 : i32
    %sign3A_164 = arith.cmpi slt, %jit3A_151, %sign3A_163 : i32
    %sign3A_165 = arith.extui %sign3A_164 : i1 to i32
    %sign3A_166 = arith.subi %sign3A_162, %sign3A_165 : i32
    %ne3A_167 = arith.cmpi ne, %sign3A_159, %sign3A_166 : i32
    %rem3A_168 = arith.remsi %mul3A_150, %jit3A_151 : i32
    %ne3A_169 = arith.constant 0 : i32
    %ne3A_170 = arith.cmpi ne, %rem3A_168, %ne3A_169 : i32
    %and3A_171 = arith.andi %ne3A_167, %ne3A_170 : i1
    %sub3A_172 = arith.constant 1 : i32
    %sub3A_173 = arith.subi %div3A_152, %sub3A_172 : i32
    %select_n3A_174 = arith.select %and3A_171, %sub3A_173, %div3A_152 : i32
    %mul3A_175 = arith.constant 1024 : i32
    %mul3A_176 = arith.muli %select_n3A_174, %mul3A_175 : i32
    %sub3A_177 = arith.subi %mul3A_150, %mul3A_176 : i32
    %mul3A_178 = arith.constant 5632 : i32
    %mul3A_179 = arith.muli %select_n3A_174, %mul3A_178 : i32
    %add3A_180 = arith.constant 4096 : i32
    %add3A_181 = arith.addi %mul3A_179, %add3A_180 : i32
    %add3A_182 = arith.addi %add3A_181, %sub3A_177 : i32
    %broadcast_in_dim3A_183 = arith.constant 1 : i32
    %broadcast_in_dim3A_184 = vector.broadcast %broadcast_in_dim3A_183 : i32 to vector<16xi32>
    %swap3A_185 = arith.constant 256 : index
    %swap3A_186 = tpu.vector_load %arg12[%swap3A_185] {strides = array<i32>} : memref<352xi32, #tpu.memory_space<vmem>>, vector<16xi32>,
    %swap3A_187 = vector.shape_cast %swap3A_186 : vector<16xi32> to vector<16xi32>
    %swap3A_188 = vector.shape_cast %broadcast_in_dim3A_184 : vector<16xi32> to vector<16xi32>
    tpu.vector_store %arg12[%swap3A_185], %swap3A_188 {strides = array<i32>} : memref<352xi32, #tpu.memory_space<vmem>>, vector<16xi32>,
    %broadcast_in_dim3A_189 = arith.constant 1 : i32
    %broadcast_in_dim3A_190 = vector.broadcast %broadcast_in_dim3A_189 : i32 to vector<16xi32>
    %swap3A_191 = arith.constant 272 : index
    %swap3A_192 = tpu.vector_load %arg12[%swap3A_191] {strides = array<i32>} : memref<352xi32, #tpu.memory_space<vmem>>, vector<16xi32>,
    %swap3A_193 = vector.shape_cast %swap3A_192 : vector<16xi32> to vector<16xi32>
    %swap3A_194 = vector.shape_cast %broadcast_in_dim3A_190 : vector<16xi32> to vector<16xi32>
    tpu.vector_store %arg12[%swap3A_191], %swap3A_194 {strides = array<i32>} : memref<352xi32, #tpu.memory_space<vmem>>, vector<16xi32>,
    %broadcast_in_dim3A_195 = arith.constant 1 : i32
    %broadcast_in_dim3A_196 = vector.broadcast %broadcast_in_dim3A_195 : i32 to vector<16xi32>
    %swap3A_197 = arith.constant 288 : index
    %swap3A_198 = tpu.vector_load %arg12[%swap3A_197] {strides = array<i32>} : memref<352xi32, #tpu.memory_space<vmem>>, vector<16xi32>,
    %swap3A_199 = vector.shape_cast %swap3A_198 : vector<16xi32> to vector<16xi32>
    %swap3A_200 = vector.shape_cast %broadcast_in_dim3A_196 : vector<16xi32> to vector<16xi32>
    tpu.vector_store %arg12[%swap3A_197], %swap3A_200 {strides = array<i32>} : memref<352xi32, #tpu.memory_space<vmem>>, vector<16xi32>,
    %broadcast_in_dim3A_201 = arith.constant 1 : i32
    %broadcast_in_dim3A_202 = vector.broadcast %broadcast_in_dim3A_201 : i32 to vector<16xi32>
    %swap3A_203 = arith.constant 304 : index
    %swap3A_204 = tpu.vector_load %arg12[%swap3A_203] {strides = array<i32>} : memref<352xi32, #tpu.memory_space<vmem>>, vector<16xi32>,
    %swap3A_205 = vector.shape_cast %swap3A_204 : vector<16xi32> to vector<16xi32>
    %swap3A_206 = vector.shape_cast %broadcast_in_dim3A_202 : vector<16xi32> to vector<16xi32>
    tpu.vector_store %arg12[%swap3A_203], %swap3A_206 {strides = array<i32>} : memref<352xi32, #tpu.memory_space<vmem>>, vector<16xi32>,
    %dma_start3A_207 = arith.constant 256 : i32
    %dma_start3A_208 = tpu.memref_slice %arg12[%dma_start3A_207] : memref<352xi32, #tpu.memory_space<vmem>> -> memref<64xi32, #tpu.memory_space<vmem>>
    %dma_start3A_209 = tpu.memref_slice %arg7[%add3A_182] : memref<11264xi32, #tpu.memory_space<hbm>> -> memref<64xi32, #tpu.memory_space<hbm>>
    %dma_start3A_210 = tpu.memref_slice %arg7[%add3A_182] : memref<11264xi32, #tpu.memory_space<hbm>> -> memref<64xi32, #tpu.memory_space<hbm>>
    %dma_start3A_211 = arith.constant 256 : i32
    %dma_start3A_212 = tpu.memref_slice %arg12[%dma_start3A_211] : memref<352xi32, #tpu.memory_space<vmem>> -> memref<64xi32, #tpu.memory_space<vmem>>
    tpu.enqueue_dma source(%dma_start3A_212 : memref<64xi32, #tpu.memory_space<vmem>>) target(%dma_start3A_210 : memref<64xi32, #tpu.memory_space<hbm>>) target_semaphore(%arg19 : memref<!tpu.dma_semaphore, #tpu.memory_space<semaphore_mem>>)
    %add3A_213 = arith.constant 0 : i32
    %add3A_214 = arith.addi %mul3A_150, %add3A_213 : i32
    %dma_start3A_215 = arith.constant 0 : i32
    %dma_start3A_216 = tpu.memref_slice %arg3[%add3A_214, %dma_start3A_215] : memref<2048x2048xf32, #tpu.memory_space<hbm>> -> memref<16x2048xf32, #tpu.memory_space<hbm>>
    %dma_start3A_217 = arith.constant 0 : i32
    %dma_start3A_218 = tpu.memref_slice %arg3[%add3A_214, %dma_start3A_217] : memref<2048x2048xf32, #tpu.memory_space<hbm>> -> memref<16x2048xf32, #tpu.memory_space<hbm>>
    tpu.enqueue_dma source(%dma_start3A_218 : memref<16x2048xf32, #tpu.memory_space<hbm>>) target(%arg8 : memref<16x2048xf32, #tpu.memory_space<vmem>>) target_semaphore(%arg13 : memref<!tpu.dma_semaphore, #tpu.memory_space<semaphore_mem>>)
    %scan3A_219 = arith.constant 0 : i32
    %scan3A_220 = arith.constant 0 : i32
    %scan3A_221 = arith.constant 4 : i32
    %scan3A_222 = arith.addi %scan3A_220, %scan3A_221 : i32
    %scan3A_223 = arith.constant 1 : i32
    %scan3A_224 = scf.for %scan3A_333 = %scan3A_220 to %scan3A_222 step %scan3A_223 iter_args(%scan3A_334 = %scan3A_219) -> (i32)  : i32 {
      %jit3A_335 = arith.constant 3 : i32
      %eq3A = arith.constant 0 : i32
      %eq3A_336 = arith.cmpi eq, %jit3A_335, %eq3A : i32
      %jit3A_337 = arith.constant 1 : i32
      %select_n3A_338 = arith.select %eq3A_336, %jit3A_337, %jit3A_335 : i32
      %rem3A_339 = arith.remsi %scan3A_333, %select_n3A_338 : i32
      %ne3A_340 = arith.constant 0 : i32
      %ne3A_341 = arith.cmpi ne, %rem3A_339, %ne3A_340 : i32
      %lt3A = arith.constant 0 : i32
      %lt3A_342 = arith.cmpi slt, %rem3A_339, %lt3A : i32
      %lt3A_343 = arith.constant 0 : i32
      %lt3A_344 = arith.cmpi slt, %select_n3A_338, %lt3A_343 : i32
      %ne3A_345 = arith.xori %lt3A_342, %lt3A_344 : i1
      %and3A_346 = arith.andi %ne3A_345, %ne3A_341 : i1
      %add3A_347 = arith.addi %rem3A_339, %select_n3A_338 : i32
      %select_n3A_348 = arith.select %and3A_346, %add3A_347, %rem3A_339 : i32
      %clamp3A = arith.constant 0 : i32
      %clamp3A_349 = arith.constant 2 : i32
      %clamp3A_350 = arith.maxsi %select_n3A_348, %clamp3A : i32
      %clamp3A_351 = arith.minsi %clamp3A_350, %clamp3A_349 : i32
      %cond3A = arith.constant 0 : i32
      %cond3A_352 = arith.cmpi ne, %clamp3A_351, %cond3A : i32
      %cond3A_353 = scf.if %cond3A_352 -> (i32) {
        %cond3A_355 = arith.constant 1 : i32
        %cond3A_356 = arith.subi %clamp3A_351, %cond3A_355 : i32
        %cond3A_357 = arith.constant 0 : i32
        %cond3A_358 = arith.cmpi ne, %cond3A_356, %cond3A_357 : i32
        %cond3A_359 = scf.if %cond3A_358 -> (i32) {
          %mul3A_360 = arith.constant 16 : i32
          %mul3A_361 = arith.muli %scan3A_333, %mul3A_360 : i32
          %add3A_362 = arith.addi %mul3A_150, %mul3A_361 : i32
          %dma_wait3A_363 = arith.constant 0 : i32
          %dma_wait3A_364 = tpu.memref_slice %arg3[%add3A_362, %dma_wait3A_363] : memref<2048x2048xf32, #tpu.memory_space<hbm>> -> memref<16x2048xf32, #tpu.memory_space<hbm>>
          %dma_wait3A_365 = arith.constant 0 : i32
          %dma_wait3A_366 = tpu.memref_slice %arg3[%add3A_362, %dma_wait3A_365] : memref<2048x2048xf32, #tpu.memory_space<hbm>> -> memref<16x2048xf32, #tpu.memory_space<hbm>>
          tpu.wait_dma2 semaphore(%arg15 : memref<!tpu.dma_semaphore, #tpu.memory_space<semaphore_mem>>) src(%dma_wait3A_366 : memref<16x2048xf32, #tpu.memory_space<hbm>>) dst(%arg10 : memref<16x2048xf32, #tpu.memory_space<vmem>>)
          %ge3A = arith.constant 2 : i32
          %ge3A_367 = arith.cmpi sge, %scan3A_333, %ge3A : i32
          %convert_element_type3A = arith.extui %ge3A_367 : i1 to i32
          %cond3A_368 = arith.constant 0 : i32
          %cond3A_369 = arith.cmpi ne, %convert_element_type3A, %cond3A_368 : i32
          scf.if %cond3A_369 {
            %sub3A_387 = arith.constant 2 : i32
            %sub3A_388 = arith.subi %scan3A_333, %sub3A_387 : i32
            %mul3A_389 = arith.constant 16 : i32
            %mul3A_390 = arith.muli %sub3A_388, %mul3A_389 : i32
            %add3A_391 = arith.addi %add3A_182, %mul3A_390 : i32
            %dma_wait3A_392 = arith.constant 0 : i32
            %dma_wait3A_393 = tpu.memref_slice %arg6[%add3A_391, %dma_wait3A_392] : memref<11264x2048xf32, #tpu.memory_space<hbm>> -> memref<16x2048xf32, #tpu.memory_space<hbm>>
            %dma_wait3A_394 = arith.constant 0 : i32
            %dma_wait3A_395 = tpu.memref_slice %arg6[%add3A_391, %dma_wait3A_394] : memref<11264x2048xf32, #tpu.memory_space<hbm>> -> memref<16x2048xf32, #tpu.memory_space<hbm>>
            tpu.wait_dma2 semaphore(%arg16 : memref<!tpu.dma_semaphore, #tpu.memory_space<semaphore_mem>>) src(%arg8 : memref<16x2048xf32, #tpu.memory_space<vmem>>) dst(%dma_wait3A_395 : memref<16x2048xf32, #tpu.memory_space<hbm>>)
          } else {
          }
          %add3A_370 = arith.constant 1 : i32
          %add3A_371 = arith.addi %scan3A_333, %add3A_370 : i32
          %lt3A_372 = arith.constant 4 : i32
          %lt3A_373 = arith.cmpi slt, %add3A_371, %lt3A_372 : i32
          %convert_element_type3A_374 = arith.extui %lt3A_373 : i1 to i32
          %cond3A_375 = arith.constant 0 : i32
          %cond3A_376 = arith.cmpi ne, %convert_element_type3A_374, %cond3A_375 : i32
          scf.if %cond3A_376 {
            %add3A_387 = arith.constant 1 : i32
            %add3A_388 = arith.addi %scan3A_333, %add3A_387 : i32
            %mul3A_389 = arith.constant 16 : i32
            %mul3A_390 = arith.muli %add3A_388, %mul3A_389 : i32
            %add3A_391 = arith.addi %mul3A_150, %mul3A_390 : i32
            %dma_start3A_392 = arith.constant 0 : i32
            %dma_start3A_393 = tpu.memref_slice %arg3[%add3A_391, %dma_start3A_392] : memref<2048x2048xf32, #tpu.memory_space<hbm>> -> memref<16x2048xf32, #tpu.memory_space<hbm>>
            %dma_start3A_394 = arith.constant 0 : i32
            %dma_start3A_395 = tpu.memref_slice %arg3[%add3A_391, %dma_start3A_394] : memref<2048x2048xf32, #tpu.memory_space<hbm>> -> memref<16x2048xf32, #tpu.memory_space<hbm>>
            tpu.enqueue_dma source(%dma_start3A_395 : memref<16x2048xf32, #tpu.memory_space<hbm>>) target(%arg8 : memref<16x2048xf32, #tpu.memory_space<vmem>>) target_semaphore(%arg13 : memref<!tpu.dma_semaphore, #tpu.memory_space<semaphore_mem>>)
          } else {
          }
          %parallel_loop3A = arith.constant 0 : i32
          %parallel_loop3A_377 = arith.constant 128 : i32
          %parallel_loop3A_378 = arith.constant 1 : i32
          scf.for %parallel_loop3A_387 = %parallel_loop3A to %parallel_loop3A_377 step %parallel_loop3A_378  : i32 {
            %parallel_loop3A_388 = arith.constant 16 : i32
            %parallel_loop3A_389 = arith.muli %parallel_loop3A_387, %parallel_loop3A_388 : i32
            %parallel_loop3A_390 = arith.constant 1 : i32
            %parallel_loop3A_391 = arith.index_cast %parallel_loop3A_390 : i32 to index
            %parallel_loop3A_392 = arith.index_cast %parallel_loop3A_389 : i32 to index
            %parallel_loop3A_393 = tpu.vector_load %arg11[%parallel_loop3A_391, %parallel_loop3A_392] {strides = array<i32>} : memref<3x2048xf32, #tpu.memory_space<vmem>>, vector<1x16xf32>,
            %parallel_loop3A_394 = vector.shape_cast %parallel_loop3A_393 : vector<1x16xf32> to vector<16xf32>
            %parallel_loop3A_395 = arith.constant 0 : i32
            %parallel_loop3A_396 = arith.index_cast %parallel_loop3A_395 : i32 to index
            %parallel_loop3A_397 = arith.index_cast %parallel_loop3A_389 : i32 to index
            %parallel_loop3A_398 = tpu.vector_load %arg10[%parallel_loop3A_396, %parallel_loop3A_397] {strides = array<i32>} : memref<16x2048xf32, #tpu.memory_space<vmem>>, vector<1x16xf32>,
            %parallel_loop3A_399 = vector.shape_cast %parallel_loop3A_398 : vector<1x16xf32> to vector<16xf32>
            %parallel_loop3A_400 = arith.addf %parallel_loop3A_399, %parallel_loop3A_394 : vector<16xf32>
            %parallel_loop3A_401 = arith.constant 0 : i32
            %parallel_loop3A_402 = arith.index_cast %parallel_loop3A_401 : i32 to index
            %parallel_loop3A_403 = arith.index_cast %parallel_loop3A_389 : i32 to index
            %parallel_loop3A_404 = tpu.vector_load %arg10[%parallel_loop3A_402, %parallel_loop3A_403] {strides = array<i32>} : memref<16x2048xf32, #tpu.memory_space<vmem>>, vector<1x16xf32>,
            %parallel_loop3A_405 = vector.shape_cast %parallel_loop3A_404 : vector<1x16xf32> to vector<16xf32>
            %parallel_loop3A_406 = vector.shape_cast %parallel_loop3A_400 : vector<16xf32> to vector<1x16xf32>
            tpu.vector_store %arg10[%parallel_loop3A_402, %parallel_loop3A_403], %parallel_loop3A_406 {strides = array<i32>} : memref<16x2048xf32, #tpu.memory_space<vmem>>, vector<1x16xf32>,
            %parallel_loop3A_407 = arith.constant 1 : i32
            %parallel_loop3A_408 = arith.index_cast %parallel_loop3A_407 : i32 to index
            %parallel_loop3A_409 = arith.index_cast %parallel_loop3A_389 : i32 to index
            %parallel_loop3A_410 = tpu.vector_load %arg10[%parallel_loop3A_408, %parallel_loop3A_409] {strides = array<i32>} : memref<16x2048xf32, #tpu.memory_space<vmem>>, vector<1x16xf32>,
            %parallel_loop3A_411 = vector.shape_cast %parallel_loop3A_410 : vector<1x16xf32> to vector<16xf32>
            %parallel_loop3A_412 = arith.addf %parallel_loop3A_411, %parallel_loop3A_394 : vector<16xf32>
            %parallel_loop3A_413 = arith.constant 1 : i32
            %parallel_loop3A_414 = arith.index_cast %parallel_loop3A_413 : i32 to index
            %parallel_loop3A_415 = arith.index_cast %parallel_loop3A_389 : i32 to index
            %parallel_loop3A_416 = tpu.vector_load %arg10[%parallel_loop3A_414, %parallel_loop3A_415] {strides = array<i32>} : memref<16x2048xf32, #tpu.memory_space<vmem>>, vector<1x16xf32>,
            %parallel_loop3A_417 = vector.shape_cast %parallel_loop3A_416 : vector<1x16xf32> to vector<16xf32>
            %parallel_loop3A_418 = vector.shape_cast %parallel_loop3A_412 : vector<16xf32> to vector<1x16xf32>
            tpu.vector_store %arg10[%parallel_loop3A_414, %parallel_loop3A_415], %parallel_loop3A_418 {strides = array<i32>} : memref<16x2048xf32, #tpu.memory_space<vmem>>, vector<1x16xf32>,
            %parallel_loop3A_419 = arith.constant 2 : i32
            %parallel_loop3A_420 = arith.index_cast %parallel_loop3A_419 : i32 to index
            %parallel_loop3A_421 = arith.index_cast %parallel_loop3A_389 : i32 to index
            %parallel_loop3A_422 = tpu.vector_load %arg10[%parallel_loop3A_420, %parallel_loop3A_421] {strides = array<i32>} : memref<16x2048xf32, #tpu.memory_space<vmem>>, vector<1x16xf32>,
            %parallel_loop3A_423 = vector.shape_cast %parallel_loop3A_422 : vector<1x16xf32> to vector<16xf32>
            %parallel_loop3A_424 = arith.addf %parallel_loop3A_423, %parallel_loop3A_394 : vector<16xf32>
            %parallel_loop3A_425 = arith.constant 2 : i32
            %parallel_loop3A_426 = arith.index_cast %parallel_loop3A_425 : i32 to index
            %parallel_loop3A_427 = arith.index_cast %parallel_loop3A_389 : i32 to index
            %parallel_loop3A_428 = tpu.vector_load %arg10[%parallel_loop3A_426, %parallel_loop3A_427] {strides = array<i32>} : memref<16x2048xf32, #tpu.memory_space<vmem>>, vector<1x16xf32>,
            %parallel_loop3A_429 = vector.shape_cast %parallel_loop3A_428 : vector<1x16xf32> to vector<16xf32>
            %parallel_loop3A_430 = vector.shape_cast %parallel_loop3A_424 : vector<16xf32> to vector<1x16xf32>
            tpu.vector_store %arg10[%parallel_loop3A_426, %parallel_loop3A_427], %parallel_loop3A_430 {strides = array<i32>} : memref<16x2048xf32, #tpu.memory_space<vmem>>, vector<1x16xf32>,
            %parallel_loop3A_431 = arith.constant 3 : i32
            %parallel_loop3A_432 = arith.index_cast %parallel_loop3A_431 : i32 to index
            %parallel_loop3A_433 = arith.index_cast %parallel_loop3A_389 : i32 to index
            %parallel_loop3A_434 = tpu.vector_load %arg10[%parallel_loop3A_432, %parallel_loop3A_433] {strides = array<i32>} : memref<16x2048xf32, #tpu.memory_space<vmem>>, vector<1x16xf32>,
            %parallel_loop3A_435 = vector.shape_cast %parallel_loop3A_434 : vector<1x16xf32> to vector<16xf32>
            %parallel_loop3A_436 = arith.addf %parallel_loop3A_435, %parallel_loop3A_394 : vector<16xf32>
            %parallel_loop3A_437 = arith.constant 3 : i32
            %parallel_loop3A_438 = arith.index_cast %parallel_loop3A_437 : i32 to index
            %parallel_loop3A_439 = arith.index_cast %parallel_loop3A_389 : i32 to index
            %parallel_loop3A_440 = tpu.vector_load %arg10[%parallel_loop3A_438, %parallel_loop3A_439] {strides = array<i32>} : memref<16x2048xf32, #tpu.memory_space<vmem>>, vector<1x16xf32>,
            %parallel_loop3A_441 = vector.shape_cast %parallel_loop3A_440 : vector<1x16xf32> to vector<16xf32>
            %parallel_loop3A_442 = vector.shape_cast %parallel_loop3A_436 : vector<16xf32> to vector<1x16xf32>
            tpu.vector_store %arg10[%parallel_loop3A_438, %parallel_loop3A_439], %parallel_loop3A_442 {strides = array<i32>} : memref<16x2048xf32, #tpu.memory_space<vmem>>, vector<1x16xf32>,
            %parallel_loop3A_443 = arith.constant 4 : i32
            %parallel_loop3A_444 = arith.index_cast %parallel_loop3A_443 : i32 to index
            %parallel_loop3A_445 = arith.index_cast %parallel_loop3A_389 : i32 to index
            %parallel_loop3A_446 = tpu.vector_load %arg10[%parallel_loop3A_444, %parallel_loop3A_445] {strides = array<i32>} : memref<16x2048xf32, #tpu.memory_space<vmem>>, vector<1x16xf32>,
            %parallel_loop3A_447 = vector.shape_cast %parallel_loop3A_446 : vector<1x16xf32> to vector<16xf32>
            %parallel_loop3A_448 = arith.addf %parallel_loop3A_447, %parallel_loop3A_394 : vector<16xf32>
            %parallel_loop3A_449 = arith.constant 4 : i32
            %parallel_loop3A_450 = arith.index_cast %parallel_loop3A_449 : i32 to index
            %parallel_loop3A_451 = arith.index_cast %parallel_loop3A_389 : i32 to index
            %parallel_loop3A_452 = tpu.vector_load %arg10[%parallel_loop3A_450, %parallel_loop3A_451] {strides = array<i32>} : memref<16x2048xf32, #tpu.memory_space<vmem>>, vector<1x16xf32>,
            %parallel_loop3A_453 = vector.shape_cast %parallel_loop3A_452 : vector<1x16xf32> to vector<16xf32>
            %parallel_loop3A_454 = vector.shape_cast %parallel_loop3A_448 : vector<16xf32> to vector<1x16xf32>
            tpu.vector_store %arg10[%parallel_loop3A_450, %parallel_loop3A_451], %parallel_loop3A_454 {strides = array<i32>} : memref<16x2048xf32, #tpu.memory_space<vmem>>, vector<1x16xf32>,
            %parallel_loop3A_455 = arith.constant 5 : i32
            %parallel_loop3A_456 = arith.index_cast %parallel_loop3A_455 : i32 to index
            %parallel_loop3A_457 = arith.index_cast %parallel_loop3A_389 : i32 to index
            %parallel_loop3A_458 = tpu.vector_load %arg10[%parallel_loop3A_456, %parallel_loop3A_457] {strides = array<i32>} : memref<16x2048xf32, #tpu.memory_space<vmem>>, vector<1x16xf32>,
            %parallel_loop3A_459 = vector.shape_cast %parallel_loop3A_458 : vector<1x16xf32> to vector<16xf32>
            %parallel_loop3A_460 = arith.addf %parallel_loop3A_459, %parallel_loop3A_394 : vector<16xf32>
            %parallel_loop3A_461 = arith.constant 5 : i32
            %parallel_loop3A_462 = arith.index_cast %parallel_loop3A_461 : i32 to index
            %parallel_loop3A_463 = arith.index_cast %parallel_loop3A_389 : i32 to index
            %parallel_loop3A_464 = tpu.vector_load %arg10[%parallel_loop3A_462, %parallel_loop3A_463] {strides = array<i32>} : memref<16x2048xf32, #tpu.memory_space<vmem>>, vector<1x16xf32>,
            %parallel_loop3A_465 = vector.shape_cast %parallel_loop3A_464 : vector<1x16xf32> to vector<16xf32>
            %parallel_loop3A_466 = vector.shape_cast %parallel_loop3A_460 : vector<16xf32> to vector<1x16xf32>
            tpu.vector_store %arg10[%parallel_loop3A_462, %parallel_loop3A_463], %parallel_loop3A_466 {strides = array<i32>} : memref<16x2048xf32, #tpu.memory_space<vmem>>, vector<1x16xf32>,
            %parallel_loop3A_467 = arith.constant 6 : i32
            %parallel_loop3A_468 = arith.index_cast %parallel_loop3A_467 : i32 to index
            %parallel_loop3A_469 = arith.index_cast %parallel_loop3A_389 : i32 to index
            %parallel_loop3A_470 = tpu.vector_load %arg10[%parallel_loop3A_468, %parallel_loop3A_469] {strides = array<i32>} : memref<16x2048xf32, #tpu.memory_space<vmem>>, vector<1x16xf32>,
            %parallel_loop3A_471 = vector.shape_cast %parallel_loop3A_470 : vector<1x16xf32> to vector<16xf32>
            %parallel_loop3A_472 = arith.addf %parallel_loop3A_471, %parallel_loop3A_394 : vector<16xf32>
            %parallel_loop3A_473 = arith.constant 6 : i32
            %parallel_loop3A_474 = arith.index_cast %parallel_loop3A_473 : i32 to index
            %parallel_loop3A_475 = arith.index_cast %parallel_loop3A_389 : i32 to index
            %parallel_loop3A_476 = tpu.vector_load %arg10[%parallel_loop3A_474, %parallel_loop3A_475] {strides = array<i32>} : memref<16x2048xf32, #tpu.memory_space<vmem>>, vector<1x16xf32>,
            %parallel_loop3A_477 = vector.shape_cast %parallel_loop3A_476 : vector<1x16xf32> to vector<16xf32>
            %parallel_loop3A_478 = vector.shape_cast %parallel_loop3A_472 : vector<16xf32> to vector<1x16xf32>
            tpu.vector_store %arg10[%parallel_loop3A_474, %parallel_loop3A_475], %parallel_loop3A_478 {strides = array<i32>} : memref<16x2048xf32, #tpu.memory_space<vmem>>, vector<1x16xf32>,
            %parallel_loop3A_479 = arith.constant 7 : i32
            %parallel_loop3A_480 = arith.index_cast %parallel_loop3A_479 : i32 to index
            %parallel_loop3A_481 = arith.index_cast %parallel_loop3A_389 : i32 to index
            %parallel_loop3A_482 = tpu.vector_load %arg10[%parallel_loop3A_480, %parallel_loop3A_481] {strides = array<i32>} : memref<16x2048xf32, #tpu.memory_space<vmem>>, vector<1x16xf32>,
            %parallel_loop3A_483 = vector.shape_cast %parallel_loop3A_482 : vector<1x16xf32> to vector<16xf32>
            %parallel_loop3A_484 = arith.addf %parallel_loop3A_483, %parallel_loop3A_394 : vector<16xf32>
            %parallel_loop3A_485 = arith.constant 7 : i32
            %parallel_loop3A_486 = arith.index_cast %parallel_loop3A_485 : i32 to index
            %parallel_loop3A_487 = arith.index_cast %parallel_loop3A_389 : i32 to index
            %parallel_loop3A_488 = tpu.vector_load %arg10[%parallel_loop3A_486, %parallel_loop3A_487] {strides = array<i32>} : memref<16x2048xf32, #tpu.memory_space<vmem>>, vector<1x16xf32>,
            %parallel_loop3A_489 = vector.shape_cast %parallel_loop3A_488 : vector<1x16xf32> to vector<16xf32>
            %parallel_loop3A_490 = vector.shape_cast %parallel_loop3A_484 : vector<16xf32> to vector<1x16xf32>
            tpu.vector_store %arg10[%parallel_loop3A_486, %parallel_loop3A_487], %parallel_loop3A_490 {strides = array<i32>} : memref<16x2048xf32, #tpu.memory_space<vmem>>, vector<1x16xf32>,
            %parallel_loop3A_491 = arith.constant 8 : i32
            %parallel_loop3A_492 = arith.index_cast %parallel_loop3A_491 : i32 to index
            %parallel_loop3A_493 = arith.index_cast %parallel_loop3A_389 : i32 to index
            %parallel_loop3A_494 = tpu.vector_load %arg10[%parallel_loop3A_492, %parallel_loop3A_493] {strides = array<i32>} : memref<16x2048xf32, #tpu.memory_space<vmem>>, vector<1x16xf32>,
            %parallel_loop3A_495 = vector.shape_cast %parallel_loop3A_494 : vector<1x16xf32> to vector<16xf32>
            %parallel_loop3A_496 = arith.addf %parallel_loop3A_495, %parallel_loop3A_394 : vector<16xf32>
            %parallel_loop3A_497 = arith.constant 8 : i32
            %parallel_loop3A_498 = arith.index_cast %parallel_loop3A_497 : i32 to index
            %parallel_loop3A_499 = arith.index_cast %parallel_loop3A_389 : i32 to index
            %parallel_loop3A_500 = tpu.vector_load %arg10[%parallel_loop3A_498, %parallel_loop3A_499] {strides = array<i32>} : memref<16x2048xf32, #tpu.memory_space<vmem>>, vector<1x16xf32>,
            %parallel_loop3A_501 = vector.shape_cast %parallel_loop3A_500 : vector<1x16xf32> to vector<16xf32>
            %parallel_loop3A_502 = vector.shape_cast %parallel_loop3A_496 : vector<16xf32> to vector<1x16xf32>
            tpu.vector_store %arg10[%parallel_loop3A_498, %parallel_loop3A_499], %parallel_loop3A_502 {strides = array<i32>} : memref<16x2048xf32, #tpu.memory_space<vmem>>, vector<1x16xf32>,
            %parallel_loop3A_503 = arith.constant 9 : i32
            %parallel_loop3A_504 = arith.index_cast %parallel_loop3A_503 : i32 to index
            %parallel_loop3A_505 = arith.index_cast %parallel_loop3A_389 : i32 to index
            %parallel_loop3A_506 = tpu.vector_load %arg10[%parallel_loop3A_504, %parallel_loop3A_505] {strides = array<i32>} : memref<16x2048xf32, #tpu.memory_space<vmem>>, vector<1x16xf32>,
            %parallel_loop3A_507 = vector.shape_cast %parallel_loop3A_506 : vector<1x16xf32> to vector<16xf32>
            %parallel_loop3A_508 = arith.addf %parallel_loop3A_507, %parallel_loop3A_394 : vector<16xf32>
            %parallel_loop3A_509 = arith.constant 9 : i32
            %parallel_loop3A_510 = arith.index_cast %parallel_loop3A_509 : i32 to index
            %parallel_loop3A_511 = arith.index_cast %parallel_loop3A_389 : i32 to index
            %parallel_loop3A_512 = tpu.vector_load %arg10[%parallel_loop3A_510, %parallel_loop3A_511] {strides = array<i32>} : memref<16x2048xf32, #tpu.memory_space<vmem>>, vector<1x16xf32>,
            %parallel_loop3A_513 = vector.shape_cast %parallel_loop3A_512 : vector<1x16xf32> to vector<16xf32>
            %parallel_loop3A_514 = vector.shape_cast %parallel_loop3A_508 : vector<16xf32> to vector<1x16xf32>
            tpu.vector_store %arg10[%parallel_loop3A_510, %parallel_loop3A_511], %parallel_loop3A_514 {strides = array<i32>} : memref<16x2048xf32, #tpu.memory_space<vmem>>, vector<1x16xf32>,
            %parallel_loop3A_515 = arith.constant 10 : i32
            %parallel_loop3A_516 = arith.index_cast %parallel_loop3A_515 : i32 to index
            %parallel_loop3A_517 = arith.index_cast %parallel_loop3A_389 : i32 to index
            %parallel_loop3A_518 = tpu.vector_load %arg10[%parallel_loop3A_516, %parallel_loop3A_517] {strides = array<i32>} : memref<16x2048xf32, #tpu.memory_space<vmem>>, vector<1x16xf32>,
            %parallel_loop3A_519 = vector.shape_cast %parallel_loop3A_518 : vector<1x16xf32> to vector<16xf32>
            %parallel_loop3A_520 = arith.addf %parallel_loop3A_519, %parallel_loop3A_394 : vector<16xf32>
            %parallel_loop3A_521 = arith.constant 10 : i32
            %parallel_loop3A_522 = arith.index_cast %parallel_loop3A_521 : i32 to index
            %parallel_loop3A_523 = arith.index_cast %parallel_loop3A_389 : i32 to index
            %parallel_loop3A_524 = tpu.vector_load %arg10[%parallel_loop3A_522, %parallel_loop3A_523] {strides = array<i32>} : memref<16x2048xf32, #tpu.memory_space<vmem>>, vector<1x16xf32>,
            %parallel_loop3A_525 = vector.shape_cast %parallel_loop3A_524 : vector<1x16xf32> to vector<16xf32>
            %parallel_loop3A_526 = vector.shape_cast %parallel_loop3A_520 : vector<16xf32> to vector<1x16xf32>
            tpu.vector_store %arg10[%parallel_loop3A_522, %parallel_loop3A_523], %parallel_loop3A_526 {strides = array<i32>} : memref<16x2048xf32, #tpu.memory_space<vmem>>, vector<1x16xf32>,
            %parallel_loop3A_527 = arith.constant 11 : i32
            %parallel_loop3A_528 = arith.index_cast %parallel_loop3A_527 : i32 to index
            %parallel_loop3A_529 = arith.index_cast %parallel_loop3A_389 : i32 to index
            %parallel_loop3A_530 = tpu.vector_load %arg10[%parallel_loop3A_528, %parallel_loop3A_529] {strides = array<i32>} : memref<16x2048xf32, #tpu.memory_space<vmem>>, vector<1x16xf32>,
            %parallel_loop3A_531 = vector.shape_cast %parallel_loop3A_530 : vector<1x16xf32> to vector<16xf32>
            %parallel_loop3A_532 = arith.addf %parallel_loop3A_531, %parallel_loop3A_394 : vector<16xf32>
            %parallel_loop3A_533 = arith.constant 11 : i32
            %parallel_loop3A_534 = arith.index_cast %parallel_loop3A_533 : i32 to index
            %parallel_loop3A_535 = arith.index_cast %parallel_loop3A_389 : i32 to index
            %parallel_loop3A_536 = tpu.vector_load %arg10[%parallel_loop3A_534, %parallel_loop3A_535] {strides = array<i32>} : memref<16x2048xf32, #tpu.memory_space<vmem>>, vector<1x16xf32>,
            %parallel_loop3A_537 = vector.shape_cast %parallel_loop3A_536 : vector<1x16xf32> to vector<16xf32>
            %parallel_loop3A_538 = vector.shape_cast %parallel_loop3A_532 : vector<16xf32> to vector<1x16xf32>
            tpu.vector_store %arg10[%parallel_loop3A_534, %parallel_loop3A_535], %parallel_loop3A_538 {strides = array<i32>} : memref<16x2048xf32, #tpu.memory_space<vmem>>, vector<1x16xf32>,
            %parallel_loop3A_539 = arith.constant 12 : i32
            %parallel_loop3A_540 = arith.index_cast %parallel_loop3A_539 : i32 to index
            %parallel_loop3A_541 = arith.index_cast %parallel_loop3A_389 : i32 to index
            %parallel_loop3A_542 = tpu.vector_load %arg10[%parallel_loop3A_540, %parallel_loop3A_541] {strides = array<i32>} : memref<16x2048xf32, #tpu.memory_space<vmem>>, vector<1x16xf32>,
            %parallel_loop3A_543 = vector.shape_cast %parallel_loop3A_542 : vector<1x16xf32> to vector<16xf32>
            %parallel_loop3A_544 = arith.addf %parallel_loop3A_543, %parallel_loop3A_394 : vector<16xf32>
            %parallel_loop3A_545 = arith.constant 12 : i32
            %parallel_loop3A_546 = arith.index_cast %parallel_loop3A_545 : i32 to index
            %parallel_loop3A_547 = arith.index_cast %parallel_loop3A_389 : i32 to index
            %parallel_loop3A_548 = tpu.vector_load %arg10[%parallel_loop3A_546, %parallel_loop3A_547] {strides = array<i32>} : memref<16x2048xf32, #tpu.memory_space<vmem>>, vector<1x16xf32>,
            %parallel_loop3A_549 = vector.shape_cast %parallel_loop3A_548 : vector<1x16xf32> to vector<16xf32>
            %parallel_loop3A_550 = vector.shape_cast %parallel_loop3A_544 : vector<16xf32> to vector<1x16xf32>
            tpu.vector_store %arg10[%parallel_loop3A_546, %parallel_loop3A_547], %parallel_loop3A_550 {strides = array<i32>} : memref<16x2048xf32, #tpu.memory_space<vmem>>, vector<1x16xf32>,
            %parallel_loop3A_551 = arith.constant 13 : i32
            %parallel_loop3A_552 = arith.index_cast %parallel_loop3A_551 : i32 to index
            %parallel_loop3A_553 = arith.index_cast %parallel_loop3A_389 : i32 to index
            %parallel_loop3A_554 = tpu.vector_load %arg10[%parallel_loop3A_552, %parallel_loop3A_553] {strides = array<i32>} : memref<16x2048xf32, #tpu.memory_space<vmem>>, vector<1x16xf32>,
            %parallel_loop3A_555 = vector.shape_cast %parallel_loop3A_554 : vector<1x16xf32> to vector<16xf32>
            %parallel_loop3A_556 = arith.addf %parallel_loop3A_555, %parallel_loop3A_394 : vector<16xf32>
            %parallel_loop3A_557 = arith.constant 13 : i32
            %parallel_loop3A_558 = arith.index_cast %parallel_loop3A_557 : i32 to index
            %parallel_loop3A_559 = arith.index_cast %parallel_loop3A_389 : i32 to index
            %parallel_loop3A_560 = tpu.vector_load %arg10[%parallel_loop3A_558, %parallel_loop3A_559] {strides = array<i32>} : memref<16x2048xf32, #tpu.memory_space<vmem>>, vector<1x16xf32>,
            %parallel_loop3A_561 = vector.shape_cast %parallel_loop3A_560 : vector<1x16xf32> to vector<16xf32>
            %parallel_loop3A_562 = vector.shape_cast %parallel_loop3A_556 : vector<16xf32> to vector<1x16xf32>
            tpu.vector_store %arg10[%parallel_loop3A_558, %parallel_loop3A_559], %parallel_loop3A_562 {strides = array<i32>} : memref<16x2048xf32, #tpu.memory_space<vmem>>, vector<1x16xf32>,
            %parallel_loop3A_563 = arith.constant 14 : i32
            %parallel_loop3A_564 = arith.index_cast %parallel_loop3A_563 : i32 to index
            %parallel_loop3A_565 = arith.index_cast %parallel_loop3A_389 : i32 to index
            %parallel_loop3A_566 = tpu.vector_load %arg10[%parallel_loop3A_564, %parallel_loop3A_565] {strides = array<i32>} : memref<16x2048xf32, #tpu.memory_space<vmem>>, vector<1x16xf32>,
            %parallel_loop3A_567 = vector.shape_cast %parallel_loop3A_566 : vector<1x16xf32> to vector<16xf32>
            %parallel_loop3A_568 = arith.addf %parallel_loop3A_567, %parallel_loop3A_394 : vector<16xf32>
            %parallel_loop3A_569 = arith.constant 14 : i32
            %parallel_loop3A_570 = arith.index_cast %parallel_loop3A_569 : i32 to index
            %parallel_loop3A_571 = arith.index_cast %parallel_loop3A_389 : i32 to index
            %parallel_loop3A_572 = tpu.vector_load %arg10[%parallel_loop3A_570, %parallel_loop3A_571] {strides = array<i32>} : memref<16x2048xf32, #tpu.memory_space<vmem>>, vector<1x16xf32>,
            %parallel_loop3A_573 = vector.shape_cast %parallel_loop3A_572 : vector<1x16xf32> to vector<16xf32>
            %parallel_loop3A_574 = vector.shape_cast %parallel_loop3A_568 : vector<16xf32> to vector<1x16xf32>
            tpu.vector_store %arg10[%parallel_loop3A_570, %parallel_loop3A_571], %parallel_loop3A_574 {strides = array<i32>} : memref<16x2048xf32, #tpu.memory_space<vmem>>, vector<1x16xf32>,
            %parallel_loop3A_575 = arith.constant 15 : i32
            %parallel_loop3A_576 = arith.index_cast %parallel_loop3A_575 : i32 to index
            %parallel_loop3A_577 = arith.index_cast %parallel_loop3A_389 : i32 to index
            %parallel_loop3A_578 = tpu.vector_load %arg10[%parallel_loop3A_576, %parallel_loop3A_577] {strides = array<i32>} : memref<16x2048xf32, #tpu.memory_space<vmem>>, vector<1x16xf32>,
            %parallel_loop3A_579 = vector.shape_cast %parallel_loop3A_578 : vector<1x16xf32> to vector<16xf32>
            %parallel_loop3A_580 = arith.addf %parallel_loop3A_579, %parallel_loop3A_394 : vector<16xf32>
            %parallel_loop3A_581 = arith.constant 15 : i32
            %parallel_loop3A_582 = arith.index_cast %parallel_loop3A_581 : i32 to index
            %parallel_loop3A_583 = arith.index_cast %parallel_loop3A_389 : i32 to index
            %parallel_loop3A_584 = tpu.vector_load %arg10[%parallel_loop3A_582, %parallel_loop3A_583] {strides = array<i32>} : memref<16x2048xf32, #tpu.memory_space<vmem>>, vector<1x16xf32>,
            %parallel_loop3A_585 = vector.shape_cast %parallel_loop3A_584 : vector<1x16xf32> to vector<16xf32>
            %parallel_loop3A_586 = vector.shape_cast %parallel_loop3A_580 : vector<16xf32> to vector<1x16xf32>
            tpu.vector_store %arg10[%parallel_loop3A_582, %parallel_loop3A_583], %parallel_loop3A_586 {strides = array<i32>} : memref<16x2048xf32, #tpu.memory_space<vmem>>, vector<1x16xf32>,
          } {sc.loop_unroll_factor = 8 : i64, sc.parallel_access}
          %mul3A_379 = arith.constant 16 : i32
          %mul3A_380 = arith.muli %scan3A_333, %mul3A_379 : i32
          %add3A_381 = arith.addi %add3A_182, %mul3A_380 : i32
          %dma_start3A_382 = arith.constant 0 : i32
          %dma_start3A_383 = tpu.memref_slice %arg6[%add3A_381, %dma_start3A_382] : memref<11264x2048xf32, #tpu.memory_space<hbm>> -> memref<16x2048xf32, #tpu.memory_space<hbm>>
          %dma_start3A_384 = arith.constant 0 : i32
          %dma_start3A_385 = tpu.memref_slice %arg6[%add3A_381, %dma_start3A_384] : memref<11264x2048xf32, #tpu.memory_space<hbm>> -> memref<16x2048xf32, #tpu.memory_space<hbm>>
          tpu.enqueue_dma source(%arg10 : memref<16x2048xf32, #tpu.memory_space<vmem>>) target(%dma_start3A_385 : memref<16x2048xf32, #tpu.memory_space<hbm>>) target_semaphore(%arg18 : memref<!tpu.dma_semaphore, #tpu.memory_space<semaphore_mem>>)
          %cond3A_386 = arith.constant 0 : i32
          scf.yield %cond3A_386 : i32
        } else {
          %mul3A_360 = arith.constant 16 : i32
          %mul3A_361 = arith.muli %scan3A_333, %mul3A_360 : i32
          %add3A_362 = arith.addi %mul3A_150, %mul3A_361 : i32
          %dma_wait3A_363 = arith.constant 0 : i32
          %dma_wait3A_364 = tpu.memref_slice %arg3[%add3A_362, %dma_wait3A_363] : memref<2048x2048xf32, #tpu.memory_space<hbm>> -> memref<16x2048xf32, #tpu.memory_space<hbm>>
          %dma_wait3A_365 = arith.constant 0 : i32
          %dma_wait3A_366 = tpu.memref_slice %arg3[%add3A_362, %dma_wait3A_365] : memref<2048x2048xf32, #tpu.memory_space<hbm>> -> memref<16x2048xf32, #tpu.memory_space<hbm>>
          tpu.wait_dma2 semaphore(%arg14 : memref<!tpu.dma_semaphore, #tpu.memory_space<semaphore_mem>>) src(%dma_wait3A_366 : memref<16x2048xf32, #tpu.memory_space<hbm>>) dst(%arg9 : memref<16x2048xf32, #tpu.memory_space<vmem>>)
          %ge3A = arith.constant 2 : i32
          %ge3A_367 = arith.cmpi sge, %scan3A_333, %ge3A : i32
          %convert_element_type3A = arith.extui %ge3A_367 : i1 to i32
          %cond3A_368 = arith.constant 0 : i32
          %cond3A_369 = arith.cmpi ne, %convert_element_type3A, %cond3A_368 : i32
          scf.if %cond3A_369 {
            %sub3A_387 = arith.constant 2 : i32
            %sub3A_388 = arith.subi %scan3A_333, %sub3A_387 : i32
            %mul3A_389 = arith.constant 16 : i32
            %mul3A_390 = arith.muli %sub3A_388, %mul3A_389 : i32
            %add3A_391 = arith.addi %add3A_182, %mul3A_390 : i32
            %dma_wait3A_392 = arith.constant 0 : i32
            %dma_wait3A_393 = tpu.memref_slice %arg6[%add3A_391, %dma_wait3A_392] : memref<11264x2048xf32, #tpu.memory_space<hbm>> -> memref<16x2048xf32, #tpu.memory_space<hbm>>
            %dma_wait3A_394 = arith.constant 0 : i32
            %dma_wait3A_395 = tpu.memref_slice %arg6[%add3A_391, %dma_wait3A_394] : memref<11264x2048xf32, #tpu.memory_space<hbm>> -> memref<16x2048xf32, #tpu.memory_space<hbm>>
            tpu.wait_dma2 semaphore(%arg18 : memref<!tpu.dma_semaphore, #tpu.memory_space<semaphore_mem>>) src(%arg10 : memref<16x2048xf32, #tpu.memory_space<vmem>>) dst(%dma_wait3A_395 : memref<16x2048xf32, #tpu.memory_space<hbm>>)
          } else {
          }
          %add3A_370 = arith.constant 1 : i32
          %add3A_371 = arith.addi %scan3A_333, %add3A_370 : i32
          %lt3A_372 = arith.constant 4 : i32
          %lt3A_373 = arith.cmpi slt, %add3A_371, %lt3A_372 : i32
          %convert_element_type3A_374 = arith.extui %lt3A_373 : i1 to i32
          %cond3A_375 = arith.constant 0 : i32
          %cond3A_376 = arith.cmpi ne, %convert_element_type3A_374, %cond3A_375 : i32
          scf.if %cond3A_376 {
            %add3A_387 = arith.constant 1 : i32
            %add3A_388 = arith.addi %scan3A_333, %add3A_387 : i32
            %mul3A_389 = arith.constant 16 : i32
            %mul3A_390 = arith.muli %add3A_388, %mul3A_389 : i32
            %add3A_391 = arith.addi %mul3A_150, %mul3A_390 : i32
            %dma_start3A_392 = arith.constant 0 : i32
            %dma_start3A_393 = tpu.memref_slice %arg3[%add3A_391, %dma_start3A_392] : memref<2048x2048xf32, #tpu.memory_space<hbm>> -> memref<16x2048xf32, #tpu.memory_space<hbm>>
            %dma_start3A_394 = arith.constant 0 : i32
            %dma_start3A_395 = tpu.memref_slice %arg3[%add3A_391, %dma_start3A_394] : memref<2048x2048xf32, #tpu.memory_space<hbm>> -> memref<16x2048xf32, #tpu.memory_space<hbm>>
            tpu.enqueue_dma source(%dma_start3A_395 : memref<16x2048xf32, #tpu.memory_space<hbm>>) target(%arg10 : memref<16x2048xf32, #tpu.memory_space<vmem>>) target_semaphore(%arg15 : memref<!tpu.dma_semaphore, #tpu.memory_space<semaphore_mem>>)
          } else {
          }
          %parallel_loop3A = arith.constant 0 : i32
          %parallel_loop3A_377 = arith.constant 128 : i32
          %parallel_loop3A_378 = arith.constant 1 : i32
          scf.for %parallel_loop3A_387 = %parallel_loop3A to %parallel_loop3A_377 step %parallel_loop3A_378  : i32 {
            %parallel_loop3A_388 = arith.constant 16 : i32
            %parallel_loop3A_389 = arith.muli %parallel_loop3A_387, %parallel_loop3A_388 : i32
            %parallel_loop3A_390 = arith.constant 1 : i32
            %parallel_loop3A_391 = arith.index_cast %parallel_loop3A_390 : i32 to index
            %parallel_loop3A_392 = arith.index_cast %parallel_loop3A_389 : i32 to index
            %parallel_loop3A_393 = tpu.vector_load %arg11[%parallel_loop3A_391, %parallel_loop3A_392] {strides = array<i32>} : memref<3x2048xf32, #tpu.memory_space<vmem>>, vector<1x16xf32>,
            %parallel_loop3A_394 = vector.shape_cast %parallel_loop3A_393 : vector<1x16xf32> to vector<16xf32>
            %parallel_loop3A_395 = arith.constant 0 : i32
            %parallel_loop3A_396 = arith.index_cast %parallel_loop3A_395 : i32 to index
            %parallel_loop3A_397 = arith.index_cast %parallel_loop3A_389 : i32 to index
            %parallel_loop3A_398 = tpu.vector_load %arg9[%parallel_loop3A_396, %parallel_loop3A_397] {strides = array<i32>} : memref<16x2048xf32, #tpu.memory_space<vmem>>, vector<1x16xf32>,
            %parallel_loop3A_399 = vector.shape_cast %parallel_loop3A_398 : vector<1x16xf32> to vector<16xf32>
            %parallel_loop3A_400 = arith.addf %parallel_loop3A_399, %parallel_loop3A_394 : vector<16xf32>
            %parallel_loop3A_401 = arith.constant 0 : i32
            %parallel_loop3A_402 = arith.index_cast %parallel_loop3A_401 : i32 to index
            %parallel_loop3A_403 = arith.index_cast %parallel_loop3A_389 : i32 to index
            %parallel_loop3A_404 = tpu.vector_load %arg9[%parallel_loop3A_402, %parallel_loop3A_403] {strides = array<i32>} : memref<16x2048xf32, #tpu.memory_space<vmem>>, vector<1x16xf32>,
            %parallel_loop3A_405 = vector.shape_cast %parallel_loop3A_404 : vector<1x16xf32> to vector<16xf32>
            %parallel_loop3A_406 = vector.shape_cast %parallel_loop3A_400 : vector<16xf32> to vector<1x16xf32>
            tpu.vector_store %arg9[%parallel_loop3A_402, %parallel_loop3A_403], %parallel_loop3A_406 {strides = array<i32>} : memref<16x2048xf32, #tpu.memory_space<vmem>>, vector<1x16xf32>,
            %parallel_loop3A_407 = arith.constant 1 : i32
            %parallel_loop3A_408 = arith.index_cast %parallel_loop3A_407 : i32 to index
            %parallel_loop3A_409 = arith.index_cast %parallel_loop3A_389 : i32 to index
            %parallel_loop3A_410 = tpu.vector_load %arg9[%parallel_loop3A_408, %parallel_loop3A_409] {strides = array<i32>} : memref<16x2048xf32, #tpu.memory_space<vmem>>, vector<1x16xf32>,
            %parallel_loop3A_411 = vector.shape_cast %parallel_loop3A_410 : vector<1x16xf32> to vector<16xf32>
            %parallel_loop3A_412 = arith.addf %parallel_loop3A_411, %parallel_loop3A_394 : vector<16xf32>
            %parallel_loop3A_413 = arith.constant 1 : i32
            %parallel_loop3A_414 = arith.index_cast %parallel_loop3A_413 : i32 to index
            %parallel_loop3A_415 = arith.index_cast %parallel_loop3A_389 : i32 to index
            %parallel_loop3A_416 = tpu.vector_load %arg9[%parallel_loop3A_414, %parallel_loop3A_415] {strides = array<i32>} : memref<16x2048xf32, #tpu.memory_space<vmem>>, vector<1x16xf32>,
            %parallel_loop3A_417 = vector.shape_cast %parallel_loop3A_416 : vector<1x16xf32> to vector<16xf32>
            %parallel_loop3A_418 = vector.shape_cast %parallel_loop3A_412 : vector<16xf32> to vector<1x16xf32>
            tpu.vector_store %arg9[%parallel_loop3A_414, %parallel_loop3A_415], %parallel_loop3A_418 {strides = array<i32>} : memref<16x2048xf32, #tpu.memory_space<vmem>>, vector<1x16xf32>,
            %parallel_loop3A_419 = arith.constant 2 : i32
            %parallel_loop3A_420 = arith.index_cast %parallel_loop3A_419 : i32 to index
            %parallel_loop3A_421 = arith.index_cast %parallel_loop3A_389 : i32 to index
            %parallel_loop3A_422 = tpu.vector_load %arg9[%parallel_loop3A_420, %parallel_loop3A_421] {strides = array<i32>} : memref<16x2048xf32, #tpu.memory_space<vmem>>, vector<1x16xf32>,
            %parallel_loop3A_423 = vector.shape_cast %parallel_loop3A_422 : vector<1x16xf32> to vector<16xf32>
            %parallel_loop3A_424 = arith.addf %parallel_loop3A_423, %parallel_loop3A_394 : vector<16xf32>
            %parallel_loop3A_425 = arith.constant 2 : i32
            %parallel_loop3A_426 = arith.index_cast %parallel_loop3A_425 : i32 to index
            %parallel_loop3A_427 = arith.index_cast %parallel_loop3A_389 : i32 to index
            %parallel_loop3A_428 = tpu.vector_load %arg9[%parallel_loop3A_426, %parallel_loop3A_427] {strides = array<i32>} : memref<16x2048xf32, #tpu.memory_space<vmem>>, vector<1x16xf32>,
            %parallel_loop3A_429 = vector.shape_cast %parallel_loop3A_428 : vector<1x16xf32> to vector<16xf32>
            %parallel_loop3A_430 = vector.shape_cast %parallel_loop3A_424 : vector<16xf32> to vector<1x16xf32>
            tpu.vector_store %arg9[%parallel_loop3A_426, %parallel_loop3A_427], %parallel_loop3A_430 {strides = array<i32>} : memref<16x2048xf32, #tpu.memory_space<vmem>>, vector<1x16xf32>,
            %parallel_loop3A_431 = arith.constant 3 : i32
            %parallel_loop3A_432 = arith.index_cast %parallel_loop3A_431 : i32 to index
            %parallel_loop3A_433 = arith.index_cast %parallel_loop3A_389 : i32 to index
            %parallel_loop3A_434 = tpu.vector_load %arg9[%parallel_loop3A_432, %parallel_loop3A_433] {strides = array<i32>} : memref<16x2048xf32, #tpu.memory_space<vmem>>, vector<1x16xf32>,
            %parallel_loop3A_435 = vector.shape_cast %parallel_loop3A_434 : vector<1x16xf32> to vector<16xf32>
            %parallel_loop3A_436 = arith.addf %parallel_loop3A_435, %parallel_loop3A_394 : vector<16xf32>
            %parallel_loop3A_437 = arith.constant 3 : i32
            %parallel_loop3A_438 = arith.index_cast %parallel_loop3A_437 : i32 to index
            %parallel_loop3A_439 = arith.index_cast %parallel_loop3A_389 : i32 to index
            %parallel_loop3A_440 = tpu.vector_load %arg9[%parallel_loop3A_438, %parallel_loop3A_439] {strides = array<i32>} : memref<16x2048xf32, #tpu.memory_space<vmem>>, vector<1x16xf32>,
            %parallel_loop3A_441 = vector.shape_cast %parallel_loop3A_440 : vector<1x16xf32> to vector<16xf32>
            %parallel_loop3A_442 = vector.shape_cast %parallel_loop3A_436 : vector<16xf32> to vector<1x16xf32>
            tpu.vector_store %arg9[%parallel_loop3A_438, %parallel_loop3A_439], %parallel_loop3A_442 {strides = array<i32>} : memref<16x2048xf32, #tpu.memory_space<vmem>>, vector<1x16xf32>,
            %parallel_loop3A_443 = arith.constant 4 : i32
            %parallel_loop3A_444 = arith.index_cast %parallel_loop3A_443 : i32 to index
            %parallel_loop3A_445 = arith.index_cast %parallel_loop3A_389 : i32 to index
            %parallel_loop3A_446 = tpu.vector_load %arg9[%parallel_loop3A_444, %parallel_loop3A_445] {strides = array<i32>} : memref<16x2048xf32, #tpu.memory_space<vmem>>, vector<1x16xf32>,
            %parallel_loop3A_447 = vector.shape_cast %parallel_loop3A_446 : vector<1x16xf32> to vector<16xf32>
            %parallel_loop3A_448 = arith.addf %parallel_loop3A_447, %parallel_loop3A_394 : vector<16xf32>
            %parallel_loop3A_449 = arith.constant 4 : i32
            %parallel_loop3A_450 = arith.index_cast %parallel_loop3A_449 : i32 to index
            %parallel_loop3A_451 = arith.index_cast %parallel_loop3A_389 : i32 to index
            %parallel_loop3A_452 = tpu.vector_load %arg9[%parallel_loop3A_450, %parallel_loop3A_451] {strides = array<i32>} : memref<16x2048xf32, #tpu.memory_space<vmem>>, vector<1x16xf32>,
            %parallel_loop3A_453 = vector.shape_cast %parallel_loop3A_452 : vector<1x16xf32> to vector<16xf32>
            %parallel_loop3A_454 = vector.shape_cast %parallel_loop3A_448 : vector<16xf32> to vector<1x16xf32>
            tpu.vector_store %arg9[%parallel_loop3A_450, %parallel_loop3A_451], %parallel_loop3A_454 {strides = array<i32>} : memref<16x2048xf32, #tpu.memory_space<vmem>>, vector<1x16xf32>,
            %parallel_loop3A_455 = arith.constant 5 : i32
            %parallel_loop3A_456 = arith.index_cast %parallel_loop3A_455 : i32 to index
            %parallel_loop3A_457 = arith.index_cast %parallel_loop3A_389 : i32 to index
            %parallel_loop3A_458 = tpu.vector_load %arg9[%parallel_loop3A_456, %parallel_loop3A_457] {strides = array<i32>} : memref<16x2048xf32, #tpu.memory_space<vmem>>, vector<1x16xf32>,
            %parallel_loop3A_459 = vector.shape_cast %parallel_loop3A_458 : vector<1x16xf32> to vector<16xf32>
            %parallel_loop3A_460 = arith.addf %parallel_loop3A_459, %parallel_loop3A_394 : vector<16xf32>
            %parallel_loop3A_461 = arith.constant 5 : i32
            %parallel_loop3A_462 = arith.index_cast %parallel_loop3A_461 : i32 to index
            %parallel_loop3A_463 = arith.index_cast %parallel_loop3A_389 : i32 to index
            %parallel_loop3A_464 = tpu.vector_load %arg9[%parallel_loop3A_462, %parallel_loop3A_463] {strides = array<i32>} : memref<16x2048xf32, #tpu.memory_space<vmem>>, vector<1x16xf32>,
            %parallel_loop3A_465 = vector.shape_cast %parallel_loop3A_464 : vector<1x16xf32> to vector<16xf32>
            %parallel_loop3A_466 = vector.shape_cast %parallel_loop3A_460 : vector<16xf32> to vector<1x16xf32>
            tpu.vector_store %arg9[%parallel_loop3A_462, %parallel_loop3A_463], %parallel_loop3A_466 {strides = array<i32>} : memref<16x2048xf32, #tpu.memory_space<vmem>>, vector<1x16xf32>,
            %parallel_loop3A_467 = arith.constant 6 : i32
            %parallel_loop3A_468 = arith.index_cast %parallel_loop3A_467 : i32 to index
            %parallel_loop3A_469 = arith.index_cast %parallel_loop3A_389 : i32 to index
            %parallel_loop3A_470 = tpu.vector_load %arg9[%parallel_loop3A_468, %parallel_loop3A_469] {strides = array<i32>} : memref<16x2048xf32, #tpu.memory_space<vmem>>, vector<1x16xf32>,
            %parallel_loop3A_471 = vector.shape_cast %parallel_loop3A_470 : vector<1x16xf32> to vector<16xf32>
            %parallel_loop3A_472 = arith.addf %parallel_loop3A_471, %parallel_loop3A_394 : vector<16xf32>
            %parallel_loop3A_473 = arith.constant 6 : i32
            %parallel_loop3A_474 = arith.index_cast %parallel_loop3A_473 : i32 to index
            %parallel_loop3A_475 = arith.index_cast %parallel_loop3A_389 : i32 to index
            %parallel_loop3A_476 = tpu.vector_load %arg9[%parallel_loop3A_474, %parallel_loop3A_475] {strides = array<i32>} : memref<16x2048xf32, #tpu.memory_space<vmem>>, vector<1x16xf32>,
            %parallel_loop3A_477 = vector.shape_cast %parallel_loop3A_476 : vector<1x16xf32> to vector<16xf32>
            %parallel_loop3A_478 = vector.shape_cast %parallel_loop3A_472 : vector<16xf32> to vector<1x16xf32>
            tpu.vector_store %arg9[%parallel_loop3A_474, %parallel_loop3A_475], %parallel_loop3A_478 {strides = array<i32>} : memref<16x2048xf32, #tpu.memory_space<vmem>>, vector<1x16xf32>,
            %parallel_loop3A_479 = arith.constant 7 : i32
            %parallel_loop3A_480 = arith.index_cast %parallel_loop3A_479 : i32 to index
            %parallel_loop3A_481 = arith.index_cast %parallel_loop3A_389 : i32 to index
            %parallel_loop3A_482 = tpu.vector_load %arg9[%parallel_loop3A_480, %parallel_loop3A_481] {strides = array<i32>} : memref<16x2048xf32, #tpu.memory_space<vmem>>, vector<1x16xf32>,
            %parallel_loop3A_483 = vector.shape_cast %parallel_loop3A_482 : vector<1x16xf32> to vector<16xf32>
            %parallel_loop3A_484 = arith.addf %parallel_loop3A_483, %parallel_loop3A_394 : vector<16xf32>
            %parallel_loop3A_485 = arith.constant 7 : i32
            %parallel_loop3A_486 = arith.index_cast %parallel_loop3A_485 : i32 to index
            %parallel_loop3A_487 = arith.index_cast %parallel_loop3A_389 : i32 to index
            %parallel_loop3A_488 = tpu.vector_load %arg9[%parallel_loop3A_486, %parallel_loop3A_487] {strides = array<i32>} : memref<16x2048xf32, #tpu.memory_space<vmem>>, vector<1x16xf32>,
            %parallel_loop3A_489 = vector.shape_cast %parallel_loop3A_488 : vector<1x16xf32> to vector<16xf32>
            %parallel_loop3A_490 = vector.shape_cast %parallel_loop3A_484 : vector<16xf32> to vector<1x16xf32>
            tpu.vector_store %arg9[%parallel_loop3A_486, %parallel_loop3A_487], %parallel_loop3A_490 {strides = array<i32>} : memref<16x2048xf32, #tpu.memory_space<vmem>>, vector<1x16xf32>,
            %parallel_loop3A_491 = arith.constant 8 : i32
            %parallel_loop3A_492 = arith.index_cast %parallel_loop3A_491 : i32 to index
            %parallel_loop3A_493 = arith.index_cast %parallel_loop3A_389 : i32 to index
            %parallel_loop3A_494 = tpu.vector_load %arg9[%parallel_loop3A_492, %parallel_loop3A_493] {strides = array<i32>} : memref<16x2048xf32, #tpu.memory_space<vmem>>, vector<1x16xf32>,
            %parallel_loop3A_495 = vector.shape_cast %parallel_loop3A_494 : vector<1x16xf32> to vector<16xf32>
            %parallel_loop3A_496 = arith.addf %parallel_loop3A_495, %parallel_loop3A_394 : vector<16xf32>
            %parallel_loop3A_497 = arith.constant 8 : i32
            %parallel_loop3A_498 = arith.index_cast %parallel_loop3A_497 : i32 to index
            %parallel_loop3A_499 = arith.index_cast %parallel_loop3A_389 : i32 to index
            %parallel_loop3A_500 = tpu.vector_load %arg9[%parallel_loop3A_498, %parallel_loop3A_499] {strides = array<i32>} : memref<16x2048xf32, #tpu.memory_space<vmem>>, vector<1x16xf32>,
            %parallel_loop3A_501 = vector.shape_cast %parallel_loop3A_500 : vector<1x16xf32> to vector<16xf32>
            %parallel_loop3A_502 = vector.shape_cast %parallel_loop3A_496 : vector<16xf32> to vector<1x16xf32>
            tpu.vector_store %arg9[%parallel_loop3A_498, %parallel_loop3A_499], %parallel_loop3A_502 {strides = array<i32>} : memref<16x2048xf32, #tpu.memory_space<vmem>>, vector<1x16xf32>,
            %parallel_loop3A_503 = arith.constant 9 : i32
            %parallel_loop3A_504 = arith.index_cast %parallel_loop3A_503 : i32 to index
            %parallel_loop3A_505 = arith.index_cast %parallel_loop3A_389 : i32 to index
            %parallel_loop3A_506 = tpu.vector_load %arg9[%parallel_loop3A_504, %parallel_loop3A_505] {strides = array<i32>} : memref<16x2048xf32, #tpu.memory_space<vmem>>, vector<1x16xf32>,
            %parallel_loop3A_507 = vector.shape_cast %parallel_loop3A_506 : vector<1x16xf32> to vector<16xf32>
            %parallel_loop3A_508 = arith.addf %parallel_loop3A_507, %parallel_loop3A_394 : vector<16xf32>
            %parallel_loop3A_509 = arith.constant 9 : i32
            %parallel_loop3A_510 = arith.index_cast %parallel_loop3A_509 : i32 to index
            %parallel_loop3A_511 = arith.index_cast %parallel_loop3A_389 : i32 to index
            %parallel_loop3A_512 = tpu.vector_load %arg9[%parallel_loop3A_510, %parallel_loop3A_511] {strides = array<i32>} : memref<16x2048xf32, #tpu.memory_space<vmem>>, vector<1x16xf32>,
            %parallel_loop3A_513 = vector.shape_cast %parallel_loop3A_512 : vector<1x16xf32> to vector<16xf32>
            %parallel_loop3A_514 = vector.shape_cast %parallel_loop3A_508 : vector<16xf32> to vector<1x16xf32>
            tpu.vector_store %arg9[%parallel_loop3A_510, %parallel_loop3A_511], %parallel_loop3A_514 {strides = array<i32>} : memref<16x2048xf32, #tpu.memory_space<vmem>>, vector<1x16xf32>,
            %parallel_loop3A_515 = arith.constant 10 : i32
            %parallel_loop3A_516 = arith.index_cast %parallel_loop3A_515 : i32 to index
            %parallel_loop3A_517 = arith.index_cast %parallel_loop3A_389 : i32 to index
            %parallel_loop3A_518 = tpu.vector_load %arg9[%parallel_loop3A_516, %parallel_loop3A_517] {strides = array<i32>} : memref<16x2048xf32, #tpu.memory_space<vmem>>, vector<1x16xf32>,
            %parallel_loop3A_519 = vector.shape_cast %parallel_loop3A_518 : vector<1x16xf32> to vector<16xf32>
            %parallel_loop3A_520 = arith.addf %parallel_loop3A_519, %parallel_loop3A_394 : vector<16xf32>
            %parallel_loop3A_521 = arith.constant 10 : i32
            %parallel_loop3A_522 = arith.index_cast %parallel_loop3A_521 : i32 to index
            %parallel_loop3A_523 = arith.index_cast %parallel_loop3A_389 : i32 to index
            %parallel_loop3A_524 = tpu.vector_load %arg9[%parallel_loop3A_522, %parallel_loop3A_523] {strides = array<i32>} : memref<16x2048xf32, #tpu.memory_space<vmem>>, vector<1x16xf32>,
            %parallel_loop3A_525 = vector.shape_cast %parallel_loop3A_524 : vector<1x16xf32> to vector<16xf32>
            %parallel_loop3A_526 = vector.shape_cast %parallel_loop3A_520 : vector<16xf32> to vector<1x16xf32>
            tpu.vector_store %arg9[%parallel_loop3A_522, %parallel_loop3A_523], %parallel_loop3A_526 {strides = array<i32>} : memref<16x2048xf32, #tpu.memory_space<vmem>>, vector<1x16xf32>,
            %parallel_loop3A_527 = arith.constant 11 : i32
            %parallel_loop3A_528 = arith.index_cast %parallel_loop3A_527 : i32 to index
            %parallel_loop3A_529 = arith.index_cast %parallel_loop3A_389 : i32 to index
            %parallel_loop3A_530 = tpu.vector_load %arg9[%parallel_loop3A_528, %parallel_loop3A_529] {strides = array<i32>} : memref<16x2048xf32, #tpu.memory_space<vmem>>, vector<1x16xf32>,
            %parallel_loop3A_531 = vector.shape_cast %parallel_loop3A_530 : vector<1x16xf32> to vector<16xf32>
            %parallel_loop3A_532 = arith.addf %parallel_loop3A_531, %parallel_loop3A_394 : vector<16xf32>
            %parallel_loop3A_533 = arith.constant 11 : i32
            %parallel_loop3A_534 = arith.index_cast %parallel_loop3A_533 : i32 to index
            %parallel_loop3A_535 = arith.index_cast %parallel_loop3A_389 : i32 to index
            %parallel_loop3A_536 = tpu.vector_load %arg9[%parallel_loop3A_534, %parallel_loop3A_535] {strides = array<i32>} : memref<16x2048xf32, #tpu.memory_space<vmem>>, vector<1x16xf32>,
            %parallel_loop3A_537 = vector.shape_cast %parallel_loop3A_536 : vector<1x16xf32> to vector<16xf32>
            %parallel_loop3A_538 = vector.shape_cast %parallel_loop3A_532 : vector<16xf32> to vector<1x16xf32>
            tpu.vector_store %arg9[%parallel_loop3A_534, %parallel_loop3A_535], %parallel_loop3A_538 {strides = array<i32>} : memref<16x2048xf32, #tpu.memory_space<vmem>>, vector<1x16xf32>,
            %parallel_loop3A_539 = arith.constant 12 : i32
            %parallel_loop3A_540 = arith.index_cast %parallel_loop3A_539 : i32 to index
            %parallel_loop3A_541 = arith.index_cast %parallel_loop3A_389 : i32 to index
            %parallel_loop3A_542 = tpu.vector_load %arg9[%parallel_loop3A_540, %parallel_loop3A_541] {strides = array<i32>} : memref<16x2048xf32, #tpu.memory_space<vmem>>, vector<1x16xf32>,
            %parallel_loop3A_543 = vector.shape_cast %parallel_loop3A_542 : vector<1x16xf32> to vector<16xf32>
            %parallel_loop3A_544 = arith.addf %parallel_loop3A_543, %parallel_loop3A_394 : vector<16xf32>
            %parallel_loop3A_545 = arith.constant 12 : i32
            %parallel_loop3A_546 = arith.index_cast %parallel_loop3A_545 : i32 to index
            %parallel_loop3A_547 = arith.index_cast %parallel_loop3A_389 : i32 to index
            %parallel_loop3A_548 = tpu.vector_load %arg9[%parallel_loop3A_546, %parallel_loop3A_547] {strides = array<i32>} : memref<16x2048xf32, #tpu.memory_space<vmem>>, vector<1x16xf32>,
            %parallel_loop3A_549 = vector.shape_cast %parallel_loop3A_548 : vector<1x16xf32> to vector<16xf32>
            %parallel_loop3A_550 = vector.shape_cast %parallel_loop3A_544 : vector<16xf32> to vector<1x16xf32>
            tpu.vector_store %arg9[%parallel_loop3A_546, %parallel_loop3A_547], %parallel_loop3A_550 {strides = array<i32>} : memref<16x2048xf32, #tpu.memory_space<vmem>>, vector<1x16xf32>,
            %parallel_loop3A_551 = arith.constant 13 : i32
            %parallel_loop3A_552 = arith.index_cast %parallel_loop3A_551 : i32 to index
            %parallel_loop3A_553 = arith.index_cast %parallel_loop3A_389 : i32 to index
            %parallel_loop3A_554 = tpu.vector_load %arg9[%parallel_loop3A_552, %parallel_loop3A_553] {strides = array<i32>} : memref<16x2048xf32, #tpu.memory_space<vmem>>, vector<1x16xf32>,
            %parallel_loop3A_555 = vector.shape_cast %parallel_loop3A_554 : vector<1x16xf32> to vector<16xf32>
            %parallel_loop3A_556 = arith.addf %parallel_loop3A_555, %parallel_loop3A_394 : vector<16xf32>
            %parallel_loop3A_557 = arith.constant 13 : i32
            %parallel_loop3A_558 = arith.index_cast %parallel_loop3A_557 : i32 to index
            %parallel_loop3A_559 = arith.index_cast %parallel_loop3A_389 : i32 to index
            %parallel_loop3A_560 = tpu.vector_load %arg9[%parallel_loop3A_558, %parallel_loop3A_559] {strides = array<i32>} : memref<16x2048xf32, #tpu.memory_space<vmem>>, vector<1x16xf32>,
            %parallel_loop3A_561 = vector.shape_cast %parallel_loop3A_560 : vector<1x16xf32> to vector<16xf32>
            %parallel_loop3A_562 = vector.shape_cast %parallel_loop3A_556 : vector<16xf32> to vector<1x16xf32>
            tpu.vector_store %arg9[%parallel_loop3A_558, %parallel_loop3A_559], %parallel_loop3A_562 {strides = array<i32>} : memref<16x2048xf32, #tpu.memory_space<vmem>>, vector<1x16xf32>,
            %parallel_loop3A_563 = arith.constant 14 : i32
            %parallel_loop3A_564 = arith.index_cast %parallel_loop3A_563 : i32 to index
            %parallel_loop3A_565 = arith.index_cast %parallel_loop3A_389 : i32 to index
            %parallel_loop3A_566 = tpu.vector_load %arg9[%parallel_loop3A_564, %parallel_loop3A_565] {strides = array<i32>} : memref<16x2048xf32, #tpu.memory_space<vmem>>, vector<1x16xf32>,
            %parallel_loop3A_567 = vector.shape_cast %parallel_loop3A_566 : vector<1x16xf32> to vector<16xf32>
            %parallel_loop3A_568 = arith.addf %parallel_loop3A_567, %parallel_loop3A_394 : vector<16xf32>
            %parallel_loop3A_569 = arith.constant 14 : i32
            %parallel_loop3A_570 = arith.index_cast %parallel_loop3A_569 : i32 to index
            %parallel_loop3A_571 = arith.index_cast %parallel_loop3A_389 : i32 to index
            %parallel_loop3A_572 = tpu.vector_load %arg9[%parallel_loop3A_570, %parallel_loop3A_571] {strides = array<i32>} : memref<16x2048xf32, #tpu.memory_space<vmem>>, vector<1x16xf32>,
            %parallel_loop3A_573 = vector.shape_cast %parallel_loop3A_572 : vector<1x16xf32> to vector<16xf32>
            %parallel_loop3A_574 = vector.shape_cast %parallel_loop3A_568 : vector<16xf32> to vector<1x16xf32>
            tpu.vector_store %arg9[%parallel_loop3A_570, %parallel_loop3A_571], %parallel_loop3A_574 {strides = array<i32>} : memref<16x2048xf32, #tpu.memory_space<vmem>>, vector<1x16xf32>,
            %parallel_loop3A_575 = arith.constant 15 : i32
            %parallel_loop3A_576 = arith.index_cast %parallel_loop3A_575 : i32 to index
            %parallel_loop3A_577 = arith.index_cast %parallel_loop3A_389 : i32 to index
            %parallel_loop3A_578 = tpu.vector_load %arg9[%parallel_loop3A_576, %parallel_loop3A_577] {strides = array<i32>} : memref<16x2048xf32, #tpu.memory_space<vmem>>, vector<1x16xf32>,
            %parallel_loop3A_579 = vector.shape_cast %parallel_loop3A_578 : vector<1x16xf32> to vector<16xf32>
            %parallel_loop3A_580 = arith.addf %parallel_loop3A_579, %parallel_loop3A_394 : vector<16xf32>
            %parallel_loop3A_581 = arith.constant 15 : i32
            %parallel_loop3A_582 = arith.index_cast %parallel_loop3A_581 : i32 to index
            %parallel_loop3A_583 = arith.index_cast %parallel_loop3A_389 : i32 to index
            %parallel_loop3A_584 = tpu.vector_load %arg9[%parallel_loop3A_582, %parallel_loop3A_583] {strides = array<i32>} : memref<16x2048xf32, #tpu.memory_space<vmem>>, vector<1x16xf32>,
            %parallel_loop3A_585 = vector.shape_cast %parallel_loop3A_584 : vector<1x16xf32> to vector<16xf32>
            %parallel_loop3A_586 = vector.shape_cast %parallel_loop3A_580 : vector<16xf32> to vector<1x16xf32>
            tpu.vector_store %arg9[%parallel_loop3A_582, %parallel_loop3A_583], %parallel_loop3A_586 {strides = array<i32>} : memref<16x2048xf32, #tpu.memory_space<vmem>>, vector<1x16xf32>,
          } {sc.loop_unroll_factor = 8 : i64, sc.parallel_access}
          %mul3A_379 = arith.constant 16 : i32
          %mul3A_380 = arith.muli %scan3A_333, %mul3A_379 : i32
          %add3A_381 = arith.addi %add3A_182, %mul3A_380 : i32
          %dma_start3A_382 = arith.constant 0 : i32
          %dma_start3A_383 = tpu.memref_slice %arg6[%add3A_381, %dma_start3A_382] : memref<11264x2048xf32, #tpu.memory_space<hbm>> -> memref<16x2048xf32, #tpu.memory_space<hbm>>
          %dma_start3A_384 = arith.constant 0 : i32
          %dma_start3A_385 = tpu.memref_slice %arg6[%add3A_381, %dma_start3A_384] : memref<11264x2048xf32, #tpu.memory_space<hbm>> -> memref<16x2048xf32, #tpu.memory_space<hbm>>
          tpu.enqueue_dma source(%arg9 : memref<16x2048xf32, #tpu.memory_space<vmem>>) target(%dma_start3A_385 : memref<16x2048xf32, #tpu.memory_space<hbm>>) target_semaphore(%arg17 : memref<!tpu.dma_semaphore, #tpu.memory_space<semaphore_mem>>)
          %cond3A_386 = arith.constant 0 : i32
          scf.yield %cond3A_386 : i32
        }
        scf.yield %cond3A_359 : i32
      } else {
        %mul3A_355 = arith.constant 16 : i32
        %mul3A_356 = arith.muli %scan3A_333, %mul3A_355 : i32
        %add3A_357 = arith.addi %mul3A_150, %mul3A_356 : i32
        %dma_wait3A_358 = arith.constant 0 : i32
        %dma_wait3A_359 = tpu.memref_slice %arg3[%add3A_357, %dma_wait3A_358] : memref<2048x2048xf32, #tpu.memory_space<hbm>> -> memref<16x2048xf32, #tpu.memory_space<hbm>>
        %dma_wait3A_360 = arith.constant 0 : i32
        %dma_wait3A_361 = tpu.memref_slice %arg3[%add3A_357, %dma_wait3A_360] : memref<2048x2048xf32, #tpu.memory_space<hbm>> -> memref<16x2048xf32, #tpu.memory_space<hbm>>
        tpu.wait_dma2 semaphore(%arg13 : memref<!tpu.dma_semaphore, #tpu.memory_space<semaphore_mem>>) src(%dma_wait3A_361 : memref<16x2048xf32, #tpu.memory_space<hbm>>) dst(%arg8 : memref<16x2048xf32, #tpu.memory_space<vmem>>)
        %ge3A = arith.constant 2 : i32
        %ge3A_362 = arith.cmpi sge, %scan3A_333, %ge3A : i32
        %convert_element_type3A = arith.extui %ge3A_362 : i1 to i32
        %cond3A_363 = arith.constant 0 : i32
        %cond3A_364 = arith.cmpi ne, %convert_element_type3A, %cond3A_363 : i32
        scf.if %cond3A_364 {
          %sub3A_382 = arith.constant 2 : i32
          %sub3A_383 = arith.subi %scan3A_333, %sub3A_382 : i32
          %mul3A_384 = arith.constant 16 : i32
          %mul3A_385 = arith.muli %sub3A_383, %mul3A_384 : i32
          %add3A_386 = arith.addi %add3A_182, %mul3A_385 : i32
          %dma_wait3A_387 = arith.constant 0 : i32
          %dma_wait3A_388 = tpu.memref_slice %arg6[%add3A_386, %dma_wait3A_387] : memref<11264x2048xf32, #tpu.memory_space<hbm>> -> memref<16x2048xf32, #tpu.memory_space<hbm>>
          %dma_wait3A_389 = arith.constant 0 : i32
          %dma_wait3A_390 = tpu.memref_slice %arg6[%add3A_386, %dma_wait3A_389] : memref<11264x2048xf32, #tpu.memory_space<hbm>> -> memref<16x2048xf32, #tpu.memory_space<hbm>>
          tpu.wait_dma2 semaphore(%arg17 : memref<!tpu.dma_semaphore, #tpu.memory_space<semaphore_mem>>) src(%arg9 : memref<16x2048xf32, #tpu.memory_space<vmem>>) dst(%dma_wait3A_390 : memref<16x2048xf32, #tpu.memory_space<hbm>>)
        } else {
        }
        %add3A_365 = arith.constant 1 : i32
        %add3A_366 = arith.addi %scan3A_333, %add3A_365 : i32
        %lt3A_367 = arith.constant 4 : i32
        %lt3A_368 = arith.cmpi slt, %add3A_366, %lt3A_367 : i32
        %convert_element_type3A_369 = arith.extui %lt3A_368 : i1 to i32
        %cond3A_370 = arith.constant 0 : i32
        %cond3A_371 = arith.cmpi ne, %convert_element_type3A_369, %cond3A_370 : i32
        scf.if %cond3A_371 {
          %add3A_382 = arith.constant 1 : i32
          %add3A_383 = arith.addi %scan3A_333, %add3A_382 : i32
          %mul3A_384 = arith.constant 16 : i32
          %mul3A_385 = arith.muli %add3A_383, %mul3A_384 : i32
          %add3A_386 = arith.addi %mul3A_150, %mul3A_385 : i32
          %dma_start3A_387 = arith.constant 0 : i32
          %dma_start3A_388 = tpu.memref_slice %arg3[%add3A_386, %dma_start3A_387] : memref<2048x2048xf32, #tpu.memory_space<hbm>> -> memref<16x2048xf32, #tpu.memory_space<hbm>>
          %dma_start3A_389 = arith.constant 0 : i32
          %dma_start3A_390 = tpu.memref_slice %arg3[%add3A_386, %dma_start3A_389] : memref<2048x2048xf32, #tpu.memory_space<hbm>> -> memref<16x2048xf32, #tpu.memory_space<hbm>>
          tpu.enqueue_dma source(%dma_start3A_390 : memref<16x2048xf32, #tpu.memory_space<hbm>>) target(%arg9 : memref<16x2048xf32, #tpu.memory_space<vmem>>) target_semaphore(%arg14 : memref<!tpu.dma_semaphore, #tpu.memory_space<semaphore_mem>>)
        } else {
        }
        %parallel_loop3A = arith.constant 0 : i32
        %parallel_loop3A_372 = arith.constant 128 : i32
        %parallel_loop3A_373 = arith.constant 1 : i32
        scf.for %parallel_loop3A_382 = %parallel_loop3A to %parallel_loop3A_372 step %parallel_loop3A_373  : i32 {
          %parallel_loop3A_383 = arith.constant 16 : i32
          %parallel_loop3A_384 = arith.muli %parallel_loop3A_382, %parallel_loop3A_383 : i32
          %parallel_loop3A_385 = arith.constant 1 : i32
          %parallel_loop3A_386 = arith.index_cast %parallel_loop3A_385 : i32 to index
          %parallel_loop3A_387 = arith.index_cast %parallel_loop3A_384 : i32 to index
          %parallel_loop3A_388 = tpu.vector_load %arg11[%parallel_loop3A_386, %parallel_loop3A_387] {strides = array<i32>} : memref<3x2048xf32, #tpu.memory_space<vmem>>, vector<1x16xf32>,
          %parallel_loop3A_389 = vector.shape_cast %parallel_loop3A_388 : vector<1x16xf32> to vector<16xf32>
          %parallel_loop3A_390 = arith.constant 0 : i32
          %parallel_loop3A_391 = arith.index_cast %parallel_loop3A_390 : i32 to index
          %parallel_loop3A_392 = arith.index_cast %parallel_loop3A_384 : i32 to index
          %parallel_loop3A_393 = tpu.vector_load %arg8[%parallel_loop3A_391, %parallel_loop3A_392] {strides = array<i32>} : memref<16x2048xf32, #tpu.memory_space<vmem>>, vector<1x16xf32>,
          %parallel_loop3A_394 = vector.shape_cast %parallel_loop3A_393 : vector<1x16xf32> to vector<16xf32>
          %parallel_loop3A_395 = arith.addf %parallel_loop3A_394, %parallel_loop3A_389 : vector<16xf32>
          %parallel_loop3A_396 = arith.constant 0 : i32
          %parallel_loop3A_397 = arith.index_cast %parallel_loop3A_396 : i32 to index
          %parallel_loop3A_398 = arith.index_cast %parallel_loop3A_384 : i32 to index
          %parallel_loop3A_399 = tpu.vector_load %arg8[%parallel_loop3A_397, %parallel_loop3A_398] {strides = array<i32>} : memref<16x2048xf32, #tpu.memory_space<vmem>>, vector<1x16xf32>,
          %parallel_loop3A_400 = vector.shape_cast %parallel_loop3A_399 : vector<1x16xf32> to vector<16xf32>
          %parallel_loop3A_401 = vector.shape_cast %parallel_loop3A_395 : vector<16xf32> to vector<1x16xf32>
          tpu.vector_store %arg8[%parallel_loop3A_397, %parallel_loop3A_398], %parallel_loop3A_401 {strides = array<i32>} : memref<16x2048xf32, #tpu.memory_space<vmem>>, vector<1x16xf32>,
          %parallel_loop3A_402 = arith.constant 1 : i32
          %parallel_loop3A_403 = arith.index_cast %parallel_loop3A_402 : i32 to index
          %parallel_loop3A_404 = arith.index_cast %parallel_loop3A_384 : i32 to index
          %parallel_loop3A_405 = tpu.vector_load %arg8[%parallel_loop3A_403, %parallel_loop3A_404] {strides = array<i32>} : memref<16x2048xf32, #tpu.memory_space<vmem>>, vector<1x16xf32>,
          %parallel_loop3A_406 = vector.shape_cast %parallel_loop3A_405 : vector<1x16xf32> to vector<16xf32>
          %parallel_loop3A_407 = arith.addf %parallel_loop3A_406, %parallel_loop3A_389 : vector<16xf32>
          %parallel_loop3A_408 = arith.constant 1 : i32
          %parallel_loop3A_409 = arith.index_cast %parallel_loop3A_408 : i32 to index
          %parallel_loop3A_410 = arith.index_cast %parallel_loop3A_384 : i32 to index
          %parallel_loop3A_411 = tpu.vector_load %arg8[%parallel_loop3A_409, %parallel_loop3A_410] {strides = array<i32>} : memref<16x2048xf32, #tpu.memory_space<vmem>>, vector<1x16xf32>,
          %parallel_loop3A_412 = vector.shape_cast %parallel_loop3A_411 : vector<1x16xf32> to vector<16xf32>
          %parallel_loop3A_413 = vector.shape_cast %parallel_loop3A_407 : vector<16xf32> to vector<1x16xf32>
          tpu.vector_store %arg8[%parallel_loop3A_409, %parallel_loop3A_410], %parallel_loop3A_413 {strides = array<i32>} : memref<16x2048xf32, #tpu.memory_space<vmem>>, vector<1x16xf32>,
          %parallel_loop3A_414 = arith.constant 2 : i32
          %parallel_loop3A_415 = arith.index_cast %parallel_loop3A_414 : i32 to index
          %parallel_loop3A_416 = arith.index_cast %parallel_loop3A_384 : i32 to index
          %parallel_loop3A_417 = tpu.vector_load %arg8[%parallel_loop3A_415, %parallel_loop3A_416] {strides = array<i32>} : memref<16x2048xf32, #tpu.memory_space<vmem>>, vector<1x16xf32>,
          %parallel_loop3A_418 = vector.shape_cast %parallel_loop3A_417 : vector<1x16xf32> to vector<16xf32>
          %parallel_loop3A_419 = arith.addf %parallel_loop3A_418, %parallel_loop3A_389 : vector<16xf32>
          %parallel_loop3A_420 = arith.constant 2 : i32
          %parallel_loop3A_421 = arith.index_cast %parallel_loop3A_420 : i32 to index
          %parallel_loop3A_422 = arith.index_cast %parallel_loop3A_384 : i32 to index
          %parallel_loop3A_423 = tpu.vector_load %arg8[%parallel_loop3A_421, %parallel_loop3A_422] {strides = array<i32>} : memref<16x2048xf32, #tpu.memory_space<vmem>>, vector<1x16xf32>,
          %parallel_loop3A_424 = vector.shape_cast %parallel_loop3A_423 : vector<1x16xf32> to vector<16xf32>
          %parallel_loop3A_425 = vector.shape_cast %parallel_loop3A_419 : vector<16xf32> to vector<1x16xf32>
          tpu.vector_store %arg8[%parallel_loop3A_421, %parallel_loop3A_422], %parallel_loop3A_425 {strides = array<i32>} : memref<16x2048xf32, #tpu.memory_space<vmem>>, vector<1x16xf32>,
          %parallel_loop3A_426 = arith.constant 3 : i32
          %parallel_loop3A_427 = arith.index_cast %parallel_loop3A_426 : i32 to index
          %parallel_loop3A_428 = arith.index_cast %parallel_loop3A_384 : i32 to index
          %parallel_loop3A_429 = tpu.vector_load %arg8[%parallel_loop3A_427, %parallel_loop3A_428] {strides = array<i32>} : memref<16x2048xf32, #tpu.memory_space<vmem>>, vector<1x16xf32>,
          %parallel_loop3A_430 = vector.shape_cast %parallel_loop3A_429 : vector<1x16xf32> to vector<16xf32>
          %parallel_loop3A_431 = arith.addf %parallel_loop3A_430, %parallel_loop3A_389 : vector<16xf32>
          %parallel_loop3A_432 = arith.constant 3 : i32
          %parallel_loop3A_433 = arith.index_cast %parallel_loop3A_432 : i32 to index
          %parallel_loop3A_434 = arith.index_cast %parallel_loop3A_384 : i32 to index
          %parallel_loop3A_435 = tpu.vector_load %arg8[%parallel_loop3A_433, %parallel_loop3A_434] {strides = array<i32>} : memref<16x2048xf32, #tpu.memory_space<vmem>>, vector<1x16xf32>,
          %parallel_loop3A_436 = vector.shape_cast %parallel_loop3A_435 : vector<1x16xf32> to vector<16xf32>
          %parallel_loop3A_437 = vector.shape_cast %parallel_loop3A_431 : vector<16xf32> to vector<1x16xf32>
          tpu.vector_store %arg8[%parallel_loop3A_433, %parallel_loop3A_434], %parallel_loop3A_437 {strides = array<i32>} : memref<16x2048xf32, #tpu.memory_space<vmem>>, vector<1x16xf32>,
          %parallel_loop3A_438 = arith.constant 4 : i32
          %parallel_loop3A_439 = arith.index_cast %parallel_loop3A_438 : i32 to index
          %parallel_loop3A_440 = arith.index_cast %parallel_loop3A_384 : i32 to index
          %parallel_loop3A_441 = tpu.vector_load %arg8[%parallel_loop3A_439, %parallel_loop3A_440] {strides = array<i32>} : memref<16x2048xf32, #tpu.memory_space<vmem>>, vector<1x16xf32>,
          %parallel_loop3A_442 = vector.shape_cast %parallel_loop3A_441 : vector<1x16xf32> to vector<16xf32>
          %parallel_loop3A_443 = arith.addf %parallel_loop3A_442, %parallel_loop3A_389 : vector<16xf32>
          %parallel_loop3A_444 = arith.constant 4 : i32
          %parallel_loop3A_445 = arith.index_cast %parallel_loop3A_444 : i32 to index
          %parallel_loop3A_446 = arith.index_cast %parallel_loop3A_384 : i32 to index
          %parallel_loop3A_447 = tpu.vector_load %arg8[%parallel_loop3A_445, %parallel_loop3A_446] {strides = array<i32>} : memref<16x2048xf32, #tpu.memory_space<vmem>>, vector<1x16xf32>,
          %parallel_loop3A_448 = vector.shape_cast %parallel_loop3A_447 : vector<1x16xf32> to vector<16xf32>
          %parallel_loop3A_449 = vector.shape_cast %parallel_loop3A_443 : vector<16xf32> to vector<1x16xf32>
          tpu.vector_store %arg8[%parallel_loop3A_445, %parallel_loop3A_446], %parallel_loop3A_449 {strides = array<i32>} : memref<16x2048xf32, #tpu.memory_space<vmem>>, vector<1x16xf32>,
          %parallel_loop3A_450 = arith.constant 5 : i32
          %parallel_loop3A_451 = arith.index_cast %parallel_loop3A_450 : i32 to index
          %parallel_loop3A_452 = arith.index_cast %parallel_loop3A_384 : i32 to index
          %parallel_loop3A_453 = tpu.vector_load %arg8[%parallel_loop3A_451, %parallel_loop3A_452] {strides = array<i32>} : memref<16x2048xf32, #tpu.memory_space<vmem>>, vector<1x16xf32>,
          %parallel_loop3A_454 = vector.shape_cast %parallel_loop3A_453 : vector<1x16xf32> to vector<16xf32>
          %parallel_loop3A_455 = arith.addf %parallel_loop3A_454, %parallel_loop3A_389 : vector<16xf32>
          %parallel_loop3A_456 = arith.constant 5 : i32
          %parallel_loop3A_457 = arith.index_cast %parallel_loop3A_456 : i32 to index
          %parallel_loop3A_458 = arith.index_cast %parallel_loop3A_384 : i32 to index
          %parallel_loop3A_459 = tpu.vector_load %arg8[%parallel_loop3A_457, %parallel_loop3A_458] {strides = array<i32>} : memref<16x2048xf32, #tpu.memory_space<vmem>>, vector<1x16xf32>,
          %parallel_loop3A_460 = vector.shape_cast %parallel_loop3A_459 : vector<1x16xf32> to vector<16xf32>
          %parallel_loop3A_461 = vector.shape_cast %parallel_loop3A_455 : vector<16xf32> to vector<1x16xf32>
          tpu.vector_store %arg8[%parallel_loop3A_457, %parallel_loop3A_458], %parallel_loop3A_461 {strides = array<i32>} : memref<16x2048xf32, #tpu.memory_space<vmem>>, vector<1x16xf32>,
          %parallel_loop3A_462 = arith.constant 6 : i32
          %parallel_loop3A_463 = arith.index_cast %parallel_loop3A_462 : i32 to index
          %parallel_loop3A_464 = arith.index_cast %parallel_loop3A_384 : i32 to index
          %parallel_loop3A_465 = tpu.vector_load %arg8[%parallel_loop3A_463, %parallel_loop3A_464] {strides = array<i32>} : memref<16x2048xf32, #tpu.memory_space<vmem>>, vector<1x16xf32>,
          %parallel_loop3A_466 = vector.shape_cast %parallel_loop3A_465 : vector<1x16xf32> to vector<16xf32>
          %parallel_loop3A_467 = arith.addf %parallel_loop3A_466, %parallel_loop3A_389 : vector<16xf32>
          %parallel_loop3A_468 = arith.constant 6 : i32
          %parallel_loop3A_469 = arith.index_cast %parallel_loop3A_468 : i32 to index
          %parallel_loop3A_470 = arith.index_cast %parallel_loop3A_384 : i32 to index
          %parallel_loop3A_471 = tpu.vector_load %arg8[%parallel_loop3A_469, %parallel_loop3A_470] {strides = array<i32>} : memref<16x2048xf32, #tpu.memory_space<vmem>>, vector<1x16xf32>,
          %parallel_loop3A_472 = vector.shape_cast %parallel_loop3A_471 : vector<1x16xf32> to vector<16xf32>
          %parallel_loop3A_473 = vector.shape_cast %parallel_loop3A_467 : vector<16xf32> to vector<1x16xf32>
          tpu.vector_store %arg8[%parallel_loop3A_469, %parallel_loop3A_470], %parallel_loop3A_473 {strides = array<i32>} : memref<16x2048xf32, #tpu.memory_space<vmem>>, vector<1x16xf32>,
          %parallel_loop3A_474 = arith.constant 7 : i32
          %parallel_loop3A_475 = arith.index_cast %parallel_loop3A_474 : i32 to index
          %parallel_loop3A_476 = arith.index_cast %parallel_loop3A_384 : i32 to index
          %parallel_loop3A_477 = tpu.vector_load %arg8[%parallel_loop3A_475, %parallel_loop3A_476] {strides = array<i32>} : memref<16x2048xf32, #tpu.memory_space<vmem>>, vector<1x16xf32>,
          %parallel_loop3A_478 = vector.shape_cast %parallel_loop3A_477 : vector<1x16xf32> to vector<16xf32>
          %parallel_loop3A_479 = arith.addf %parallel_loop3A_478, %parallel_loop3A_389 : vector<16xf32>
          %parallel_loop3A_480 = arith.constant 7 : i32
          %parallel_loop3A_481 = arith.index_cast %parallel_loop3A_480 : i32 to index
          %parallel_loop3A_482 = arith.index_cast %parallel_loop3A_384 : i32 to index
          %parallel_loop3A_483 = tpu.vector_load %arg8[%parallel_loop3A_481, %parallel_loop3A_482] {strides = array<i32>} : memref<16x2048xf32, #tpu.memory_space<vmem>>, vector<1x16xf32>,
          %parallel_loop3A_484 = vector.shape_cast %parallel_loop3A_483 : vector<1x16xf32> to vector<16xf32>
          %parallel_loop3A_485 = vector.shape_cast %parallel_loop3A_479 : vector<16xf32> to vector<1x16xf32>
          tpu.vector_store %arg8[%parallel_loop3A_481, %parallel_loop3A_482], %parallel_loop3A_485 {strides = array<i32>} : memref<16x2048xf32, #tpu.memory_space<vmem>>, vector<1x16xf32>,
          %parallel_loop3A_486 = arith.constant 8 : i32
          %parallel_loop3A_487 = arith.index_cast %parallel_loop3A_486 : i32 to index
          %parallel_loop3A_488 = arith.index_cast %parallel_loop3A_384 : i32 to index
          %parallel_loop3A_489 = tpu.vector_load %arg8[%parallel_loop3A_487, %parallel_loop3A_488] {strides = array<i32>} : memref<16x2048xf32, #tpu.memory_space<vmem>>, vector<1x16xf32>,
          %parallel_loop3A_490 = vector.shape_cast %parallel_loop3A_489 : vector<1x16xf32> to vector<16xf32>
          %parallel_loop3A_491 = arith.addf %parallel_loop3A_490, %parallel_loop3A_389 : vector<16xf32>
          %parallel_loop3A_492 = arith.constant 8 : i32
          %parallel_loop3A_493 = arith.index_cast %parallel_loop3A_492 : i32 to index
          %parallel_loop3A_494 = arith.index_cast %parallel_loop3A_384 : i32 to index
          %parallel_loop3A_495 = tpu.vector_load %arg8[%parallel_loop3A_493, %parallel_loop3A_494] {strides = array<i32>} : memref<16x2048xf32, #tpu.memory_space<vmem>>, vector<1x16xf32>,
          %parallel_loop3A_496 = vector.shape_cast %parallel_loop3A_495 : vector<1x16xf32> to vector<16xf32>
          %parallel_loop3A_497 = vector.shape_cast %parallel_loop3A_491 : vector<16xf32> to vector<1x16xf32>
          tpu.vector_store %arg8[%parallel_loop3A_493, %parallel_loop3A_494], %parallel_loop3A_497 {strides = array<i32>} : memref<16x2048xf32, #tpu.memory_space<vmem>>, vector<1x16xf32>,
          %parallel_loop3A_498 = arith.constant 9 : i32
          %parallel_loop3A_499 = arith.index_cast %parallel_loop3A_498 : i32 to index
          %parallel_loop3A_500 = arith.index_cast %parallel_loop3A_384 : i32 to index
          %parallel_loop3A_501 = tpu.vector_load %arg8[%parallel_loop3A_499, %parallel_loop3A_500] {strides = array<i32>} : memref<16x2048xf32, #tpu.memory_space<vmem>>, vector<1x16xf32>,
          %parallel_loop3A_502 = vector.shape_cast %parallel_loop3A_501 : vector<1x16xf32> to vector<16xf32>
          %parallel_loop3A_503 = arith.addf %parallel_loop3A_502, %parallel_loop3A_389 : vector<16xf32>
          %parallel_loop3A_504 = arith.constant 9 : i32
          %parallel_loop3A_505 = arith.index_cast %parallel_loop3A_504 : i32 to index
          %parallel_loop3A_506 = arith.index_cast %parallel_loop3A_384 : i32 to index
          %parallel_loop3A_507 = tpu.vector_load %arg8[%parallel_loop3A_505, %parallel_loop3A_506] {strides = array<i32>} : memref<16x2048xf32, #tpu.memory_space<vmem>>, vector<1x16xf32>,
          %parallel_loop3A_508 = vector.shape_cast %parallel_loop3A_507 : vector<1x16xf32> to vector<16xf32>
          %parallel_loop3A_509 = vector.shape_cast %parallel_loop3A_503 : vector<16xf32> to vector<1x16xf32>
          tpu.vector_store %arg8[%parallel_loop3A_505, %parallel_loop3A_506], %parallel_loop3A_509 {strides = array<i32>} : memref<16x2048xf32, #tpu.memory_space<vmem>>, vector<1x16xf32>,
          %parallel_loop3A_510 = arith.constant 10 : i32
          %parallel_loop3A_511 = arith.index_cast %parallel_loop3A_510 : i32 to index
          %parallel_loop3A_512 = arith.index_cast %parallel_loop3A_384 : i32 to index
          %parallel_loop3A_513 = tpu.vector_load %arg8[%parallel_loop3A_511, %parallel_loop3A_512] {strides = array<i32>} : memref<16x2048xf32, #tpu.memory_space<vmem>>, vector<1x16xf32>,
          %parallel_loop3A_514 = vector.shape_cast %parallel_loop3A_513 : vector<1x16xf32> to vector<16xf32>
          %parallel_loop3A_515 = arith.addf %parallel_loop3A_514, %parallel_loop3A_389 : vector<16xf32>
          %parallel_loop3A_516 = arith.constant 10 : i32
          %parallel_loop3A_517 = arith.index_cast %parallel_loop3A_516 : i32 to index
          %parallel_loop3A_518 = arith.index_cast %parallel_loop3A_384 : i32 to index
          %parallel_loop3A_519 = tpu.vector_load %arg8[%parallel_loop3A_517, %parallel_loop3A_518] {strides = array<i32>} : memref<16x2048xf32, #tpu.memory_space<vmem>>, vector<1x16xf32>,
          %parallel_loop3A_520 = vector.shape_cast %parallel_loop3A_519 : vector<1x16xf32> to vector<16xf32>
          %parallel_loop3A_521 = vector.shape_cast %parallel_loop3A_515 : vector<16xf32> to vector<1x16xf32>
          tpu.vector_store %arg8[%parallel_loop3A_517, %parallel_loop3A_518], %parallel_loop3A_521 {strides = array<i32>} : memref<16x2048xf32, #tpu.memory_space<vmem>>, vector<1x16xf32>,
          %parallel_loop3A_522 = arith.constant 11 : i32
          %parallel_loop3A_523 = arith.index_cast %parallel_loop3A_522 : i32 to index
          %parallel_loop3A_524 = arith.index_cast %parallel_loop3A_384 : i32 to index
          %parallel_loop3A_525 = tpu.vector_load %arg8[%parallel_loop3A_523, %parallel_loop3A_524] {strides = array<i32>} : memref<16x2048xf32, #tpu.memory_space<vmem>>, vector<1x16xf32>,
          %parallel_loop3A_526 = vector.shape_cast %parallel_loop3A_525 : vector<1x16xf32> to vector<16xf32>
          %parallel_loop3A_527 = arith.addf %parallel_loop3A_526, %parallel_loop3A_389 : vector<16xf32>
          %parallel_loop3A_528 = arith.constant 11 : i32
          %parallel_loop3A_529 = arith.index_cast %parallel_loop3A_528 : i32 to index
          %parallel_loop3A_530 = arith.index_cast %parallel_loop3A_384 : i32 to index
          %parallel_loop3A_531 = tpu.vector_load %arg8[%parallel_loop3A_529, %parallel_loop3A_530] {strides = array<i32>} : memref<16x2048xf32, #tpu.memory_space<vmem>>, vector<1x16xf32>,
          %parallel_loop3A_532 = vector.shape_cast %parallel_loop3A_531 : vector<1x16xf32> to vector<16xf32>
          %parallel_loop3A_533 = vector.shape_cast %parallel_loop3A_527 : vector<16xf32> to vector<1x16xf32>
          tpu.vector_store %arg8[%parallel_loop3A_529, %parallel_loop3A_530], %parallel_loop3A_533 {strides = array<i32>} : memref<16x2048xf32, #tpu.memory_space<vmem>>, vector<1x16xf32>,
          %parallel_loop3A_534 = arith.constant 12 : i32
          %parallel_loop3A_535 = arith.index_cast %parallel_loop3A_534 : i32 to index
          %parallel_loop3A_536 = arith.index_cast %parallel_loop3A_384 : i32 to index
          %parallel_loop3A_537 = tpu.vector_load %arg8[%parallel_loop3A_535, %parallel_loop3A_536] {strides = array<i32>} : memref<16x2048xf32, #tpu.memory_space<vmem>>, vector<1x16xf32>,
          %parallel_loop3A_538 = vector.shape_cast %parallel_loop3A_537 : vector<1x16xf32> to vector<16xf32>
          %parallel_loop3A_539 = arith.addf %parallel_loop3A_538, %parallel_loop3A_389 : vector<16xf32>
          %parallel_loop3A_540 = arith.constant 12 : i32
          %parallel_loop3A_541 = arith.index_cast %parallel_loop3A_540 : i32 to index
          %parallel_loop3A_542 = arith.index_cast %parallel_loop3A_384 : i32 to index
          %parallel_loop3A_543 = tpu.vector_load %arg8[%parallel_loop3A_541, %parallel_loop3A_542] {strides = array<i32>} : memref<16x2048xf32, #tpu.memory_space<vmem>>, vector<1x16xf32>,
          %parallel_loop3A_544 = vector.shape_cast %parallel_loop3A_543 : vector<1x16xf32> to vector<16xf32>
          %parallel_loop3A_545 = vector.shape_cast %parallel_loop3A_539 : vector<16xf32> to vector<1x16xf32>
          tpu.vector_store %arg8[%parallel_loop3A_541, %parallel_loop3A_542], %parallel_loop3A_545 {strides = array<i32>} : memref<16x2048xf32, #tpu.memory_space<vmem>>, vector<1x16xf32>,
          %parallel_loop3A_546 = arith.constant 13 : i32
          %parallel_loop3A_547 = arith.index_cast %parallel_loop3A_546 : i32 to index
          %parallel_loop3A_548 = arith.index_cast %parallel_loop3A_384 : i32 to index
          %parallel_loop3A_549 = tpu.vector_load %arg8[%parallel_loop3A_547, %parallel_loop3A_548] {strides = array<i32>} : memref<16x2048xf32, #tpu.memory_space<vmem>>, vector<1x16xf32>,
          %parallel_loop3A_550 = vector.shape_cast %parallel_loop3A_549 : vector<1x16xf32> to vector<16xf32>
          %parallel_loop3A_551 = arith.addf %parallel_loop3A_550, %parallel_loop3A_389 : vector<16xf32>
          %parallel_loop3A_552 = arith.constant 13 : i32
          %parallel_loop3A_553 = arith.index_cast %parallel_loop3A_552 : i32 to index
          %parallel_loop3A_554 = arith.index_cast %parallel_loop3A_384 : i32 to index
          %parallel_loop3A_555 = tpu.vector_load %arg8[%parallel_loop3A_553, %parallel_loop3A_554] {strides = array<i32>} : memref<16x2048xf32, #tpu.memory_space<vmem>>, vector<1x16xf32>,
          %parallel_loop3A_556 = vector.shape_cast %parallel_loop3A_555 : vector<1x16xf32> to vector<16xf32>
          %parallel_loop3A_557 = vector.shape_cast %parallel_loop3A_551 : vector<16xf32> to vector<1x16xf32>
          tpu.vector_store %arg8[%parallel_loop3A_553, %parallel_loop3A_554], %parallel_loop3A_557 {strides = array<i32>} : memref<16x2048xf32, #tpu.memory_space<vmem>>, vector<1x16xf32>,
          %parallel_loop3A_558 = arith.constant 14 : i32
          %parallel_loop3A_559 = arith.index_cast %parallel_loop3A_558 : i32 to index
          %parallel_loop3A_560 = arith.index_cast %parallel_loop3A_384 : i32 to index
          %parallel_loop3A_561 = tpu.vector_load %arg8[%parallel_loop3A_559, %parallel_loop3A_560] {strides = array<i32>} : memref<16x2048xf32, #tpu.memory_space<vmem>>, vector<1x16xf32>,
          %parallel_loop3A_562 = vector.shape_cast %parallel_loop3A_561 : vector<1x16xf32> to vector<16xf32>
          %parallel_loop3A_563 = arith.addf %parallel_loop3A_562, %parallel_loop3A_389 : vector<16xf32>
          %parallel_loop3A_564 = arith.constant 14 : i32
          %parallel_loop3A_565 = arith.index_cast %parallel_loop3A_564 : i32 to index
          %parallel_loop3A_566 = arith.index_cast %parallel_loop3A_384 : i32 to index
          %parallel_loop3A_567 = tpu.vector_load %arg8[%parallel_loop3A_565, %parallel_loop3A_566] {strides = array<i32>} : memref<16x2048xf32, #tpu.memory_space<vmem>>, vector<1x16xf32>,
          %parallel_loop3A_568 = vector.shape_cast %parallel_loop3A_567 : vector<1x16xf32> to vector<16xf32>
          %parallel_loop3A_569 = vector.shape_cast %parallel_loop3A_563 : vector<16xf32> to vector<1x16xf32>
          tpu.vector_store %arg8[%parallel_loop3A_565, %parallel_loop3A_566], %parallel_loop3A_569 {strides = array<i32>} : memref<16x2048xf32, #tpu.memory_space<vmem>>, vector<1x16xf32>,
          %parallel_loop3A_570 = arith.constant 15 : i32
          %parallel_loop3A_571 = arith.index_cast %parallel_loop3A_570 : i32 to index
          %parallel_loop3A_572 = arith.index_cast %parallel_loop3A_384 : i32 to index
          %parallel_loop3A_573 = tpu.vector_load %arg8[%parallel_loop3A_571, %parallel_loop3A_572] {strides = array<i32>} : memref<16x2048xf32, #tpu.memory_space<vmem>>, vector<1x16xf32>,
          %parallel_loop3A_574 = vector.shape_cast %parallel_loop3A_573 : vector<1x16xf32> to vector<16xf32>
          %parallel_loop3A_575 = arith.addf %parallel_loop3A_574, %parallel_loop3A_389 : vector<16xf32>
          %parallel_loop3A_576 = arith.constant 15 : i32
          %parallel_loop3A_577 = arith.index_cast %parallel_loop3A_576 : i32 to index
          %parallel_loop3A_578 = arith.index_cast %parallel_loop3A_384 : i32 to index
          %parallel_loop3A_579 = tpu.vector_load %arg8[%parallel_loop3A_577, %parallel_loop3A_578] {strides = array<i32>} : memref<16x2048xf32, #tpu.memory_space<vmem>>, vector<1x16xf32>,
          %parallel_loop3A_580 = vector.shape_cast %parallel_loop3A_579 : vector<1x16xf32> to vector<16xf32>
          %parallel_loop3A_581 = vector.shape_cast %parallel_loop3A_575 : vector<16xf32> to vector<1x16xf32>
          tpu.vector_store %arg8[%parallel_loop3A_577, %parallel_loop3A_578], %parallel_loop3A_581 {strides = array<i32>} : memref<16x2048xf32, #tpu.memory_space<vmem>>, vector<1x16xf32>,
        } {sc.loop_unroll_factor = 8 : i64, sc.parallel_access}
        %mul3A_374 = arith.constant 16 : i32
        %mul3A_375 = arith.muli %scan3A_333, %mul3A_374 : i32
        %add3A_376 = arith.addi %add3A_182, %mul3A_375 : i32
        %dma_start3A_377 = arith.constant 0 : i32
        %dma_start3A_378 = tpu.memref_slice %arg6[%add3A_376, %dma_start3A_377] : memref<11264x2048xf32, #tpu.memory_space<hbm>> -> memref<16x2048xf32, #tpu.memory_space<hbm>>
        %dma_start3A_379 = arith.constant 0 : i32
        %dma_start3A_380 = tpu.memref_slice %arg6[%add3A_376, %dma_start3A_379] : memref<11264x2048xf32, #tpu.memory_space<hbm>> -> memref<16x2048xf32, #tpu.memory_space<hbm>>
        tpu.enqueue_dma source(%arg8 : memref<16x2048xf32, #tpu.memory_space<vmem>>) target(%dma_start3A_380 : memref<16x2048xf32, #tpu.memory_space<hbm>>) target_semaphore(%arg16 : memref<!tpu.dma_semaphore, #tpu.memory_space<semaphore_mem>>)
        %cond3A_381 = arith.constant 0 : i32
        scf.yield %cond3A_381 : i32
      }
      %scan3A_354 = arith.constant 0 : i32
      scf.yield %scan3A_354 : i32
    }
    %scan3A_225 = arith.constant 4 : i32
    %add3A_226 = arith.constant 32 : i32
    %add3A_227 = arith.addi %add3A_182, %add3A_226 : i32
    %dma_wait3A_228 = arith.constant 0 : i32
    %dma_wait3A_229 = tpu.memref_slice %arg6[%add3A_227, %dma_wait3A_228] : memref<11264x2048xf32, #tpu.memory_space<hbm>> -> memref<16x2048xf32, #tpu.memory_space<hbm>>
    %dma_wait3A_230 = arith.constant 0 : i32
    %dma_wait3A_231 = tpu.memref_slice %arg6[%add3A_227, %dma_wait3A_230] : memref<11264x2048xf32, #tpu.memory_space<hbm>> -> memref<16x2048xf32, #tpu.memory_space<hbm>>
    tpu.wait_dma2 semaphore(%arg18 : memref<!tpu.dma_semaphore, #tpu.memory_space<semaphore_mem>>) src(%arg10 : memref<16x2048xf32, #tpu.memory_space<vmem>>) dst(%dma_wait3A_231 : memref<16x2048xf32, #tpu.memory_space<hbm>>)
    %add3A_232 = arith.constant 48 : i32
    %add3A_233 = arith.addi %add3A_182, %add3A_232 : i32
    %dma_wait3A_234 = arith.constant 0 : i32
    %dma_wait3A_235 = tpu.memref_slice %arg6[%add3A_233, %dma_wait3A_234] : memref<11264x2048xf32, #tpu.memory_space<hbm>> -> memref<16x2048xf32, #tpu.memory_space<hbm>>
    %dma_wait3A_236 = arith.constant 0 : i32
    %dma_wait3A_237 = tpu.memref_slice %arg6[%add3A_233, %dma_wait3A_236] : memref<11264x2048xf32, #tpu.memory_space<hbm>> -> memref<16x2048xf32, #tpu.memory_space<hbm>>
    tpu.wait_dma2 semaphore(%arg16 : memref<!tpu.dma_semaphore, #tpu.memory_space<semaphore_mem>>) src(%arg8 : memref<16x2048xf32, #tpu.memory_space<vmem>>) dst(%dma_wait3A_237 : memref<16x2048xf32, #tpu.memory_space<hbm>>)
    %mul3A_238 = arith.constant 32 : i32
    %mul3A_239 = arith.muli %add3A, %mul3A_238 : i32
    %jit3A_240 = arith.constant 512 : i32
    %div3A_241 = arith.divsi %mul3A_239, %jit3A_240 : i32
    %sign3A_242 = arith.constant 0 : i32
    %sign3A_243 = arith.cmpi sgt, %mul3A_239, %sign3A_242 : i32
    %sign3A_244 = arith.extui %sign3A_243 : i1 to i32
    %sign3A_245 = arith.constant 0 : i32
    %sign3A_246 = arith.cmpi slt, %mul3A_239, %sign3A_245 : i32
    %sign3A_247 = arith.extui %sign3A_246 : i1 to i32
    %sign3A_248 = arith.subi %sign3A_244, %sign3A_247 : i32
    %sign3A_249 = arith.constant 0 : i32
    %sign3A_250 = arith.cmpi sgt, %jit3A_240, %sign3A_249 : i32
    %sign3A_251 = arith.extui %sign3A_250 : i1 to i32
    %sign3A_252 = arith.constant 0 : i32
    %sign3A_253 = arith.cmpi slt, %jit3A_240, %sign3A_252 : i32
    %sign3A_254 = arith.extui %sign3A_253 : i1 to i32
    %sign3A_255 = arith.subi %sign3A_251, %sign3A_254 : i32
    %ne3A_256 = arith.cmpi ne, %sign3A_248, %sign3A_255 : i32
    %rem3A_257 = arith.remsi %mul3A_239, %jit3A_240 : i32
    %ne3A_258 = arith.constant 0 : i32
    %ne3A_259 = arith.cmpi ne, %rem3A_257, %ne3A_258 : i32
    %and3A_260 = arith.andi %ne3A_256, %ne3A_259 : i1
    %sub3A_261 = arith.constant 1 : i32
    %sub3A_262 = arith.subi %div3A_241, %sub3A_261 : i32
    %select_n3A_263 = arith.select %and3A_260, %sub3A_262, %div3A_241 : i32
    %mul3A_264 = arith.constant 512 : i32
    %mul3A_265 = arith.muli %select_n3A_263, %mul3A_264 : i32
    %sub3A_266 = arith.subi %mul3A_239, %mul3A_265 : i32
    %mul3A_267 = arith.constant 5632 : i32
    %mul3A_268 = arith.muli %select_n3A_263, %mul3A_267 : i32
    %add3A_269 = arith.constant 5120 : i32
    %add3A_270 = arith.addi %mul3A_268, %add3A_269 : i32
    %add3A_271 = arith.addi %add3A_270, %sub3A_266 : i32
    %broadcast_in_dim3A_272 = arith.constant 2 : i32
    %broadcast_in_dim3A_273 = vector.broadcast %broadcast_in_dim3A_272 : i32 to vector<16xi32>
    %swap3A_274 = arith.constant 320 : index
    %swap3A_275 = tpu.vector_load %arg12[%swap3A_274] {strides = array<i32>} : memref<352xi32, #tpu.memory_space<vmem>>, vector<16xi32>,
    %swap3A_276 = vector.shape_cast %swap3A_275 : vector<16xi32> to vector<16xi32>
    %swap3A_277 = vector.shape_cast %broadcast_in_dim3A_273 : vector<16xi32> to vector<16xi32>
    tpu.vector_store %arg12[%swap3A_274], %swap3A_277 {strides = array<i32>} : memref<352xi32, #tpu.memory_space<vmem>>, vector<16xi32>,
    %broadcast_in_dim3A_278 = arith.constant 2 : i32
    %broadcast_in_dim3A_279 = vector.broadcast %broadcast_in_dim3A_278 : i32 to vector<16xi32>
    %swap3A_280 = arith.constant 336 : index
    %swap3A_281 = tpu.vector_load %arg12[%swap3A_280] {strides = array<i32>} : memref<352xi32, #tpu.memory_space<vmem>>, vector<16xi32>,
    %swap3A_282 = vector.shape_cast %swap3A_281 : vector<16xi32> to vector<16xi32>
    %swap3A_283 = vector.shape_cast %broadcast_in_dim3A_279 : vector<16xi32> to vector<16xi32>
    tpu.vector_store %arg12[%swap3A_280], %swap3A_283 {strides = array<i32>} : memref<352xi32, #tpu.memory_space<vmem>>, vector<16xi32>,
    %dma_start3A_284 = arith.constant 320 : i32
    %dma_start3A_285 = tpu.memref_slice %arg12[%dma_start3A_284] : memref<352xi32, #tpu.memory_space<vmem>> -> memref<32xi32, #tpu.memory_space<vmem>>
    %dma_start3A_286 = tpu.memref_slice %arg7[%add3A_271] : memref<11264xi32, #tpu.memory_space<hbm>> -> memref<32xi32, #tpu.memory_space<hbm>>
    %dma_start3A_287 = tpu.memref_slice %arg7[%add3A_271] : memref<11264xi32, #tpu.memory_space<hbm>> -> memref<32xi32, #tpu.memory_space<hbm>>
    %dma_start3A_288 = arith.constant 320 : i32
    %dma_start3A_289 = tpu.memref_slice %arg12[%dma_start3A_288] : memref<352xi32, #tpu.memory_space<vmem>> -> memref<32xi32, #tpu.memory_space<vmem>>
    tpu.enqueue_dma source(%dma_start3A_289 : memref<32xi32, #tpu.memory_space<vmem>>) target(%dma_start3A_287 : memref<32xi32, #tpu.memory_space<hbm>>) target_semaphore(%arg19 : memref<!tpu.dma_semaphore, #tpu.memory_space<semaphore_mem>>)
    %add3A_290 = arith.constant 0 : i32
    %add3A_291 = arith.addi %mul3A_239, %add3A_290 : i32
    %dma_start3A_292 = arith.constant 0 : i32
    %dma_start3A_293 = tpu.memref_slice %arg4[%add3A_291, %dma_start3A_292] : memref<1024x2048xf32, #tpu.memory_space<hbm>> -> memref<16x2048xf32, #tpu.memory_space<hbm>>
    %dma_start3A_294 = arith.constant 0 : i32
    %dma_start3A_295 = tpu.memref_slice %arg4[%add3A_291, %dma_start3A_294] : memref<1024x2048xf32, #tpu.memory_space<hbm>> -> memref<16x2048xf32, #tpu.memory_space<hbm>>
    tpu.enqueue_dma source(%dma_start3A_295 : memref<16x2048xf32, #tpu.memory_space<hbm>>) target(%arg8 : memref<16x2048xf32, #tpu.memory_space<vmem>>) target_semaphore(%arg13 : memref<!tpu.dma_semaphore, #tpu.memory_space<semaphore_mem>>)
    %scan3A_296 = arith.constant 0 : i32
    %scan3A_297 = arith.constant 0 : i32
    %scan3A_298 = arith.constant 2 : i32
    %scan3A_299 = arith.addi %scan3A_297, %scan3A_298 : i32
    %scan3A_300 = arith.constant 1 : i32
    %scan3A_301 = scf.for %scan3A_333 = %scan3A_297 to %scan3A_299 step %scan3A_300 iter_args(%scan3A_334 = %scan3A_296) -> (i32)  : i32 {
      %jit3A_335 = arith.constant 3 : i32
      %eq3A = arith.constant 0 : i32
      %eq3A_336 = arith.cmpi eq, %jit3A_335, %eq3A : i32
      %jit3A_337 = arith.constant 1 : i32
      %select_n3A_338 = arith.select %eq3A_336, %jit3A_337, %jit3A_335 : i32
      %rem3A_339 = arith.remsi %scan3A_333, %select_n3A_338 : i32
      %ne3A_340 = arith.constant 0 : i32
      %ne3A_341 = arith.cmpi ne, %rem3A_339, %ne3A_340 : i32
      %lt3A = arith.constant 0 : i32
      %lt3A_342 = arith.cmpi slt, %rem3A_339, %lt3A : i32
      %lt3A_343 = arith.constant 0 : i32
      %lt3A_344 = arith.cmpi slt, %select_n3A_338, %lt3A_343 : i32
      %ne3A_345 = arith.xori %lt3A_342, %lt3A_344 : i1
      %and3A_346 = arith.andi %ne3A_345, %ne3A_341 : i1
      %add3A_347 = arith.addi %rem3A_339, %select_n3A_338 : i32
      %select_n3A_348 = arith.select %and3A_346, %add3A_347, %rem3A_339 : i32
      %clamp3A = arith.constant 0 : i32
      %clamp3A_349 = arith.constant 2 : i32
      %clamp3A_350 = arith.maxsi %select_n3A_348, %clamp3A : i32
      %clamp3A_351 = arith.minsi %clamp3A_350, %clamp3A_349 : i32
      %cond3A = arith.constant 0 : i32
      %cond3A_352 = arith.cmpi ne, %clamp3A_351, %cond3A : i32
      %cond3A_353 = scf.if %cond3A_352 -> (i32) {
        %cond3A_355 = arith.constant 1 : i32
        %cond3A_356 = arith.subi %clamp3A_351, %cond3A_355 : i32
        %cond3A_357 = arith.constant 0 : i32
        %cond3A_358 = arith.cmpi ne, %cond3A_356, %cond3A_357 : i32
        %cond3A_359 = scf.if %cond3A_358 -> (i32) {
          %mul3A_360 = arith.constant 16 : i32
          %mul3A_361 = arith.muli %scan3A_333, %mul3A_360 : i32
          %add3A_362 = arith.addi %mul3A_239, %mul3A_361 : i32
          %dma_wait3A_363 = arith.constant 0 : i32
          %dma_wait3A_364 = tpu.memref_slice %arg4[%add3A_362, %dma_wait3A_363] : memref<1024x2048xf32, #tpu.memory_space<hbm>> -> memref<16x2048xf32, #tpu.memory_space<hbm>>
          %dma_wait3A_365 = arith.constant 0 : i32
          %dma_wait3A_366 = tpu.memref_slice %arg4[%add3A_362, %dma_wait3A_365] : memref<1024x2048xf32, #tpu.memory_space<hbm>> -> memref<16x2048xf32, #tpu.memory_space<hbm>>
          tpu.wait_dma2 semaphore(%arg15 : memref<!tpu.dma_semaphore, #tpu.memory_space<semaphore_mem>>) src(%dma_wait3A_366 : memref<16x2048xf32, #tpu.memory_space<hbm>>) dst(%arg10 : memref<16x2048xf32, #tpu.memory_space<vmem>>)
          %ge3A = arith.constant 2 : i32
          %ge3A_367 = arith.cmpi sge, %scan3A_333, %ge3A : i32
          %convert_element_type3A = arith.extui %ge3A_367 : i1 to i32
          %cond3A_368 = arith.constant 0 : i32
          %cond3A_369 = arith.cmpi ne, %convert_element_type3A, %cond3A_368 : i32
          scf.if %cond3A_369 {
            %sub3A_387 = arith.constant 2 : i32
            %sub3A_388 = arith.subi %scan3A_333, %sub3A_387 : i32
            %mul3A_389 = arith.constant 16 : i32
            %mul3A_390 = arith.muli %sub3A_388, %mul3A_389 : i32
            %add3A_391 = arith.addi %add3A_271, %mul3A_390 : i32
            %dma_wait3A_392 = arith.constant 0 : i32
            %dma_wait3A_393 = tpu.memref_slice %arg6[%add3A_391, %dma_wait3A_392] : memref<11264x2048xf32, #tpu.memory_space<hbm>> -> memref<16x2048xf32, #tpu.memory_space<hbm>>
            %dma_wait3A_394 = arith.constant 0 : i32
            %dma_wait3A_395 = tpu.memref_slice %arg6[%add3A_391, %dma_wait3A_394] : memref<11264x2048xf32, #tpu.memory_space<hbm>> -> memref<16x2048xf32, #tpu.memory_space<hbm>>
            tpu.wait_dma2 semaphore(%arg16 : memref<!tpu.dma_semaphore, #tpu.memory_space<semaphore_mem>>) src(%arg8 : memref<16x2048xf32, #tpu.memory_space<vmem>>) dst(%dma_wait3A_395 : memref<16x2048xf32, #tpu.memory_space<hbm>>)
          } else {
          }
          %add3A_370 = arith.constant 1 : i32
          %add3A_371 = arith.addi %scan3A_333, %add3A_370 : i32
          %lt3A_372 = arith.constant 2 : i32
          %lt3A_373 = arith.cmpi slt, %add3A_371, %lt3A_372 : i32
          %convert_element_type3A_374 = arith.extui %lt3A_373 : i1 to i32
          %cond3A_375 = arith.constant 0 : i32
          %cond3A_376 = arith.cmpi ne, %convert_element_type3A_374, %cond3A_375 : i32
          scf.if %cond3A_376 {
            %add3A_387 = arith.constant 1 : i32
            %add3A_388 = arith.addi %scan3A_333, %add3A_387 : i32
            %mul3A_389 = arith.constant 16 : i32
            %mul3A_390 = arith.muli %add3A_388, %mul3A_389 : i32
            %add3A_391 = arith.addi %mul3A_239, %mul3A_390 : i32
            %dma_start3A_392 = arith.constant 0 : i32
            %dma_start3A_393 = tpu.memref_slice %arg4[%add3A_391, %dma_start3A_392] : memref<1024x2048xf32, #tpu.memory_space<hbm>> -> memref<16x2048xf32, #tpu.memory_space<hbm>>
            %dma_start3A_394 = arith.constant 0 : i32
            %dma_start3A_395 = tpu.memref_slice %arg4[%add3A_391, %dma_start3A_394] : memref<1024x2048xf32, #tpu.memory_space<hbm>> -> memref<16x2048xf32, #tpu.memory_space<hbm>>
            tpu.enqueue_dma source(%dma_start3A_395 : memref<16x2048xf32, #tpu.memory_space<hbm>>) target(%arg8 : memref<16x2048xf32, #tpu.memory_space<vmem>>) target_semaphore(%arg13 : memref<!tpu.dma_semaphore, #tpu.memory_space<semaphore_mem>>)
          } else {
          }
          %parallel_loop3A = arith.constant 0 : i32
          %parallel_loop3A_377 = arith.constant 128 : i32
          %parallel_loop3A_378 = arith.constant 1 : i32
          scf.for %parallel_loop3A_387 = %parallel_loop3A to %parallel_loop3A_377 step %parallel_loop3A_378  : i32 {
            %parallel_loop3A_388 = arith.constant 16 : i32
            %parallel_loop3A_389 = arith.muli %parallel_loop3A_387, %parallel_loop3A_388 : i32
            %parallel_loop3A_390 = arith.constant 2 : i32
            %parallel_loop3A_391 = arith.index_cast %parallel_loop3A_390 : i32 to index
            %parallel_loop3A_392 = arith.index_cast %parallel_loop3A_389 : i32 to index
            %parallel_loop3A_393 = tpu.vector_load %arg11[%parallel_loop3A_391, %parallel_loop3A_392] {strides = array<i32>} : memref<3x2048xf32, #tpu.memory_space<vmem>>, vector<1x16xf32>,
            %parallel_loop3A_394 = vector.shape_cast %parallel_loop3A_393 : vector<1x16xf32> to vector<16xf32>
            %parallel_loop3A_395 = arith.constant 0 : i32
            %parallel_loop3A_396 = arith.index_cast %parallel_loop3A_395 : i32 to index
            %parallel_loop3A_397 = arith.index_cast %parallel_loop3A_389 : i32 to index
            %parallel_loop3A_398 = tpu.vector_load %arg10[%parallel_loop3A_396, %parallel_loop3A_397] {strides = array<i32>} : memref<16x2048xf32, #tpu.memory_space<vmem>>, vector<1x16xf32>,
            %parallel_loop3A_399 = vector.shape_cast %parallel_loop3A_398 : vector<1x16xf32> to vector<16xf32>
            %parallel_loop3A_400 = arith.addf %parallel_loop3A_399, %parallel_loop3A_394 : vector<16xf32>
            %parallel_loop3A_401 = arith.constant 0 : i32
            %parallel_loop3A_402 = arith.index_cast %parallel_loop3A_401 : i32 to index
            %parallel_loop3A_403 = arith.index_cast %parallel_loop3A_389 : i32 to index
            %parallel_loop3A_404 = tpu.vector_load %arg10[%parallel_loop3A_402, %parallel_loop3A_403] {strides = array<i32>} : memref<16x2048xf32, #tpu.memory_space<vmem>>, vector<1x16xf32>,
            %parallel_loop3A_405 = vector.shape_cast %parallel_loop3A_404 : vector<1x16xf32> to vector<16xf32>
            %parallel_loop3A_406 = vector.shape_cast %parallel_loop3A_400 : vector<16xf32> to vector<1x16xf32>
            tpu.vector_store %arg10[%parallel_loop3A_402, %parallel_loop3A_403], %parallel_loop3A_406 {strides = array<i32>} : memref<16x2048xf32, #tpu.memory_space<vmem>>, vector<1x16xf32>,
            %parallel_loop3A_407 = arith.constant 1 : i32
            %parallel_loop3A_408 = arith.index_cast %parallel_loop3A_407 : i32 to index
            %parallel_loop3A_409 = arith.index_cast %parallel_loop3A_389 : i32 to index
            %parallel_loop3A_410 = tpu.vector_load %arg10[%parallel_loop3A_408, %parallel_loop3A_409] {strides = array<i32>} : memref<16x2048xf32, #tpu.memory_space<vmem>>, vector<1x16xf32>,
            %parallel_loop3A_411 = vector.shape_cast %parallel_loop3A_410 : vector<1x16xf32> to vector<16xf32>
            %parallel_loop3A_412 = arith.addf %parallel_loop3A_411, %parallel_loop3A_394 : vector<16xf32>
            %parallel_loop3A_413 = arith.constant 1 : i32
            %parallel_loop3A_414 = arith.index_cast %parallel_loop3A_413 : i32 to index
            %parallel_loop3A_415 = arith.index_cast %parallel_loop3A_389 : i32 to index
            %parallel_loop3A_416 = tpu.vector_load %arg10[%parallel_loop3A_414, %parallel_loop3A_415] {strides = array<i32>} : memref<16x2048xf32, #tpu.memory_space<vmem>>, vector<1x16xf32>,
            %parallel_loop3A_417 = vector.shape_cast %parallel_loop3A_416 : vector<1x16xf32> to vector<16xf32>
            %parallel_loop3A_418 = vector.shape_cast %parallel_loop3A_412 : vector<16xf32> to vector<1x16xf32>
            tpu.vector_store %arg10[%parallel_loop3A_414, %parallel_loop3A_415], %parallel_loop3A_418 {strides = array<i32>} : memref<16x2048xf32, #tpu.memory_space<vmem>>, vector<1x16xf32>,
            %parallel_loop3A_419 = arith.constant 2 : i32
            %parallel_loop3A_420 = arith.index_cast %parallel_loop3A_419 : i32 to index
            %parallel_loop3A_421 = arith.index_cast %parallel_loop3A_389 : i32 to index
            %parallel_loop3A_422 = tpu.vector_load %arg10[%parallel_loop3A_420, %parallel_loop3A_421] {strides = array<i32>} : memref<16x2048xf32, #tpu.memory_space<vmem>>, vector<1x16xf32>,
            %parallel_loop3A_423 = vector.shape_cast %parallel_loop3A_422 : vector<1x16xf32> to vector<16xf32>
            %parallel_loop3A_424 = arith.addf %parallel_loop3A_423, %parallel_loop3A_394 : vector<16xf32>
            %parallel_loop3A_425 = arith.constant 2 : i32
            %parallel_loop3A_426 = arith.index_cast %parallel_loop3A_425 : i32 to index
            %parallel_loop3A_427 = arith.index_cast %parallel_loop3A_389 : i32 to index
            %parallel_loop3A_428 = tpu.vector_load %arg10[%parallel_loop3A_426, %parallel_loop3A_427] {strides = array<i32>} : memref<16x2048xf32, #tpu.memory_space<vmem>>, vector<1x16xf32>,
            %parallel_loop3A_429 = vector.shape_cast %parallel_loop3A_428 : vector<1x16xf32> to vector<16xf32>
            %parallel_loop3A_430 = vector.shape_cast %parallel_loop3A_424 : vector<16xf32> to vector<1x16xf32>
            tpu.vector_store %arg10[%parallel_loop3A_426, %parallel_loop3A_427], %parallel_loop3A_430 {strides = array<i32>} : memref<16x2048xf32, #tpu.memory_space<vmem>>, vector<1x16xf32>,
            %parallel_loop3A_431 = arith.constant 3 : i32
            %parallel_loop3A_432 = arith.index_cast %parallel_loop3A_431 : i32 to index
            %parallel_loop3A_433 = arith.index_cast %parallel_loop3A_389 : i32 to index
            %parallel_loop3A_434 = tpu.vector_load %arg10[%parallel_loop3A_432, %parallel_loop3A_433] {strides = array<i32>} : memref<16x2048xf32, #tpu.memory_space<vmem>>, vector<1x16xf32>,
            %parallel_loop3A_435 = vector.shape_cast %parallel_loop3A_434 : vector<1x16xf32> to vector<16xf32>
            %parallel_loop3A_436 = arith.addf %parallel_loop3A_435, %parallel_loop3A_394 : vector<16xf32>
            %parallel_loop3A_437 = arith.constant 3 : i32
            %parallel_loop3A_438 = arith.index_cast %parallel_loop3A_437 : i32 to index
            %parallel_loop3A_439 = arith.index_cast %parallel_loop3A_389 : i32 to index
            %parallel_loop3A_440 = tpu.vector_load %arg10[%parallel_loop3A_438, %parallel_loop3A_439] {strides = array<i32>} : memref<16x2048xf32, #tpu.memory_space<vmem>>, vector<1x16xf32>,
            %parallel_loop3A_441 = vector.shape_cast %parallel_loop3A_440 : vector<1x16xf32> to vector<16xf32>
            %parallel_loop3A_442 = vector.shape_cast %parallel_loop3A_436 : vector<16xf32> to vector<1x16xf32>
            tpu.vector_store %arg10[%parallel_loop3A_438, %parallel_loop3A_439], %parallel_loop3A_442 {strides = array<i32>} : memref<16x2048xf32, #tpu.memory_space<vmem>>, vector<1x16xf32>,
            %parallel_loop3A_443 = arith.constant 4 : i32
            %parallel_loop3A_444 = arith.index_cast %parallel_loop3A_443 : i32 to index
            %parallel_loop3A_445 = arith.index_cast %parallel_loop3A_389 : i32 to index
            %parallel_loop3A_446 = tpu.vector_load %arg10[%parallel_loop3A_444, %parallel_loop3A_445] {strides = array<i32>} : memref<16x2048xf32, #tpu.memory_space<vmem>>, vector<1x16xf32>,
            %parallel_loop3A_447 = vector.shape_cast %parallel_loop3A_446 : vector<1x16xf32> to vector<16xf32>
            %parallel_loop3A_448 = arith.addf %parallel_loop3A_447, %parallel_loop3A_394 : vector<16xf32>
            %parallel_loop3A_449 = arith.constant 4 : i32
            %parallel_loop3A_450 = arith.index_cast %parallel_loop3A_449 : i32 to index
            %parallel_loop3A_451 = arith.index_cast %parallel_loop3A_389 : i32 to index
            %parallel_loop3A_452 = tpu.vector_load %arg10[%parallel_loop3A_450, %parallel_loop3A_451] {strides = array<i32>} : memref<16x2048xf32, #tpu.memory_space<vmem>>, vector<1x16xf32>,
            %parallel_loop3A_453 = vector.shape_cast %parallel_loop3A_452 : vector<1x16xf32> to vector<16xf32>
            %parallel_loop3A_454 = vector.shape_cast %parallel_loop3A_448 : vector<16xf32> to vector<1x16xf32>
            tpu.vector_store %arg10[%parallel_loop3A_450, %parallel_loop3A_451], %parallel_loop3A_454 {strides = array<i32>} : memref<16x2048xf32, #tpu.memory_space<vmem>>, vector<1x16xf32>,
            %parallel_loop3A_455 = arith.constant 5 : i32
            %parallel_loop3A_456 = arith.index_cast %parallel_loop3A_455 : i32 to index
            %parallel_loop3A_457 = arith.index_cast %parallel_loop3A_389 : i32 to index
            %parallel_loop3A_458 = tpu.vector_load %arg10[%parallel_loop3A_456, %parallel_loop3A_457] {strides = array<i32>} : memref<16x2048xf32, #tpu.memory_space<vmem>>, vector<1x16xf32>,
            %parallel_loop3A_459 = vector.shape_cast %parallel_loop3A_458 : vector<1x16xf32> to vector<16xf32>
            %parallel_loop3A_460 = arith.addf %parallel_loop3A_459, %parallel_loop3A_394 : vector<16xf32>
            %parallel_loop3A_461 = arith.constant 5 : i32
            %parallel_loop3A_462 = arith.index_cast %parallel_loop3A_461 : i32 to index
            %parallel_loop3A_463 = arith.index_cast %parallel_loop3A_389 : i32 to index
            %parallel_loop3A_464 = tpu.vector_load %arg10[%parallel_loop3A_462, %parallel_loop3A_463] {strides = array<i32>} : memref<16x2048xf32, #tpu.memory_space<vmem>>, vector<1x16xf32>,
            %parallel_loop3A_465 = vector.shape_cast %parallel_loop3A_464 : vector<1x16xf32> to vector<16xf32>
            %parallel_loop3A_466 = vector.shape_cast %parallel_loop3A_460 : vector<16xf32> to vector<1x16xf32>
            tpu.vector_store %arg10[%parallel_loop3A_462, %parallel_loop3A_463], %parallel_loop3A_466 {strides = array<i32>} : memref<16x2048xf32, #tpu.memory_space<vmem>>, vector<1x16xf32>,
            %parallel_loop3A_467 = arith.constant 6 : i32
            %parallel_loop3A_468 = arith.index_cast %parallel_loop3A_467 : i32 to index
            %parallel_loop3A_469 = arith.index_cast %parallel_loop3A_389 : i32 to index
            %parallel_loop3A_470 = tpu.vector_load %arg10[%parallel_loop3A_468, %parallel_loop3A_469] {strides = array<i32>} : memref<16x2048xf32, #tpu.memory_space<vmem>>, vector<1x16xf32>,
            %parallel_loop3A_471 = vector.shape_cast %parallel_loop3A_470 : vector<1x16xf32> to vector<16xf32>
            %parallel_loop3A_472 = arith.addf %parallel_loop3A_471, %parallel_loop3A_394 : vector<16xf32>
            %parallel_loop3A_473 = arith.constant 6 : i32
            %parallel_loop3A_474 = arith.index_cast %parallel_loop3A_473 : i32 to index
            %parallel_loop3A_475 = arith.index_cast %parallel_loop3A_389 : i32 to index
            %parallel_loop3A_476 = tpu.vector_load %arg10[%parallel_loop3A_474, %parallel_loop3A_475] {strides = array<i32>} : memref<16x2048xf32, #tpu.memory_space<vmem>>, vector<1x16xf32>,
            %parallel_loop3A_477 = vector.shape_cast %parallel_loop3A_476 : vector<1x16xf32> to vector<16xf32>
            %parallel_loop3A_478 = vector.shape_cast %parallel_loop3A_472 : vector<16xf32> to vector<1x16xf32>
            tpu.vector_store %arg10[%parallel_loop3A_474, %parallel_loop3A_475], %parallel_loop3A_478 {strides = array<i32>} : memref<16x2048xf32, #tpu.memory_space<vmem>>, vector<1x16xf32>,
            %parallel_loop3A_479 = arith.constant 7 : i32
            %parallel_loop3A_480 = arith.index_cast %parallel_loop3A_479 : i32 to index
            %parallel_loop3A_481 = arith.index_cast %parallel_loop3A_389 : i32 to index
            %parallel_loop3A_482 = tpu.vector_load %arg10[%parallel_loop3A_480, %parallel_loop3A_481] {strides = array<i32>} : memref<16x2048xf32, #tpu.memory_space<vmem>>, vector<1x16xf32>,
            %parallel_loop3A_483 = vector.shape_cast %parallel_loop3A_482 : vector<1x16xf32> to vector<16xf32>
            %parallel_loop3A_484 = arith.addf %parallel_loop3A_483, %parallel_loop3A_394 : vector<16xf32>
            %parallel_loop3A_485 = arith.constant 7 : i32
            %parallel_loop3A_486 = arith.index_cast %parallel_loop3A_485 : i32 to index
            %parallel_loop3A_487 = arith.index_cast %parallel_loop3A_389 : i32 to index
            %parallel_loop3A_488 = tpu.vector_load %arg10[%parallel_loop3A_486, %parallel_loop3A_487] {strides = array<i32>} : memref<16x2048xf32, #tpu.memory_space<vmem>>, vector<1x16xf32>,
            %parallel_loop3A_489 = vector.shape_cast %parallel_loop3A_488 : vector<1x16xf32> to vector<16xf32>
            %parallel_loop3A_490 = vector.shape_cast %parallel_loop3A_484 : vector<16xf32> to vector<1x16xf32>
            tpu.vector_store %arg10[%parallel_loop3A_486, %parallel_loop3A_487], %parallel_loop3A_490 {strides = array<i32>} : memref<16x2048xf32, #tpu.memory_space<vmem>>, vector<1x16xf32>,
            %parallel_loop3A_491 = arith.constant 8 : i32
            %parallel_loop3A_492 = arith.index_cast %parallel_loop3A_491 : i32 to index
            %parallel_loop3A_493 = arith.index_cast %parallel_loop3A_389 : i32 to index
            %parallel_loop3A_494 = tpu.vector_load %arg10[%parallel_loop3A_492, %parallel_loop3A_493] {strides = array<i32>} : memref<16x2048xf32, #tpu.memory_space<vmem>>, vector<1x16xf32>,
            %parallel_loop3A_495 = vector.shape_cast %parallel_loop3A_494 : vector<1x16xf32> to vector<16xf32>
            %parallel_loop3A_496 = arith.addf %parallel_loop3A_495, %parallel_loop3A_394 : vector<16xf32>
            %parallel_loop3A_497 = arith.constant 8 : i32
            %parallel_loop3A_498 = arith.index_cast %parallel_loop3A_497 : i32 to index
            %parallel_loop3A_499 = arith.index_cast %parallel_loop3A_389 : i32 to index
            %parallel_loop3A_500 = tpu.vector_load %arg10[%parallel_loop3A_498, %parallel_loop3A_499] {strides = array<i32>} : memref<16x2048xf32, #tpu.memory_space<vmem>>, vector<1x16xf32>,
            %parallel_loop3A_501 = vector.shape_cast %parallel_loop3A_500 : vector<1x16xf32> to vector<16xf32>
            %parallel_loop3A_502 = vector.shape_cast %parallel_loop3A_496 : vector<16xf32> to vector<1x16xf32>
            tpu.vector_store %arg10[%parallel_loop3A_498, %parallel_loop3A_499], %parallel_loop3A_502 {strides = array<i32>} : memref<16x2048xf32, #tpu.memory_space<vmem>>, vector<1x16xf32>,
            %parallel_loop3A_503 = arith.constant 9 : i32
            %parallel_loop3A_504 = arith.index_cast %parallel_loop3A_503 : i32 to index
            %parallel_loop3A_505 = arith.index_cast %parallel_loop3A_389 : i32 to index
            %parallel_loop3A_506 = tpu.vector_load %arg10[%parallel_loop3A_504, %parallel_loop3A_505] {strides = array<i32>} : memref<16x2048xf32, #tpu.memory_space<vmem>>, vector<1x16xf32>,
            %parallel_loop3A_507 = vector.shape_cast %parallel_loop3A_506 : vector<1x16xf32> to vector<16xf32>
            %parallel_loop3A_508 = arith.addf %parallel_loop3A_507, %parallel_loop3A_394 : vector<16xf32>
            %parallel_loop3A_509 = arith.constant 9 : i32
            %parallel_loop3A_510 = arith.index_cast %parallel_loop3A_509 : i32 to index
            %parallel_loop3A_511 = arith.index_cast %parallel_loop3A_389 : i32 to index
            %parallel_loop3A_512 = tpu.vector_load %arg10[%parallel_loop3A_510, %parallel_loop3A_511] {strides = array<i32>} : memref<16x2048xf32, #tpu.memory_space<vmem>>, vector<1x16xf32>,
            %parallel_loop3A_513 = vector.shape_cast %parallel_loop3A_512 : vector<1x16xf32> to vector<16xf32>
            %parallel_loop3A_514 = vector.shape_cast %parallel_loop3A_508 : vector<16xf32> to vector<1x16xf32>
            tpu.vector_store %arg10[%parallel_loop3A_510, %parallel_loop3A_511], %parallel_loop3A_514 {strides = array<i32>} : memref<16x2048xf32, #tpu.memory_space<vmem>>, vector<1x16xf32>,
            %parallel_loop3A_515 = arith.constant 10 : i32
            %parallel_loop3A_516 = arith.index_cast %parallel_loop3A_515 : i32 to index
            %parallel_loop3A_517 = arith.index_cast %parallel_loop3A_389 : i32 to index
            %parallel_loop3A_518 = tpu.vector_load %arg10[%parallel_loop3A_516, %parallel_loop3A_517] {strides = array<i32>} : memref<16x2048xf32, #tpu.memory_space<vmem>>, vector<1x16xf32>,
            %parallel_loop3A_519 = vector.shape_cast %parallel_loop3A_518 : vector<1x16xf32> to vector<16xf32>
            %parallel_loop3A_520 = arith.addf %parallel_loop3A_519, %parallel_loop3A_394 : vector<16xf32>
            %parallel_loop3A_521 = arith.constant 10 : i32
            %parallel_loop3A_522 = arith.index_cast %parallel_loop3A_521 : i32 to index
            %parallel_loop3A_523 = arith.index_cast %parallel_loop3A_389 : i32 to index
            %parallel_loop3A_524 = tpu.vector_load %arg10[%parallel_loop3A_522, %parallel_loop3A_523] {strides = array<i32>} : memref<16x2048xf32, #tpu.memory_space<vmem>>, vector<1x16xf32>,
            %parallel_loop3A_525 = vector.shape_cast %parallel_loop3A_524 : vector<1x16xf32> to vector<16xf32>
            %parallel_loop3A_526 = vector.shape_cast %parallel_loop3A_520 : vector<16xf32> to vector<1x16xf32>
            tpu.vector_store %arg10[%parallel_loop3A_522, %parallel_loop3A_523], %parallel_loop3A_526 {strides = array<i32>} : memref<16x2048xf32, #tpu.memory_space<vmem>>, vector<1x16xf32>,
            %parallel_loop3A_527 = arith.constant 11 : i32
            %parallel_loop3A_528 = arith.index_cast %parallel_loop3A_527 : i32 to index
            %parallel_loop3A_529 = arith.index_cast %parallel_loop3A_389 : i32 to index
            %parallel_loop3A_530 = tpu.vector_load %arg10[%parallel_loop3A_528, %parallel_loop3A_529] {strides = array<i32>} : memref<16x2048xf32, #tpu.memory_space<vmem>>, vector<1x16xf32>,
            %parallel_loop3A_531 = vector.shape_cast %parallel_loop3A_530 : vector<1x16xf32> to vector<16xf32>
            %parallel_loop3A_532 = arith.addf %parallel_loop3A_531, %parallel_loop3A_394 : vector<16xf32>
            %parallel_loop3A_533 = arith.constant 11 : i32
            %parallel_loop3A_534 = arith.index_cast %parallel_loop3A_533 : i32 to index
            %parallel_loop3A_535 = arith.index_cast %parallel_loop3A_389 : i32 to index
            %parallel_loop3A_536 = tpu.vector_load %arg10[%parallel_loop3A_534, %parallel_loop3A_535] {strides = array<i32>} : memref<16x2048xf32, #tpu.memory_space<vmem>>, vector<1x16xf32>,
            %parallel_loop3A_537 = vector.shape_cast %parallel_loop3A_536 : vector<1x16xf32> to vector<16xf32>
            %parallel_loop3A_538 = vector.shape_cast %parallel_loop3A_532 : vector<16xf32> to vector<1x16xf32>
            tpu.vector_store %arg10[%parallel_loop3A_534, %parallel_loop3A_535], %parallel_loop3A_538 {strides = array<i32>} : memref<16x2048xf32, #tpu.memory_space<vmem>>, vector<1x16xf32>,
            %parallel_loop3A_539 = arith.constant 12 : i32
            %parallel_loop3A_540 = arith.index_cast %parallel_loop3A_539 : i32 to index
            %parallel_loop3A_541 = arith.index_cast %parallel_loop3A_389 : i32 to index
            %parallel_loop3A_542 = tpu.vector_load %arg10[%parallel_loop3A_540, %parallel_loop3A_541] {strides = array<i32>} : memref<16x2048xf32, #tpu.memory_space<vmem>>, vector<1x16xf32>,
            %parallel_loop3A_543 = vector.shape_cast %parallel_loop3A_542 : vector<1x16xf32> to vector<16xf32>
            %parallel_loop3A_544 = arith.addf %parallel_loop3A_543, %parallel_loop3A_394 : vector<16xf32>
            %parallel_loop3A_545 = arith.constant 12 : i32
            %parallel_loop3A_546 = arith.index_cast %parallel_loop3A_545 : i32 to index
            %parallel_loop3A_547 = arith.index_cast %parallel_loop3A_389 : i32 to index
            %parallel_loop3A_548 = tpu.vector_load %arg10[%parallel_loop3A_546, %parallel_loop3A_547] {strides = array<i32>} : memref<16x2048xf32, #tpu.memory_space<vmem>>, vector<1x16xf32>,
            %parallel_loop3A_549 = vector.shape_cast %parallel_loop3A_548 : vector<1x16xf32> to vector<16xf32>
            %parallel_loop3A_550 = vector.shape_cast %parallel_loop3A_544 : vector<16xf32> to vector<1x16xf32>
            tpu.vector_store %arg10[%parallel_loop3A_546, %parallel_loop3A_547], %parallel_loop3A_550 {strides = array<i32>} : memref<16x2048xf32, #tpu.memory_space<vmem>>, vector<1x16xf32>,
            %parallel_loop3A_551 = arith.constant 13 : i32
            %parallel_loop3A_552 = arith.index_cast %parallel_loop3A_551 : i32 to index
            %parallel_loop3A_553 = arith.index_cast %parallel_loop3A_389 : i32 to index
            %parallel_loop3A_554 = tpu.vector_load %arg10[%parallel_loop3A_552, %parallel_loop3A_553] {strides = array<i32>} : memref<16x2048xf32, #tpu.memory_space<vmem>>, vector<1x16xf32>,
            %parallel_loop3A_555 = vector.shape_cast %parallel_loop3A_554 : vector<1x16xf32> to vector<16xf32>
            %parallel_loop3A_556 = arith.addf %parallel_loop3A_555, %parallel_loop3A_394 : vector<16xf32>
            %parallel_loop3A_557 = arith.constant 13 : i32
            %parallel_loop3A_558 = arith.index_cast %parallel_loop3A_557 : i32 to index
            %parallel_loop3A_559 = arith.index_cast %parallel_loop3A_389 : i32 to index
            %parallel_loop3A_560 = tpu.vector_load %arg10[%parallel_loop3A_558, %parallel_loop3A_559] {strides = array<i32>} : memref<16x2048xf32, #tpu.memory_space<vmem>>, vector<1x16xf32>,
            %parallel_loop3A_561 = vector.shape_cast %parallel_loop3A_560 : vector<1x16xf32> to vector<16xf32>
            %parallel_loop3A_562 = vector.shape_cast %parallel_loop3A_556 : vector<16xf32> to vector<1x16xf32>
            tpu.vector_store %arg10[%parallel_loop3A_558, %parallel_loop3A_559], %parallel_loop3A_562 {strides = array<i32>} : memref<16x2048xf32, #tpu.memory_space<vmem>>, vector<1x16xf32>,
            %parallel_loop3A_563 = arith.constant 14 : i32
            %parallel_loop3A_564 = arith.index_cast %parallel_loop3A_563 : i32 to index
            %parallel_loop3A_565 = arith.index_cast %parallel_loop3A_389 : i32 to index
            %parallel_loop3A_566 = tpu.vector_load %arg10[%parallel_loop3A_564, %parallel_loop3A_565] {strides = array<i32>} : memref<16x2048xf32, #tpu.memory_space<vmem>>, vector<1x16xf32>,
            %parallel_loop3A_567 = vector.shape_cast %parallel_loop3A_566 : vector<1x16xf32> to vector<16xf32>
            %parallel_loop3A_568 = arith.addf %parallel_loop3A_567, %parallel_loop3A_394 : vector<16xf32>
            %parallel_loop3A_569 = arith.constant 14 : i32
            %parallel_loop3A_570 = arith.index_cast %parallel_loop3A_569 : i32 to index
            %parallel_loop3A_571 = arith.index_cast %parallel_loop3A_389 : i32 to index
            %parallel_loop3A_572 = tpu.vector_load %arg10[%parallel_loop3A_570, %parallel_loop3A_571] {strides = array<i32>} : memref<16x2048xf32, #tpu.memory_space<vmem>>, vector<1x16xf32>,
            %parallel_loop3A_573 = vector.shape_cast %parallel_loop3A_572 : vector<1x16xf32> to vector<16xf32>
            %parallel_loop3A_574 = vector.shape_cast %parallel_loop3A_568 : vector<16xf32> to vector<1x16xf32>
            tpu.vector_store %arg10[%parallel_loop3A_570, %parallel_loop3A_571], %parallel_loop3A_574 {strides = array<i32>} : memref<16x2048xf32, #tpu.memory_space<vmem>>, vector<1x16xf32>,
            %parallel_loop3A_575 = arith.constant 15 : i32
            %parallel_loop3A_576 = arith.index_cast %parallel_loop3A_575 : i32 to index
            %parallel_loop3A_577 = arith.index_cast %parallel_loop3A_389 : i32 to index
            %parallel_loop3A_578 = tpu.vector_load %arg10[%parallel_loop3A_576, %parallel_loop3A_577] {strides = array<i32>} : memref<16x2048xf32, #tpu.memory_space<vmem>>, vector<1x16xf32>,
            %parallel_loop3A_579 = vector.shape_cast %parallel_loop3A_578 : vector<1x16xf32> to vector<16xf32>
            %parallel_loop3A_580 = arith.addf %parallel_loop3A_579, %parallel_loop3A_394 : vector<16xf32>
            %parallel_loop3A_581 = arith.constant 15 : i32
            %parallel_loop3A_582 = arith.index_cast %parallel_loop3A_581 : i32 to index
            %parallel_loop3A_583 = arith.index_cast %parallel_loop3A_389 : i32 to index
            %parallel_loop3A_584 = tpu.vector_load %arg10[%parallel_loop3A_582, %parallel_loop3A_583] {strides = array<i32>} : memref<16x2048xf32, #tpu.memory_space<vmem>>, vector<1x16xf32>,
            %parallel_loop3A_585 = vector.shape_cast %parallel_loop3A_584 : vector<1x16xf32> to vector<16xf32>
            %parallel_loop3A_586 = vector.shape_cast %parallel_loop3A_580 : vector<16xf32> to vector<1x16xf32>
            tpu.vector_store %arg10[%parallel_loop3A_582, %parallel_loop3A_583], %parallel_loop3A_586 {strides = array<i32>} : memref<16x2048xf32, #tpu.memory_space<vmem>>, vector<1x16xf32>,
          } {sc.loop_unroll_factor = 8 : i64, sc.parallel_access}
          %mul3A_379 = arith.constant 16 : i32
          %mul3A_380 = arith.muli %scan3A_333, %mul3A_379 : i32
          %add3A_381 = arith.addi %add3A_271, %mul3A_380 : i32
          %dma_start3A_382 = arith.constant 0 : i32
          %dma_start3A_383 = tpu.memref_slice %arg6[%add3A_381, %dma_start3A_382] : memref<11264x2048xf32, #tpu.memory_space<hbm>> -> memref<16x2048xf32, #tpu.memory_space<hbm>>
          %dma_start3A_384 = arith.constant 0 : i32
          %dma_start3A_385 = tpu.memref_slice %arg6[%add3A_381, %dma_start3A_384] : memref<11264x2048xf32, #tpu.memory_space<hbm>> -> memref<16x2048xf32, #tpu.memory_space<hbm>>
          tpu.enqueue_dma source(%arg10 : memref<16x2048xf32, #tpu.memory_space<vmem>>) target(%dma_start3A_385 : memref<16x2048xf32, #tpu.memory_space<hbm>>) target_semaphore(%arg18 : memref<!tpu.dma_semaphore, #tpu.memory_space<semaphore_mem>>)
          %cond3A_386 = arith.constant 0 : i32
          scf.yield %cond3A_386 : i32
        } else {
          %mul3A_360 = arith.constant 16 : i32
          %mul3A_361 = arith.muli %scan3A_333, %mul3A_360 : i32
          %add3A_362 = arith.addi %mul3A_239, %mul3A_361 : i32
          %dma_wait3A_363 = arith.constant 0 : i32
          %dma_wait3A_364 = tpu.memref_slice %arg4[%add3A_362, %dma_wait3A_363] : memref<1024x2048xf32, #tpu.memory_space<hbm>> -> memref<16x2048xf32, #tpu.memory_space<hbm>>
          %dma_wait3A_365 = arith.constant 0 : i32
          %dma_wait3A_366 = tpu.memref_slice %arg4[%add3A_362, %dma_wait3A_365] : memref<1024x2048xf32, #tpu.memory_space<hbm>> -> memref<16x2048xf32, #tpu.memory_space<hbm>>
          tpu.wait_dma2 semaphore(%arg14 : memref<!tpu.dma_semaphore, #tpu.memory_space<semaphore_mem>>) src(%dma_wait3A_366 : memref<16x2048xf32, #tpu.memory_space<hbm>>) dst(%arg9 : memref<16x2048xf32, #tpu.memory_space<vmem>>)
          %ge3A = arith.constant 2 : i32
          %ge3A_367 = arith.cmpi sge, %scan3A_333, %ge3A : i32
          %convert_element_type3A = arith.extui %ge3A_367 : i1 to i32
          %cond3A_368 = arith.constant 0 : i32
          %cond3A_369 = arith.cmpi ne, %convert_element_type3A, %cond3A_368 : i32
          scf.if %cond3A_369 {
            %sub3A_387 = arith.constant 2 : i32
            %sub3A_388 = arith.subi %scan3A_333, %sub3A_387 : i32
            %mul3A_389 = arith.constant 16 : i32
            %mul3A_390 = arith.muli %sub3A_388, %mul3A_389 : i32
            %add3A_391 = arith.addi %add3A_271, %mul3A_390 : i32
            %dma_wait3A_392 = arith.constant 0 : i32
            %dma_wait3A_393 = tpu.memref_slice %arg6[%add3A_391, %dma_wait3A_392] : memref<11264x2048xf32, #tpu.memory_space<hbm>> -> memref<16x2048xf32, #tpu.memory_space<hbm>>
            %dma_wait3A_394 = arith.constant 0 : i32
            %dma_wait3A_395 = tpu.memref_slice %arg6[%add3A_391, %dma_wait3A_394] : memref<11264x2048xf32, #tpu.memory_space<hbm>> -> memref<16x2048xf32, #tpu.memory_space<hbm>>
            tpu.wait_dma2 semaphore(%arg18 : memref<!tpu.dma_semaphore, #tpu.memory_space<semaphore_mem>>) src(%arg10 : memref<16x2048xf32, #tpu.memory_space<vmem>>) dst(%dma_wait3A_395 : memref<16x2048xf32, #tpu.memory_space<hbm>>)
          } else {
          }
          %add3A_370 = arith.constant 1 : i32
          %add3A_371 = arith.addi %scan3A_333, %add3A_370 : i32
          %lt3A_372 = arith.constant 2 : i32
          %lt3A_373 = arith.cmpi slt, %add3A_371, %lt3A_372 : i32
          %convert_element_type3A_374 = arith.extui %lt3A_373 : i1 to i32
          %cond3A_375 = arith.constant 0 : i32
          %cond3A_376 = arith.cmpi ne, %convert_element_type3A_374, %cond3A_375 : i32
          scf.if %cond3A_376 {
            %add3A_387 = arith.constant 1 : i32
            %add3A_388 = arith.addi %scan3A_333, %add3A_387 : i32
            %mul3A_389 = arith.constant 16 : i32
            %mul3A_390 = arith.muli %add3A_388, %mul3A_389 : i32
            %add3A_391 = arith.addi %mul3A_239, %mul3A_390 : i32
            %dma_start3A_392 = arith.constant 0 : i32
            %dma_start3A_393 = tpu.memref_slice %arg4[%add3A_391, %dma_start3A_392] : memref<1024x2048xf32, #tpu.memory_space<hbm>> -> memref<16x2048xf32, #tpu.memory_space<hbm>>
            %dma_start3A_394 = arith.constant 0 : i32
            %dma_start3A_395 = tpu.memref_slice %arg4[%add3A_391, %dma_start3A_394] : memref<1024x2048xf32, #tpu.memory_space<hbm>> -> memref<16x2048xf32, #tpu.memory_space<hbm>>
            tpu.enqueue_dma source(%dma_start3A_395 : memref<16x2048xf32, #tpu.memory_space<hbm>>) target(%arg10 : memref<16x2048xf32, #tpu.memory_space<vmem>>) target_semaphore(%arg15 : memref<!tpu.dma_semaphore, #tpu.memory_space<semaphore_mem>>)
          } else {
          }
          %parallel_loop3A = arith.constant 0 : i32
          %parallel_loop3A_377 = arith.constant 128 : i32
          %parallel_loop3A_378 = arith.constant 1 : i32
          scf.for %parallel_loop3A_387 = %parallel_loop3A to %parallel_loop3A_377 step %parallel_loop3A_378  : i32 {
            %parallel_loop3A_388 = arith.constant 16 : i32
            %parallel_loop3A_389 = arith.muli %parallel_loop3A_387, %parallel_loop3A_388 : i32
            %parallel_loop3A_390 = arith.constant 2 : i32
            %parallel_loop3A_391 = arith.index_cast %parallel_loop3A_390 : i32 to index
            %parallel_loop3A_392 = arith.index_cast %parallel_loop3A_389 : i32 to index
            %parallel_loop3A_393 = tpu.vector_load %arg11[%parallel_loop3A_391, %parallel_loop3A_392] {strides = array<i32>} : memref<3x2048xf32, #tpu.memory_space<vmem>>, vector<1x16xf32>,
            %parallel_loop3A_394 = vector.shape_cast %parallel_loop3A_393 : vector<1x16xf32> to vector<16xf32>
            %parallel_loop3A_395 = arith.constant 0 : i32
            %parallel_loop3A_396 = arith.index_cast %parallel_loop3A_395 : i32 to index
            %parallel_loop3A_397 = arith.index_cast %parallel_loop3A_389 : i32 to index
            %parallel_loop3A_398 = tpu.vector_load %arg9[%parallel_loop3A_396, %parallel_loop3A_397] {strides = array<i32>} : memref<16x2048xf32, #tpu.memory_space<vmem>>, vector<1x16xf32>,
            %parallel_loop3A_399 = vector.shape_cast %parallel_loop3A_398 : vector<1x16xf32> to vector<16xf32>
            %parallel_loop3A_400 = arith.addf %parallel_loop3A_399, %parallel_loop3A_394 : vector<16xf32>
            %parallel_loop3A_401 = arith.constant 0 : i32
            %parallel_loop3A_402 = arith.index_cast %parallel_loop3A_401 : i32 to index
            %parallel_loop3A_403 = arith.index_cast %parallel_loop3A_389 : i32 to index
            %parallel_loop3A_404 = tpu.vector_load %arg9[%parallel_loop3A_402, %parallel_loop3A_403] {strides = array<i32>} : memref<16x2048xf32, #tpu.memory_space<vmem>>, vector<1x16xf32>,
            %parallel_loop3A_405 = vector.shape_cast %parallel_loop3A_404 : vector<1x16xf32> to vector<16xf32>
            %parallel_loop3A_406 = vector.shape_cast %parallel_loop3A_400 : vector<16xf32> to vector<1x16xf32>
            tpu.vector_store %arg9[%parallel_loop3A_402, %parallel_loop3A_403], %parallel_loop3A_406 {strides = array<i32>} : memref<16x2048xf32, #tpu.memory_space<vmem>>, vector<1x16xf32>,
            %parallel_loop3A_407 = arith.constant 1 : i32
            %parallel_loop3A_408 = arith.index_cast %parallel_loop3A_407 : i32 to index
            %parallel_loop3A_409 = arith.index_cast %parallel_loop3A_389 : i32 to index
            %parallel_loop3A_410 = tpu.vector_load %arg9[%parallel_loop3A_408, %parallel_loop3A_409] {strides = array<i32>} : memref<16x2048xf32, #tpu.memory_space<vmem>>, vector<1x16xf32>,
            %parallel_loop3A_411 = vector.shape_cast %parallel_loop3A_410 : vector<1x16xf32> to vector<16xf32>
            %parallel_loop3A_412 = arith.addf %parallel_loop3A_411, %parallel_loop3A_394 : vector<16xf32>
            %parallel_loop3A_413 = arith.constant 1 : i32
            %parallel_loop3A_414 = arith.index_cast %parallel_loop3A_413 : i32 to index
            %parallel_loop3A_415 = arith.index_cast %parallel_loop3A_389 : i32 to index
            %parallel_loop3A_416 = tpu.vector_load %arg9[%parallel_loop3A_414, %parallel_loop3A_415] {strides = array<i32>} : memref<16x2048xf32, #tpu.memory_space<vmem>>, vector<1x16xf32>,
            %parallel_loop3A_417 = vector.shape_cast %parallel_loop3A_416 : vector<1x16xf32> to vector<16xf32>
            %parallel_loop3A_418 = vector.shape_cast %parallel_loop3A_412 : vector<16xf32> to vector<1x16xf32>
            tpu.vector_store %arg9[%parallel_loop3A_414, %parallel_loop3A_415], %parallel_loop3A_418 {strides = array<i32>} : memref<16x2048xf32, #tpu.memory_space<vmem>>, vector<1x16xf32>,
            %parallel_loop3A_419 = arith.constant 2 : i32
            %parallel_loop3A_420 = arith.index_cast %parallel_loop3A_419 : i32 to index
            %parallel_loop3A_421 = arith.index_cast %parallel_loop3A_389 : i32 to index
            %parallel_loop3A_422 = tpu.vector_load %arg9[%parallel_loop3A_420, %parallel_loop3A_421] {strides = array<i32>} : memref<16x2048xf32, #tpu.memory_space<vmem>>, vector<1x16xf32>,
            %parallel_loop3A_423 = vector.shape_cast %parallel_loop3A_422 : vector<1x16xf32> to vector<16xf32>
            %parallel_loop3A_424 = arith.addf %parallel_loop3A_423, %parallel_loop3A_394 : vector<16xf32>
            %parallel_loop3A_425 = arith.constant 2 : i32
            %parallel_loop3A_426 = arith.index_cast %parallel_loop3A_425 : i32 to index
            %parallel_loop3A_427 = arith.index_cast %parallel_loop3A_389 : i32 to index
            %parallel_loop3A_428 = tpu.vector_load %arg9[%parallel_loop3A_426, %parallel_loop3A_427] {strides = array<i32>} : memref<16x2048xf32, #tpu.memory_space<vmem>>, vector<1x16xf32>,
            %parallel_loop3A_429 = vector.shape_cast %parallel_loop3A_428 : vector<1x16xf32> to vector<16xf32>
            %parallel_loop3A_430 = vector.shape_cast %parallel_loop3A_424 : vector<16xf32> to vector<1x16xf32>
            tpu.vector_store %arg9[%parallel_loop3A_426, %parallel_loop3A_427], %parallel_loop3A_430 {strides = array<i32>} : memref<16x2048xf32, #tpu.memory_space<vmem>>, vector<1x16xf32>,
            %parallel_loop3A_431 = arith.constant 3 : i32
            %parallel_loop3A_432 = arith.index_cast %parallel_loop3A_431 : i32 to index
            %parallel_loop3A_433 = arith.index_cast %parallel_loop3A_389 : i32 to index
            %parallel_loop3A_434 = tpu.vector_load %arg9[%parallel_loop3A_432, %parallel_loop3A_433] {strides = array<i32>} : memref<16x2048xf32, #tpu.memory_space<vmem>>, vector<1x16xf32>,
            %parallel_loop3A_435 = vector.shape_cast %parallel_loop3A_434 : vector<1x16xf32> to vector<16xf32>
            %parallel_loop3A_436 = arith.addf %parallel_loop3A_435, %parallel_loop3A_394 : vector<16xf32>
            %parallel_loop3A_437 = arith.constant 3 : i32
            %parallel_loop3A_438 = arith.index_cast %parallel_loop3A_437 : i32 to index
            %parallel_loop3A_439 = arith.index_cast %parallel_loop3A_389 : i32 to index
            %parallel_loop3A_440 = tpu.vector_load %arg9[%parallel_loop3A_438, %parallel_loop3A_439] {strides = array<i32>} : memref<16x2048xf32, #tpu.memory_space<vmem>>, vector<1x16xf32>,
            %parallel_loop3A_441 = vector.shape_cast %parallel_loop3A_440 : vector<1x16xf32> to vector<16xf32>
            %parallel_loop3A_442 = vector.shape_cast %parallel_loop3A_436 : vector<16xf32> to vector<1x16xf32>
            tpu.vector_store %arg9[%parallel_loop3A_438, %parallel_loop3A_439], %parallel_loop3A_442 {strides = array<i32>} : memref<16x2048xf32, #tpu.memory_space<vmem>>, vector<1x16xf32>,
            %parallel_loop3A_443 = arith.constant 4 : i32
            %parallel_loop3A_444 = arith.index_cast %parallel_loop3A_443 : i32 to index
            %parallel_loop3A_445 = arith.index_cast %parallel_loop3A_389 : i32 to index
            %parallel_loop3A_446 = tpu.vector_load %arg9[%parallel_loop3A_444, %parallel_loop3A_445] {strides = array<i32>} : memref<16x2048xf32, #tpu.memory_space<vmem>>, vector<1x16xf32>,
            %parallel_loop3A_447 = vector.shape_cast %parallel_loop3A_446 : vector<1x16xf32> to vector<16xf32>
            %parallel_loop3A_448 = arith.addf %parallel_loop3A_447, %parallel_loop3A_394 : vector<16xf32>
            %parallel_loop3A_449 = arith.constant 4 : i32
            %parallel_loop3A_450 = arith.index_cast %parallel_loop3A_449 : i32 to index
            %parallel_loop3A_451 = arith.index_cast %parallel_loop3A_389 : i32 to index
            %parallel_loop3A_452 = tpu.vector_load %arg9[%parallel_loop3A_450, %parallel_loop3A_451] {strides = array<i32>} : memref<16x2048xf32, #tpu.memory_space<vmem>>, vector<1x16xf32>,
            %parallel_loop3A_453 = vector.shape_cast %parallel_loop3A_452 : vector<1x16xf32> to vector<16xf32>
            %parallel_loop3A_454 = vector.shape_cast %parallel_loop3A_448 : vector<16xf32> to vector<1x16xf32>
            tpu.vector_store %arg9[%parallel_loop3A_450, %parallel_loop3A_451], %parallel_loop3A_454 {strides = array<i32>} : memref<16x2048xf32, #tpu.memory_space<vmem>>, vector<1x16xf32>,
            %parallel_loop3A_455 = arith.constant 5 : i32
            %parallel_loop3A_456 = arith.index_cast %parallel_loop3A_455 : i32 to index
            %parallel_loop3A_457 = arith.index_cast %parallel_loop3A_389 : i32 to index
            %parallel_loop3A_458 = tpu.vector_load %arg9[%parallel_loop3A_456, %parallel_loop3A_457] {strides = array<i32>} : memref<16x2048xf32, #tpu.memory_space<vmem>>, vector<1x16xf32>,
            %parallel_loop3A_459 = vector.shape_cast %parallel_loop3A_458 : vector<1x16xf32> to vector<16xf32>
            %parallel_loop3A_460 = arith.addf %parallel_loop3A_459, %parallel_loop3A_394 : vector<16xf32>
            %parallel_loop3A_461 = arith.constant 5 : i32
            %parallel_loop3A_462 = arith.index_cast %parallel_loop3A_461 : i32 to index
            %parallel_loop3A_463 = arith.index_cast %parallel_loop3A_389 : i32 to index
            %parallel_loop3A_464 = tpu.vector_load %arg9[%parallel_loop3A_462, %parallel_loop3A_463] {strides = array<i32>} : memref<16x2048xf32, #tpu.memory_space<vmem>>, vector<1x16xf32>,
            %parallel_loop3A_465 = vector.shape_cast %parallel_loop3A_464 : vector<1x16xf32> to vector<16xf32>
            %parallel_loop3A_466 = vector.shape_cast %parallel_loop3A_460 : vector<16xf32> to vector<1x16xf32>
            tpu.vector_store %arg9[%parallel_loop3A_462, %parallel_loop3A_463], %parallel_loop3A_466 {strides = array<i32>} : memref<16x2048xf32, #tpu.memory_space<vmem>>, vector<1x16xf32>,
            %parallel_loop3A_467 = arith.constant 6 : i32
            %parallel_loop3A_468 = arith.index_cast %parallel_loop3A_467 : i32 to index
            %parallel_loop3A_469 = arith.index_cast %parallel_loop3A_389 : i32 to index
            %parallel_loop3A_470 = tpu.vector_load %arg9[%parallel_loop3A_468, %parallel_loop3A_469] {strides = array<i32>} : memref<16x2048xf32, #tpu.memory_space<vmem>>, vector<1x16xf32>,
            %parallel_loop3A_471 = vector.shape_cast %parallel_loop3A_470 : vector<1x16xf32> to vector<16xf32>
            %parallel_loop3A_472 = arith.addf %parallel_loop3A_471, %parallel_loop3A_394 : vector<16xf32>
            %parallel_loop3A_473 = arith.constant 6 : i32
            %parallel_loop3A_474 = arith.index_cast %parallel_loop3A_473 : i32 to index
            %parallel_loop3A_475 = arith.index_cast %parallel_loop3A_389 : i32 to index
            %parallel_loop3A_476 = tpu.vector_load %arg9[%parallel_loop3A_474, %parallel_loop3A_475] {strides = array<i32>} : memref<16x2048xf32, #tpu.memory_space<vmem>>, vector<1x16xf32>,
            %parallel_loop3A_477 = vector.shape_cast %parallel_loop3A_476 : vector<1x16xf32> to vector<16xf32>
            %parallel_loop3A_478 = vector.shape_cast %parallel_loop3A_472 : vector<16xf32> to vector<1x16xf32>
            tpu.vector_store %arg9[%parallel_loop3A_474, %parallel_loop3A_475], %parallel_loop3A_478 {strides = array<i32>} : memref<16x2048xf32, #tpu.memory_space<vmem>>, vector<1x16xf32>,
            %parallel_loop3A_479 = arith.constant 7 : i32
            %parallel_loop3A_480 = arith.index_cast %parallel_loop3A_479 : i32 to index
            %parallel_loop3A_481 = arith.index_cast %parallel_loop3A_389 : i32 to index
            %parallel_loop3A_482 = tpu.vector_load %arg9[%parallel_loop3A_480, %parallel_loop3A_481] {strides = array<i32>} : memref<16x2048xf32, #tpu.memory_space<vmem>>, vector<1x16xf32>,
            %parallel_loop3A_483 = vector.shape_cast %parallel_loop3A_482 : vector<1x16xf32> to vector<16xf32>
            %parallel_loop3A_484 = arith.addf %parallel_loop3A_483, %parallel_loop3A_394 : vector<16xf32>
            %parallel_loop3A_485 = arith.constant 7 : i32
            %parallel_loop3A_486 = arith.index_cast %parallel_loop3A_485 : i32 to index
            %parallel_loop3A_487 = arith.index_cast %parallel_loop3A_389 : i32 to index
            %parallel_loop3A_488 = tpu.vector_load %arg9[%parallel_loop3A_486, %parallel_loop3A_487] {strides = array<i32>} : memref<16x2048xf32, #tpu.memory_space<vmem>>, vector<1x16xf32>,
            %parallel_loop3A_489 = vector.shape_cast %parallel_loop3A_488 : vector<1x16xf32> to vector<16xf32>
            %parallel_loop3A_490 = vector.shape_cast %parallel_loop3A_484 : vector<16xf32> to vector<1x16xf32>
            tpu.vector_store %arg9[%parallel_loop3A_486, %parallel_loop3A_487], %parallel_loop3A_490 {strides = array<i32>} : memref<16x2048xf32, #tpu.memory_space<vmem>>, vector<1x16xf32>,
            %parallel_loop3A_491 = arith.constant 8 : i32
            %parallel_loop3A_492 = arith.index_cast %parallel_loop3A_491 : i32 to index
            %parallel_loop3A_493 = arith.index_cast %parallel_loop3A_389 : i32 to index
            %parallel_loop3A_494 = tpu.vector_load %arg9[%parallel_loop3A_492, %parallel_loop3A_493] {strides = array<i32>} : memref<16x2048xf32, #tpu.memory_space<vmem>>, vector<1x16xf32>,
            %parallel_loop3A_495 = vector.shape_cast %parallel_loop3A_494 : vector<1x16xf32> to vector<16xf32>
            %parallel_loop3A_496 = arith.addf %parallel_loop3A_495, %parallel_loop3A_394 : vector<16xf32>
            %parallel_loop3A_497 = arith.constant 8 : i32
            %parallel_loop3A_498 = arith.index_cast %parallel_loop3A_497 : i32 to index
            %parallel_loop3A_499 = arith.index_cast %parallel_loop3A_389 : i32 to index
            %parallel_loop3A_500 = tpu.vector_load %arg9[%parallel_loop3A_498, %parallel_loop3A_499] {strides = array<i32>} : memref<16x2048xf32, #tpu.memory_space<vmem>>, vector<1x16xf32>,
            %parallel_loop3A_501 = vector.shape_cast %parallel_loop3A_500 : vector<1x16xf32> to vector<16xf32>
            %parallel_loop3A_502 = vector.shape_cast %parallel_loop3A_496 : vector<16xf32> to vector<1x16xf32>
            tpu.vector_store %arg9[%parallel_loop3A_498, %parallel_loop3A_499], %parallel_loop3A_502 {strides = array<i32>} : memref<16x2048xf32, #tpu.memory_space<vmem>>, vector<1x16xf32>,
            %parallel_loop3A_503 = arith.constant 9 : i32
            %parallel_loop3A_504 = arith.index_cast %parallel_loop3A_503 : i32 to index
            %parallel_loop3A_505 = arith.index_cast %parallel_loop3A_389 : i32 to index
            %parallel_loop3A_506 = tpu.vector_load %arg9[%parallel_loop3A_504, %parallel_loop3A_505] {strides = array<i32>} : memref<16x2048xf32, #tpu.memory_space<vmem>>, vector<1x16xf32>,
            %parallel_loop3A_507 = vector.shape_cast %parallel_loop3A_506 : vector<1x16xf32> to vector<16xf32>
            %parallel_loop3A_508 = arith.addf %parallel_loop3A_507, %parallel_loop3A_394 : vector<16xf32>
            %parallel_loop3A_509 = arith.constant 9 : i32
            %parallel_loop3A_510 = arith.index_cast %parallel_loop3A_509 : i32 to index
            %parallel_loop3A_511 = arith.index_cast %parallel_loop3A_389 : i32 to index
            %parallel_loop3A_512 = tpu.vector_load %arg9[%parallel_loop3A_510, %parallel_loop3A_511] {strides = array<i32>} : memref<16x2048xf32, #tpu.memory_space<vmem>>, vector<1x16xf32>,
            %parallel_loop3A_513 = vector.shape_cast %parallel_loop3A_512 : vector<1x16xf32> to vector<16xf32>
            %parallel_loop3A_514 = vector.shape_cast %parallel_loop3A_508 : vector<16xf32> to vector<1x16xf32>
            tpu.vector_store %arg9[%parallel_loop3A_510, %parallel_loop3A_511], %parallel_loop3A_514 {strides = array<i32>} : memref<16x2048xf32, #tpu.memory_space<vmem>>, vector<1x16xf32>,
            %parallel_loop3A_515 = arith.constant 10 : i32
            %parallel_loop3A_516 = arith.index_cast %parallel_loop3A_515 : i32 to index
            %parallel_loop3A_517 = arith.index_cast %parallel_loop3A_389 : i32 to index
            %parallel_loop3A_518 = tpu.vector_load %arg9[%parallel_loop3A_516, %parallel_loop3A_517] {strides = array<i32>} : memref<16x2048xf32, #tpu.memory_space<vmem>>, vector<1x16xf32>,
            %parallel_loop3A_519 = vector.shape_cast %parallel_loop3A_518 : vector<1x16xf32> to vector<16xf32>
            %parallel_loop3A_520 = arith.addf %parallel_loop3A_519, %parallel_loop3A_394 : vector<16xf32>
            %parallel_loop3A_521 = arith.constant 10 : i32
            %parallel_loop3A_522 = arith.index_cast %parallel_loop3A_521 : i32 to index
            %parallel_loop3A_523 = arith.index_cast %parallel_loop3A_389 : i32 to index
            %parallel_loop3A_524 = tpu.vector_load %arg9[%parallel_loop3A_522, %parallel_loop3A_523] {strides = array<i32>} : memref<16x2048xf32, #tpu.memory_space<vmem>>, vector<1x16xf32>,
            %parallel_loop3A_525 = vector.shape_cast %parallel_loop3A_524 : vector<1x16xf32> to vector<16xf32>
            %parallel_loop3A_526 = vector.shape_cast %parallel_loop3A_520 : vector<16xf32> to vector<1x16xf32>
            tpu.vector_store %arg9[%parallel_loop3A_522, %parallel_loop3A_523], %parallel_loop3A_526 {strides = array<i32>} : memref<16x2048xf32, #tpu.memory_space<vmem>>, vector<1x16xf32>,
            %parallel_loop3A_527 = arith.constant 11 : i32
            %parallel_loop3A_528 = arith.index_cast %parallel_loop3A_527 : i32 to index
            %parallel_loop3A_529 = arith.index_cast %parallel_loop3A_389 : i32 to index
            %parallel_loop3A_530 = tpu.vector_load %arg9[%parallel_loop3A_528, %parallel_loop3A_529] {strides = array<i32>} : memref<16x2048xf32, #tpu.memory_space<vmem>>, vector<1x16xf32>,
            %parallel_loop3A_531 = vector.shape_cast %parallel_loop3A_530 : vector<1x16xf32> to vector<16xf32>
            %parallel_loop3A_532 = arith.addf %parallel_loop3A_531, %parallel_loop3A_394 : vector<16xf32>
            %parallel_loop3A_533 = arith.constant 11 : i32
            %parallel_loop3A_534 = arith.index_cast %parallel_loop3A_533 : i32 to index
            %parallel_loop3A_535 = arith.index_cast %parallel_loop3A_389 : i32 to index
            %parallel_loop3A_536 = tpu.vector_load %arg9[%parallel_loop3A_534, %parallel_loop3A_535] {strides = array<i32>} : memref<16x2048xf32, #tpu.memory_space<vmem>>, vector<1x16xf32>,
            %parallel_loop3A_537 = vector.shape_cast %parallel_loop3A_536 : vector<1x16xf32> to vector<16xf32>
            %parallel_loop3A_538 = vector.shape_cast %parallel_loop3A_532 : vector<16xf32> to vector<1x16xf32>
            tpu.vector_store %arg9[%parallel_loop3A_534, %parallel_loop3A_535], %parallel_loop3A_538 {strides = array<i32>} : memref<16x2048xf32, #tpu.memory_space<vmem>>, vector<1x16xf32>,
            %parallel_loop3A_539 = arith.constant 12 : i32
            %parallel_loop3A_540 = arith.index_cast %parallel_loop3A_539 : i32 to index
            %parallel_loop3A_541 = arith.index_cast %parallel_loop3A_389 : i32 to index
            %parallel_loop3A_542 = tpu.vector_load %arg9[%parallel_loop3A_540, %parallel_loop3A_541] {strides = array<i32>} : memref<16x2048xf32, #tpu.memory_space<vmem>>, vector<1x16xf32>,
            %parallel_loop3A_543 = vector.shape_cast %parallel_loop3A_542 : vector<1x16xf32> to vector<16xf32>
            %parallel_loop3A_544 = arith.addf %parallel_loop3A_543, %parallel_loop3A_394 : vector<16xf32>
            %parallel_loop3A_545 = arith.constant 12 : i32
            %parallel_loop3A_546 = arith.index_cast %parallel_loop3A_545 : i32 to index
            %parallel_loop3A_547 = arith.index_cast %parallel_loop3A_389 : i32 to index
            %parallel_loop3A_548 = tpu.vector_load %arg9[%parallel_loop3A_546, %parallel_loop3A_547] {strides = array<i32>} : memref<16x2048xf32, #tpu.memory_space<vmem>>, vector<1x16xf32>,
            %parallel_loop3A_549 = vector.shape_cast %parallel_loop3A_548 : vector<1x16xf32> to vector<16xf32>
            %parallel_loop3A_550 = vector.shape_cast %parallel_loop3A_544 : vector<16xf32> to vector<1x16xf32>
            tpu.vector_store %arg9[%parallel_loop3A_546, %parallel_loop3A_547], %parallel_loop3A_550 {strides = array<i32>} : memref<16x2048xf32, #tpu.memory_space<vmem>>, vector<1x16xf32>,
            %parallel_loop3A_551 = arith.constant 13 : i32
            %parallel_loop3A_552 = arith.index_cast %parallel_loop3A_551 : i32 to index
            %parallel_loop3A_553 = arith.index_cast %parallel_loop3A_389 : i32 to index
            %parallel_loop3A_554 = tpu.vector_load %arg9[%parallel_loop3A_552, %parallel_loop3A_553] {strides = array<i32>} : memref<16x2048xf32, #tpu.memory_space<vmem>>, vector<1x16xf32>,
            %parallel_loop3A_555 = vector.shape_cast %parallel_loop3A_554 : vector<1x16xf32> to vector<16xf32>
            %parallel_loop3A_556 = arith.addf %parallel_loop3A_555, %parallel_loop3A_394 : vector<16xf32>
            %parallel_loop3A_557 = arith.constant 13 : i32
            %parallel_loop3A_558 = arith.index_cast %parallel_loop3A_557 : i32 to index
            %parallel_loop3A_559 = arith.index_cast %parallel_loop3A_389 : i32 to index
            %parallel_loop3A_560 = tpu.vector_load %arg9[%parallel_loop3A_558, %parallel_loop3A_559] {strides = array<i32>} : memref<16x2048xf32, #tpu.memory_space<vmem>>, vector<1x16xf32>,
            %parallel_loop3A_561 = vector.shape_cast %parallel_loop3A_560 : vector<1x16xf32> to vector<16xf32>
            %parallel_loop3A_562 = vector.shape_cast %parallel_loop3A_556 : vector<16xf32> to vector<1x16xf32>
            tpu.vector_store %arg9[%parallel_loop3A_558, %parallel_loop3A_559], %parallel_loop3A_562 {strides = array<i32>} : memref<16x2048xf32, #tpu.memory_space<vmem>>, vector<1x16xf32>,
            %parallel_loop3A_563 = arith.constant 14 : i32
            %parallel_loop3A_564 = arith.index_cast %parallel_loop3A_563 : i32 to index
            %parallel_loop3A_565 = arith.index_cast %parallel_loop3A_389 : i32 to index
            %parallel_loop3A_566 = tpu.vector_load %arg9[%parallel_loop3A_564, %parallel_loop3A_565] {strides = array<i32>} : memref<16x2048xf32, #tpu.memory_space<vmem>>, vector<1x16xf32>,
            %parallel_loop3A_567 = vector.shape_cast %parallel_loop3A_566 : vector<1x16xf32> to vector<16xf32>
            %parallel_loop3A_568 = arith.addf %parallel_loop3A_567, %parallel_loop3A_394 : vector<16xf32>
            %parallel_loop3A_569 = arith.constant 14 : i32
            %parallel_loop3A_570 = arith.index_cast %parallel_loop3A_569 : i32 to index
            %parallel_loop3A_571 = arith.index_cast %parallel_loop3A_389 : i32 to index
            %parallel_loop3A_572 = tpu.vector_load %arg9[%parallel_loop3A_570, %parallel_loop3A_571] {strides = array<i32>} : memref<16x2048xf32, #tpu.memory_space<vmem>>, vector<1x16xf32>,
            %parallel_loop3A_573 = vector.shape_cast %parallel_loop3A_572 : vector<1x16xf32> to vector<16xf32>
            %parallel_loop3A_574 = vector.shape_cast %parallel_loop3A_568 : vector<16xf32> to vector<1x16xf32>
            tpu.vector_store %arg9[%parallel_loop3A_570, %parallel_loop3A_571], %parallel_loop3A_574 {strides = array<i32>} : memref<16x2048xf32, #tpu.memory_space<vmem>>, vector<1x16xf32>,
            %parallel_loop3A_575 = arith.constant 15 : i32
            %parallel_loop3A_576 = arith.index_cast %parallel_loop3A_575 : i32 to index
            %parallel_loop3A_577 = arith.index_cast %parallel_loop3A_389 : i32 to index
            %parallel_loop3A_578 = tpu.vector_load %arg9[%parallel_loop3A_576, %parallel_loop3A_577] {strides = array<i32>} : memref<16x2048xf32, #tpu.memory_space<vmem>>, vector<1x16xf32>,
            %parallel_loop3A_579 = vector.shape_cast %parallel_loop3A_578 : vector<1x16xf32> to vector<16xf32>
            %parallel_loop3A_580 = arith.addf %parallel_loop3A_579, %parallel_loop3A_394 : vector<16xf32>
            %parallel_loop3A_581 = arith.constant 15 : i32
            %parallel_loop3A_582 = arith.index_cast %parallel_loop3A_581 : i32 to index
            %parallel_loop3A_583 = arith.index_cast %parallel_loop3A_389 : i32 to index
            %parallel_loop3A_584 = tpu.vector_load %arg9[%parallel_loop3A_582, %parallel_loop3A_583] {strides = array<i32>} : memref<16x2048xf32, #tpu.memory_space<vmem>>, vector<1x16xf32>,
            %parallel_loop3A_585 = vector.shape_cast %parallel_loop3A_584 : vector<1x16xf32> to vector<16xf32>
            %parallel_loop3A_586 = vector.shape_cast %parallel_loop3A_580 : vector<16xf32> to vector<1x16xf32>
            tpu.vector_store %arg9[%parallel_loop3A_582, %parallel_loop3A_583], %parallel_loop3A_586 {strides = array<i32>} : memref<16x2048xf32, #tpu.memory_space<vmem>>, vector<1x16xf32>,
          } {sc.loop_unroll_factor = 8 : i64, sc.parallel_access}
          %mul3A_379 = arith.constant 16 : i32
          %mul3A_380 = arith.muli %scan3A_333, %mul3A_379 : i32
          %add3A_381 = arith.addi %add3A_271, %mul3A_380 : i32
          %dma_start3A_382 = arith.constant 0 : i32
          %dma_start3A_383 = tpu.memref_slice %arg6[%add3A_381, %dma_start3A_382] : memref<11264x2048xf32, #tpu.memory_space<hbm>> -> memref<16x2048xf32, #tpu.memory_space<hbm>>
          %dma_start3A_384 = arith.constant 0 : i32
          %dma_start3A_385 = tpu.memref_slice %arg6[%add3A_381, %dma_start3A_384] : memref<11264x2048xf32, #tpu.memory_space<hbm>> -> memref<16x2048xf32, #tpu.memory_space<hbm>>
          tpu.enqueue_dma source(%arg9 : memref<16x2048xf32, #tpu.memory_space<vmem>>) target(%dma_start3A_385 : memref<16x2048xf32, #tpu.memory_space<hbm>>) target_semaphore(%arg17 : memref<!tpu.dma_semaphore, #tpu.memory_space<semaphore_mem>>)
          %cond3A_386 = arith.constant 0 : i32
          scf.yield %cond3A_386 : i32
        }
        scf.yield %cond3A_359 : i32
      } else {
        %mul3A_355 = arith.constant 16 : i32
        %mul3A_356 = arith.muli %scan3A_333, %mul3A_355 : i32
        %add3A_357 = arith.addi %mul3A_239, %mul3A_356 : i32
        %dma_wait3A_358 = arith.constant 0 : i32
        %dma_wait3A_359 = tpu.memref_slice %arg4[%add3A_357, %dma_wait3A_358] : memref<1024x2048xf32, #tpu.memory_space<hbm>> -> memref<16x2048xf32, #tpu.memory_space<hbm>>
        %dma_wait3A_360 = arith.constant 0 : i32
        %dma_wait3A_361 = tpu.memref_slice %arg4[%add3A_357, %dma_wait3A_360] : memref<1024x2048xf32, #tpu.memory_space<hbm>> -> memref<16x2048xf32, #tpu.memory_space<hbm>>
        tpu.wait_dma2 semaphore(%arg13 : memref<!tpu.dma_semaphore, #tpu.memory_space<semaphore_mem>>) src(%dma_wait3A_361 : memref<16x2048xf32, #tpu.memory_space<hbm>>) dst(%arg8 : memref<16x2048xf32, #tpu.memory_space<vmem>>)
        %ge3A = arith.constant 2 : i32
        %ge3A_362 = arith.cmpi sge, %scan3A_333, %ge3A : i32
        %convert_element_type3A = arith.extui %ge3A_362 : i1 to i32
        %cond3A_363 = arith.constant 0 : i32
        %cond3A_364 = arith.cmpi ne, %convert_element_type3A, %cond3A_363 : i32
        scf.if %cond3A_364 {
          %sub3A_382 = arith.constant 2 : i32
          %sub3A_383 = arith.subi %scan3A_333, %sub3A_382 : i32
          %mul3A_384 = arith.constant 16 : i32
          %mul3A_385 = arith.muli %sub3A_383, %mul3A_384 : i32
          %add3A_386 = arith.addi %add3A_271, %mul3A_385 : i32
          %dma_wait3A_387 = arith.constant 0 : i32
          %dma_wait3A_388 = tpu.memref_slice %arg6[%add3A_386, %dma_wait3A_387] : memref<11264x2048xf32, #tpu.memory_space<hbm>> -> memref<16x2048xf32, #tpu.memory_space<hbm>>
          %dma_wait3A_389 = arith.constant 0 : i32
          %dma_wait3A_390 = tpu.memref_slice %arg6[%add3A_386, %dma_wait3A_389] : memref<11264x2048xf32, #tpu.memory_space<hbm>> -> memref<16x2048xf32, #tpu.memory_space<hbm>>
          tpu.wait_dma2 semaphore(%arg17 : memref<!tpu.dma_semaphore, #tpu.memory_space<semaphore_mem>>) src(%arg9 : memref<16x2048xf32, #tpu.memory_space<vmem>>) dst(%dma_wait3A_390 : memref<16x2048xf32, #tpu.memory_space<hbm>>)
        } else {
        }
        %add3A_365 = arith.constant 1 : i32
        %add3A_366 = arith.addi %scan3A_333, %add3A_365 : i32
        %lt3A_367 = arith.constant 2 : i32
        %lt3A_368 = arith.cmpi slt, %add3A_366, %lt3A_367 : i32
        %convert_element_type3A_369 = arith.extui %lt3A_368 : i1 to i32
        %cond3A_370 = arith.constant 0 : i32
        %cond3A_371 = arith.cmpi ne, %convert_element_type3A_369, %cond3A_370 : i32
        scf.if %cond3A_371 {
          %add3A_382 = arith.constant 1 : i32
          %add3A_383 = arith.addi %scan3A_333, %add3A_382 : i32
          %mul3A_384 = arith.constant 16 : i32
          %mul3A_385 = arith.muli %add3A_383, %mul3A_384 : i32
          %add3A_386 = arith.addi %mul3A_239, %mul3A_385 : i32
          %dma_start3A_387 = arith.constant 0 : i32
          %dma_start3A_388 = tpu.memref_slice %arg4[%add3A_386, %dma_start3A_387] : memref<1024x2048xf32, #tpu.memory_space<hbm>> -> memref<16x2048xf32, #tpu.memory_space<hbm>>
          %dma_start3A_389 = arith.constant 0 : i32
          %dma_start3A_390 = tpu.memref_slice %arg4[%add3A_386, %dma_start3A_389] : memref<1024x2048xf32, #tpu.memory_space<hbm>> -> memref<16x2048xf32, #tpu.memory_space<hbm>>
          tpu.enqueue_dma source(%dma_start3A_390 : memref<16x2048xf32, #tpu.memory_space<hbm>>) target(%arg9 : memref<16x2048xf32, #tpu.memory_space<vmem>>) target_semaphore(%arg14 : memref<!tpu.dma_semaphore, #tpu.memory_space<semaphore_mem>>)
        } else {
        }
        %parallel_loop3A = arith.constant 0 : i32
        %parallel_loop3A_372 = arith.constant 128 : i32
        %parallel_loop3A_373 = arith.constant 1 : i32
        scf.for %parallel_loop3A_382 = %parallel_loop3A to %parallel_loop3A_372 step %parallel_loop3A_373  : i32 {
          %parallel_loop3A_383 = arith.constant 16 : i32
          %parallel_loop3A_384 = arith.muli %parallel_loop3A_382, %parallel_loop3A_383 : i32
          %parallel_loop3A_385 = arith.constant 2 : i32
          %parallel_loop3A_386 = arith.index_cast %parallel_loop3A_385 : i32 to index
          %parallel_loop3A_387 = arith.index_cast %parallel_loop3A_384 : i32 to index
          %parallel_loop3A_388 = tpu.vector_load %arg11[%parallel_loop3A_386, %parallel_loop3A_387] {strides = array<i32>} : memref<3x2048xf32, #tpu.memory_space<vmem>>, vector<1x16xf32>,
          %parallel_loop3A_389 = vector.shape_cast %parallel_loop3A_388 : vector<1x16xf32> to vector<16xf32>
          %parallel_loop3A_390 = arith.constant 0 : i32
          %parallel_loop3A_391 = arith.index_cast %parallel_loop3A_390 : i32 to index
          %parallel_loop3A_392 = arith.index_cast %parallel_loop3A_384 : i32 to index
          %parallel_loop3A_393 = tpu.vector_load %arg8[%parallel_loop3A_391, %parallel_loop3A_392] {strides = array<i32>} : memref<16x2048xf32, #tpu.memory_space<vmem>>, vector<1x16xf32>,
          %parallel_loop3A_394 = vector.shape_cast %parallel_loop3A_393 : vector<1x16xf32> to vector<16xf32>
          %parallel_loop3A_395 = arith.addf %parallel_loop3A_394, %parallel_loop3A_389 : vector<16xf32>
          %parallel_loop3A_396 = arith.constant 0 : i32
          %parallel_loop3A_397 = arith.index_cast %parallel_loop3A_396 : i32 to index
          %parallel_loop3A_398 = arith.index_cast %parallel_loop3A_384 : i32 to index
          %parallel_loop3A_399 = tpu.vector_load %arg8[%parallel_loop3A_397, %parallel_loop3A_398] {strides = array<i32>} : memref<16x2048xf32, #tpu.memory_space<vmem>>, vector<1x16xf32>,
          %parallel_loop3A_400 = vector.shape_cast %parallel_loop3A_399 : vector<1x16xf32> to vector<16xf32>
          %parallel_loop3A_401 = vector.shape_cast %parallel_loop3A_395 : vector<16xf32> to vector<1x16xf32>
          tpu.vector_store %arg8[%parallel_loop3A_397, %parallel_loop3A_398], %parallel_loop3A_401 {strides = array<i32>} : memref<16x2048xf32, #tpu.memory_space<vmem>>, vector<1x16xf32>,
          %parallel_loop3A_402 = arith.constant 1 : i32
          %parallel_loop3A_403 = arith.index_cast %parallel_loop3A_402 : i32 to index
          %parallel_loop3A_404 = arith.index_cast %parallel_loop3A_384 : i32 to index
          %parallel_loop3A_405 = tpu.vector_load %arg8[%parallel_loop3A_403, %parallel_loop3A_404] {strides = array<i32>} : memref<16x2048xf32, #tpu.memory_space<vmem>>, vector<1x16xf32>,
          %parallel_loop3A_406 = vector.shape_cast %parallel_loop3A_405 : vector<1x16xf32> to vector<16xf32>
          %parallel_loop3A_407 = arith.addf %parallel_loop3A_406, %parallel_loop3A_389 : vector<16xf32>
          %parallel_loop3A_408 = arith.constant 1 : i32
          %parallel_loop3A_409 = arith.index_cast %parallel_loop3A_408 : i32 to index
          %parallel_loop3A_410 = arith.index_cast %parallel_loop3A_384 : i32 to index
          %parallel_loop3A_411 = tpu.vector_load %arg8[%parallel_loop3A_409, %parallel_loop3A_410] {strides = array<i32>} : memref<16x2048xf32, #tpu.memory_space<vmem>>, vector<1x16xf32>,
          %parallel_loop3A_412 = vector.shape_cast %parallel_loop3A_411 : vector<1x16xf32> to vector<16xf32>
          %parallel_loop3A_413 = vector.shape_cast %parallel_loop3A_407 : vector<16xf32> to vector<1x16xf32>
          tpu.vector_store %arg8[%parallel_loop3A_409, %parallel_loop3A_410], %parallel_loop3A_413 {strides = array<i32>} : memref<16x2048xf32, #tpu.memory_space<vmem>>, vector<1x16xf32>,
          %parallel_loop3A_414 = arith.constant 2 : i32
          %parallel_loop3A_415 = arith.index_cast %parallel_loop3A_414 : i32 to index
          %parallel_loop3A_416 = arith.index_cast %parallel_loop3A_384 : i32 to index
          %parallel_loop3A_417 = tpu.vector_load %arg8[%parallel_loop3A_415, %parallel_loop3A_416] {strides = array<i32>} : memref<16x2048xf32, #tpu.memory_space<vmem>>, vector<1x16xf32>,
          %parallel_loop3A_418 = vector.shape_cast %parallel_loop3A_417 : vector<1x16xf32> to vector<16xf32>
          %parallel_loop3A_419 = arith.addf %parallel_loop3A_418, %parallel_loop3A_389 : vector<16xf32>
          %parallel_loop3A_420 = arith.constant 2 : i32
          %parallel_loop3A_421 = arith.index_cast %parallel_loop3A_420 : i32 to index
          %parallel_loop3A_422 = arith.index_cast %parallel_loop3A_384 : i32 to index
          %parallel_loop3A_423 = tpu.vector_load %arg8[%parallel_loop3A_421, %parallel_loop3A_422] {strides = array<i32>} : memref<16x2048xf32, #tpu.memory_space<vmem>>, vector<1x16xf32>,
          %parallel_loop3A_424 = vector.shape_cast %parallel_loop3A_423 : vector<1x16xf32> to vector<16xf32>
          %parallel_loop3A_425 = vector.shape_cast %parallel_loop3A_419 : vector<16xf32> to vector<1x16xf32>
          tpu.vector_store %arg8[%parallel_loop3A_421, %parallel_loop3A_422], %parallel_loop3A_425 {strides = array<i32>} : memref<16x2048xf32, #tpu.memory_space<vmem>>, vector<1x16xf32>,
          %parallel_loop3A_426 = arith.constant 3 : i32
          %parallel_loop3A_427 = arith.index_cast %parallel_loop3A_426 : i32 to index
          %parallel_loop3A_428 = arith.index_cast %parallel_loop3A_384 : i32 to index
          %parallel_loop3A_429 = tpu.vector_load %arg8[%parallel_loop3A_427, %parallel_loop3A_428] {strides = array<i32>} : memref<16x2048xf32, #tpu.memory_space<vmem>>, vector<1x16xf32>,
          %parallel_loop3A_430 = vector.shape_cast %parallel_loop3A_429 : vector<1x16xf32> to vector<16xf32>
          %parallel_loop3A_431 = arith.addf %parallel_loop3A_430, %parallel_loop3A_389 : vector<16xf32>
          %parallel_loop3A_432 = arith.constant 3 : i32
          %parallel_loop3A_433 = arith.index_cast %parallel_loop3A_432 : i32 to index
          %parallel_loop3A_434 = arith.index_cast %parallel_loop3A_384 : i32 to index
          %parallel_loop3A_435 = tpu.vector_load %arg8[%parallel_loop3A_433, %parallel_loop3A_434] {strides = array<i32>} : memref<16x2048xf32, #tpu.memory_space<vmem>>, vector<1x16xf32>,
          %parallel_loop3A_436 = vector.shape_cast %parallel_loop3A_435 : vector<1x16xf32> to vector<16xf32>
          %parallel_loop3A_437 = vector.shape_cast %parallel_loop3A_431 : vector<16xf32> to vector<1x16xf32>
          tpu.vector_store %arg8[%parallel_loop3A_433, %parallel_loop3A_434], %parallel_loop3A_437 {strides = array<i32>} : memref<16x2048xf32, #tpu.memory_space<vmem>>, vector<1x16xf32>,
          %parallel_loop3A_438 = arith.constant 4 : i32
          %parallel_loop3A_439 = arith.index_cast %parallel_loop3A_438 : i32 to index
          %parallel_loop3A_440 = arith.index_cast %parallel_loop3A_384 : i32 to index
          %parallel_loop3A_441 = tpu.vector_load %arg8[%parallel_loop3A_439, %parallel_loop3A_440] {strides = array<i32>} : memref<16x2048xf32, #tpu.memory_space<vmem>>, vector<1x16xf32>,
          %parallel_loop3A_442 = vector.shape_cast %parallel_loop3A_441 : vector<1x16xf32> to vector<16xf32>
          %parallel_loop3A_443 = arith.addf %parallel_loop3A_442, %parallel_loop3A_389 : vector<16xf32>
          %parallel_loop3A_444 = arith.constant 4 : i32
          %parallel_loop3A_445 = arith.index_cast %parallel_loop3A_444 : i32 to index
          %parallel_loop3A_446 = arith.index_cast %parallel_loop3A_384 : i32 to index
          %parallel_loop3A_447 = tpu.vector_load %arg8[%parallel_loop3A_445, %parallel_loop3A_446] {strides = array<i32>} : memref<16x2048xf32, #tpu.memory_space<vmem>>, vector<1x16xf32>,
          %parallel_loop3A_448 = vector.shape_cast %parallel_loop3A_447 : vector<1x16xf32> to vector<16xf32>
          %parallel_loop3A_449 = vector.shape_cast %parallel_loop3A_443 : vector<16xf32> to vector<1x16xf32>
          tpu.vector_store %arg8[%parallel_loop3A_445, %parallel_loop3A_446], %parallel_loop3A_449 {strides = array<i32>} : memref<16x2048xf32, #tpu.memory_space<vmem>>, vector<1x16xf32>,
          %parallel_loop3A_450 = arith.constant 5 : i32
          %parallel_loop3A_451 = arith.index_cast %parallel_loop3A_450 : i32 to index
          %parallel_loop3A_452 = arith.index_cast %parallel_loop3A_384 : i32 to index
          %parallel_loop3A_453 = tpu.vector_load %arg8[%parallel_loop3A_451, %parallel_loop3A_452] {strides = array<i32>} : memref<16x2048xf32, #tpu.memory_space<vmem>>, vector<1x16xf32>,
          %parallel_loop3A_454 = vector.shape_cast %parallel_loop3A_453 : vector<1x16xf32> to vector<16xf32>
          %parallel_loop3A_455 = arith.addf %parallel_loop3A_454, %parallel_loop3A_389 : vector<16xf32>
          %parallel_loop3A_456 = arith.constant 5 : i32
          %parallel_loop3A_457 = arith.index_cast %parallel_loop3A_456 : i32 to index
          %parallel_loop3A_458 = arith.index_cast %parallel_loop3A_384 : i32 to index
          %parallel_loop3A_459 = tpu.vector_load %arg8[%parallel_loop3A_457, %parallel_loop3A_458] {strides = array<i32>} : memref<16x2048xf32, #tpu.memory_space<vmem>>, vector<1x16xf32>,
          %parallel_loop3A_460 = vector.shape_cast %parallel_loop3A_459 : vector<1x16xf32> to vector<16xf32>
          %parallel_loop3A_461 = vector.shape_cast %parallel_loop3A_455 : vector<16xf32> to vector<1x16xf32>
          tpu.vector_store %arg8[%parallel_loop3A_457, %parallel_loop3A_458], %parallel_loop3A_461 {strides = array<i32>} : memref<16x2048xf32, #tpu.memory_space<vmem>>, vector<1x16xf32>,
          %parallel_loop3A_462 = arith.constant 6 : i32
          %parallel_loop3A_463 = arith.index_cast %parallel_loop3A_462 : i32 to index
          %parallel_loop3A_464 = arith.index_cast %parallel_loop3A_384 : i32 to index
          %parallel_loop3A_465 = tpu.vector_load %arg8[%parallel_loop3A_463, %parallel_loop3A_464] {strides = array<i32>} : memref<16x2048xf32, #tpu.memory_space<vmem>>, vector<1x16xf32>,
          %parallel_loop3A_466 = vector.shape_cast %parallel_loop3A_465 : vector<1x16xf32> to vector<16xf32>
          %parallel_loop3A_467 = arith.addf %parallel_loop3A_466, %parallel_loop3A_389 : vector<16xf32>
          %parallel_loop3A_468 = arith.constant 6 : i32
          %parallel_loop3A_469 = arith.index_cast %parallel_loop3A_468 : i32 to index
          %parallel_loop3A_470 = arith.index_cast %parallel_loop3A_384 : i32 to index
          %parallel_loop3A_471 = tpu.vector_load %arg8[%parallel_loop3A_469, %parallel_loop3A_470] {strides = array<i32>} : memref<16x2048xf32, #tpu.memory_space<vmem>>, vector<1x16xf32>,
          %parallel_loop3A_472 = vector.shape_cast %parallel_loop3A_471 : vector<1x16xf32> to vector<16xf32>
          %parallel_loop3A_473 = vector.shape_cast %parallel_loop3A_467 : vector<16xf32> to vector<1x16xf32>
          tpu.vector_store %arg8[%parallel_loop3A_469, %parallel_loop3A_470], %parallel_loop3A_473 {strides = array<i32>} : memref<16x2048xf32, #tpu.memory_space<vmem>>, vector<1x16xf32>,
          %parallel_loop3A_474 = arith.constant 7 : i32
          %parallel_loop3A_475 = arith.index_cast %parallel_loop3A_474 : i32 to index
          %parallel_loop3A_476 = arith.index_cast %parallel_loop3A_384 : i32 to index
          %parallel_loop3A_477 = tpu.vector_load %arg8[%parallel_loop3A_475, %parallel_loop3A_476] {strides = array<i32>} : memref<16x2048xf32, #tpu.memory_space<vmem>>, vector<1x16xf32>,
          %parallel_loop3A_478 = vector.shape_cast %parallel_loop3A_477 : vector<1x16xf32> to vector<16xf32>
          %parallel_loop3A_479 = arith.addf %parallel_loop3A_478, %parallel_loop3A_389 : vector<16xf32>
          %parallel_loop3A_480 = arith.constant 7 : i32
          %parallel_loop3A_481 = arith.index_cast %parallel_loop3A_480 : i32 to index
          %parallel_loop3A_482 = arith.index_cast %parallel_loop3A_384 : i32 to index
          %parallel_loop3A_483 = tpu.vector_load %arg8[%parallel_loop3A_481, %parallel_loop3A_482] {strides = array<i32>} : memref<16x2048xf32, #tpu.memory_space<vmem>>, vector<1x16xf32>,
          %parallel_loop3A_484 = vector.shape_cast %parallel_loop3A_483 : vector<1x16xf32> to vector<16xf32>
          %parallel_loop3A_485 = vector.shape_cast %parallel_loop3A_479 : vector<16xf32> to vector<1x16xf32>
          tpu.vector_store %arg8[%parallel_loop3A_481, %parallel_loop3A_482], %parallel_loop3A_485 {strides = array<i32>} : memref<16x2048xf32, #tpu.memory_space<vmem>>, vector<1x16xf32>,
          %parallel_loop3A_486 = arith.constant 8 : i32
          %parallel_loop3A_487 = arith.index_cast %parallel_loop3A_486 : i32 to index
          %parallel_loop3A_488 = arith.index_cast %parallel_loop3A_384 : i32 to index
          %parallel_loop3A_489 = tpu.vector_load %arg8[%parallel_loop3A_487, %parallel_loop3A_488] {strides = array<i32>} : memref<16x2048xf32, #tpu.memory_space<vmem>>, vector<1x16xf32>,
          %parallel_loop3A_490 = vector.shape_cast %parallel_loop3A_489 : vector<1x16xf32> to vector<16xf32>
          %parallel_loop3A_491 = arith.addf %parallel_loop3A_490, %parallel_loop3A_389 : vector<16xf32>
          %parallel_loop3A_492 = arith.constant 8 : i32
          %parallel_loop3A_493 = arith.index_cast %parallel_loop3A_492 : i32 to index
          %parallel_loop3A_494 = arith.index_cast %parallel_loop3A_384 : i32 to index
          %parallel_loop3A_495 = tpu.vector_load %arg8[%parallel_loop3A_493, %parallel_loop3A_494] {strides = array<i32>} : memref<16x2048xf32, #tpu.memory_space<vmem>>, vector<1x16xf32>,
          %parallel_loop3A_496 = vector.shape_cast %parallel_loop3A_495 : vector<1x16xf32> to vector<16xf32>
          %parallel_loop3A_497 = vector.shape_cast %parallel_loop3A_491 : vector<16xf32> to vector<1x16xf32>
          tpu.vector_store %arg8[%parallel_loop3A_493, %parallel_loop3A_494], %parallel_loop3A_497 {strides = array<i32>} : memref<16x2048xf32, #tpu.memory_space<vmem>>, vector<1x16xf32>,
          %parallel_loop3A_498 = arith.constant 9 : i32
          %parallel_loop3A_499 = arith.index_cast %parallel_loop3A_498 : i32 to index
          %parallel_loop3A_500 = arith.index_cast %parallel_loop3A_384 : i32 to index
          %parallel_loop3A_501 = tpu.vector_load %arg8[%parallel_loop3A_499, %parallel_loop3A_500] {strides = array<i32>} : memref<16x2048xf32, #tpu.memory_space<vmem>>, vector<1x16xf32>,
          %parallel_loop3A_502 = vector.shape_cast %parallel_loop3A_501 : vector<1x16xf32> to vector<16xf32>
          %parallel_loop3A_503 = arith.addf %parallel_loop3A_502, %parallel_loop3A_389 : vector<16xf32>
          %parallel_loop3A_504 = arith.constant 9 : i32
          %parallel_loop3A_505 = arith.index_cast %parallel_loop3A_504 : i32 to index
          %parallel_loop3A_506 = arith.index_cast %parallel_loop3A_384 : i32 to index
          %parallel_loop3A_507 = tpu.vector_load %arg8[%parallel_loop3A_505, %parallel_loop3A_506] {strides = array<i32>} : memref<16x2048xf32, #tpu.memory_space<vmem>>, vector<1x16xf32>,
          %parallel_loop3A_508 = vector.shape_cast %parallel_loop3A_507 : vector<1x16xf32> to vector<16xf32>
          %parallel_loop3A_509 = vector.shape_cast %parallel_loop3A_503 : vector<16xf32> to vector<1x16xf32>
          tpu.vector_store %arg8[%parallel_loop3A_505, %parallel_loop3A_506], %parallel_loop3A_509 {strides = array<i32>} : memref<16x2048xf32, #tpu.memory_space<vmem>>, vector<1x16xf32>,
          %parallel_loop3A_510 = arith.constant 10 : i32
          %parallel_loop3A_511 = arith.index_cast %parallel_loop3A_510 : i32 to index
          %parallel_loop3A_512 = arith.index_cast %parallel_loop3A_384 : i32 to index
          %parallel_loop3A_513 = tpu.vector_load %arg8[%parallel_loop3A_511, %parallel_loop3A_512] {strides = array<i32>} : memref<16x2048xf32, #tpu.memory_space<vmem>>, vector<1x16xf32>,
          %parallel_loop3A_514 = vector.shape_cast %parallel_loop3A_513 : vector<1x16xf32> to vector<16xf32>
          %parallel_loop3A_515 = arith.addf %parallel_loop3A_514, %parallel_loop3A_389 : vector<16xf32>
          %parallel_loop3A_516 = arith.constant 10 : i32
          %parallel_loop3A_517 = arith.index_cast %parallel_loop3A_516 : i32 to index
          %parallel_loop3A_518 = arith.index_cast %parallel_loop3A_384 : i32 to index
          %parallel_loop3A_519 = tpu.vector_load %arg8[%parallel_loop3A_517, %parallel_loop3A_518] {strides = array<i32>} : memref<16x2048xf32, #tpu.memory_space<vmem>>, vector<1x16xf32>,
          %parallel_loop3A_520 = vector.shape_cast %parallel_loop3A_519 : vector<1x16xf32> to vector<16xf32>
          %parallel_loop3A_521 = vector.shape_cast %parallel_loop3A_515 : vector<16xf32> to vector<1x16xf32>
          tpu.vector_store %arg8[%parallel_loop3A_517, %parallel_loop3A_518], %parallel_loop3A_521 {strides = array<i32>} : memref<16x2048xf32, #tpu.memory_space<vmem>>, vector<1x16xf32>,
          %parallel_loop3A_522 = arith.constant 11 : i32
          %parallel_loop3A_523 = arith.index_cast %parallel_loop3A_522 : i32 to index
          %parallel_loop3A_524 = arith.index_cast %parallel_loop3A_384 : i32 to index
          %parallel_loop3A_525 = tpu.vector_load %arg8[%parallel_loop3A_523, %parallel_loop3A_524] {strides = array<i32>} : memref<16x2048xf32, #tpu.memory_space<vmem>>, vector<1x16xf32>,
          %parallel_loop3A_526 = vector.shape_cast %parallel_loop3A_525 : vector<1x16xf32> to vector<16xf32>
          %parallel_loop3A_527 = arith.addf %parallel_loop3A_526, %parallel_loop3A_389 : vector<16xf32>
          %parallel_loop3A_528 = arith.constant 11 : i32
          %parallel_loop3A_529 = arith.index_cast %parallel_loop3A_528 : i32 to index
          %parallel_loop3A_530 = arith.index_cast %parallel_loop3A_384 : i32 to index
          %parallel_loop3A_531 = tpu.vector_load %arg8[%parallel_loop3A_529, %parallel_loop3A_530] {strides = array<i32>} : memref<16x2048xf32, #tpu.memory_space<vmem>>, vector<1x16xf32>,
          %parallel_loop3A_532 = vector.shape_cast %parallel_loop3A_531 : vector<1x16xf32> to vector<16xf32>
          %parallel_loop3A_533 = vector.shape_cast %parallel_loop3A_527 : vector<16xf32> to vector<1x16xf32>
          tpu.vector_store %arg8[%parallel_loop3A_529, %parallel_loop3A_530], %parallel_loop3A_533 {strides = array<i32>} : memref<16x2048xf32, #tpu.memory_space<vmem>>, vector<1x16xf32>,
          %parallel_loop3A_534 = arith.constant 12 : i32
          %parallel_loop3A_535 = arith.index_cast %parallel_loop3A_534 : i32 to index
          %parallel_loop3A_536 = arith.index_cast %parallel_loop3A_384 : i32 to index
          %parallel_loop3A_537 = tpu.vector_load %arg8[%parallel_loop3A_535, %parallel_loop3A_536] {strides = array<i32>} : memref<16x2048xf32, #tpu.memory_space<vmem>>, vector<1x16xf32>,
          %parallel_loop3A_538 = vector.shape_cast %parallel_loop3A_537 : vector<1x16xf32> to vector<16xf32>
          %parallel_loop3A_539 = arith.addf %parallel_loop3A_538, %parallel_loop3A_389 : vector<16xf32>
          %parallel_loop3A_540 = arith.constant 12 : i32
          %parallel_loop3A_541 = arith.index_cast %parallel_loop3A_540 : i32 to index
          %parallel_loop3A_542 = arith.index_cast %parallel_loop3A_384 : i32 to index
          %parallel_loop3A_543 = tpu.vector_load %arg8[%parallel_loop3A_541, %parallel_loop3A_542] {strides = array<i32>} : memref<16x2048xf32, #tpu.memory_space<vmem>>, vector<1x16xf32>,
          %parallel_loop3A_544 = vector.shape_cast %parallel_loop3A_543 : vector<1x16xf32> to vector<16xf32>
          %parallel_loop3A_545 = vector.shape_cast %parallel_loop3A_539 : vector<16xf32> to vector<1x16xf32>
          tpu.vector_store %arg8[%parallel_loop3A_541, %parallel_loop3A_542], %parallel_loop3A_545 {strides = array<i32>} : memref<16x2048xf32, #tpu.memory_space<vmem>>, vector<1x16xf32>,
          %parallel_loop3A_546 = arith.constant 13 : i32
          %parallel_loop3A_547 = arith.index_cast %parallel_loop3A_546 : i32 to index
          %parallel_loop3A_548 = arith.index_cast %parallel_loop3A_384 : i32 to index
          %parallel_loop3A_549 = tpu.vector_load %arg8[%parallel_loop3A_547, %parallel_loop3A_548] {strides = array<i32>} : memref<16x2048xf32, #tpu.memory_space<vmem>>, vector<1x16xf32>,
          %parallel_loop3A_550 = vector.shape_cast %parallel_loop3A_549 : vector<1x16xf32> to vector<16xf32>
          %parallel_loop3A_551 = arith.addf %parallel_loop3A_550, %parallel_loop3A_389 : vector<16xf32>
          %parallel_loop3A_552 = arith.constant 13 : i32
          %parallel_loop3A_553 = arith.index_cast %parallel_loop3A_552 : i32 to index
          %parallel_loop3A_554 = arith.index_cast %parallel_loop3A_384 : i32 to index
          %parallel_loop3A_555 = tpu.vector_load %arg8[%parallel_loop3A_553, %parallel_loop3A_554] {strides = array<i32>} : memref<16x2048xf32, #tpu.memory_space<vmem>>, vector<1x16xf32>,
          %parallel_loop3A_556 = vector.shape_cast %parallel_loop3A_555 : vector<1x16xf32> to vector<16xf32>
          %parallel_loop3A_557 = vector.shape_cast %parallel_loop3A_551 : vector<16xf32> to vector<1x16xf32>
          tpu.vector_store %arg8[%parallel_loop3A_553, %parallel_loop3A_554], %parallel_loop3A_557 {strides = array<i32>} : memref<16x2048xf32, #tpu.memory_space<vmem>>, vector<1x16xf32>,
          %parallel_loop3A_558 = arith.constant 14 : i32
          %parallel_loop3A_559 = arith.index_cast %parallel_loop3A_558 : i32 to index
          %parallel_loop3A_560 = arith.index_cast %parallel_loop3A_384 : i32 to index
          %parallel_loop3A_561 = tpu.vector_load %arg8[%parallel_loop3A_559, %parallel_loop3A_560] {strides = array<i32>} : memref<16x2048xf32, #tpu.memory_space<vmem>>, vector<1x16xf32>,
          %parallel_loop3A_562 = vector.shape_cast %parallel_loop3A_561 : vector<1x16xf32> to vector<16xf32>
          %parallel_loop3A_563 = arith.addf %parallel_loop3A_562, %parallel_loop3A_389 : vector<16xf32>
          %parallel_loop3A_564 = arith.constant 14 : i32
          %parallel_loop3A_565 = arith.index_cast %parallel_loop3A_564 : i32 to index
          %parallel_loop3A_566 = arith.index_cast %parallel_loop3A_384 : i32 to index
          %parallel_loop3A_567 = tpu.vector_load %arg8[%parallel_loop3A_565, %parallel_loop3A_566] {strides = array<i32>} : memref<16x2048xf32, #tpu.memory_space<vmem>>, vector<1x16xf32>,
          %parallel_loop3A_568 = vector.shape_cast %parallel_loop3A_567 : vector<1x16xf32> to vector<16xf32>
          %parallel_loop3A_569 = vector.shape_cast %parallel_loop3A_563 : vector<16xf32> to vector<1x16xf32>
          tpu.vector_store %arg8[%parallel_loop3A_565, %parallel_loop3A_566], %parallel_loop3A_569 {strides = array<i32>} : memref<16x2048xf32, #tpu.memory_space<vmem>>, vector<1x16xf32>,
          %parallel_loop3A_570 = arith.constant 15 : i32
          %parallel_loop3A_571 = arith.index_cast %parallel_loop3A_570 : i32 to index
          %parallel_loop3A_572 = arith.index_cast %parallel_loop3A_384 : i32 to index
          %parallel_loop3A_573 = tpu.vector_load %arg8[%parallel_loop3A_571, %parallel_loop3A_572] {strides = array<i32>} : memref<16x2048xf32, #tpu.memory_space<vmem>>, vector<1x16xf32>,
          %parallel_loop3A_574 = vector.shape_cast %parallel_loop3A_573 : vector<1x16xf32> to vector<16xf32>
          %parallel_loop3A_575 = arith.addf %parallel_loop3A_574, %parallel_loop3A_389 : vector<16xf32>
          %parallel_loop3A_576 = arith.constant 15 : i32
          %parallel_loop3A_577 = arith.index_cast %parallel_loop3A_576 : i32 to index
          %parallel_loop3A_578 = arith.index_cast %parallel_loop3A_384 : i32 to index
          %parallel_loop3A_579 = tpu.vector_load %arg8[%parallel_loop3A_577, %parallel_loop3A_578] {strides = array<i32>} : memref<16x2048xf32, #tpu.memory_space<vmem>>, vector<1x16xf32>,
          %parallel_loop3A_580 = vector.shape_cast %parallel_loop3A_579 : vector<1x16xf32> to vector<16xf32>
          %parallel_loop3A_581 = vector.shape_cast %parallel_loop3A_575 : vector<16xf32> to vector<1x16xf32>
          tpu.vector_store %arg8[%parallel_loop3A_577, %parallel_loop3A_578], %parallel_loop3A_581 {strides = array<i32>} : memref<16x2048xf32, #tpu.memory_space<vmem>>, vector<1x16xf32>,
        } {sc.loop_unroll_factor = 8 : i64, sc.parallel_access}
        %mul3A_374 = arith.constant 16 : i32
        %mul3A_375 = arith.muli %scan3A_333, %mul3A_374 : i32
        %add3A_376 = arith.addi %add3A_271, %mul3A_375 : i32
        %dma_start3A_377 = arith.constant 0 : i32
        %dma_start3A_378 = tpu.memref_slice %arg6[%add3A_376, %dma_start3A_377] : memref<11264x2048xf32, #tpu.memory_space<hbm>> -> memref<16x2048xf32, #tpu.memory_space<hbm>>
        %dma_start3A_379 = arith.constant 0 : i32
        %dma_start3A_380 = tpu.memref_slice %arg6[%add3A_376, %dma_start3A_379] : memref<11264x2048xf32, #tpu.memory_space<hbm>> -> memref<16x2048xf32, #tpu.memory_space<hbm>>
        tpu.enqueue_dma source(%arg8 : memref<16x2048xf32, #tpu.memory_space<vmem>>) target(%dma_start3A_380 : memref<16x2048xf32, #tpu.memory_space<hbm>>) target_semaphore(%arg16 : memref<!tpu.dma_semaphore, #tpu.memory_space<semaphore_mem>>)
        %cond3A_381 = arith.constant 0 : i32
        scf.yield %cond3A_381 : i32
      }
      %scan3A_354 = arith.constant 0 : i32
      scf.yield %scan3A_354 : i32
    }
    %scan3A_302 = arith.constant 2 : i32
    %add3A_303 = arith.constant 0 : i32
    %add3A_304 = arith.addi %add3A_271, %add3A_303 : i32
    %dma_wait3A_305 = arith.constant 0 : i32
    %dma_wait3A_306 = tpu.memref_slice %arg6[%add3A_304, %dma_wait3A_305] : memref<11264x2048xf32, #tpu.memory_space<hbm>> -> memref<16x2048xf32, #tpu.memory_space<hbm>>
    %dma_wait3A_307 = arith.constant 0 : i32
    %dma_wait3A_308 = tpu.memref_slice %arg6[%add3A_304, %dma_wait3A_307] : memref<11264x2048xf32, #tpu.memory_space<hbm>> -> memref<16x2048xf32, #tpu.memory_space<hbm>>
    tpu.wait_dma2 semaphore(%arg16 : memref<!tpu.dma_semaphore, #tpu.memory_space<semaphore_mem>>) src(%arg8 : memref<16x2048xf32, #tpu.memory_space<vmem>>) dst(%dma_wait3A_308 : memref<16x2048xf32, #tpu.memory_space<hbm>>)
    %add3A_309 = arith.constant 16 : i32
    %add3A_310 = arith.addi %add3A_271, %add3A_309 : i32
    %dma_wait3A_311 = arith.constant 0 : i32
    %dma_wait3A_312 = tpu.memref_slice %arg6[%add3A_310, %dma_wait3A_311] : memref<11264x2048xf32, #tpu.memory_space<hbm>> -> memref<16x2048xf32, #tpu.memory_space<hbm>>
    %dma_wait3A_313 = arith.constant 0 : i32
    %dma_wait3A_314 = tpu.memref_slice %arg6[%add3A_310, %dma_wait3A_313] : memref<11264x2048xf32, #tpu.memory_space<hbm>> -> memref<16x2048xf32, #tpu.memory_space<hbm>>
    tpu.wait_dma2 semaphore(%arg17 : memref<!tpu.dma_semaphore, #tpu.memory_space<semaphore_mem>>) src(%arg9 : memref<16x2048xf32, #tpu.memory_space<vmem>>) dst(%dma_wait3A_314 : memref<16x2048xf32, #tpu.memory_space<hbm>>)
    %dma_wait3A_315 = arith.constant 0 : i32
    %dma_wait3A_316 = tpu.memref_slice %arg12[%dma_wait3A_315] : memref<352xi32, #tpu.memory_space<vmem>> -> memref<256xi32, #tpu.memory_space<vmem>>
    %dma_wait3A_317 = tpu.memref_slice %arg7[%add3A_26] : memref<11264xi32, #tpu.memory_space<hbm>> -> memref<256xi32, #tpu.memory_space<hbm>>
    %dma_wait3A_318 = tpu.memref_slice %arg7[%add3A_26] : memref<11264xi32, #tpu.memory_space<hbm>> -> memref<256xi32, #tpu.memory_space<hbm>>
    %dma_wait3A_319 = arith.constant 0 : i32
    %dma_wait3A_320 = tpu.memref_slice %arg12[%dma_wait3A_319] : memref<352xi32, #tpu.memory_space<vmem>> -> memref<256xi32, #tpu.memory_space<vmem>>
    tpu.wait_dma2 semaphore(%arg19 : memref<!tpu.dma_semaphore, #tpu.memory_space<semaphore_mem>>) src(%dma_wait3A_320 : memref<256xi32, #tpu.memory_space<vmem>>) dst(%dma_wait3A_318 : memref<256xi32, #tpu.memory_space<hbm>>)
    %dma_wait3A_321 = arith.constant 256 : i32
    %dma_wait3A_322 = tpu.memref_slice %arg12[%dma_wait3A_321] : memref<352xi32, #tpu.memory_space<vmem>> -> memref<64xi32, #tpu.memory_space<vmem>>
    %dma_wait3A_323 = tpu.memref_slice %arg7[%add3A_182] : memref<11264xi32, #tpu.memory_space<hbm>> -> memref<64xi32, #tpu.memory_space<hbm>>
    %dma_wait3A_324 = tpu.memref_slice %arg7[%add3A_182] : memref<11264xi32, #tpu.memory_space<hbm>> -> memref<64xi32, #tpu.memory_space<hbm>>
    %dma_wait3A_325 = arith.constant 256 : i32
    %dma_wait3A_326 = tpu.memref_slice %arg12[%dma_wait3A_325] : memref<352xi32, #tpu.memory_space<vmem>> -> memref<64xi32, #tpu.memory_space<vmem>>
    tpu.wait_dma2 semaphore(%arg19 : memref<!tpu.dma_semaphore, #tpu.memory_space<semaphore_mem>>) src(%dma_wait3A_326 : memref<64xi32, #tpu.memory_space<vmem>>) dst(%dma_wait3A_324 : memref<64xi32, #tpu.memory_space<hbm>>)
    %dma_wait3A_327 = arith.constant 320 : i32
    %dma_wait3A_328 = tpu.memref_slice %arg12[%dma_wait3A_327] : memref<352xi32, #tpu.memory_space<vmem>> -> memref<32xi32, #tpu.memory_space<vmem>>
    %dma_wait3A_329 = tpu.memref_slice %arg7[%add3A_271] : memref<11264xi32, #tpu.memory_space<hbm>> -> memref<32xi32, #tpu.memory_space<hbm>>
    %dma_wait3A_330 = tpu.memref_slice %arg7[%add3A_271] : memref<11264xi32, #tpu.memory_space<hbm>> -> memref<32xi32, #tpu.memory_space<hbm>>
    %dma_wait3A_331 = arith.constant 320 : i32
    %dma_wait3A_332 = tpu.memref_slice %arg12[%dma_wait3A_331] : memref<352xi32, #tpu.memory_space<vmem>> -> memref<32xi32, #tpu.memory_space<vmem>>
    tpu.wait_dma2 semaphore(%arg19 : memref<!tpu.dma_semaphore, #tpu.memory_space<semaphore_mem>>) src(%dma_wait3A_332 : memref<32xi32, #tpu.memory_space<vmem>>) dst(%dma_wait3A_330 : memref<32xi32, #tpu.memory_space<hbm>>)
    return
  }
}

</mosaic_0001>

<sc_bundles>
// kernel: kernel.3.cloned.1.call-start
scs
__scs_entry_jumppad:
0x0: {  	(pc) =	sbr.rel $0x88, $3  }
0x1: {  	(tag) =	ssettag $0x0;
	lr =	simm.s32 $0x1  }
0x2: {  	[smem:$0x3F9D] =	sst lr;
	_ =	strace $0xD0000000  }
0x3: {  	_ = 	snop  }
0x4: {  	_ = 	snop  }
0x5: {  	_ = 	snop  }
0x6: {  	_ = 	snop  }
0x7: {  	_ = 	snop  }
__scs_overlays_trampoline_lowered:
0x8: {  	[smem:$0x3FAC] =	sst s0  }
0x9: {  	[smem:$0x3FAD] =	sst s1  }
0xa: {  	[smem:$0x3FAE] =	sst s2  }
0xb: {  	[smem:$0x3FAF] =	sst s3  }
0xc: {  	[smem:$0x3FB0] =	sst s4  }
0xd: {  	[smem:$0x3FB1] =	sst s5  }
0xe: {  	[smem:$0x3FB2] =	sst s6  }
0xf: {  	[smem:$0x3FB3] =	sst s7  }
0x10: {  	[smem:$0x3FB4] =	sst s8  }
0x11: {  	[smem:$0x3FB5] =	sst s9;
	s0 =	simm.s32 @!p0 $0x0  }
0x12: {  	s1 =	sld [smem:$0x3F9B];
	s0 =	simm.s32 @p0 $0x1  }
0x13: {  	[smem:$0x3FB6] =	sst s0;
	s0 =	simm.s32 @!p1 $0x0  }
0x14: {  	s2 =	sld [smem:$0x3F9A];
	s0 =	simm.s32 @p1 $0x1  }
0x15: {  	[smem:$0x3FB7] =	sst s0;
	s0 =	simm.s32 @!p2 $0x0  }
0x16: {  	s3 =	sld [smem:$0x3FDB];
	s0 =	simm.s32 @p2 $0x1  }
0x17: {  	s4 =	simm.s32 $0x1BF5;
	[smem:$0x3FB9] =	sst s0  }
0x18: {  	s0 =	sld [smem:$0x3F9C];
	_ =	swait.ge [sflag:s4], $0x0  }
0x19: {  	s7 =	sld [smem:$0x3F9D]  }
0x1a: {  	s8 =	sadd.s32 $0xFFFFE003, lr  }
0x1b: {  	s9 =	sadd.s32 $0xFFFFFEF7, lr;
	s5 =	simm.s32 $0xFFFFFFFF;
	p2 =	slt.u32 s8, $0xFFFFF086  }
0x1c: {  	p1 =	slt.u32 s9, $0xF7A;
	s5 =	simm.s32 @!p2 $0x0  }
0x1d: {  	s5 =	simm.s32 @p1 $0x1;
	p0 =	seq.s32 s7, s2  }
0x1e: {  	s7 =	smul.u32 @!p0 $0xF7A, s2;
	p2 =	seq.s32 @!p0 s5, $0x0  }
0x1f: {  	s9 =	smul.u32 $0xF7A, s1;
	s8 =	simm.s32 @!p0 $0x1BF5;
	p2 =	por !p2, p0  }
0x20: {  	[sflag:s8] =	ssyncset.s32 @!p0 $0xFFFFF086;
	s6 =	sadd.s32 @!p0 s3, s7;
	s7 =	simm.s32 @!p0 $0x108  }
0x21: {  	s3 =	sadd.s32 s3, s9;
	s6 =	sadd.s32 @!p0 $0x88, s6;
	s7 =	simm.s32 @p2 $0x1082  }
0x22: {  	[simem:s7], [sflag:s8] =	dma.local @!p0 [hbm:s6], $0xF7A  }
0x23: {  	s9 =	sor.u32 $0xD0000000, s2;
	s6 =	simm.s32 $0x108;
	_ =	swait.ge @!p0 [sflag:s8], $0x0  }
0x24: {  	s3 =	sadd.s32 $0x88, s3;
	s6 =	simm.s32 @!p1 $0x1082;
	[sflag:s4] =	ssyncset.s32 $0xFFFFF086  }
0x25: {  	[simem:s6], [sflag:s4] =	dma.local [hbm:s3], $0xF7A  }
0x26: {  	[smem:$0x3F9D] =	sst s1;
	(tag) =	ssettag s2;
	_ =	strace s9  }
0x27: {  	s1 =	sld [smem:$0x3FAD]  }
0x28: {  	s2 =	sld [smem:$0x3FAE]  }
0x29: {  	s4 =	sld [smem:$0x3FB0]  }
0x2a: {  	p0 =	seq.s32 s5, $0x0;
	s5 =	sld [smem:$0x3FB1]  }
0x2b: {  	s6 =	sld [smem:$0x3FB2]  }
0x2c: {  	s7 =	sld [smem:$0x3FB3]  }
0x2d: {  	s3 =	simm.s32 $0x108;
	s8 =	sld [smem:$0x3FB4]  }
0x2e: {  	s3 =	simm.s32 @!p0 $0x1082;
	s9 =	sld [smem:$0x3FB5]  }
0x2f: {  	lr =	sadd.s32 s0, s3;
	s0 =	sld [smem:$0x3FAC]  }
0x30: {  	s3 =	sld [smem:$0x3FAF]  }
0x31: {  	[smem:$0x3FB8] =	sst s10  }
0x32: {  	s10 =	sld [smem:$0x3FB6];
	_ =	sdelay $0x3  }
0x33: {  	p0 =	seq.s32 s10, $0x1;
	s10 =	sld [smem:$0x3FB8];
	_ =	sdelay $0x3  }
0x34: {  	[smem:$0x3FB8] =	sst s10  }
0x35: {  	s10 =	sld [smem:$0x3FB7];
	_ =	sdelay $0x3  }
0x36: {  	p1 =	seq.s32 s10, $0x1;
	s10 =	sld [smem:$0x3FB8];
	_ =	sdelay $0x3  }
0x37: {  	[smem:$0x3FB8] =	sst s10  }
0x38: {  	s10 =	sld [smem:$0x3FB9]  }
0x39: {  	_ = 	snop;
	(pc) =	sbr.ind lr, $3  }
0x3a: {  	_ = 	snop  }
0x3b: {  	_ = 	snop  }
0x3c: {  	p2 =	seq.s32 s10, $0x1;
	s10 =	sld [smem:$0x3FB8]  }
0x3d: {  	_ =	shalt  }
0x3e: {  	_ =	shalt  }
0x3f: {  	_ =	shalt  }
0x40: {  	_ =	shalt  }
0x41: {  	_ =	shalt  }
0x42: {  	_ =	shalt  }
0x43: {  	_ =	shalt  }
0x44: {  	_ =	shalt  }
0x45: {  	_ =	shalt  }
0x46: {  	_ =	shalt  }
0x47: {  	_ =	shalt  }
0x48: {  	_ =	shalt  }
0x49: {  	_ =	shalt  }
0x4a: {  	_ =	shalt  }
0x4b: {  	_ =	shalt  }
0x4c: {  	_ =	shalt  }
0x4d: {  	_ =	shalt  }
0x4e: {  	_ =	shalt  }
0x4f: {  	_ =	shalt  }
0x50: {  	_ =	shalt  }
0x51: {  	_ =	shalt  }
0x52: {  	_ =	shalt  }
0x53: {  	_ =	shalt  }
0x54: {  	_ =	shalt  }
0x55: {  	_ =	shalt  }
0x56: {  	_ =	shalt  }
0x57: {  	_ =	shalt  }
0x58: {  	_ =	shalt  }
0x59: {  	_ =	shalt  }
0x5a: {  	_ =	shalt  }
0x5b: {  	_ =	shalt  }
0x5c: {  	_ =	shalt  }
0x5d: {  	_ =	shalt  }
0x5e: {  	_ =	shalt  }
0x5f: {  	_ =	shalt  }
0x60: {  	_ =	shalt  }
0x61: {  	_ =	shalt  }
0x62: {  	_ =	shalt  }
0x63: {  	_ =	shalt  }
0x64: {  	_ =	shalt  }
0x65: {  	_ =	shalt  }
0x66: {  	_ =	shalt  }
0x67: {  	_ =	shalt  }
0x68: {  	_ =	shalt  }
0x69: {  	_ =	shalt  }
0x6a: {  	_ =	shalt  }
0x6b: {  	_ =	shalt  }
0x6c: {  	_ =	shalt  }
0x6d: {  	_ =	shalt  }
0x6e: {  	_ =	shalt  }
0x6f: {  	_ =	shalt  }
0x70: {  	_ =	shalt  }
0x71: {  	_ =	shalt  }
0x72: {  	_ =	shalt  }
0x73: {  	_ =	shalt  }
0x74: {  	_ =	shalt  }
0x75: {  	_ =	shalt  }
0x76: {  	_ =	shalt  }
0x77: {  	_ =	shalt  }
0x78: {  	_ =	shalt  }
0x79: {  	_ =	shalt  }
0x7a: {  	_ =	shalt  }
0x7b: {  	_ =	shalt  }
0x7c: {  	_ =	shalt  }
0x7d: {  	_ =	shalt  }
0x7e: {  	_ =	shalt  }
0x7f: {  	_ =	shalt  }
0x80: {  	_ =	shalt  }
0x81: {  	_ =	shalt  }
0x82: {  	_ =	shalt  }
0x83: {  	_ =	shalt  }
0x84: {  	_ =	shalt  }
0x85: {  	_ =	shalt  }
0x86: {  	_ =	shalt  }
0x87: {  	_ =	shalt  }
.Lfunc_end0:
.L_simem_size_0:
called_computation_lowered:
.L_overlay_start_0:
0x88: {  	s2 =	sld [smem:$0x3FD9]  }
0x89: {  	s3 =	sld [smem:$0x3FFE];
	_ =	sdelay $0x1  }
0x8a: {  	s1 =	srdreg.scid  }
0x8b: {  	s0 =	sand.u32 $0x1, s1  }
0x8c: {  	s14 =	sshll.u32 s0, $0xA;
	s2 =	sadd.s32 s3, s2  }
0x8d: {  	s2 =	sadd.s32 s2, s14  }
0x8e: {  	[smem:$0x3FC4] =	sst s2  }
0x8f: {  	_ = 	snop  }
0x90: {  	s2 =	sld [smem:$0x3FC9]  }
0x91: {  	s15 =	sld [smem:$0x3FD0]  }
0x92: {  	s4 =	sld [smem:$0x3FC8]  }
0x93: {  	s5 =	sld [smem:$0x3FC7]  }
0x94: {  	s7 =	simm.s32 $0xA;
	s8 =	simm.s32 $0x10;
	s6 =	sld [smem:$0x3FC6]  }
0x95: {  	[smem:s8], [sflag:s7] =	dma.local [hbm:s15], $0x1  }
0x96: {  	_ =	swait.eq [sflag:s7], $0x1  }
0x97: {  	[sflag:s7] =	ssyncset.done $0x0  }
0x98: {  	[sflag:s7] =	ssyncadd.s32 $0xFFFFFFFF  }
0x99: {  	s16 =	sld [smem:$0x10];
	(tm) =	ssettm $0x1  }
0x9a: {  	s17 =	sld [smem:$0x3FFB];
	_ =	sdelay $0x3  }
0x9b: {  	_ =	strace s17  }
0x9c: {  	s7 =	sld [smem:$0x3FFC];
	_ =	sdelay $0x3  }
0x9d: {  	_ =	strace s7  }
0x9e: {  	s7 =	sld [smem:$0x3FFD];
	_ =	sdelay $0x3  }
0x9f: {  	_ =	strace s7  }
0xa0: {  	_ =	strace $0x8FFFFFFF  }
0xa1: {  	s18 =	sld [smem:$0x3FDB];
	_ =	sdelay $0x1  }
0xa2: {  	s19 =	simm.s32 $_scs_section_size  }
0xa3: {  	s9 =	simm.s32 $_size__tile_overlayer_lowered;
	s10 =	simm.s32 $_tile_overlayer_lowered  }
0xa4: {  	s22 =	simm.s32 $0x1BFF;
	s21 =	sshll.u32 s10, $0x1;
	s7 =	sadd.s32 s19, s18  }
0xa5: {  	s11 =	simm.s32 $0x0;
	s20 =	sshll.u32 s9, $0x1;
	s9 =	sadd.s32 s21, s7  }
0xa6: {  	[timem:s11], [sflag:s22] =	dma.local [hbm:s9], s20  }
0xa7: {  	_ =	swait.ge [sflag:s22], s20  }
0xa8: {  	s8 =	ssub.s32 $0x0, s20;
	[sflag:s22] =	ssyncset.done $0x0  }
0xa9: {  	[sflag:s22] =	ssyncadd.s32 s8;
	_ =	sdelay $0x1  }
0xaa: {  	s23 =	simm.s32 $0x1B8B  }
0xab: {  	_ =	swait.ge [sflag:s23], $0x1  }
0xac: {  	[sflag:s23] =	ssyncset.done $0x0  }
0xad: {  	s25 =	simm.s32 $0x1B8E;
	s24 =	sld [smem:$0x3FFE];
	[sflag:s23] =	ssyncadd.s32 $0xFFFFFFFF  }
0xae: {  	s26 =	simm.s32 $execute0_lowered;
	[smem:$0x3FD2] =	sst s25  }
0xaf: {  	s9 =	sshll.u32 s26, $0x1;
	_ =	strace $0x80000046;
	[dreg:$0x1] =	wrdreg $0xFFFFFFFF  }
0xb0: {  	s28 =	simm.s32 $_size_execute0_lowered;
	s7 =	sadd.s32 s7, s9;
	[dreg:$0x0] =	wrdreg $0x0  }
0xb1: {  	s9 =	sshll.u32 s28, $0x1;
	[dreg:$0x2] =	wrdreg s7  }
0xb2: {  	[dreg:$0x3] =	wrdreg s9  }
0xb3: {  	[dreg:$0x4] =	wrdreg $0xC0  }
0xb4: {  	_ =	task [dreg:s11], $0x5FFFF  }
0xb5: {  	[dreg:$0x1] =	wrdreg $0xFFFFFFFF  }
0xb6: {  	[dreg:$0x0] =	wrdreg $0x60  }
0xb7: {  	[dreg:$0x2] =	wrdreg s2  }
0xb8: {  	[dreg:$0x3] =	wrdreg s4  }
0xb9: {  	[dreg:$0x4] =	wrdreg s5  }
0xba: {  	[dreg:$0x5] =	wrdreg s6  }
0xbb: {  	[dreg:$0x6] =	wrdreg s16  }
0xbc: {  	[dreg:$0x7] =	wrdreg s24  }
0xbd: {  	[dreg:$0x8] =	wrdreg $0x9  }
0xbe: {  	_ =	task.clear_ibuf [dreg:s11], $0x9FFFF;
	_ =	strace $0x90000046  }
0xbf: {  	s29 =	simm.s32 $0x9;
	_ =	strace $0x80000048  }
0xc0: {  	_ =	swait.ge [sflag:s29], $0x1  }
0xc1: {  	[sflag:s29] =	ssyncadd.s32 $0xFFFFFFFF  }
0xc2: {  	_ =	strace $0x90000048  }
0xc3: {  	_ =	sfence  }
0xc4: {  	s30 =	sld [smem:$0x0];
	_ =	sdelay $0x2  }
0xc5: {  	s31 =	sshll.u32 s1, $0xD;
	s1 =	sshrl.u32 s1, $0x2  }
0xc6: {  	s3 =	sand.u32 $0x4000, s31;
	s1 =	sadd.s32 s1, s30  }
0xc7: {  	s0 =	sor.u32 s3, s0;
	s1 =	sshll.u32 s1, $0x11  }
0xc8: {  	s0 =	sor.u32 s1, s0  }
0xc9: {  	s0 =	sadd.s32 $0x8F2B, s0  }
0xca: {  	[sflag:s0] =	ssyncadd.remote.s32 $0x1  }
0xcb: {  	_ =	sfence.sel $0xFFFF  }
0xcc: {  	[dreg:$0x0] =	wrdreg $0xFFFFFFFF;
	(pc) =	sbr.abs _section_cstart, $3  }
0xcd: {  	[dreg:$0x1] =	wrdreg $0xFFFFFFFF  }
0xce: {  	_ =	task.clear_ibuf [dreg:s11], $0x2FFFF;
	_ =	strace $0x9FFFFFFF  }
0xcf: {  	(tm) =	ssettm $0x7FFFFFFF  }
tec
execute0_lowered:
.L_overlay_start_1:
0x0: {  	(tag) =	ssettag $0x1  }
0x1: {  	s0 =	rddreg [dreg:$0x0]  }
0x2: {  	s1 =	rddreg [dreg:$0x1]  }
0x3: {  	s2 =	rddreg [dreg:$0x2]  }
0x4: {  	s16 =	rddreg [dreg:$0x3]  }
0x5: {  	s3 =	rddreg [dreg:$0x4]  }
0x6: {  	s5 =	rddreg [dreg:$0x5]  }
0x7: {  	s4 =	srdreg.scid;
	s8 =	stileid.u32  }
0x8: {  	s6 =	sand.u32 $0x1, s4;
	s7 =	sshll.u32 s8, $0x1;
	s4 =	simm.s32 $0x0  }
0x9: {  	s9 =	sshrl.u32 s8, $0x3;
	s5 =	sadd.s32 $0x800, s5;
	s28 =	sadd.s32 $0x480, s16  }
0xa: {  	s29 =	sadd.s32 $0x500, s16;
	s30 =	sadd.s32 $0x580, s16;
	s31 =	sadd.s32 $0x600, s16  }
0xb: {  	s10 =	sor.u32 s6, s7;
	s8 =	sshll.u32 s9, $0xC;
	s11 =	smul.u32 $0x1600, s9  }
0xc: {  	[smem:$0x7FF] =	sst s4;
	s6 =	ssub.s32 $0x2, s6;
	s21 =	sshll.u32 s9, $0xA  }
0xd: {  	s9 =	sshll.u32 s9, $0x9;
	s7 =	sshll.u32 s10, $0x8;
	_ =	strace $0x80000047  }
0xe: {  	s17 =	sshrl.u32 s6, $0x1;
	s19 =	sshll.u32 s10, $0x10;
	s20 =	sshll.u32 s10, $0x6  }
0xf: {  	s22 =	sshll.u32 s10, $0x5;
	s13 =	sshll.u32 s10, $0xE;
	s25 =	sshll.u32 s10, $0xD  }
0x10: {  	s10 =	simm.s32 $0x1;
	s7 =	ssub.s32 s7, s8;
	s14 =	ssub.s32 s6, s17  }
0x11: {  	s6 =	sadd.s32 s0, s19;
	s0 =	ssub.s32 s20, s21;
	s19 =	sadd.s32 $0x100, s16  }
0x12: {  	s20 =	sadd.s32 $0x180, s16;
	s21 =	sadd.s32 $0x200, s16;
	[dreg:$0xe] =	wrdreg s19  }
0x13: {  	s8 =	sadd.s32 s11, s7;
	s7 =	sadd.s32 $0x1000, s6;
	[dreg:$0xf] =	wrdreg s20  }
0x14: {  	s0 =	sadd.s32 s0, s11;
	s17 =	smax.u32 s14, $0x1;
	[dreg:$0x10] =	wrdreg s21  }
0x15: {  	s14 =	simm.s32 $0x8000;
	s19 =	simm.s32 $0x7;
	s20 =	simm.s32 $0x10000  }
0x16: {  	s21 =	simm.s32 $0x3;
	s12 =	sshrl.u32 s8, $0x3;
	s8 =	sshll.u32 s8, $0xB  }
0x17: {  	s0 =	sadd.s32 $0x1000, s0;
	[dreg:$0xc] =	wrdreg s17;
	s17 =	simm.s32 $0x2  }
0x18: {  	s18 =	sadd.s32 s5, s12;
	s12 =	ssub.s32 s22, s9;
	s15 =	sshrl.u32 s0, $0x3  }
0x19: {  	s9 =	sadd.s32 s1, s13;
	s13 =	sadd.s32 s2, s25;
	s22 =	sadd.s32 $0x280, s16  }
0x1a: {  	[dreg:$0x7] =	wrdreg s18;
	s23 =	sadd.s32 s12, s11;
	s24 =	sadd.s32 s5, s15  }
0x1b: {  	s11 =	sadd.s32 $0x1000, s9;
	s12 =	sshll.u32 s0, $0xB;
	[dreg:$0x11] =	wrdreg s22  }
0x1c: {  	s15 =	sadd.s32 $0x1000, s13;
	s18 =	sadd.s32 $0x80, s16;
	[dreg:$0x8] =	wrdreg s24  }
0x1d: {  	s22 =	simm.s32 $0x0;
	s1 =	sadd.s32 $0x1400, s23;
	[dreg:$0xa] =	wrdreg s15  }
0x1e: {  	[dreg:$0xd] =	wrdreg s18;
	s23 =	sadd.s32 $0x300, s16;
	s24 =	sadd.s32 $0x380, s16  }
0x1f: {  	s15 =	simm.s32 $0x6;
	s18 =	simm.s32 $0x5;
	[dreg:$0x12] =	wrdreg s23  }
0x20: {  	s26 =	sshll.u32 s1, $0x8;
	s1 =	sshrl.u32 s1, $0x3;
	[dreg:$0x13] =	wrdreg s24  }
0x21: {  	s2 =	sand.u32 $0x1FFFE000, s26;
	s1 =	sadd.s32 s5, s1;
	s25 =	sadd.s32 s26, s3  }
0x22: {  	s26 =	sadd.s32 $0x400, s16;
	s5 =	simm.s32 $0x8;
	[dreg:$0x9] =	wrdreg s1  }
0x23: {  	s0 =	sadd.s32 s3, s2;
	[dreg:$0x15] =	wrdreg s26;
	s1 =	sadd.s32 $0x700, s16  }
0x24: {  	s2 =	sadd.s32 $0x780, s16;
	[dreg:$0xb] =	wrdreg s0;
	s0 =	sadd.s32 $0x1000, s25  }
0x25: {  	v0 =	vimm.s32 $0x0;
	v1 =	vimm.s32 $0x1;
	v2 =	vimm.s32 $0x2;
	[dreg:$0x14] =	wrdreg s0;
	s0 =	sadd.s32 $0x680, s16;
	s16 =	simm.s32 $0x4  }
.LBB2_1:
0x26: {  	s23 =	rddreg [dreg:$0x3];
	s24 =	simm.s32 $0x18000  }
0x27: {  	[tilespmem:s24], [sflag:$0x8] =	stream.linear.gather [hbm4b:s23+s4], $0x180, $0x38;
	[tilespmem:$0x1A180] =	vst v63  }
0x28: {  	s25 =	rddreg [dreg:$0xd];
	s26 =	simm.s32 $0x18200  }
0x29: {  	[tilespmem:s26], [sflag:$0x8] =	stream.linear.gather [hbm4b:s25+s4], $0x180, $0x38;
	[tilespmem:$0x1A180] =	vst v63  }
0x2a: {  	s25 =	rddreg [dreg:$0xe];
	s26 =	simm.s32 $0x18400  }
0x2b: {  	[tilespmem:s26], [sflag:$0x8] =	stream.linear.gather [hbm4b:s25+s4], $0x180, $0x38;
	[tilespmem:$0x1A180] =	vst v63  }
0x2c: {  	s25 =	rddreg [dreg:$0xf];
	s26 =	simm.s32 $0x18600  }
0x2d: {  	[tilespmem:s26], [sflag:$0x8] =	stream.linear.gather [hbm4b:s25+s4], $0x180, $0x38;
	[tilespmem:$0x1A180] =	vst v63  }
0x2e: {  	s25 =	rddreg [dreg:$0x10];
	s26 =	simm.s32 $0x18800  }
0x2f: {  	[tilespmem:s26], [sflag:$0x8] =	stream.linear.gather [hbm4b:s25+s4], $0x180, $0x38;
	[tilespmem:$0x1A180] =	vst v63  }
0x30: {  	s25 =	rddreg [dreg:$0x11];
	s26 =	simm.s32 $0x18A00  }
0x31: {  	[tilespmem:s26], [sflag:$0x8] =	stream.linear.gather [hbm4b:s25+s4], $0x180, $0x38;
	[tilespmem:$0x1A180] =	vst v63  }
0x32: {  	s25 =	rddreg [dreg:$0x12];
	s26 =	simm.s32 $0x18C00  }
0x33: {  	[tilespmem:s26], [sflag:$0x8] =	stream.linear.gather [hbm4b:s25+s4], $0x180, $0x38;
	[tilespmem:$0x1A180] =	vst v63  }
0x34: {  	s25 =	rddreg [dreg:$0x13];
	s26 =	simm.s32 $0x18E00  }
0x35: {  	[tilespmem:s26], [sflag:$0x8] =	stream.linear.gather [hbm4b:s25+s4], $0x180, $0x38;
	[tilespmem:$0x1A180] =	vst v63  }
0x36: {  	s25 =	rddreg [dreg:$0x15];
	s26 =	simm.s32 $0x19000  }
0x37: {  	[tilespmem:s26], [sflag:$0x8] =	stream.linear.gather [hbm4b:s25+s4], $0x180, $0x38;
	[tilespmem:$0x1A180] =	vst v63  }
0x38: {  	s24 =	simm.s32 $0x19200  }
0x39: {  	[tilespmem:s24], [sflag:$0x8] =	stream.linear.gather [hbm4b:s28+s4], $0x180, $0x38;
	[tilespmem:$0x1A180] =	vst v63  }
0x3a: {  	s25 =	simm.s32 $0x19400  }
0x3b: {  	[tilespmem:s25], [sflag:$0x8] =	stream.linear.gather [hbm4b:s29+s4], $0x180, $0x38;
	[tilespmem:$0x1A180] =	vst v63  }
0x3c: {  	s26 =	simm.s32 $0x19600  }
0x3d: {  	[tilespmem:s26], [sflag:$0x8] =	stream.linear.gather [hbm4b:s30+s4], $0x180, $0x38;
	[tilespmem:$0x1A180] =	vst v63  }
0x3e: {  	s24 =	simm.s32 $0x19800  }
0x3f: {  	[tilespmem:s24], [sflag:$0x8] =	stream.linear.gather [hbm4b:s31+s4], $0x180, $0x38;
	[tilespmem:$0x1A180] =	vst v63  }
0x40: {  	s25 =	simm.s32 $0x19A00  }
0x41: {  	[tilespmem:s25], [sflag:$0x8] =	stream.linear.gather [hbm4b:s0+s4], $0x180, $0x38;
	[tilespmem:$0x1A180] =	vst v63  }
0x42: {  	s26 =	simm.s32 $0x19C00  }
0x43: {  	[tilespmem:s26], [sflag:$0x8] =	stream.linear.gather [hbm4b:s1+s4], $0x180, $0x38;
	[tilespmem:$0x1A180] =	vst v63  }
0x44: {  	s24 =	simm.s32 $0x19E00  }
0x45: {  	[tilespmem:s24], [sflag:$0x8] =	stream.linear.gather [hbm4b:s2+s4], $0x180, $0x38;
	[tilespmem:$0x1A180] =	vst v63  }
0x46: {  	_ =	swait.ge [sflag:s5], $0x1800  }
0x47: {  	[sflag:s5] =	ssyncset.done $0x0  }
0x48: {  	[sflag:s5] =	ssyncadd.s32 $0xFFFFE800  }
0x49: {  	[tilespmem:$0x1A000] =	vst v0  }
0x4a: {  	[tilespmem:$0x1A010] =	vst v0  }
0x4b: {  	[tilespmem:$0x1A020] =	vst v0  }
0x4c: {  	[tilespmem:$0x1A030] =	vst v0  }
0x4d: {  	[tilespmem:$0x1A040] =	vst v0  }
0x4e: {  	[tilespmem:$0x1A050] =	vst v0  }
0x4f: {  	[tilespmem:$0x1A060] =	vst v0  }
0x50: {  	[tilespmem:$0x1A070] =	vst v0  }
0x51: {  	[tilespmem:$0x1A080] =	vst v0  }
0x52: {  	[tilespmem:$0x1A090] =	vst v0  }
0x53: {  	[tilespmem:$0x1A0A0] =	vst v0  }
0x54: {  	[tilespmem:$0x1A0B0] =	vst v0  }
0x55: {  	[tilespmem:$0x1A0C0] =	vst v0  }
0x56: {  	[tilespmem:$0x1A0D0] =	vst v0  }
.Ltmp0:
0x57: {  	[tilespmem:$0x1A0E0] =	vst v0;
	(pc) =	sbr.rel .LBB2_2-.Ltmp0, $4  }
0x58: {  	s26 =	simm.s32 $0x1A000;
	s25 =	rddreg [dreg:$0x7];
	[tilespmem:$0x1A0F0] =	vst v0  }
0x59: {  	[hbm4b:s25+s4] =	stream.linear.scatter [tilespmem:s26], [sflag:$0x7], $0x100, $0x38;
	[tilespmem:$0x1A180] =	vst v63  }
0x5a: {  	s23 =	simm.s32 $0x0  }
0x5b: {  	[tilespmem:s4], [sflag:$0x1] =	stream.linear.gather [hbm4b:s6+s4], $0x8000, $0x38;
	[tilespmem:$0x1A180] =	vst v63  }
.LBB2_9:
0x5c: {  	s24 =	sshll.u32 s23, $0xF  }
0x5d: {  	s24 =	sadd.s32 s8, s24  }
0x5e: {  	s24 =	sshrl.u32 s24, $0x3  }
0x5f: {  	s24 =	sadd.s32 s3, s24  }
0x60: {  	[hbm4b:s24+s4] =	stream.linear.scatter [tilespmem:s14], [sflag:$0x5], $0x8000, $0x38;
	[tilespmem:$0x1A180] =	vst v63  }
.LBB2_13:
0x61: {  	s23 =	sadd.s32 $0x1, s23  }
0x62: {  	p0 =	sne.s32 s23, $0x10  }
.Ltmp1:
0x63: {  	_ = 	snop;
	(pc) =	sbr.rel @!p0 .LBB2_14-.Ltmp1, $1  }
0x64: {  	_ =	sdelay $0x3  }
.LBB2_2:
0x65: {  	s24 =	smul.u32 $0xAB, s23;
	_ =	sdelay $0x1  }
0x66: {  	s24 =	sshrl.u32 s24, $0x9  }
0x67: {  	s24 =	sand.u32 $0x7F, s24  }
0x68: {  	s24 =	smul.u32 $0x3, s24;
	_ =	sdelay $0x1  }
0x69: {  	s24 =	ssub.s32 s23, s24  }
0x6a: {  	s24 =	sand.u32 $0xFF, s24  }
0x6b: {  	p2 =	seq.s32 s24, $0x0  }
.Ltmp2:
0x6c: {  	_ = 	snop;
	(pc) =	sbr.rel @p2 .LBB2_10-.Ltmp2, $3  }
0x6d: {  	_ =	sdelay $0x1  }
0x6e: {  	p0 =	slt.u32 s23, $0x2  }
0x6f: {  	p1 =	seq.s32 @!p0 s23, $0xF  }
0x70: {  	p2 =	seq.s32 s24, $0x1  }
.Ltmp3:
0x71: {  	_ = 	snop;
	(pc) =	sbr.rel @!p2 .LBB2_4-.Ltmp3, $1  }
0x72: {  	_ =	sdelay $0x3  }
0x73: {  	_ =	swait.ge [sflag:s17], $0x8000  }
0x74: {  	[sflag:s17] =	ssyncset.done $0x0  }
0x75: {  	s24 =	simm.s32 @!p0 $0x6;
	[sflag:s17] =	ssyncadd.s32 $0xFFFF8000  }
0x76: {  	_ =	swait.ge @!p0 [sflag:s24], $0x8000  }
0x77: {  	p1 =	por p0, !p1;
	[sflag:s24] =	ssyncset.done @!p0 $0x0  }
0x78: {  	[sflag:s24] =	ssyncadd.s32 @!p0 $0xFFFF8000;
	s24 =	sshll.u32 @p1 s23, $0xC  }
0x79: {  	s24 =	sadd.s32 @p1 s24, s7  }
0x7a: {  	[tilespmem:s20], [sflag:$0x3] =	stream.linear.gather @p1 [hbm4b:s24+s4], $0x8000, $0x38;
	[tilespmem:$0x1A180] =	vst v63  }
0x7b: {  	s24 =	simm.s32 $0x0  }
.LBB2_8:
0x7c: {  	s25 =	sshll.u32 s24, $0x6  }
0x7d: {  	s26 =	sand.u32 $0x3FFFFFC0, s25  }
0x7e: {  	v3 =	vld [tilespmem:s26+$0x18000]  }
0x7f: {  	s25 =	sshll.u32 s24, $0x7;
	v21 =	vld [tilespmem:s26+$0x18010]  }
0x80: {  	s25 =	sand.u32 $0x3FFFFF80, s25;
	v51 =	vld [tilespmem:s26+$0x18020]  }
0x81: {  	v4 =	vld [tilespmem:s25+$0x8000]  }
0x82: {  	v5 =	vld [tilespmem:s25+$0x8080]  }
0x83: {  	v6 =	vld [tilespmem:s25+$0x8100]  }
0x84: {  	v7 =	vld [tilespmem:s25+$0x8180]  }
0x85: {  	v8 =	vld [tilespmem:s25+$0x8200]  }
0x86: {  	v9 =	vld [tilespmem:s25+$0x8280]  }
0x87: {  	v10 =	vld [tilespmem:s25+$0x8300]  }
0x88: {  	v11 =	vld [tilespmem:s25+$0x8380]  }
0x89: {  	v12 =	vld [tilespmem:s25+$0xC000]  }
0x8a: {  	v13 =	vld [tilespmem:s25+$0xC080]  }
0x8b: {  	v14 =	vld [tilespmem:s25+$0xC100]  }
0x8c: {  	v15 =	vld [tilespmem:s25+$0xC180];
	v4 =	vadd.f32 v4, v3  }
0x8d: {  	v16 =	vld [tilespmem:s25+$0xC200];
	v5 =	vadd.f32 v5, v3  }
0x8e: {  	v17 =	vld [tilespmem:s25+$0xC280];
	v60 =	vadd.f32 v6, v3;
	[tilespmem:s25+$0x8000] =	vst v4  }
0x8f: {  	v61 =	vld [tilespmem:s25+$0xC300];
	v62 =	vadd.f32 v7, v3;
	[tilespmem:s25+$0x8080] =	vst v5  }
0x90: {  	v63 =	vld [tilespmem:s25+$0xC380];
	v20 =	vadd.f32 v8, v3;
	[tilespmem:s25+$0x8100] =	vst v60  }
0x91: {  	v23 =	vld [tilespmem:s25+$0x8010];
	v22 =	vadd.f32 v9, v3;
	[tilespmem:s25+$0x8180] =	vst v62  }
0x92: {  	v25 =	vld [tilespmem:s25+$0x8090];
	v24 =	vadd.f32 v10, v3;
	[tilespmem:s25+$0x8200] =	vst v20  }
0x93: {  	v27 =	vld [tilespmem:s25+$0x8110];
	v26 =	vadd.f32 v11, v3;
	[tilespmem:s25+$0x8280] =	vst v22  }
0x94: {  	v29 =	vld [tilespmem:s25+$0x8190];
	v28 =	vadd.f32 v12, v3;
	[tilespmem:s25+$0x8300] =	vst v24  }
0x95: {  	v31 =	vld [tilespmem:s25+$0x8210];
	v30 =	vadd.f32 v13, v3;
	[tilespmem:s25+$0x8380] =	vst v26  }
0x96: {  	v33 =	vld [tilespmem:s25+$0x8290];
	v32 =	vadd.f32 v14, v3;
	[tilespmem:s25+$0xC000] =	vst v28  }
0x97: {  	v35 =	vld [tilespmem:s25+$0x8310];
	v34 =	vadd.f32 v15, v3;
	[tilespmem:s25+$0xC080] =	vst v30  }
0x98: {  	v37 =	vld [tilespmem:s25+$0x8390];
	v36 =	vadd.f32 v16, v3;
	[tilespmem:s25+$0xC100] =	vst v32  }
0x99: {  	v39 =	vld [tilespmem:s25+$0xC010];
	v38 =	vadd.f32 v17, v3;
	[tilespmem:s25+$0xC180] =	vst v34  }
0x9a: {  	v41 =	vld [tilespmem:s25+$0xC090];
	v40 =	vadd.f32 v61, v3;
	[tilespmem:s25+$0xC200] =	vst v36  }
0x9b: {  	v42 =	vld [tilespmem:s25+$0xC110];
	v3 =	vadd.f32 v63, v3;
	[tilespmem:s25+$0xC280] =	vst v38  }
0x9c: {  	v44 =	vld [tilespmem:s25+$0xC190];
	v43 =	vadd.f32 v23, v21;
	[tilespmem:s25+$0xC300] =	vst v40  }
0x9d: {  	v45 =	vld [tilespmem:s25+$0xC210];
	[tilespmem:s25+$0xC380] =	vst v3;
	v3 =	vadd.f32 v25, v21  }
0x9e: {  	v47 =	vld [tilespmem:s25+$0xC290];
	v46 =	vadd.f32 v27, v21;
	[tilespmem:s25+$0x8010] =	vst v43  }
0x9f: {  	v48 =	vld [tilespmem:s25+$0xC310];
	[tilespmem:s25+$0x8090] =	vst v3;
	v3 =	vadd.f32 v29, v21  }
0xa0: {  	v50 =	vld [tilespmem:s25+$0xC390];
	v49 =	vadd.f32 v31, v21;
	[tilespmem:s25+$0x8110] =	vst v46  }
0xa1: {  	v53 =	vld [tilespmem:s25+$0x8020];
	[tilespmem:s25+$0x8190] =	vst v3;
	v3 =	vadd.f32 v33, v21  }
0xa2: {  	v54 =	vld [tilespmem:s25+$0x80A0];
	v52 =	vadd.f32 v35, v21;
	[tilespmem:s25+$0x8210] =	vst v49  }
0xa3: {  	v56 =	vld [tilespmem:s25+$0x8120];
	[tilespmem:s25+$0x8290] =	vst v3;
	v3 =	vadd.f32 v37, v21  }
0xa4: {  	v57 =	vld [tilespmem:s25+$0x81A0];
	v55 =	vadd.f32 v39, v21;
	[tilespmem:s25+$0x8310] =	vst v52  }
0xa5: {  	v59 =	vld [tilespmem:s25+$0x8220];
	[tilespmem:s25+$0x8390] =	vst v3;
	v3 =	vadd.f32 v41, v21  }
0xa6: {  	v19 =	vld [tilespmem:s25+$0xC020];
	v58 =	vadd.f32 v42, v21;
	[tilespmem:s25+$0xC010] =	vst v55  }
0xa7: {  	v63 =	vld [tilespmem:s25+$0x83A0];
	[tilespmem:s25+$0xC090] =	vst v3;
	v3 =	vadd.f32 v44, v21  }
0xa8: {  	v61 =	vadd.f32 v45, v21;
	v23 =	vld [tilespmem:s25+$0xC1A0];
	[tilespmem:s25+$0xC110] =	vst v58  }
0xa9: {  	v31 =	vld [tilespmem:s26+$0x18030];
	[tilespmem:s25+$0xC190] =	vst v3;
	v3 =	vadd.f32 v47, v21  }
0xaa: {  	v18 =	vadd.f32 v48, v21;
	v35 =	vld [tilespmem:s25+$0x8130];
	[tilespmem:s25+$0xC210] =	vst v61  }
0xab: {  	v27 =	vadd.f32 v59, v51;
	v59 =	vld [tilespmem:s25+$0x80C0];
	[tilespmem:s25+$0xC290] =	vst v3;
	v3 =	vadd.f32 v50, v21  }
0xac: {  	v60 =	vld [tilespmem:s25+$0x82A0];
	[tilespmem:s25+$0xC310] =	vst v18  }
0xad: {  	v16 =	vld [tilespmem:s25+$0x8240];
	[tilespmem:s25+$0xC390] =	vst v3;
	v3 =	vadd.f32 v54, v51  }
0xae: {  	v17 =	vld [tilespmem:s25+$0x82C0];
	v24 =	vadd.f32 v56, v51;
	[tilespmem:s25+$0x8220] =	vst v27  }
0xaf: {  	v62 =	vld [tilespmem:s25+$0x8320];
	[tilespmem:s25+$0x80A0] =	vst v3;
	v3 =	vadd.f32 v57, v51  }
0xb0: {  	v20 =	vld [tilespmem:s25+$0xC0A0];
	[tilespmem:s25+$0x8120] =	vst v24;
	v48 =	vadd.f32 v35, v31  }
0xb1: {  	v22 =	vld [tilespmem:s25+$0xC120];
	[tilespmem:s25+$0x81A0] =	vst v3;
	v3 =	vadd.f32 v60, v51  }
0xb2: {  	v25 =	vld [tilespmem:s25+$0xC220];
	v33 =	vadd.f32 v19, v51;
	[tilespmem:s25+$0x8130] =	vst v48  }
0xb3: {  	v26 =	vld [tilespmem:s25+$0xC2A0];
	[tilespmem:s25+$0x82A0] =	vst v3;
	v3 =	vadd.f32 v63, v51  }
0xb4: {  	v28 =	vld [tilespmem:s25+$0xC320];
	v30 =	vadd.f32 v62, v51;
	[tilespmem:s25+$0xC020] =	vst v33  }
0xb5: {  	v32 =	vld [tilespmem:s25+$0x8030];
	[tilespmem:s25+$0x83A0] =	vst v3;
	v3 =	vadd.f32 v20, v51  }
0xb6: {  	v29 =	vld [tilespmem:s25+$0xC3A0];
	v36 =	vadd.f32 v22, v51;
	[tilespmem:s25+$0x8320] =	vst v30  }
0xb7: {  	v34 =	vld [tilespmem:s25+$0x80B0];
	[tilespmem:s25+$0xC0A0] =	vst v3;
	v3 =	vadd.f32 v23, v51  }
0xb8: {  	v56 =	vld [tilespmem:s26+$0x18040];
	v39 =	vadd.f32 v25, v51;
	[tilespmem:s25+$0xC120] =	vst v36  }
0xb9: {  	v61 =	vld [tilespmem:s25+$0x8140];
	[tilespmem:s25+$0xC1A0] =	vst v3;
	v3 =	vadd.f32 v26, v51  }
0xba: {  	v42 =	vadd.f32 v28, v51;
	v37 =	vld [tilespmem:s25+$0x81B0];
	[tilespmem:s25+$0xC220] =	vst v39  }
0xbb: {  	v38 =	vld [tilespmem:s25+$0x8230];
	[tilespmem:s25+$0xC2A0] =	vst v3;
	v3 =	vadd.f32 v29, v51  }
0xbc: {  	v40 =	vld [tilespmem:s25+$0x82B0];
	v45 =	vadd.f32 v32, v31;
	[tilespmem:s25+$0xC320] =	vst v42  }
0xbd: {  	v19 =	vld [tilespmem:s25+$0x8340];
	[tilespmem:s25+$0xC3A0] =	vst v3;
	v3 =	vadd.f32 v34, v31  }
0xbe: {  	v43 =	vld [tilespmem:s25+$0x83B0];
	v24 =	vadd.f32 v61, v56;
	[tilespmem:s25+$0x8030] =	vst v45  }
0xbf: {  	v22 =	vld [tilespmem:s25+$0xC040];
	[tilespmem:s25+$0x80B0] =	vst v3;
	v3 =	vadd.f32 v37, v31  }
0xc0: {  	v46 =	vld [tilespmem:s25+$0xC0B0];
	v27 =	vadd.f32 v16, v56;
	[tilespmem:s25+$0x8140] =	vst v24  }
0xc1: {  	v25 =	vld [tilespmem:s25+$0xC140];
	[tilespmem:s25+$0x81B0] =	vst v3;
	v3 =	vadd.f32 v40, v31  }
0xc2: {  	v49 =	vld [tilespmem:s25+$0xC1B0];
	[tilespmem:s25+$0x8240] =	vst v27;
	v30 =	vadd.f32 v19, v56  }
0xc3: {  	v28 =	vld [tilespmem:s25+$0xC240];
	[tilespmem:s25+$0x82B0] =	vst v3;
	v3 =	vadd.f32 v43, v31  }
0xc4: {  	v52 =	vld [tilespmem:s25+$0xC2B0];
	v33 =	vadd.f32 v22, v56;
	[tilespmem:s25+$0x8340] =	vst v30  }
0xc5: {  	v55 =	vld [tilespmem:s25+$0xC3B0];
	[tilespmem:s25+$0x83B0] =	vst v3;
	v3 =	vadd.f32 v46, v31  }
0xc6: {  	v58 =	vld [tilespmem:s25+$0x8040];
	v36 =	vadd.f32 v25, v56;
	[tilespmem:s25+$0xC040] =	vst v33  }
0xc7: {  	v41 =	vld [tilespmem:s25+$0x8330];
	[tilespmem:s25+$0xC0B0] =	vst v3;
	v3 =	vadd.f32 v49, v31  }
0xc8: {  	v35 =	vld [tilespmem:s25+$0x8050];
	v39 =	vadd.f32 v28, v56;
	[tilespmem:s25+$0xC140] =	vst v36  }
0xc9: {  	v62 =	vld [tilespmem:s25+$0x81C0];
	[tilespmem:s25+$0xC1B0] =	vst v3;
	v3 =	vadd.f32 v52, v31  }
0xca: {  	v32 =	vld [tilespmem:s25+$0xC3C0];
	[tilespmem:s25+$0xC240] =	vst v39;
	v21 =	vadd.f32 v53, v51  }
0xcb: {  	v44 =	vld [tilespmem:s25+$0xC030];
	[tilespmem:s25+$0xC2B0] =	vst v3;
	v3 =	vadd.f32 v55, v31  }
0xcc: {  	v61 =	vld [tilespmem:s25+$0x8060];
	[tilespmem:s25+$0x8020] =	vst v21;
	v54 =	vadd.f32 v41, v31  }
0xcd: {  	v53 =	vld [tilespmem:s25+$0xC330];
	[tilespmem:s25+$0xC3B0] =	vst v3;
	v3 =	vadd.f32 v59, v56  }
0xce: {  	v21 =	vadd.f32 v58, v56;
	[tilespmem:s25+$0x8330] =	vst v54;
	v20 =	vld [tilespmem:s25+$0x83C0]  }
0xcf: {  	v47 =	vld [tilespmem:s25+$0xC130];
	[tilespmem:s25+$0x80C0] =	vst v3;
	v3 =	vadd.f32 v62, v56  }
0xd0: {  	v57 =	vadd.f32 v44, v31;
	[tilespmem:s25+$0x8040] =	vst v21;
	v23 =	vld [tilespmem:s25+$0xC0C0]  }
0xd1: {  	v50 =	vld [tilespmem:s25+$0xC230];
	[tilespmem:s25+$0x81C0] =	vst v3;
	v3 =	vadd.f32 v17, v56  }
0xd2: {  	v18 =	vadd.f32 v53, v31;
	[tilespmem:s25+$0xC030] =	vst v57;
	v26 =	vld [tilespmem:s25+$0xC1C0]  }
0xd3: {  	v16 =	vld [tilespmem:s25+$0x8160];
	[tilespmem:s25+$0x82C0] =	vst v3;
	v3 =	vadd.f32 v20, v56  }
0xd4: {  	v60 =	vadd.f32 v47, v31;
	[tilespmem:s25+$0xC330] =	vst v18;
	v29 =	vld [tilespmem:s25+$0xC2C0]  }
0xd5: {  	v34 =	vld [tilespmem:s26+$0x18050];
	[tilespmem:s25+$0x83C0] =	vst v3;
	v3 =	vadd.f32 v23, v56  }
0xd6: {  	v19 =	vld [tilespmem:s25+$0x8260];
	[tilespmem:s25+$0xC130] =	vst v60;
	v63 =	vadd.f32 v50, v31  }
0xd7: {  	v51 =	vadd.f32 v38, v31;
	v38 =	vld [tilespmem:s25+$0x8150];
	[tilespmem:s25+$0xC0C0] =	vst v3;
	v3 =	vadd.f32 v26, v56  }
0xd8: {  	[tilespmem:s25+$0xC230] =	vst v63;
	v37 =	vld [tilespmem:s25+$0x80D0]  }
0xd9: {  	v41 =	vld [tilespmem:s25+$0x8250];
	[tilespmem:s25+$0xC1C0] =	vst v3;
	v3 =	vadd.f32 v29, v56  }
0xda: {  	[tilespmem:s25+$0x8230] =	vst v51;
	v40 =	vld [tilespmem:s25+$0x81D0];
	v45 =	vadd.f32 v35, v34  }
0xdb: {  	v44 =	vld [tilespmem:s25+$0x8350];
	[tilespmem:s25+$0xC2C0] =	vst v3;
	v3 =	vadd.f32 v32, v56  }
0xdc: {  	v48 =	vadd.f32 v38, v34;
	v43 =	vld [tilespmem:s25+$0x82D0];
	[tilespmem:s25+$0x8050] =	vst v45  }
0xdd: {  	v47 =	vld [tilespmem:s25+$0xC050];
	[tilespmem:s25+$0xC3C0] =	vst v3;
	v3 =	vadd.f32 v37, v34  }
0xde: {  	v51 =	vadd.f32 v41, v34;
	[tilespmem:s25+$0x8150] =	vst v48;
	v46 =	vld [tilespmem:s25+$0x83D0]  }
0xdf: {  	v50 =	vld [tilespmem:s25+$0xC150];
	[tilespmem:s25+$0x80D0] =	vst v3;
	v3 =	vadd.f32 v40, v34  }
0xe0: {  	v54 =	vadd.f32 v44, v34;
	[tilespmem:s25+$0x8250] =	vst v51;
	v49 =	vld [tilespmem:s25+$0xC0D0]  }
0xe1: {  	v53 =	vld [tilespmem:s25+$0xC250];
	[tilespmem:s25+$0x81D0] =	vst v3;
	v3 =	vadd.f32 v43, v34  }
0xe2: {  	v57 =	vadd.f32 v47, v34;
	[tilespmem:s25+$0x8350] =	vst v54;
	v52 =	vld [tilespmem:s25+$0xC1D0]  }
0xe3: {  	v31 =	vld [tilespmem:s25+$0xC340];
	[tilespmem:s25+$0x82D0] =	vst v3;
	v3 =	vadd.f32 v46, v34  }
0xe4: {  	v60 =	vadd.f32 v50, v34;
	[tilespmem:s25+$0xC050] =	vst v57;
	v55 =	vld [tilespmem:s25+$0xC2D0]  }
0xe5: {  	v59 =	vld [tilespmem:s26+$0x18060];
	[tilespmem:s25+$0x83D0] =	vst v3;
	v3 =	vadd.f32 v49, v34  }
0xe6: {  	v58 =	vld [tilespmem:s25+$0xC3D0];
	v63 =	vadd.f32 v53, v34;
	[tilespmem:s25+$0xC150] =	vst v60  }
0xe7: {  	v22 =	vld [tilespmem:s25+$0x8360];
	[tilespmem:s25+$0xC0D0] =	vst v3;
	v3 =	vadd.f32 v52, v34  }
0xe8: {  	[tilespmem:s25+$0xC250] =	vst v63;
	v62 =	vld [tilespmem:s25+$0x80E0];
	v42 =	vadd.f32 v31, v56  }
0xe9: {  	v25 =	vld [tilespmem:s25+$0xC060];
	[tilespmem:s25+$0xC1D0] =	vst v3;
	v3 =	vadd.f32 v55, v34  }
0xea: {  	v17 =	vld [tilespmem:s25+$0x81E0];
	[tilespmem:s25+$0xC340] =	vst v42;
	v21 =	vadd.f32 v61, v59  }
0xeb: {  	v28 =	vld [tilespmem:s25+$0xC160];
	[tilespmem:s25+$0xC2D0] =	vst v3;
	v3 =	vadd.f32 v58, v34  }
0xec: {  	v24 =	vadd.f32 v16, v59;
	v20 =	vld [tilespmem:s25+$0x82E0];
	[tilespmem:s25+$0x8060] =	vst v21  }
0xed: {  	v35 =	vld [tilespmem:s25+$0xC3E0];
	[tilespmem:s25+$0xC3D0] =	vst v3;
	v3 =	vadd.f32 v62, v59  }
0xee: {  	v27 =	vadd.f32 v19, v59;
	[tilespmem:s25+$0x8160] =	vst v24;
	v23 =	vld [tilespmem:s25+$0x83E0]  }
0xef: {  	v38 =	vld [tilespmem:s25+$0x8070];
	[tilespmem:s25+$0x80E0] =	vst v3;
	v3 =	vadd.f32 v17, v59  }
0xf0: {  	v30 =	vadd.f32 v22, v59;
	[tilespmem:s25+$0x8260] =	vst v27;
	v26 =	vld [tilespmem:s25+$0xC0E0]  }
0xf1: {  	v31 =	vld [tilespmem:s25+$0xC260];
	[tilespmem:s25+$0x81E0] =	vst v3;
	v3 =	vadd.f32 v20, v59  }
0xf2: {  	v33 =	vadd.f32 v25, v59;
	[tilespmem:s25+$0x8360] =	vst v30;
	v29 =	vld [tilespmem:s25+$0xC1E0]  }
0xf3: {  	v56 =	vld [tilespmem:s25+$0xC350];
	[tilespmem:s25+$0x82E0] =	vst v3;
	v3 =	vadd.f32 v23, v59  }
0xf4: {  	v36 =	vadd.f32 v28, v59;
	[tilespmem:s25+$0xC060] =	vst v33;
	v32 =	vld [tilespmem:s25+$0xC2E0]  }
0xf5: {  	v37 =	vld [tilespmem:s26+$0x18070];
	[tilespmem:s25+$0x83E0] =	vst v3;
	v3 =	vadd.f32 v26, v59  }
0xf6: {  	v41 =	vld [tilespmem:s25+$0x8170];
	[tilespmem:s25+$0xC160] =	vst v36;
	v39 =	vadd.f32 v31, v59  }
0xf7: {  	v44 =	vld [tilespmem:s25+$0x8270];
	[tilespmem:s25+$0xC0E0] =	vst v3;
	v3 =	vadd.f32 v29, v59  }
0xf8: {  	[tilespmem:s25+$0xC260] =	vst v39;
	v40 =	vld [tilespmem:s25+$0x80F0];
	v18 =	vadd.f32 v56, v34  }
0xf9: {  	v47 =	vld [tilespmem:s25+$0x8370];
	[tilespmem:s25+$0xC1E0] =	vst v3;
	v3 =	vadd.f32 v32, v59  }
0xfa: {  	v43 =	vld [tilespmem:s25+$0x81F0];
	[tilespmem:s25+$0xC350] =	vst v18;
	v45 =	vadd.f32 v38, v37  }
0xfb: {  	v50 =	vld [tilespmem:s25+$0xC070];
	[tilespmem:s25+$0xC2E0] =	vst v3;
	v3 =	vadd.f32 v35, v59  }
0xfc: {  	v48 =	vadd.f32 v41, v37;
	v46 =	vld [tilespmem:s25+$0x82F0];
	[tilespmem:s25+$0x8070] =	vst v45  }
0xfd: {  	v53 =	vld [tilespmem:s25+$0xC170];
	[tilespmem:s25+$0xC3E0] =	vst v3;
	v3 =	vadd.f32 v40, v37  }
0xfe: {  	v51 =	vadd.f32 v44, v37;
	[tilespmem:s25+$0x8170] =	vst v48;
	v49 =	vld [tilespmem:s25+$0x83F0]  }
0xff: {  	v52 =	vld [tilespmem:s25+$0xC0F0];
	[tilespmem:s25+$0x80F0] =	vst v3;
	v3 =	vadd.f32 v43, v37  }
0x100: {  	v54 =	vadd.f32 v47, v37;
	[tilespmem:s25+$0x8270] =	vst v51;
	v34 =	vld [tilespmem:s25+$0xC360]  }
0x101: {  	v56 =	vld [tilespmem:s25+$0xC270];
	[tilespmem:s25+$0x81F0] =	vst v3;
	v3 =	vadd.f32 v46, v37  }
0x102: {  	v57 =	vadd.f32 v50, v37;
	[tilespmem:s25+$0x8370] =	vst v54;
	v55 =	vld [tilespmem:s25+$0xC1F0]  }
0x103: {  	[tilespmem:s25+$0x82F0] =	vst v3;
	v3 =	vadd.f32 v49, v37  }
0x104: {  	v60 =	vadd.f32 v53, v37;
	[tilespmem:s25+$0xC070] =	vst v57;
	v58 =	vld [tilespmem:s25+$0xC2F0]  }
0x105: {  	v42 =	vadd.f32 v34, v59;
	v59 =	vld [tilespmem:s25+$0xC370];
	[tilespmem:s25+$0x83F0] =	vst v3;
	v3 =	vadd.f32 v52, v37  }
0x106: {  	v61 =	vld [tilespmem:s25+$0xC3F0];
	[tilespmem:s25+$0xC170] =	vst v60;
	v62 =	vadd.f32 v56, v37  }
0x107: {  	[tilespmem:s25+$0xC0F0] =	vst v3;
	v3 =	vadd.f32 v55, v37  }
0x108: {  	p0 =	slt.u32 s24, $0x78;
	[tilespmem:s25+$0xC270] =	vst v62  }
.Ltmp4:
0x109: {  	[tilespmem:s25+$0xC1F0] =	vst v3;
	v3 =	vadd.f32 v58, v37;
	(pc) =	sbr.rel @p0 .LBB2_8-.Ltmp4, $4  }
0x10a: {  	[tilespmem:s25+$0xC360] =	vst v42;
	v63 =	vadd.f32 v59, v37  }
0x10b: {  	[tilespmem:s25+$0xC2F0] =	vst v3;
	v3 =	vadd.f32 v61, v37  }
0x10c: {  	s26 =	sadd.s32 $0x8, s24;
	[tilespmem:s25+$0xC370] =	vst v63  }
0x10d: {  	s24 =	smov.u32 s26;
	[tilespmem:s25+$0xC3F0] =	vst v3  }
.Ltmp5:
0x10e: {  	_ = 	snop;
	(pc) =	sbr.rel .LBB2_9-.Ltmp5, $1  }
0x10f: {  	_ =	sdelay $0x3  }
.LBB2_10:
0x110: {  	_ =	swait.ge [sflag:s10], $0x8000  }
0x111: {  	[sflag:s10] =	ssyncset.done $0x0  }
0x112: {  	s24 =	simm.s32 @!p0 $0x5;
	[sflag:s10] =	ssyncadd.s32 $0xFFFF8000  }
0x113: {  	_ =	swait.ge @!p0 [sflag:s24], $0x8000  }
0x114: {  	p1 =	por p0, !p1;
	[sflag:s24] =	ssyncset.done @!p0 $0x0  }
0x115: {  	[sflag:s24] =	ssyncadd.s32 @!p0 $0xFFFF8000;
	s24 =	sshll.u32 @p1 s23, $0xC  }
0x116: {  	s24 =	sadd.s32 @p1 s24, s7  }
0x117: {  	[tilespmem:s14], [sflag:$0x2] =	stream.linear.gather @p1 [hbm4b:s24+s4], $0x8000, $0x38;
	[tilespmem:$0x1A180] =	vst v63  }
0x118: {  	s24 =	simm.s32 $0x0  }
.LBB2_11:
0x119: {  	s25 =	sshll.u32 s24, $0x6  }
0x11a: {  	s26 =	sand.u32 $0x3FFFFFC0, s25  }
0x11b: {  	v3 =	vld [tilespmem:s26+$0x18000]  }
0x11c: {  	s25 =	sshll.u32 s24, $0x7;
	v21 =	vld [tilespmem:s26+$0x18010]  }
0x11d: {  	s25 =	sand.u32 $0x3FFFFF80, s25;
	v51 =	vld [tilespmem:s26+$0x18020]  }
0x11e: {  	v4 =	vld [tilespmem:s25+$0x0]  }
0x11f: {  	v5 =	vld [tilespmem:s25+$0x80]  }
0x120: {  	v6 =	vld [tilespmem:s25+$0x100]  }
0x121: {  	v7 =	vld [tilespmem:s25+$0x180]  }
0x122: {  	v8 =	vld [tilespmem:s25+$0x200]  }
0x123: {  	v9 =	vld [tilespmem:s25+$0x280]  }
0x124: {  	v10 =	vld [tilespmem:s25+$0x300]  }
0x125: {  	v11 =	vld [tilespmem:s25+$0x380]  }
0x126: {  	v12 =	vld [tilespmem:s25+$0x4000]  }
0x127: {  	v13 =	vld [tilespmem:s25+$0x4080]  }
0x128: {  	v14 =	vld [tilespmem:s25+$0x4100]  }
0x129: {  	v15 =	vld [tilespmem:s25+$0x4180];
	v4 =	vadd.f32 v4, v3  }
0x12a: {  	v16 =	vld [tilespmem:s25+$0x4200];
	v5 =	vadd.f32 v5, v3  }
0x12b: {  	v17 =	vld [tilespmem:s25+$0x4280];
	v60 =	vadd.f32 v6, v3;
	[tilespmem:s25+$0x0] =	vst v4  }
0x12c: {  	v61 =	vld [tilespmem:s25+$0x4300];
	v62 =	vadd.f32 v7, v3;
	[tilespmem:s25+$0x80] =	vst v5  }
0x12d: {  	v63 =	vld [tilespmem:s25+$0x4380];
	v20 =	vadd.f32 v8, v3;
	[tilespmem:s25+$0x100] =	vst v60  }
0x12e: {  	v23 =	vld [tilespmem:s25+$0x10];
	v22 =	vadd.f32 v9, v3;
	[tilespmem:s25+$0x180] =	vst v62  }
0x12f: {  	v25 =	vld [tilespmem:s25+$0x90];
	v24 =	vadd.f32 v10, v3;
	[tilespmem:s25+$0x200] =	vst v20  }
0x130: {  	v27 =	vld [tilespmem:s25+$0x110];
	v26 =	vadd.f32 v11, v3;
	[tilespmem:s25+$0x280] =	vst v22  }
0x131: {  	v29 =	vld [tilespmem:s25+$0x190];
	v28 =	vadd.f32 v12, v3;
	[tilespmem:s25+$0x300] =	vst v24  }
0x132: {  	v31 =	vld [tilespmem:s25+$0x210];
	v30 =	vadd.f32 v13, v3;
	[tilespmem:s25+$0x380] =	vst v26  }
0x133: {  	v33 =	vld [tilespmem:s25+$0x290];
	v32 =	vadd.f32 v14, v3;
	[tilespmem:s25+$0x4000] =	vst v28  }
0x134: {  	v35 =	vld [tilespmem:s25+$0x310];
	v34 =	vadd.f32 v15, v3;
	[tilespmem:s25+$0x4080] =	vst v30  }
0x135: {  	v37 =	vld [tilespmem:s25+$0x390];
	v36 =	vadd.f32 v16, v3;
	[tilespmem:s25+$0x4100] =	vst v32  }
0x136: {  	v39 =	vld [tilespmem:s25+$0x4010];
	v38 =	vadd.f32 v17, v3;
	[tilespmem:s25+$0x4180] =	vst v34  }
0x137: {  	v41 =	vld [tilespmem:s25+$0x4090];
	v40 =	vadd.f32 v61, v3;
	[tilespmem:s25+$0x4200] =	vst v36  }
0x138: {  	v42 =	vld [tilespmem:s25+$0x4110];
	v3 =	vadd.f32 v63, v3;
	[tilespmem:s25+$0x4280] =	vst v38  }
0x139: {  	v44 =	vld [tilespmem:s25+$0x4190];
	v43 =	vadd.f32 v23, v21;
	[tilespmem:s25+$0x4300] =	vst v40  }
0x13a: {  	v45 =	vld [tilespmem:s25+$0x4210];
	[tilespmem:s25+$0x4380] =	vst v3;
	v3 =	vadd.f32 v25, v21  }
0x13b: {  	v47 =	vld [tilespmem:s25+$0x4290];
	v46 =	vadd.f32 v27, v21;
	[tilespmem:s25+$0x10] =	vst v43  }
0x13c: {  	v48 =	vld [tilespmem:s25+$0x4310];
	[tilespmem:s25+$0x90] =	vst v3;
	v3 =	vadd.f32 v29, v21  }
0x13d: {  	v50 =	vld [tilespmem:s25+$0x4390];
	v49 =	vadd.f32 v31, v21;
	[tilespmem:s25+$0x110] =	vst v46  }
0x13e: {  	v53 =	vld [tilespmem:s25+$0x20];
	[tilespmem:s25+$0x190] =	vst v3;
	v3 =	vadd.f32 v33, v21  }
0x13f: {  	v54 =	vld [tilespmem:s25+$0xA0];
	v52 =	vadd.f32 v35, v21;
	[tilespmem:s25+$0x210] =	vst v49  }
0x140: {  	v56 =	vld [tilespmem:s25+$0x120];
	[tilespmem:s25+$0x290] =	vst v3;
	v3 =	vadd.f32 v37, v21  }
0x141: {  	v57 =	vld [tilespmem:s25+$0x1A0];
	v55 =	vadd.f32 v39, v21;
	[tilespmem:s25+$0x310] =	vst v52  }
0x142: {  	v59 =	vld [tilespmem:s25+$0x220];
	[tilespmem:s25+$0x390] =	vst v3;
	v3 =	vadd.f32 v41, v21  }
0x143: {  	v19 =	vld [tilespmem:s25+$0x4020];
	v58 =	vadd.f32 v42, v21;
	[tilespmem:s25+$0x4010] =	vst v55  }
0x144: {  	v63 =	vld [tilespmem:s25+$0x3A0];
	[tilespmem:s25+$0x4090] =	vst v3;
	v3 =	vadd.f32 v44, v21  }
0x145: {  	v61 =	vadd.f32 v45, v21;
	v23 =	vld [tilespmem:s25+$0x41A0];
	[tilespmem:s25+$0x4110] =	vst v58  }
0x146: {  	v31 =	vld [tilespmem:s26+$0x18030];
	[tilespmem:s25+$0x4190] =	vst v3;
	v3 =	vadd.f32 v47, v21  }
0x147: {  	v18 =	vadd.f32 v48, v21;
	v35 =	vld [tilespmem:s25+$0x130];
	[tilespmem:s25+$0x4210] =	vst v61  }
0x148: {  	v27 =	vadd.f32 v59, v51;
	v59 =	vld [tilespmem:s25+$0xC0];
	[tilespmem:s25+$0x4290] =	vst v3;
	v3 =	vadd.f32 v50, v21  }
0x149: {  	v60 =	vld [tilespmem:s25+$0x2A0];
	[tilespmem:s25+$0x4310] =	vst v18  }
0x14a: {  	v16 =	vld [tilespmem:s25+$0x240];
	[tilespmem:s25+$0x4390] =	vst v3;
	v3 =	vadd.f32 v54, v51  }
0x14b: {  	v17 =	vld [tilespmem:s25+$0x2C0];
	v24 =	vadd.f32 v56, v51;
	[tilespmem:s25+$0x220] =	vst v27  }
0x14c: {  	v62 =	vld [tilespmem:s25+$0x320];
	[tilespmem:s25+$0xA0] =	vst v3;
	v3 =	vadd.f32 v57, v51  }
0x14d: {  	v20 =	vld [tilespmem:s25+$0x40A0];
	[tilespmem:s25+$0x120] =	vst v24;
	v48 =	vadd.f32 v35, v31  }
0x14e: {  	v22 =	vld [tilespmem:s25+$0x4120];
	[tilespmem:s25+$0x1A0] =	vst v3;
	v3 =	vadd.f32 v60, v51  }
0x14f: {  	v25 =	vld [tilespmem:s25+$0x4220];
	v33 =	vadd.f32 v19, v51;
	[tilespmem:s25+$0x130] =	vst v48  }
0x150: {  	v26 =	vld [tilespmem:s25+$0x42A0];
	[tilespmem:s25+$0x2A0] =	vst v3;
	v3 =	vadd.f32 v63, v51  }
0x151: {  	v28 =	vld [tilespmem:s25+$0x4320];
	v30 =	vadd.f32 v62, v51;
	[tilespmem:s25+$0x4020] =	vst v33  }
0x152: {  	v32 =	vld [tilespmem:s25+$0x30];
	[tilespmem:s25+$0x3A0] =	vst v3;
	v3 =	vadd.f32 v20, v51  }
0x153: {  	v29 =	vld [tilespmem:s25+$0x43A0];
	v36 =	vadd.f32 v22, v51;
	[tilespmem:s25+$0x320] =	vst v30  }
0x154: {  	v34 =	vld [tilespmem:s25+$0xB0];
	[tilespmem:s25+$0x40A0] =	vst v3;
	v3 =	vadd.f32 v23, v51  }
0x155: {  	v56 =	vld [tilespmem:s26+$0x18040];
	v39 =	vadd.f32 v25, v51;
	[tilespmem:s25+$0x4120] =	vst v36  }
0x156: {  	v61 =	vld [tilespmem:s25+$0x140];
	[tilespmem:s25+$0x41A0] =	vst v3;
	v3 =	vadd.f32 v26, v51  }
0x157: {  	v42 =	vadd.f32 v28, v51;
	v37 =	vld [tilespmem:s25+$0x1B0];
	[tilespmem:s25+$0x4220] =	vst v39  }
0x158: {  	v38 =	vld [tilespmem:s25+$0x230];
	[tilespmem:s25+$0x42A0] =	vst v3;
	v3 =	vadd.f32 v29, v51  }
0x159: {  	v40 =	vld [tilespmem:s25+$0x2B0];
	v45 =	vadd.f32 v32, v31;
	[tilespmem:s25+$0x4320] =	vst v42  }
0x15a: {  	v19 =	vld [tilespmem:s25+$0x340];
	[tilespmem:s25+$0x43A0] =	vst v3;
	v3 =	vadd.f32 v34, v31  }
0x15b: {  	v43 =	vld [tilespmem:s25+$0x3B0];
	v24 =	vadd.f32 v61, v56;
	[tilespmem:s25+$0x30] =	vst v45  }
0x15c: {  	v22 =	vld [tilespmem:s25+$0x4040];
	[tilespmem:s25+$0xB0] =	vst v3;
	v3 =	vadd.f32 v37, v31  }
0x15d: {  	v46 =	vld [tilespmem:s25+$0x40B0];
	v27 =	vadd.f32 v16, v56;
	[tilespmem:s25+$0x140] =	vst v24  }
0x15e: {  	v25 =	vld [tilespmem:s25+$0x4140];
	[tilespmem:s25+$0x1B0] =	vst v3;
	v3 =	vadd.f32 v40, v31  }
0x15f: {  	v49 =	vld [tilespmem:s25+$0x41B0];
	[tilespmem:s25+$0x240] =	vst v27;
	v30 =	vadd.f32 v19, v56  }
0x160: {  	v28 =	vld [tilespmem:s25+$0x4240];
	[tilespmem:s25+$0x2B0] =	vst v3;
	v3 =	vadd.f32 v43, v31  }
0x161: {  	v52 =	vld [tilespmem:s25+$0x42B0];
	v33 =	vadd.f32 v22, v56;
	[tilespmem:s25+$0x340] =	vst v30  }
0x162: {  	v55 =	vld [tilespmem:s25+$0x43B0];
	[tilespmem:s25+$0x3B0] =	vst v3;
	v3 =	vadd.f32 v46, v31  }
0x163: {  	v58 =	vld [tilespmem:s25+$0x40];
	v36 =	vadd.f32 v25, v56;
	[tilespmem:s25+$0x4040] =	vst v33  }
0x164: {  	v41 =	vld [tilespmem:s25+$0x330];
	[tilespmem:s25+$0x40B0] =	vst v3;
	v3 =	vadd.f32 v49, v31  }
0x165: {  	v35 =	vld [tilespmem:s25+$0x50];
	v39 =	vadd.f32 v28, v56;
	[tilespmem:s25+$0x4140] =	vst v36  }
0x166: {  	v62 =	vld [tilespmem:s25+$0x1C0];
	[tilespmem:s25+$0x41B0] =	vst v3;
	v3 =	vadd.f32 v52, v31  }
0x167: {  	v32 =	vld [tilespmem:s25+$0x43C0];
	[tilespmem:s25+$0x4240] =	vst v39;
	v21 =	vadd.f32 v53, v51  }
0x168: {  	v44 =	vld [tilespmem:s25+$0x4030];
	[tilespmem:s25+$0x42B0] =	vst v3;
	v3 =	vadd.f32 v55, v31  }
0x169: {  	v61 =	vld [tilespmem:s25+$0x60];
	[tilespmem:s25+$0x20] =	vst v21;
	v54 =	vadd.f32 v41, v31  }
0x16a: {  	v53 =	vld [tilespmem:s25+$0x4330];
	[tilespmem:s25+$0x43B0] =	vst v3;
	v3 =	vadd.f32 v59, v56  }
0x16b: {  	v21 =	vadd.f32 v58, v56;
	[tilespmem:s25+$0x330] =	vst v54;
	v20 =	vld [tilespmem:s25+$0x3C0]  }
0x16c: {  	v47 =	vld [tilespmem:s25+$0x4130];
	[tilespmem:s25+$0xC0] =	vst v3;
	v3 =	vadd.f32 v62, v56  }
0x16d: {  	v57 =	vadd.f32 v44, v31;
	[tilespmem:s25+$0x40] =	vst v21;
	v23 =	vld [tilespmem:s25+$0x40C0]  }
0x16e: {  	v50 =	vld [tilespmem:s25+$0x4230];
	[tilespmem:s25+$0x1C0] =	vst v3;
	v3 =	vadd.f32 v17, v56  }
0x16f: {  	v18 =	vadd.f32 v53, v31;
	[tilespmem:s25+$0x4030] =	vst v57;
	v26 =	vld [tilespmem:s25+$0x41C0]  }
0x170: {  	v16 =	vld [tilespmem:s25+$0x160];
	[tilespmem:s25+$0x2C0] =	vst v3;
	v3 =	vadd.f32 v20, v56  }
0x171: {  	v60 =	vadd.f32 v47, v31;
	[tilespmem:s25+$0x4330] =	vst v18;
	v29 =	vld [tilespmem:s25+$0x42C0]  }
0x172: {  	v34 =	vld [tilespmem:s26+$0x18050];
	[tilespmem:s25+$0x3C0] =	vst v3;
	v3 =	vadd.f32 v23, v56  }
0x173: {  	v19 =	vld [tilespmem:s25+$0x260];
	[tilespmem:s25+$0x4130] =	vst v60;
	v63 =	vadd.f32 v50, v31  }
0x174: {  	v51 =	vadd.f32 v38, v31;
	v38 =	vld [tilespmem:s25+$0x150];
	[tilespmem:s25+$0x40C0] =	vst v3;
	v3 =	vadd.f32 v26, v56  }
0x175: {  	[tilespmem:s25+$0x4230] =	vst v63;
	v37 =	vld [tilespmem:s25+$0xD0]  }
0x176: {  	v41 =	vld [tilespmem:s25+$0x250];
	[tilespmem:s25+$0x41C0] =	vst v3;
	v3 =	vadd.f32 v29, v56  }
0x177: {  	[tilespmem:s25+$0x230] =	vst v51;
	v40 =	vld [tilespmem:s25+$0x1D0];
	v45 =	vadd.f32 v35, v34  }
0x178: {  	v44 =	vld [tilespmem:s25+$0x350];
	[tilespmem:s25+$0x42C0] =	vst v3;
	v3 =	vadd.f32 v32, v56  }
0x179: {  	v48 =	vadd.f32 v38, v34;
	v43 =	vld [tilespmem:s25+$0x2D0];
	[tilespmem:s25+$0x50] =	vst v45  }
0x17a: {  	v47 =	vld [tilespmem:s25+$0x4050];
	[tilespmem:s25+$0x43C0] =	vst v3;
	v3 =	vadd.f32 v37, v34  }
0x17b: {  	v51 =	vadd.f32 v41, v34;
	[tilespmem:s25+$0x150] =	vst v48;
	v46 =	vld [tilespmem:s25+$0x3D0]  }
0x17c: {  	v50 =	vld [tilespmem:s25+$0x4150];
	[tilespmem:s25+$0xD0] =	vst v3;
	v3 =	vadd.f32 v40, v34  }
0x17d: {  	v54 =	vadd.f32 v44, v34;
	[tilespmem:s25+$0x250] =	vst v51;
	v49 =	vld [tilespmem:s25+$0x40D0]  }
0x17e: {  	v53 =	vld [tilespmem:s25+$0x4250];
	[tilespmem:s25+$0x1D0] =	vst v3;
	v3 =	vadd.f32 v43, v34  }
0x17f: {  	v57 =	vadd.f32 v47, v34;
	[tilespmem:s25+$0x350] =	vst v54;
	v52 =	vld [tilespmem:s25+$0x41D0]  }
0x180: {  	v31 =	vld [tilespmem:s25+$0x4340];
	[tilespmem:s25+$0x2D0] =	vst v3;
	v3 =	vadd.f32 v46, v34  }
0x181: {  	v60 =	vadd.f32 v50, v34;
	[tilespmem:s25+$0x4050] =	vst v57;
	v55 =	vld [tilespmem:s25+$0x42D0]  }
0x182: {  	v59 =	vld [tilespmem:s26+$0x18060];
	[tilespmem:s25+$0x3D0] =	vst v3;
	v3 =	vadd.f32 v49, v34  }
0x183: {  	v58 =	vld [tilespmem:s25+$0x43D0];
	v63 =	vadd.f32 v53, v34;
	[tilespmem:s25+$0x4150] =	vst v60  }
0x184: {  	v22 =	vld [tilespmem:s25+$0x360];
	[tilespmem:s25+$0x40D0] =	vst v3;
	v3 =	vadd.f32 v52, v34  }
0x185: {  	[tilespmem:s25+$0x4250] =	vst v63;
	v62 =	vld [tilespmem:s25+$0xE0];
	v42 =	vadd.f32 v31, v56  }
0x186: {  	v25 =	vld [tilespmem:s25+$0x4060];
	[tilespmem:s25+$0x41D0] =	vst v3;
	v3 =	vadd.f32 v55, v34  }
0x187: {  	v17 =	vld [tilespmem:s25+$0x1E0];
	[tilespmem:s25+$0x4340] =	vst v42;
	v21 =	vadd.f32 v61, v59  }
0x188: {  	v28 =	vld [tilespmem:s25+$0x4160];
	[tilespmem:s25+$0x42D0] =	vst v3;
	v3 =	vadd.f32 v58, v34  }
0x189: {  	v24 =	vadd.f32 v16, v59;
	v20 =	vld [tilespmem:s25+$0x2E0];
	[tilespmem:s25+$0x60] =	vst v21  }
0x18a: {  	v35 =	vld [tilespmem:s25+$0x43E0];
	[tilespmem:s25+$0x43D0] =	vst v3;
	v3 =	vadd.f32 v62, v59  }
0x18b: {  	v27 =	vadd.f32 v19, v59;
	[tilespmem:s25+$0x160] =	vst v24;
	v23 =	vld [tilespmem:s25+$0x3E0]  }
0x18c: {  	v38 =	vld [tilespmem:s25+$0x70];
	[tilespmem:s25+$0xE0] =	vst v3;
	v3 =	vadd.f32 v17, v59  }
0x18d: {  	v30 =	vadd.f32 v22, v59;
	[tilespmem:s25+$0x260] =	vst v27;
	v26 =	vld [tilespmem:s25+$0x40E0]  }
0x18e: {  	v31 =	vld [tilespmem:s25+$0x4260];
	[tilespmem:s25+$0x1E0] =	vst v3;
	v3 =	vadd.f32 v20, v59  }
0x18f: {  	v33 =	vadd.f32 v25, v59;
	[tilespmem:s25+$0x360] =	vst v30;
	v29 =	vld [tilespmem:s25+$0x41E0]  }
0x190: {  	v56 =	vld [tilespmem:s25+$0x4350];
	[tilespmem:s25+$0x2E0] =	vst v3;
	v3 =	vadd.f32 v23, v59  }
0x191: {  	v36 =	vadd.f32 v28, v59;
	[tilespmem:s25+$0x4060] =	vst v33;
	v32 =	vld [tilespmem:s25+$0x42E0]  }
0x192: {  	v37 =	vld [tilespmem:s26+$0x18070];
	[tilespmem:s25+$0x3E0] =	vst v3;
	v3 =	vadd.f32 v26, v59  }
0x193: {  	v41 =	vld [tilespmem:s25+$0x170];
	[tilespmem:s25+$0x4160] =	vst v36;
	v39 =	vadd.f32 v31, v59  }
0x194: {  	v44 =	vld [tilespmem:s25+$0x270];
	[tilespmem:s25+$0x40E0] =	vst v3;
	v3 =	vadd.f32 v29, v59  }
0x195: {  	[tilespmem:s25+$0x4260] =	vst v39;
	v40 =	vld [tilespmem:s25+$0xF0];
	v18 =	vadd.f32 v56, v34  }
0x196: {  	v47 =	vld [tilespmem:s25+$0x370];
	[tilespmem:s25+$0x41E0] =	vst v3;
	v3 =	vadd.f32 v32, v59  }
0x197: {  	v43 =	vld [tilespmem:s25+$0x1F0];
	[tilespmem:s25+$0x4350] =	vst v18;
	v45 =	vadd.f32 v38, v37  }
0x198: {  	v50 =	vld [tilespmem:s25+$0x4070];
	[tilespmem:s25+$0x42E0] =	vst v3;
	v3 =	vadd.f32 v35, v59  }
0x199: {  	v48 =	vadd.f32 v41, v37;
	v46 =	vld [tilespmem:s25+$0x2F0];
	[tilespmem:s25+$0x70] =	vst v45  }
0x19a: {  	v53 =	vld [tilespmem:s25+$0x4170];
	[tilespmem:s25+$0x43E0] =	vst v3;
	v3 =	vadd.f32 v40, v37  }
0x19b: {  	v51 =	vadd.f32 v44, v37;
	[tilespmem:s25+$0x170] =	vst v48;
	v49 =	vld [tilespmem:s25+$0x3F0]  }
0x19c: {  	v52 =	vld [tilespmem:s25+$0x40F0];
	[tilespmem:s25+$0xF0] =	vst v3;
	v3 =	vadd.f32 v43, v37  }
0x19d: {  	v54 =	vadd.f32 v47, v37;
	[tilespmem:s25+$0x270] =	vst v51;
	v34 =	vld [tilespmem:s25+$0x4360]  }
0x19e: {  	v56 =	vld [tilespmem:s25+$0x4270];
	[tilespmem:s25+$0x1F0] =	vst v3;
	v3 =	vadd.f32 v46, v37  }
0x19f: {  	v57 =	vadd.f32 v50, v37;
	[tilespmem:s25+$0x370] =	vst v54;
	v55 =	vld [tilespmem:s25+$0x41F0]  }
0x1a0: {  	[tilespmem:s25+$0x2F0] =	vst v3;
	v3 =	vadd.f32 v49, v37  }
0x1a1: {  	v60 =	vadd.f32 v53, v37;
	[tilespmem:s25+$0x4070] =	vst v57;
	v58 =	vld [tilespmem:s25+$0x42F0]  }
0x1a2: {  	v42 =	vadd.f32 v34, v59;
	v59 =	vld [tilespmem:s25+$0x4370];
	[tilespmem:s25+$0x3F0] =	vst v3;
	v3 =	vadd.f32 v52, v37  }
0x1a3: {  	v61 =	vld [tilespmem:s25+$0x43F0];
	[tilespmem:s25+$0x4170] =	vst v60;
	v62 =	vadd.f32 v56, v37  }
0x1a4: {  	[tilespmem:s25+$0x40F0] =	vst v3;
	v3 =	vadd.f32 v55, v37  }
0x1a5: {  	p0 =	slt.u32 s24, $0x78;
	[tilespmem:s25+$0x4270] =	vst v62  }
.Ltmp6:
0x1a6: {  	[tilespmem:s25+$0x41F0] =	vst v3;
	v3 =	vadd.f32 v58, v37;
	(pc) =	sbr.rel @p0 .LBB2_11-.Ltmp6, $4  }
0x1a7: {  	[tilespmem:s25+$0x4360] =	vst v42;
	v63 =	vadd.f32 v59, v37  }
0x1a8: {  	[tilespmem:s25+$0x42F0] =	vst v3;
	v3 =	vadd.f32 v61, v37  }
0x1a9: {  	s26 =	sadd.s32 $0x8, s24;
	[tilespmem:s25+$0x4370] =	vst v63  }
0x1aa: {  	s24 =	smov.u32 s26;
	[tilespmem:s25+$0x43F0] =	vst v3  }
.Ltmp7:
0x1ab: {  	s24 =	sshll.u32 s23, $0xF;
	(pc) =	sbr.rel .LBB2_13-.Ltmp7, $4  }
0x1ac: {  	s24 =	sadd.s32 s8, s24  }
0x1ad: {  	s24 =	sshrl.u32 s24, $0x3  }
0x1ae: {  	s24 =	sadd.s32 s3, s24  }
0x1af: {  	[hbm4b:s24+s4] =	stream.linear.scatter [tilespmem:s4], [sflag:$0x4], $0x8000, $0x38;
	[tilespmem:$0x1A180] =	vst v63  }
.LBB2_4:
0x1b0: {  	_ =	swait.ge [sflag:s21], $0x8000  }
0x1b1: {  	[sflag:s21] =	ssyncset.done $0x0  }
0x1b2: {  	s24 =	simm.s32 @!p0 $0x4;
	[sflag:s21] =	ssyncadd.s32 $0xFFFF8000  }
0x1b3: {  	_ =	swait.ge @!p0 [sflag:s24], $0x8000  }
0x1b4: {  	p1 =	por p0, !p1;
	[sflag:s24] =	ssyncset.done @!p0 $0x0  }
0x1b5: {  	[sflag:s24] =	ssyncadd.s32 @!p0 $0xFFFF8000;
	s24 =	sshll.u32 @p1 s23, $0xC  }
0x1b6: {  	s24 =	sadd.s32 @p1 s24, s7  }
0x1b7: {  	[tilespmem:s4], [sflag:$0x1] =	stream.linear.gather @p1 [hbm4b:s24+s4], $0x8000, $0x38;
	[tilespmem:$0x1A180] =	vst v63  }
0x1b8: {  	s24 =	simm.s32 $0x0  }
.LBB2_5:
0x1b9: {  	s25 =	sshll.u32 s24, $0x6  }
0x1ba: {  	s26 =	sand.u32 $0x3FFFFFC0, s25  }
0x1bb: {  	v3 =	vld [tilespmem:s26+$0x18000]  }
0x1bc: {  	s25 =	sshll.u32 s24, $0x7;
	v21 =	vld [tilespmem:s26+$0x18010]  }
0x1bd: {  	s25 =	sand.u32 $0x3FFFFF80, s25;
	v51 =	vld [tilespmem:s26+$0x18020]  }
0x1be: {  	v4 =	vld [tilespmem:s25+$0x10000]  }
0x1bf: {  	v5 =	vld [tilespmem:s25+$0x10080]  }
0x1c0: {  	v6 =	vld [tilespmem:s25+$0x10100]  }
0x1c1: {  	v7 =	vld [tilespmem:s25+$0x10180]  }
0x1c2: {  	v8 =	vld [tilespmem:s25+$0x10200]  }
0x1c3: {  	v9 =	vld [tilespmem:s25+$0x10280]  }
0x1c4: {  	v10 =	vld [tilespmem:s25+$0x10300]  }
0x1c5: {  	v11 =	vld [tilespmem:s25+$0x10380]  }
0x1c6: {  	v12 =	vld [tilespmem:s25+$0x14000]  }
0x1c7: {  	v13 =	vld [tilespmem:s25+$0x14080]  }
0x1c8: {  	v14 =	vld [tilespmem:s25+$0x14100]  }
0x1c9: {  	v15 =	vld [tilespmem:s25+$0x14180];
	v4 =	vadd.f32 v4, v3  }
0x1ca: {  	v16 =	vld [tilespmem:s25+$0x14200];
	v5 =	vadd.f32 v5, v3  }
0x1cb: {  	v17 =	vld [tilespmem:s25+$0x14280];
	v60 =	vadd.f32 v6, v3;
	[tilespmem:s25+$0x10000] =	vst v4  }
0x1cc: {  	v61 =	vld [tilespmem:s25+$0x14300];
	v62 =	vadd.f32 v7, v3;
	[tilespmem:s25+$0x10080] =	vst v5  }
0x1cd: {  	v63 =	vld [tilespmem:s25+$0x14380];
	v20 =	vadd.f32 v8, v3;
	[tilespmem:s25+$0x10100] =	vst v60  }
0x1ce: {  	v23 =	vld [tilespmem:s25+$0x10010];
	v22 =	vadd.f32 v9, v3;
	[tilespmem:s25+$0x10180] =	vst v62  }
0x1cf: {  	v25 =	vld [tilespmem:s25+$0x10090];
	v24 =	vadd.f32 v10, v3;
	[tilespmem:s25+$0x10200] =	vst v20  }
0x1d0: {  	v27 =	vld [tilespmem:s25+$0x10110];
	v26 =	vadd.f32 v11, v3;
	[tilespmem:s25+$0x10280] =	vst v22  }
0x1d1: {  	v29 =	vld [tilespmem:s25+$0x10190];
	v28 =	vadd.f32 v12, v3;
	[tilespmem:s25+$0x10300] =	vst v24  }
0x1d2: {  	v31 =	vld [tilespmem:s25+$0x10210];
	v30 =	vadd.f32 v13, v3;
	[tilespmem:s25+$0x10380] =	vst v26  }
0x1d3: {  	v33 =	vld [tilespmem:s25+$0x10290];
	v32 =	vadd.f32 v14, v3;
	[tilespmem:s25+$0x14000] =	vst v28  }
0x1d4: {  	v35 =	vld [tilespmem:s25+$0x10310];
	v34 =	vadd.f32 v15, v3;
	[tilespmem:s25+$0x14080] =	vst v30  }
0x1d5: {  	v37 =	vld [tilespmem:s25+$0x10390];
	v36 =	vadd.f32 v16, v3;
	[tilespmem:s25+$0x14100] =	vst v32  }
0x1d6: {  	v39 =	vld [tilespmem:s25+$0x14010];
	v38 =	vadd.f32 v17, v3;
	[tilespmem:s25+$0x14180] =	vst v34  }
0x1d7: {  	v41 =	vld [tilespmem:s25+$0x14090];
	v40 =	vadd.f32 v61, v3;
	[tilespmem:s25+$0x14200] =	vst v36  }
0x1d8: {  	v42 =	vld [tilespmem:s25+$0x14110];
	v3 =	vadd.f32 v63, v3;
	[tilespmem:s25+$0x14280] =	vst v38  }
0x1d9: {  	v44 =	vld [tilespmem:s25+$0x14190];
	v43 =	vadd.f32 v23, v21;
	[tilespmem:s25+$0x14300] =	vst v40  }
0x1da: {  	v45 =	vld [tilespmem:s25+$0x14210];
	[tilespmem:s25+$0x14380] =	vst v3;
	v3 =	vadd.f32 v25, v21  }
0x1db: {  	v47 =	vld [tilespmem:s25+$0x14290];
	v46 =	vadd.f32 v27, v21;
	[tilespmem:s25+$0x10010] =	vst v43  }
0x1dc: {  	v48 =	vld [tilespmem:s25+$0x14310];
	[tilespmem:s25+$0x10090] =	vst v3;
	v3 =	vadd.f32 v29, v21  }
0x1dd: {  	v50 =	vld [tilespmem:s25+$0x14390];
	v49 =	vadd.f32 v31, v21;
	[tilespmem:s25+$0x10110] =	vst v46  }
0x1de: {  	v53 =	vld [tilespmem:s25+$0x10020];
	[tilespmem:s25+$0x10190] =	vst v3;
	v3 =	vadd.f32 v33, v21  }
0x1df: {  	v54 =	vld [tilespmem:s25+$0x100A0];
	v52 =	vadd.f32 v35, v21;
	[tilespmem:s25+$0x10210] =	vst v49  }
0x1e0: {  	v56 =	vld [tilespmem:s25+$0x10120];
	[tilespmem:s25+$0x10290] =	vst v3;
	v3 =	vadd.f32 v37, v21  }
0x1e1: {  	v57 =	vld [tilespmem:s25+$0x101A0];
	v55 =	vadd.f32 v39, v21;
	[tilespmem:s25+$0x10310] =	vst v52  }
0x1e2: {  	v59 =	vld [tilespmem:s25+$0x10220];
	[tilespmem:s25+$0x10390] =	vst v3;
	v3 =	vadd.f32 v41, v21  }
0x1e3: {  	v19 =	vld [tilespmem:s25+$0x14020];
	v58 =	vadd.f32 v42, v21;
	[tilespmem:s25+$0x14010] =	vst v55  }
0x1e4: {  	v63 =	vld [tilespmem:s25+$0x103A0];
	[tilespmem:s25+$0x14090] =	vst v3;
	v3 =	vadd.f32 v44, v21  }
0x1e5: {  	v61 =	vadd.f32 v45, v21;
	v23 =	vld [tilespmem:s25+$0x141A0];
	[tilespmem:s25+$0x14110] =	vst v58  }
0x1e6: {  	v31 =	vld [tilespmem:s26+$0x18030];
	[tilespmem:s25+$0x14190] =	vst v3;
	v3 =	vadd.f32 v47, v21  }
0x1e7: {  	v18 =	vadd.f32 v48, v21;
	v35 =	vld [tilespmem:s25+$0x10130];
	[tilespmem:s25+$0x14210] =	vst v61  }
0x1e8: {  	v27 =	vadd.f32 v59, v51;
	v59 =	vld [tilespmem:s25+$0x100C0];
	[tilespmem:s25+$0x14290] =	vst v3;
	v3 =	vadd.f32 v50, v21  }
0x1e9: {  	v60 =	vld [tilespmem:s25+$0x102A0];
	[tilespmem:s25+$0x14310] =	vst v18  }
0x1ea: {  	v16 =	vld [tilespmem:s25+$0x10240];
	[tilespmem:s25+$0x14390] =	vst v3;
	v3 =	vadd.f32 v54, v51  }
0x1eb: {  	v17 =	vld [tilespmem:s25+$0x102C0];
	v24 =	vadd.f32 v56, v51;
	[tilespmem:s25+$0x10220] =	vst v27  }
0x1ec: {  	v62 =	vld [tilespmem:s25+$0x10320];
	[tilespmem:s25+$0x100A0] =	vst v3;
	v3 =	vadd.f32 v57, v51  }
0x1ed: {  	v20 =	vld [tilespmem:s25+$0x140A0];
	[tilespmem:s25+$0x10120] =	vst v24;
	v48 =	vadd.f32 v35, v31  }
0x1ee: {  	v22 =	vld [tilespmem:s25+$0x14120];
	[tilespmem:s25+$0x101A0] =	vst v3;
	v3 =	vadd.f32 v60, v51  }
0x1ef: {  	v25 =	vld [tilespmem:s25+$0x14220];
	v33 =	vadd.f32 v19, v51;
	[tilespmem:s25+$0x10130] =	vst v48  }
0x1f0: {  	v26 =	vld [tilespmem:s25+$0x142A0];
	[tilespmem:s25+$0x102A0] =	vst v3;
	v3 =	vadd.f32 v63, v51  }
0x1f1: {  	v28 =	vld [tilespmem:s25+$0x14320];
	v30 =	vadd.f32 v62, v51;
	[tilespmem:s25+$0x14020] =	vst v33  }
0x1f2: {  	v32 =	vld [tilespmem:s25+$0x10030];
	[tilespmem:s25+$0x103A0] =	vst v3;
	v3 =	vadd.f32 v20, v51  }
0x1f3: {  	v29 =	vld [tilespmem:s25+$0x143A0];
	v36 =	vadd.f32 v22, v51;
	[tilespmem:s25+$0x10320] =	vst v30  }
0x1f4: {  	v34 =	vld [tilespmem:s25+$0x100B0];
	[tilespmem:s25+$0x140A0] =	vst v3;
	v3 =	vadd.f32 v23, v51  }
0x1f5: {  	v56 =	vld [tilespmem:s26+$0x18040];
	v39 =	vadd.f32 v25, v51;
	[tilespmem:s25+$0x14120] =	vst v36  }
0x1f6: {  	v61 =	vld [tilespmem:s25+$0x10140];
	[tilespmem:s25+$0x141A0] =	vst v3;
	v3 =	vadd.f32 v26, v51  }
0x1f7: {  	v42 =	vadd.f32 v28, v51;
	v37 =	vld [tilespmem:s25+$0x101B0];
	[tilespmem:s25+$0x14220] =	vst v39  }
0x1f8: {  	v38 =	vld [tilespmem:s25+$0x10230];
	[tilespmem:s25+$0x142A0] =	vst v3;
	v3 =	vadd.f32 v29, v51  }
0x1f9: {  	v40 =	vld [tilespmem:s25+$0x102B0];
	v45 =	vadd.f32 v32, v31;
	[tilespmem:s25+$0x14320] =	vst v42  }
0x1fa: {  	v19 =	vld [tilespmem:s25+$0x10340];
	[tilespmem:s25+$0x143A0] =	vst v3;
	v3 =	vadd.f32 v34, v31  }
0x1fb: {  	v43 =	vld [tilespmem:s25+$0x103B0];
	v24 =	vadd.f32 v61, v56;
	[tilespmem:s25+$0x10030] =	vst v45  }
0x1fc: {  	v22 =	vld [tilespmem:s25+$0x14040];
	[tilespmem:s25+$0x100B0] =	vst v3;
	v3 =	vadd.f32 v37, v31  }
0x1fd: {  	v46 =	vld [tilespmem:s25+$0x140B0];
	v27 =	vadd.f32 v16, v56;
	[tilespmem:s25+$0x10140] =	vst v24  }
0x1fe: {  	v25 =	vld [tilespmem:s25+$0x14140];
	[tilespmem:s25+$0x101B0] =	vst v3;
	v3 =	vadd.f32 v40, v31  }
0x1ff: {  	v49 =	vld [tilespmem:s25+$0x141B0];
	[tilespmem:s25+$0x10240] =	vst v27;
	v30 =	vadd.f32 v19, v56  }
0x200: {  	v28 =	vld [tilespmem:s25+$0x14240];
	[tilespmem:s25+$0x102B0] =	vst v3;
	v3 =	vadd.f32 v43, v31  }
0x201: {  	v52 =	vld [tilespmem:s25+$0x142B0];
	v33 =	vadd.f32 v22, v56;
	[tilespmem:s25+$0x10340] =	vst v30  }
0x202: {  	v55 =	vld [tilespmem:s25+$0x143B0];
	[tilespmem:s25+$0x103B0] =	vst v3;
	v3 =	vadd.f32 v46, v31  }
0x203: {  	v58 =	vld [tilespmem:s25+$0x10040];
	v36 =	vadd.f32 v25, v56;
	[tilespmem:s25+$0x14040] =	vst v33  }
0x204: {  	v41 =	vld [tilespmem:s25+$0x10330];
	[tilespmem:s25+$0x140B0] =	vst v3;
	v3 =	vadd.f32 v49, v31  }
0x205: {  	v35 =	vld [tilespmem:s25+$0x10050];
	v39 =	vadd.f32 v28, v56;
	[tilespmem:s25+$0x14140] =	vst v36  }
0x206: {  	v62 =	vld [tilespmem:s25+$0x101C0];
	[tilespmem:s25+$0x141B0] =	vst v3;
	v3 =	vadd.f32 v52, v31  }
0x207: {  	v32 =	vld [tilespmem:s25+$0x143C0];
	[tilespmem:s25+$0x14240] =	vst v39;
	v21 =	vadd.f32 v53, v51  }
0x208: {  	v44 =	vld [tilespmem:s25+$0x14030];
	[tilespmem:s25+$0x142B0] =	vst v3;
	v3 =	vadd.f32 v55, v31  }
0x209: {  	v61 =	vld [tilespmem:s25+$0x10060];
	[tilespmem:s25+$0x10020] =	vst v21;
	v54 =	vadd.f32 v41, v31  }
0x20a: {  	v53 =	vld [tilespmem:s25+$0x14330];
	[tilespmem:s25+$0x143B0] =	vst v3;
	v3 =	vadd.f32 v59, v56  }
0x20b: {  	v21 =	vadd.f32 v58, v56;
	[tilespmem:s25+$0x10330] =	vst v54;
	v20 =	vld [tilespmem:s25+$0x103C0]  }
0x20c: {  	v47 =	vld [tilespmem:s25+$0x14130];
	[tilespmem:s25+$0x100C0] =	vst v3;
	v3 =	vadd.f32 v62, v56  }
0x20d: {  	v57 =	vadd.f32 v44, v31;
	[tilespmem:s25+$0x10040] =	vst v21;
	v23 =	vld [tilespmem:s25+$0x140C0]  }
0x20e: {  	v50 =	vld [tilespmem:s25+$0x14230];
	[tilespmem:s25+$0x101C0] =	vst v3;
	v3 =	vadd.f32 v17, v56  }
0x20f: {  	v18 =	vadd.f32 v53, v31;
	[tilespmem:s25+$0x14030] =	vst v57;
	v26 =	vld [tilespmem:s25+$0x141C0]  }
0x210: {  	v16 =	vld [tilespmem:s25+$0x10160];
	[tilespmem:s25+$0x102C0] =	vst v3;
	v3 =	vadd.f32 v20, v56  }
0x211: {  	v60 =	vadd.f32 v47, v31;
	[tilespmem:s25+$0x14330] =	vst v18;
	v29 =	vld [tilespmem:s25+$0x142C0]  }
0x212: {  	v34 =	vld [tilespmem:s26+$0x18050];
	[tilespmem:s25+$0x103C0] =	vst v3;
	v3 =	vadd.f32 v23, v56  }
0x213: {  	v19 =	vld [tilespmem:s25+$0x10260];
	[tilespmem:s25+$0x14130] =	vst v60;
	v63 =	vadd.f32 v50, v31  }
0x214: {  	v51 =	vadd.f32 v38, v31;
	v38 =	vld [tilespmem:s25+$0x10150];
	[tilespmem:s25+$0x140C0] =	vst v3;
	v3 =	vadd.f32 v26, v56  }
0x215: {  	[tilespmem:s25+$0x14230] =	vst v63;
	v37 =	vld [tilespmem:s25+$0x100D0]  }
0x216: {  	v41 =	vld [tilespmem:s25+$0x10250];
	[tilespmem:s25+$0x141C0] =	vst v3;
	v3 =	vadd.f32 v29, v56  }
0x217: {  	[tilespmem:s25+$0x10230] =	vst v51;
	v40 =	vld [tilespmem:s25+$0x101D0];
	v45 =	vadd.f32 v35, v34  }
0x218: {  	v44 =	vld [tilespmem:s25+$0x10350];
	[tilespmem:s25+$0x142C0] =	vst v3;
	v3 =	vadd.f32 v32, v56  }
0x219: {  	v48 =	vadd.f32 v38, v34;
	v43 =	vld [tilespmem:s25+$0x102D0];
	[tilespmem:s25+$0x10050] =	vst v45  }
0x21a: {  	v47 =	vld [tilespmem:s25+$0x14050];
	[tilespmem:s25+$0x143C0] =	vst v3;
	v3 =	vadd.f32 v37, v34  }
0x21b: {  	v51 =	vadd.f32 v41, v34;
	[tilespmem:s25+$0x10150] =	vst v48;
	v46 =	vld [tilespmem:s25+$0x103D0]  }
0x21c: {  	v50 =	vld [tilespmem:s25+$0x14150];
	[tilespmem:s25+$0x100D0] =	vst v3;
	v3 =	vadd.f32 v40, v34  }
0x21d: {  	v54 =	vadd.f32 v44, v34;
	[tilespmem:s25+$0x10250] =	vst v51;
	v49 =	vld [tilespmem:s25+$0x140D0]  }
0x21e: {  	v53 =	vld [tilespmem:s25+$0x14250];
	[tilespmem:s25+$0x101D0] =	vst v3;
	v3 =	vadd.f32 v43, v34  }
0x21f: {  	v57 =	vadd.f32 v47, v34;
	[tilespmem:s25+$0x10350] =	vst v54;
	v52 =	vld [tilespmem:s25+$0x141D0]  }
0x220: {  	v31 =	vld [tilespmem:s25+$0x14340];
	[tilespmem:s25+$0x102D0] =	vst v3;
	v3 =	vadd.f32 v46, v34  }
0x221: {  	v60 =	vadd.f32 v50, v34;
	[tilespmem:s25+$0x14050] =	vst v57;
	v55 =	vld [tilespmem:s25+$0x142D0]  }
0x222: {  	v59 =	vld [tilespmem:s26+$0x18060];
	[tilespmem:s25+$0x103D0] =	vst v3;
	v3 =	vadd.f32 v49, v34  }
0x223: {  	v58 =	vld [tilespmem:s25+$0x143D0];
	v63 =	vadd.f32 v53, v34;
	[tilespmem:s25+$0x14150] =	vst v60  }
0x224: {  	v22 =	vld [tilespmem:s25+$0x10360];
	[tilespmem:s25+$0x140D0] =	vst v3;
	v3 =	vadd.f32 v52, v34  }
0x225: {  	[tilespmem:s25+$0x14250] =	vst v63;
	v62 =	vld [tilespmem:s25+$0x100E0];
	v42 =	vadd.f32 v31, v56  }
0x226: {  	v25 =	vld [tilespmem:s25+$0x14060];
	[tilespmem:s25+$0x141D0] =	vst v3;
	v3 =	vadd.f32 v55, v34  }
0x227: {  	v17 =	vld [tilespmem:s25+$0x101E0];
	[tilespmem:s25+$0x14340] =	vst v42;
	v21 =	vadd.f32 v61, v59  }
0x228: {  	v28 =	vld [tilespmem:s25+$0x14160];
	[tilespmem:s25+$0x142D0] =	vst v3;
	v3 =	vadd.f32 v58, v34  }
0x229: {  	v24 =	vadd.f32 v16, v59;
	v20 =	vld [tilespmem:s25+$0x102E0];
	[tilespmem:s25+$0x10060] =	vst v21  }
0x22a: {  	v35 =	vld [tilespmem:s25+$0x143E0];
	[tilespmem:s25+$0x143D0] =	vst v3;
	v3 =	vadd.f32 v62, v59  }
0x22b: {  	v27 =	vadd.f32 v19, v59;
	[tilespmem:s25+$0x10160] =	vst v24;
	v23 =	vld [tilespmem:s25+$0x103E0]  }
0x22c: {  	v38 =	vld [tilespmem:s25+$0x10070];
	[tilespmem:s25+$0x100E0] =	vst v3;
	v3 =	vadd.f32 v17, v59  }
0x22d: {  	v30 =	vadd.f32 v22, v59;
	[tilespmem:s25+$0x10260] =	vst v27;
	v26 =	vld [tilespmem:s25+$0x140E0]  }
0x22e: {  	v31 =	vld [tilespmem:s25+$0x14260];
	[tilespmem:s25+$0x101E0] =	vst v3;
	v3 =	vadd.f32 v20, v59  }
0x22f: {  	v33 =	vadd.f32 v25, v59;
	[tilespmem:s25+$0x10360] =	vst v30;
	v29 =	vld [tilespmem:s25+$0x141E0]  }
0x230: {  	v56 =	vld [tilespmem:s25+$0x14350];
	[tilespmem:s25+$0x102E0] =	vst v3;
	v3 =	vadd.f32 v23, v59  }
0x231: {  	v36 =	vadd.f32 v28, v59;
	[tilespmem:s25+$0x14060] =	vst v33;
	v32 =	vld [tilespmem:s25+$0x142E0]  }
0x232: {  	v37 =	vld [tilespmem:s26+$0x18070];
	[tilespmem:s25+$0x103E0] =	vst v3;
	v3 =	vadd.f32 v26, v59  }
0x233: {  	v41 =	vld [tilespmem:s25+$0x10170];
	[tilespmem:s25+$0x14160] =	vst v36;
	v39 =	vadd.f32 v31, v59  }
0x234: {  	v44 =	vld [tilespmem:s25+$0x10270];
	[tilespmem:s25+$0x140E0] =	vst v3;
	v3 =	vadd.f32 v29, v59  }
0x235: {  	[tilespmem:s25+$0x14260] =	vst v39;
	v40 =	vld [tilespmem:s25+$0x100F0];
	v18 =	vadd.f32 v56, v34  }
0x236: {  	v47 =	vld [tilespmem:s25+$0x10370];
	[tilespmem:s25+$0x141E0] =	vst v3;
	v3 =	vadd.f32 v32, v59  }
0x237: {  	v43 =	vld [tilespmem:s25+$0x101F0];
	[tilespmem:s25+$0x14350] =	vst v18;
	v45 =	vadd.f32 v38, v37  }
0x238: {  	v50 =	vld [tilespmem:s25+$0x14070];
	[tilespmem:s25+$0x142E0] =	vst v3;
	v3 =	vadd.f32 v35, v59  }
0x239: {  	v48 =	vadd.f32 v41, v37;
	v46 =	vld [tilespmem:s25+$0x102F0];
	[tilespmem:s25+$0x10070] =	vst v45  }
0x23a: {  	v53 =	vld [tilespmem:s25+$0x14170];
	[tilespmem:s25+$0x143E0] =	vst v3;
	v3 =	vadd.f32 v40, v37  }
0x23b: {  	v51 =	vadd.f32 v44, v37;
	[tilespmem:s25+$0x10170] =	vst v48;
	v49 =	vld [tilespmem:s25+$0x103F0]  }
0x23c: {  	v52 =	vld [tilespmem:s25+$0x140F0];
	[tilespmem:s25+$0x100F0] =	vst v3;
	v3 =	vadd.f32 v43, v37  }
0x23d: {  	v54 =	vadd.f32 v47, v37;
	[tilespmem:s25+$0x10270] =	vst v51;
	v34 =	vld [tilespmem:s25+$0x14360]  }
0x23e: {  	v56 =	vld [tilespmem:s25+$0x14270];
	[tilespmem:s25+$0x101F0] =	vst v3;
	v3 =	vadd.f32 v46, v37  }
0x23f: {  	v57 =	vadd.f32 v50, v37;
	[tilespmem:s25+$0x10370] =	vst v54;
	v55 =	vld [tilespmem:s25+$0x141F0]  }
0x240: {  	[tilespmem:s25+$0x102F0] =	vst v3;
	v3 =	vadd.f32 v49, v37  }
0x241: {  	v60 =	vadd.f32 v53, v37;
	[tilespmem:s25+$0x14070] =	vst v57;
	v58 =	vld [tilespmem:s25+$0x142F0]  }
0x242: {  	v42 =	vadd.f32 v34, v59;
	v59 =	vld [tilespmem:s25+$0x14370];
	[tilespmem:s25+$0x103F0] =	vst v3;
	v3 =	vadd.f32 v52, v37  }
0x243: {  	v61 =	vld [tilespmem:s25+$0x143F0];
	[tilespmem:s25+$0x14170] =	vst v60;
	v62 =	vadd.f32 v56, v37  }
0x244: {  	[tilespmem:s25+$0x140F0] =	vst v3;
	v3 =	vadd.f32 v55, v37  }
0x245: {  	p0 =	slt.u32 s24, $0x78;
	[tilespmem:s25+$0x14270] =	vst v62  }
.Ltmp8:
0x246: {  	[tilespmem:s25+$0x141F0] =	vst v3;
	v3 =	vadd.f32 v58, v37;
	(pc) =	sbr.rel @p0 .LBB2_5-.Ltmp8, $4  }
0x247: {  	[tilespmem:s25+$0x14360] =	vst v42;
	v63 =	vadd.f32 v59, v37  }
0x248: {  	[tilespmem:s25+$0x142F0] =	vst v3;
	v3 =	vadd.f32 v61, v37  }
0x249: {  	s26 =	sadd.s32 $0x8, s24;
	[tilespmem:s25+$0x14370] =	vst v63  }
0x24a: {  	s24 =	smov.u32 s26;
	[tilespmem:s25+$0x143F0] =	vst v3  }
.Ltmp9:
0x24b: {  	s24 =	sshll.u32 s23, $0xF;
	(pc) =	sbr.rel .LBB2_13-.Ltmp9, $4  }
0x24c: {  	s24 =	sadd.s32 s8, s24  }
0x24d: {  	s24 =	sshrl.u32 s24, $0x3  }
0x24e: {  	s24 =	sadd.s32 s3, s24  }
0x24f: {  	[hbm4b:s24+s4] =	stream.linear.scatter [tilespmem:s20], [sflag:$0x6], $0x8000, $0x38;
	[tilespmem:$0x1A180] =	vst v63  }
.LBB2_14:
0x250: {  	_ =	swait.ge [sflag:s15], $0x8000  }
0x251: {  	[sflag:s15] =	ssyncset.done $0x0  }
0x252: {  	[sflag:s15] =	ssyncadd.s32 $0xFFFF8000  }
0x253: {  	_ =	swait.ge [sflag:s16], $0x8000  }
0x254: {  	[sflag:s16] =	ssyncset.done $0x0  }
0x255: {  	[sflag:s16] =	ssyncadd.s32 $0xFFFF8000  }
0x256: {  	[tilespmem:$0x1A100] =	vst v1  }
0x257: {  	[tilespmem:$0x1A110] =	vst v1  }
.Ltmp10:
0x258: {  	[tilespmem:$0x1A120] =	vst v1;
	(pc) =	sbr.rel .LBB2_15-.Ltmp10, $4  }
0x259: {  	s23 =	simm.s32 $0x0;
	s25 =	simm.s32 $0x1A100;
	s24 =	rddreg [dreg:$0x8];
	[tilespmem:$0x1A130] =	vst v1  }
0x25a: {  	[hbm4b:s24+s23] =	stream.linear.scatter [tilespmem:s25], [sflag:$0x7], $0x40, $0x38;
	[tilespmem:$0x1A180] =	vst v63  }
0x25b: {  	_ = 	snop  }
0x25c: {  	[tilespmem:s23], [sflag:$0x1] =	stream.linear.gather [hbm4b:s9+s23], $0x8000, $0x38;
	[tilespmem:$0x1A180] =	vst v63  }
.LBB2_22:
0x25d: {  	s24 =	sshll.u32 s23, $0xF  }
0x25e: {  	s24 =	sadd.s32 s12, s24  }
0x25f: {  	s24 =	sshrl.u32 s24, $0x3  }
0x260: {  	s24 =	sadd.s32 s3, s24  }
0x261: {  	[hbm4b:s24+s4] =	stream.linear.scatter [tilespmem:s14], [sflag:$0x5], $0x8000, $0x38;
	[tilespmem:$0x1A180] =	vst v63  }
.LBB2_26:
0x262: {  	s23 =	sadd.s32 $0x1, s23  }
0x263: {  	p0 =	sne.s32 s23, $0x4  }
.Ltmp11:
0x264: {  	_ = 	snop;
	(pc) =	sbr.rel @!p0 .LBB2_27-.Ltmp11, $1  }
0x265: {  	_ =	sdelay $0x3  }
.LBB2_15:
0x266: {  	p0 =	seq.s32 s23, $0x3;
	s24 =	smov.u32 s23  }
0x267: {  	s24 =	simm.s32 @p0 $0x0  }
0x268: {  	p2 =	seq.s32 s24, $0x0  }
.Ltmp12:
0x269: {  	_ = 	snop;
	(pc) =	sbr.rel @p2 .LBB2_23-.Ltmp12, $3  }
0x26a: {  	_ =	sdelay $0x1  }
0x26b: {  	p0 =	slt.u32 s23, $0x2  }
0x26c: {  	p1 =	seq.s32 @!p0 s23, $0x3  }
0x26d: {  	p2 =	seq.s32 s24, $0x1  }
.Ltmp13:
0x26e: {  	_ = 	snop;
	(pc) =	sbr.rel @!p2 .LBB2_17-.Ltmp13, $1  }
0x26f: {  	_ =	sdelay $0x3  }
0x270: {  	_ =	swait.ge [sflag:s17], $0x8000  }
0x271: {  	[sflag:s17] =	ssyncset.done $0x0  }
0x272: {  	s24 =	simm.s32 @!p0 $0x6;
	[sflag:s17] =	ssyncadd.s32 $0xFFFF8000  }
0x273: {  	_ =	swait.ge @!p0 [sflag:s24], $0x8000  }
0x274: {  	p1 =	por p0, !p1;
	[sflag:s24] =	ssyncset.done @!p0 $0x0  }
0x275: {  	[sflag:s24] =	ssyncadd.s32 @!p0 $0xFFFF8000;
	s24 =	sshll.u32 @p1 s23, $0xC  }
0x276: {  	s24 =	sadd.s32 @p1 s24, s11  }
0x277: {  	[tilespmem:s20], [sflag:$0x3] =	stream.linear.gather @p1 [hbm4b:s24+s4], $0x8000, $0x38;
	[tilespmem:$0x1A180] =	vst v63  }
0x278: {  	s24 =	simm.s32 $0x0  }
.LBB2_21:
0x279: {  	s25 =	sshll.u32 s24, $0x6  }
0x27a: {  	s26 =	sand.u32 $0x3FFFFFC0, s25  }
0x27b: {  	v3 =	vld [tilespmem:s26+$0x18080]  }
0x27c: {  	s25 =	sshll.u32 s24, $0x7;
	v21 =	vld [tilespmem:s26+$0x18090]  }
0x27d: {  	s25 =	sand.u32 $0x3FFFFF80, s25;
	v51 =	vld [tilespmem:s26+$0x180A0]  }
0x27e: {  	v4 =	vld [tilespmem:s25+$0x8000]  }
0x27f: {  	v5 =	vld [tilespmem:s25+$0x8080]  }
0x280: {  	v6 =	vld [tilespmem:s25+$0x8100]  }
0x281: {  	v7 =	vld [tilespmem:s25+$0x8180]  }
0x282: {  	v8 =	vld [tilespmem:s25+$0x8200]  }
0x283: {  	v9 =	vld [tilespmem:s25+$0x8280]  }
0x284: {  	v10 =	vld [tilespmem:s25+$0x8300]  }
0x285: {  	v11 =	vld [tilespmem:s25+$0x8380]  }
0x286: {  	v12 =	vld [tilespmem:s25+$0xC000]  }
0x287: {  	v13 =	vld [tilespmem:s25+$0xC080]  }
0x288: {  	v14 =	vld [tilespmem:s25+$0xC100]  }
0x289: {  	v15 =	vld [tilespmem:s25+$0xC180];
	v4 =	vadd.f32 v4, v3  }
0x28a: {  	v16 =	vld [tilespmem:s25+$0xC200];
	v5 =	vadd.f32 v5, v3  }
0x28b: {  	v17 =	vld [tilespmem:s25+$0xC280];
	v60 =	vadd.f32 v6, v3;
	[tilespmem:s25+$0x8000] =	vst v4  }
0x28c: {  	v61 =	vld [tilespmem:s25+$0xC300];
	v62 =	vadd.f32 v7, v3;
	[tilespmem:s25+$0x8080] =	vst v5  }
0x28d: {  	v63 =	vld [tilespmem:s25+$0xC380];
	v20 =	vadd.f32 v8, v3;
	[tilespmem:s25+$0x8100] =	vst v60  }
0x28e: {  	v23 =	vld [tilespmem:s25+$0x8010];
	v22 =	vadd.f32 v9, v3;
	[tilespmem:s25+$0x8180] =	vst v62  }
0x28f: {  	v25 =	vld [tilespmem:s25+$0x8090];
	v24 =	vadd.f32 v10, v3;
	[tilespmem:s25+$0x8200] =	vst v20  }
0x290: {  	v27 =	vld [tilespmem:s25+$0x8110];
	v26 =	vadd.f32 v11, v3;
	[tilespmem:s25+$0x8280] =	vst v22  }
0x291: {  	v29 =	vld [tilespmem:s25+$0x8190];
	v28 =	vadd.f32 v12, v3;
	[tilespmem:s25+$0x8300] =	vst v24  }
0x292: {  	v31 =	vld [tilespmem:s25+$0x8210];
	v30 =	vadd.f32 v13, v3;
	[tilespmem:s25+$0x8380] =	vst v26  }
0x293: {  	v33 =	vld [tilespmem:s25+$0x8290];
	v32 =	vadd.f32 v14, v3;
	[tilespmem:s25+$0xC000] =	vst v28  }
0x294: {  	v35 =	vld [tilespmem:s25+$0x8310];
	v34 =	vadd.f32 v15, v3;
	[tilespmem:s25+$0xC080] =	vst v30  }
0x295: {  	v37 =	vld [tilespmem:s25+$0x8390];
	v36 =	vadd.f32 v16, v3;
	[tilespmem:s25+$0xC100] =	vst v32  }
0x296: {  	v39 =	vld [tilespmem:s25+$0xC010];
	v38 =	vadd.f32 v17, v3;
	[tilespmem:s25+$0xC180] =	vst v34  }
0x297: {  	v41 =	vld [tilespmem:s25+$0xC090];
	v40 =	vadd.f32 v61, v3;
	[tilespmem:s25+$0xC200] =	vst v36  }
0x298: {  	v42 =	vld [tilespmem:s25+$0xC110];
	v3 =	vadd.f32 v63, v3;
	[tilespmem:s25+$0xC280] =	vst v38  }
0x299: {  	v44 =	vld [tilespmem:s25+$0xC190];
	v43 =	vadd.f32 v23, v21;
	[tilespmem:s25+$0xC300] =	vst v40  }
0x29a: {  	v45 =	vld [tilespmem:s25+$0xC210];
	[tilespmem:s25+$0xC380] =	vst v3;
	v3 =	vadd.f32 v25, v21  }
0x29b: {  	v47 =	vld [tilespmem:s25+$0xC290];
	v46 =	vadd.f32 v27, v21;
	[tilespmem:s25+$0x8010] =	vst v43  }
0x29c: {  	v48 =	vld [tilespmem:s25+$0xC310];
	[tilespmem:s25+$0x8090] =	vst v3;
	v3 =	vadd.f32 v29, v21  }
0x29d: {  	v50 =	vld [tilespmem:s25+$0xC390];
	v49 =	vadd.f32 v31, v21;
	[tilespmem:s25+$0x8110] =	vst v46  }
0x29e: {  	v53 =	vld [tilespmem:s25+$0x8020];
	[tilespmem:s25+$0x8190] =	vst v3;
	v3 =	vadd.f32 v33, v21  }
0x29f: {  	v54 =	vld [tilespmem:s25+$0x80A0];
	v52 =	vadd.f32 v35, v21;
	[tilespmem:s25+$0x8210] =	vst v49  }
0x2a0: {  	v56 =	vld [tilespmem:s25+$0x8120];
	[tilespmem:s25+$0x8290] =	vst v3;
	v3 =	vadd.f32 v37, v21  }
0x2a1: {  	v57 =	vld [tilespmem:s25+$0x81A0];
	v55 =	vadd.f32 v39, v21;
	[tilespmem:s25+$0x8310] =	vst v52  }
0x2a2: {  	v59 =	vld [tilespmem:s25+$0x8220];
	[tilespmem:s25+$0x8390] =	vst v3;
	v3 =	vadd.f32 v41, v21  }
0x2a3: {  	v19 =	vld [tilespmem:s25+$0xC020];
	v58 =	vadd.f32 v42, v21;
	[tilespmem:s25+$0xC010] =	vst v55  }
0x2a4: {  	v63 =	vld [tilespmem:s25+$0x83A0];
	[tilespmem:s25+$0xC090] =	vst v3;
	v3 =	vadd.f32 v44, v21  }
0x2a5: {  	v61 =	vadd.f32 v45, v21;
	v23 =	vld [tilespmem:s25+$0xC1A0];
	[tilespmem:s25+$0xC110] =	vst v58  }
0x2a6: {  	v31 =	vld [tilespmem:s26+$0x180B0];
	[tilespmem:s25+$0xC190] =	vst v3;
	v3 =	vadd.f32 v47, v21  }
0x2a7: {  	v18 =	vadd.f32 v48, v21;
	v35 =	vld [tilespmem:s25+$0x8130];
	[tilespmem:s25+$0xC210] =	vst v61  }
0x2a8: {  	v27 =	vadd.f32 v59, v51;
	v59 =	vld [tilespmem:s25+$0x80C0];
	[tilespmem:s25+$0xC290] =	vst v3;
	v3 =	vadd.f32 v50, v21  }
0x2a9: {  	v60 =	vld [tilespmem:s25+$0x82A0];
	[tilespmem:s25+$0xC310] =	vst v18  }
0x2aa: {  	v16 =	vld [tilespmem:s25+$0x8240];
	[tilespmem:s25+$0xC390] =	vst v3;
	v3 =	vadd.f32 v54, v51  }
0x2ab: {  	v17 =	vld [tilespmem:s25+$0x82C0];
	v24 =	vadd.f32 v56, v51;
	[tilespmem:s25+$0x8220] =	vst v27  }
0x2ac: {  	v62 =	vld [tilespmem:s25+$0x8320];
	[tilespmem:s25+$0x80A0] =	vst v3;
	v3 =	vadd.f32 v57, v51  }
0x2ad: {  	v20 =	vld [tilespmem:s25+$0xC0A0];
	[tilespmem:s25+$0x8120] =	vst v24;
	v48 =	vadd.f32 v35, v31  }
0x2ae: {  	v22 =	vld [tilespmem:s25+$0xC120];
	[tilespmem:s25+$0x81A0] =	vst v3;
	v3 =	vadd.f32 v60, v51  }
0x2af: {  	v25 =	vld [tilespmem:s25+$0xC220];
	v33 =	vadd.f32 v19, v51;
	[tilespmem:s25+$0x8130] =	vst v48  }
0x2b0: {  	v26 =	vld [tilespmem:s25+$0xC2A0];
	[tilespmem:s25+$0x82A0] =	vst v3;
	v3 =	vadd.f32 v63, v51  }
0x2b1: {  	v28 =	vld [tilespmem:s25+$0xC320];
	v30 =	vadd.f32 v62, v51;
	[tilespmem:s25+$0xC020] =	vst v33  }
0x2b2: {  	v32 =	vld [tilespmem:s25+$0x8030];
	[tilespmem:s25+$0x83A0] =	vst v3;
	v3 =	vadd.f32 v20, v51  }
0x2b3: {  	v29 =	vld [tilespmem:s25+$0xC3A0];
	v36 =	vadd.f32 v22, v51;
	[tilespmem:s25+$0x8320] =	vst v30  }
0x2b4: {  	v34 =	vld [tilespmem:s25+$0x80B0];
	[tilespmem:s25+$0xC0A0] =	vst v3;
	v3 =	vadd.f32 v23, v51  }
0x2b5: {  	v56 =	vld [tilespmem:s26+$0x180C0];
	v39 =	vadd.f32 v25, v51;
	[tilespmem:s25+$0xC120] =	vst v36  }
0x2b6: {  	v61 =	vld [tilespmem:s25+$0x8140];
	[tilespmem:s25+$0xC1A0] =	vst v3;
	v3 =	vadd.f32 v26, v51  }
0x2b7: {  	v42 =	vadd.f32 v28, v51;
	v37 =	vld [tilespmem:s25+$0x81B0];
	[tilespmem:s25+$0xC220] =	vst v39  }
0x2b8: {  	v38 =	vld [tilespmem:s25+$0x8230];
	[tilespmem:s25+$0xC2A0] =	vst v3;
	v3 =	vadd.f32 v29, v51  }
0x2b9: {  	v40 =	vld [tilespmem:s25+$0x82B0];
	v45 =	vadd.f32 v32, v31;
	[tilespmem:s25+$0xC320] =	vst v42  }
0x2ba: {  	v19 =	vld [tilespmem:s25+$0x8340];
	[tilespmem:s25+$0xC3A0] =	vst v3;
	v3 =	vadd.f32 v34, v31  }
0x2bb: {  	v43 =	vld [tilespmem:s25+$0x83B0];
	v24 =	vadd.f32 v61, v56;
	[tilespmem:s25+$0x8030] =	vst v45  }
0x2bc: {  	v22 =	vld [tilespmem:s25+$0xC040];
	[tilespmem:s25+$0x80B0] =	vst v3;
	v3 =	vadd.f32 v37, v31  }
0x2bd: {  	v46 =	vld [tilespmem:s25+$0xC0B0];
	v27 =	vadd.f32 v16, v56;
	[tilespmem:s25+$0x8140] =	vst v24  }
0x2be: {  	v25 =	vld [tilespmem:s25+$0xC140];
	[tilespmem:s25+$0x81B0] =	vst v3;
	v3 =	vadd.f32 v40, v31  }
0x2bf: {  	v49 =	vld [tilespmem:s25+$0xC1B0];
	[tilespmem:s25+$0x8240] =	vst v27;
	v30 =	vadd.f32 v19, v56  }
0x2c0: {  	v28 =	vld [tilespmem:s25+$0xC240];
	[tilespmem:s25+$0x82B0] =	vst v3;
	v3 =	vadd.f32 v43, v31  }
0x2c1: {  	v52 =	vld [tilespmem:s25+$0xC2B0];
	v33 =	vadd.f32 v22, v56;
	[tilespmem:s25+$0x8340] =	vst v30  }
0x2c2: {  	v55 =	vld [tilespmem:s25+$0xC3B0];
	[tilespmem:s25+$0x83B0] =	vst v3;
	v3 =	vadd.f32 v46, v31  }
0x2c3: {  	v58 =	vld [tilespmem:s25+$0x8040];
	v36 =	vadd.f32 v25, v56;
	[tilespmem:s25+$0xC040] =	vst v33  }
0x2c4: {  	v41 =	vld [tilespmem:s25+$0x8330];
	[tilespmem:s25+$0xC0B0] =	vst v3;
	v3 =	vadd.f32 v49, v31  }
0x2c5: {  	v35 =	vld [tilespmem:s25+$0x8050];
	v39 =	vadd.f32 v28, v56;
	[tilespmem:s25+$0xC140] =	vst v36  }
0x2c6: {  	v62 =	vld [tilespmem:s25+$0x81C0];
	[tilespmem:s25+$0xC1B0] =	vst v3;
	v3 =	vadd.f32 v52, v31  }
0x2c7: {  	v32 =	vld [tilespmem:s25+$0xC3C0];
	[tilespmem:s25+$0xC240] =	vst v39;
	v21 =	vadd.f32 v53, v51  }
0x2c8: {  	v44 =	vld [tilespmem:s25+$0xC030];
	[tilespmem:s25+$0xC2B0] =	vst v3;
	v3 =	vadd.f32 v55, v31  }
0x2c9: {  	v61 =	vld [tilespmem:s25+$0x8060];
	[tilespmem:s25+$0x8020] =	vst v21;
	v54 =	vadd.f32 v41, v31  }
0x2ca: {  	v53 =	vld [tilespmem:s25+$0xC330];
	[tilespmem:s25+$0xC3B0] =	vst v3;
	v3 =	vadd.f32 v59, v56  }
0x2cb: {  	v21 =	vadd.f32 v58, v56;
	[tilespmem:s25+$0x8330] =	vst v54;
	v20 =	vld [tilespmem:s25+$0x83C0]  }
0x2cc: {  	v47 =	vld [tilespmem:s25+$0xC130];
	[tilespmem:s25+$0x80C0] =	vst v3;
	v3 =	vadd.f32 v62, v56  }
0x2cd: {  	v57 =	vadd.f32 v44, v31;
	[tilespmem:s25+$0x8040] =	vst v21;
	v23 =	vld [tilespmem:s25+$0xC0C0]  }
0x2ce: {  	v50 =	vld [tilespmem:s25+$0xC230];
	[tilespmem:s25+$0x81C0] =	vst v3;
	v3 =	vadd.f32 v17, v56  }
0x2cf: {  	v18 =	vadd.f32 v53, v31;
	[tilespmem:s25+$0xC030] =	vst v57;
	v26 =	vld [tilespmem:s25+$0xC1C0]  }
0x2d0: {  	v16 =	vld [tilespmem:s25+$0x8160];
	[tilespmem:s25+$0x82C0] =	vst v3;
	v3 =	vadd.f32 v20, v56  }
0x2d1: {  	v60 =	vadd.f32 v47, v31;
	[tilespmem:s25+$0xC330] =	vst v18;
	v29 =	vld [tilespmem:s25+$0xC2C0]  }
0x2d2: {  	v34 =	vld [tilespmem:s26+$0x180D0];
	[tilespmem:s25+$0x83C0] =	vst v3;
	v3 =	vadd.f32 v23, v56  }
0x2d3: {  	v19 =	vld [tilespmem:s25+$0x8260];
	[tilespmem:s25+$0xC130] =	vst v60;
	v63 =	vadd.f32 v50, v31  }
0x2d4: {  	v51 =	vadd.f32 v38, v31;
	v38 =	vld [tilespmem:s25+$0x8150];
	[tilespmem:s25+$0xC0C0] =	vst v3;
	v3 =	vadd.f32 v26, v56  }
0x2d5: {  	[tilespmem:s25+$0xC230] =	vst v63;
	v37 =	vld [tilespmem:s25+$0x80D0]  }
0x2d6: {  	v41 =	vld [tilespmem:s25+$0x8250];
	[tilespmem:s25+$0xC1C0] =	vst v3;
	v3 =	vadd.f32 v29, v56  }
0x2d7: {  	[tilespmem:s25+$0x8230] =	vst v51;
	v40 =	vld [tilespmem:s25+$0x81D0];
	v45 =	vadd.f32 v35, v34  }
0x2d8: {  	v44 =	vld [tilespmem:s25+$0x8350];
	[tilespmem:s25+$0xC2C0] =	vst v3;
	v3 =	vadd.f32 v32, v56  }
0x2d9: {  	v48 =	vadd.f32 v38, v34;
	v43 =	vld [tilespmem:s25+$0x82D0];
	[tilespmem:s25+$0x8050] =	vst v45  }
0x2da: {  	v47 =	vld [tilespmem:s25+$0xC050];
	[tilespmem:s25+$0xC3C0] =	vst v3;
	v3 =	vadd.f32 v37, v34  }
0x2db: {  	v51 =	vadd.f32 v41, v34;
	[tilespmem:s25+$0x8150] =	vst v48;
	v46 =	vld [tilespmem:s25+$0x83D0]  }
0x2dc: {  	v50 =	vld [tilespmem:s25+$0xC150];
	[tilespmem:s25+$0x80D0] =	vst v3;
	v3 =	vadd.f32 v40, v34  }
0x2dd: {  	v54 =	vadd.f32 v44, v34;
	[tilespmem:s25+$0x8250] =	vst v51;
	v49 =	vld [tilespmem:s25+$0xC0D0]  }
0x2de: {  	v53 =	vld [tilespmem:s25+$0xC250];
	[tilespmem:s25+$0x81D0] =	vst v3;
	v3 =	vadd.f32 v43, v34  }
0x2df: {  	v57 =	vadd.f32 v47, v34;
	[tilespmem:s25+$0x8350] =	vst v54;
	v52 =	vld [tilespmem:s25+$0xC1D0]  }
0x2e0: {  	v31 =	vld [tilespmem:s25+$0xC340];
	[tilespmem:s25+$0x82D0] =	vst v3;
	v3 =	vadd.f32 v46, v34  }
0x2e1: {  	v60 =	vadd.f32 v50, v34;
	[tilespmem:s25+$0xC050] =	vst v57;
	v55 =	vld [tilespmem:s25+$0xC2D0]  }
0x2e2: {  	v59 =	vld [tilespmem:s26+$0x180E0];
	[tilespmem:s25+$0x83D0] =	vst v3;
	v3 =	vadd.f32 v49, v34  }
0x2e3: {  	v58 =	vld [tilespmem:s25+$0xC3D0];
	v63 =	vadd.f32 v53, v34;
	[tilespmem:s25+$0xC150] =	vst v60  }
0x2e4: {  	v22 =	vld [tilespmem:s25+$0x8360];
	[tilespmem:s25+$0xC0D0] =	vst v3;
	v3 =	vadd.f32 v52, v34  }
0x2e5: {  	[tilespmem:s25+$0xC250] =	vst v63;
	v62 =	vld [tilespmem:s25+$0x80E0];
	v42 =	vadd.f32 v31, v56  }
0x2e6: {  	v25 =	vld [tilespmem:s25+$0xC060];
	[tilespmem:s25+$0xC1D0] =	vst v3;
	v3 =	vadd.f32 v55, v34  }
0x2e7: {  	v17 =	vld [tilespmem:s25+$0x81E0];
	[tilespmem:s25+$0xC340] =	vst v42;
	v21 =	vadd.f32 v61, v59  }
0x2e8: {  	v28 =	vld [tilespmem:s25+$0xC160];
	[tilespmem:s25+$0xC2D0] =	vst v3;
	v3 =	vadd.f32 v58, v34  }
0x2e9: {  	v24 =	vadd.f32 v16, v59;
	v20 =	vld [tilespmem:s25+$0x82E0];
	[tilespmem:s25+$0x8060] =	vst v21  }
0x2ea: {  	v35 =	vld [tilespmem:s25+$0xC3E0];
	[tilespmem:s25+$0xC3D0] =	vst v3;
	v3 =	vadd.f32 v62, v59  }
0x2eb: {  	v27 =	vadd.f32 v19, v59;
	[tilespmem:s25+$0x8160] =	vst v24;
	v23 =	vld [tilespmem:s25+$0x83E0]  }
0x2ec: {  	v38 =	vld [tilespmem:s25+$0x8070];
	[tilespmem:s25+$0x80E0] =	vst v3;
	v3 =	vadd.f32 v17, v59  }
0x2ed: {  	v30 =	vadd.f32 v22, v59;
	[tilespmem:s25+$0x8260] =	vst v27;
	v26 =	vld [tilespmem:s25+$0xC0E0]  }
0x2ee: {  	v31 =	vld [tilespmem:s25+$0xC260];
	[tilespmem:s25+$0x81E0] =	vst v3;
	v3 =	vadd.f32 v20, v59  }
0x2ef: {  	v33 =	vadd.f32 v25, v59;
	[tilespmem:s25+$0x8360] =	vst v30;
	v29 =	vld [tilespmem:s25+$0xC1E0]  }
0x2f0: {  	v56 =	vld [tilespmem:s25+$0xC350];
	[tilespmem:s25+$0x82E0] =	vst v3;
	v3 =	vadd.f32 v23, v59  }
0x2f1: {  	v36 =	vadd.f32 v28, v59;
	[tilespmem:s25+$0xC060] =	vst v33;
	v32 =	vld [tilespmem:s25+$0xC2E0]  }
0x2f2: {  	v37 =	vld [tilespmem:s26+$0x180F0];
	[tilespmem:s25+$0x83E0] =	vst v3;
	v3 =	vadd.f32 v26, v59  }
0x2f3: {  	v41 =	vld [tilespmem:s25+$0x8170];
	[tilespmem:s25+$0xC160] =	vst v36;
	v39 =	vadd.f32 v31, v59  }
0x2f4: {  	v44 =	vld [tilespmem:s25+$0x8270];
	[tilespmem:s25+$0xC0E0] =	vst v3;
	v3 =	vadd.f32 v29, v59  }
0x2f5: {  	[tilespmem:s25+$0xC260] =	vst v39;
	v40 =	vld [tilespmem:s25+$0x80F0];
	v18 =	vadd.f32 v56, v34  }
0x2f6: {  	v47 =	vld [tilespmem:s25+$0x8370];
	[tilespmem:s25+$0xC1E0] =	vst v3;
	v3 =	vadd.f32 v32, v59  }
0x2f7: {  	v43 =	vld [tilespmem:s25+$0x81F0];
	[tilespmem:s25+$0xC350] =	vst v18;
	v45 =	vadd.f32 v38, v37  }
0x2f8: {  	v50 =	vld [tilespmem:s25+$0xC070];
	[tilespmem:s25+$0xC2E0] =	vst v3;
	v3 =	vadd.f32 v35, v59  }
0x2f9: {  	v48 =	vadd.f32 v41, v37;
	v46 =	vld [tilespmem:s25+$0x82F0];
	[tilespmem:s25+$0x8070] =	vst v45  }
0x2fa: {  	v53 =	vld [tilespmem:s25+$0xC170];
	[tilespmem:s25+$0xC3E0] =	vst v3;
	v3 =	vadd.f32 v40, v37  }
0x2fb: {  	v51 =	vadd.f32 v44, v37;
	[tilespmem:s25+$0x8170] =	vst v48;
	v49 =	vld [tilespmem:s25+$0x83F0]  }
0x2fc: {  	v52 =	vld [tilespmem:s25+$0xC0F0];
	[tilespmem:s25+$0x80F0] =	vst v3;
	v3 =	vadd.f32 v43, v37  }
0x2fd: {  	v54 =	vadd.f32 v47, v37;
	[tilespmem:s25+$0x8270] =	vst v51;
	v34 =	vld [tilespmem:s25+$0xC360]  }
0x2fe: {  	v56 =	vld [tilespmem:s25+$0xC270];
	[tilespmem:s25+$0x81F0] =	vst v3;
	v3 =	vadd.f32 v46, v37  }
0x2ff: {  	v57 =	vadd.f32 v50, v37;
	[tilespmem:s25+$0x8370] =	vst v54;
	v55 =	vld [tilespmem:s25+$0xC1F0]  }
0x300: {  	[tilespmem:s25+$0x82F0] =	vst v3;
	v3 =	vadd.f32 v49, v37  }
0x301: {  	v60 =	vadd.f32 v53, v37;
	[tilespmem:s25+$0xC070] =	vst v57;
	v58 =	vld [tilespmem:s25+$0xC2F0]  }
0x302: {  	v42 =	vadd.f32 v34, v59;
	v59 =	vld [tilespmem:s25+$0xC370];
	[tilespmem:s25+$0x83F0] =	vst v3;
	v3 =	vadd.f32 v52, v37  }
0x303: {  	v61 =	vld [tilespmem:s25+$0xC3F0];
	[tilespmem:s25+$0xC170] =	vst v60;
	v62 =	vadd.f32 v56, v37  }
0x304: {  	[tilespmem:s25+$0xC0F0] =	vst v3;
	v3 =	vadd.f32 v55, v37  }
0x305: {  	p0 =	slt.u32 s24, $0x78;
	[tilespmem:s25+$0xC270] =	vst v62  }
.Ltmp14:
0x306: {  	[tilespmem:s25+$0xC1F0] =	vst v3;
	v3 =	vadd.f32 v58, v37;
	(pc) =	sbr.rel @p0 .LBB2_21-.Ltmp14, $4  }
0x307: {  	[tilespmem:s25+$0xC360] =	vst v42;
	v63 =	vadd.f32 v59, v37  }
0x308: {  	[tilespmem:s25+$0xC2F0] =	vst v3;
	v3 =	vadd.f32 v61, v37  }
0x309: {  	s26 =	sadd.s32 $0x8, s24;
	[tilespmem:s25+$0xC370] =	vst v63  }
0x30a: {  	s24 =	smov.u32 s26;
	[tilespmem:s25+$0xC3F0] =	vst v3  }
.Ltmp15:
0x30b: {  	_ = 	snop;
	(pc) =	sbr.rel .LBB2_22-.Ltmp15, $1  }
0x30c: {  	_ =	sdelay $0x3  }
.LBB2_23:
0x30d: {  	_ =	swait.ge [sflag:s10], $0x8000  }
0x30e: {  	[sflag:s10] =	ssyncset.done $0x0  }
0x30f: {  	s24 =	simm.s32 @!p0 $0x5;
	[sflag:s10] =	ssyncadd.s32 $0xFFFF8000  }
0x310: {  	_ =	swait.ge @!p0 [sflag:s24], $0x8000  }
0x311: {  	p1 =	por p0, !p1;
	[sflag:s24] =	ssyncset.done @!p0 $0x0  }
0x312: {  	[sflag:s24] =	ssyncadd.s32 @!p0 $0xFFFF8000;
	s24 =	sshll.u32 @p1 s23, $0xC  }
0x313: {  	s24 =	sadd.s32 @p1 s24, s11  }
0x314: {  	[tilespmem:s14], [sflag:$0x2] =	stream.linear.gather @p1 [hbm4b:s24+s4], $0x8000, $0x38;
	[tilespmem:$0x1A180] =	vst v63  }
0x315: {  	s24 =	simm.s32 $0x0  }
.LBB2_24:
0x316: {  	s25 =	sshll.u32 s24, $0x6  }
0x317: {  	s26 =	sand.u32 $0x3FFFFFC0, s25  }
0x318: {  	v3 =	vld [tilespmem:s26+$0x18080]  }
0x319: {  	s25 =	sshll.u32 s24, $0x7;
	v21 =	vld [tilespmem:s26+$0x18090]  }
0x31a: {  	s25 =	sand.u32 $0x3FFFFF80, s25;
	v51 =	vld [tilespmem:s26+$0x180A0]  }
0x31b: {  	v4 =	vld [tilespmem:s25+$0x0]  }
0x31c: {  	v5 =	vld [tilespmem:s25+$0x80]  }
0x31d: {  	v6 =	vld [tilespmem:s25+$0x100]  }
0x31e: {  	v7 =	vld [tilespmem:s25+$0x180]  }
0x31f: {  	v8 =	vld [tilespmem:s25+$0x200]  }
0x320: {  	v9 =	vld [tilespmem:s25+$0x280]  }
0x321: {  	v10 =	vld [tilespmem:s25+$0x300]  }
0x322: {  	v11 =	vld [tilespmem:s25+$0x380]  }
0x323: {  	v12 =	vld [tilespmem:s25+$0x4000]  }
0x324: {  	v13 =	vld [tilespmem:s25+$0x4080]  }
0x325: {  	v14 =	vld [tilespmem:s25+$0x4100]  }
0x326: {  	v15 =	vld [tilespmem:s25+$0x4180];
	v4 =	vadd.f32 v4, v3  }
0x327: {  	v16 =	vld [tilespmem:s25+$0x4200];
	v5 =	vadd.f32 v5, v3  }
0x328: {  	v17 =	vld [tilespmem:s25+$0x4280];
	v60 =	vadd.f32 v6, v3;
	[tilespmem:s25+$0x0] =	vst v4  }
0x329: {  	v61 =	vld [tilespmem:s25+$0x4300];
	v62 =	vadd.f32 v7, v3;
	[tilespmem:s25+$0x80] =	vst v5  }
0x32a: {  	v63 =	vld [tilespmem:s25+$0x4380];
	v20 =	vadd.f32 v8, v3;
	[tilespmem:s25+$0x100] =	vst v60  }
0x32b: {  	v23 =	vld [tilespmem:s25+$0x10];
	v22 =	vadd.f32 v9, v3;
	[tilespmem:s25+$0x180] =	vst v62  }
0x32c: {  	v25 =	vld [tilespmem:s25+$0x90];
	v24 =	vadd.f32 v10, v3;
	[tilespmem:s25+$0x200] =	vst v20  }
0x32d: {  	v27 =	vld [tilespmem:s25+$0x110];
	v26 =	vadd.f32 v11, v3;
	[tilespmem:s25+$0x280] =	vst v22  }
0x32e: {  	v29 =	vld [tilespmem:s25+$0x190];
	v28 =	vadd.f32 v12, v3;
	[tilespmem:s25+$0x300] =	vst v24  }
0x32f: {  	v31 =	vld [tilespmem:s25+$0x210];
	v30 =	vadd.f32 v13, v3;
	[tilespmem:s25+$0x380] =	vst v26  }
0x330: {  	v33 =	vld [tilespmem:s25+$0x290];
	v32 =	vadd.f32 v14, v3;
	[tilespmem:s25+$0x4000] =	vst v28  }
0x331: {  	v35 =	vld [tilespmem:s25+$0x310];
	v34 =	vadd.f32 v15, v3;
	[tilespmem:s25+$0x4080] =	vst v30  }
0x332: {  	v37 =	vld [tilespmem:s25+$0x390];
	v36 =	vadd.f32 v16, v3;
	[tilespmem:s25+$0x4100] =	vst v32  }
0x333: {  	v39 =	vld [tilespmem:s25+$0x4010];
	v38 =	vadd.f32 v17, v3;
	[tilespmem:s25+$0x4180] =	vst v34  }
0x334: {  	v41 =	vld [tilespmem:s25+$0x4090];
	v40 =	vadd.f32 v61, v3;
	[tilespmem:s25+$0x4200] =	vst v36  }
0x335: {  	v42 =	vld [tilespmem:s25+$0x4110];
	v3 =	vadd.f32 v63, v3;
	[tilespmem:s25+$0x4280] =	vst v38  }
0x336: {  	v44 =	vld [tilespmem:s25+$0x4190];
	v43 =	vadd.f32 v23, v21;
	[tilespmem:s25+$0x4300] =	vst v40  }
0x337: {  	v45 =	vld [tilespmem:s25+$0x4210];
	[tilespmem:s25+$0x4380] =	vst v3;
	v3 =	vadd.f32 v25, v21  }
0x338: {  	v47 =	vld [tilespmem:s25+$0x4290];
	v46 =	vadd.f32 v27, v21;
	[tilespmem:s25+$0x10] =	vst v43  }
0x339: {  	v48 =	vld [tilespmem:s25+$0x4310];
	[tilespmem:s25+$0x90] =	vst v3;
	v3 =	vadd.f32 v29, v21  }
0x33a: {  	v50 =	vld [tilespmem:s25+$0x4390];
	v49 =	vadd.f32 v31, v21;
	[tilespmem:s25+$0x110] =	vst v46  }
0x33b: {  	v53 =	vld [tilespmem:s25+$0x20];
	[tilespmem:s25+$0x190] =	vst v3;
	v3 =	vadd.f32 v33, v21  }
0x33c: {  	v54 =	vld [tilespmem:s25+$0xA0];
	v52 =	vadd.f32 v35, v21;
	[tilespmem:s25+$0x210] =	vst v49  }
0x33d: {  	v56 =	vld [tilespmem:s25+$0x120];
	[tilespmem:s25+$0x290] =	vst v3;
	v3 =	vadd.f32 v37, v21  }
0x33e: {  	v57 =	vld [tilespmem:s25+$0x1A0];
	v55 =	vadd.f32 v39, v21;
	[tilespmem:s25+$0x310] =	vst v52  }
0x33f: {  	v59 =	vld [tilespmem:s25+$0x220];
	[tilespmem:s25+$0x390] =	vst v3;
	v3 =	vadd.f32 v41, v21  }
0x340: {  	v19 =	vld [tilespmem:s25+$0x4020];
	v58 =	vadd.f32 v42, v21;
	[tilespmem:s25+$0x4010] =	vst v55  }
0x341: {  	v63 =	vld [tilespmem:s25+$0x3A0];
	[tilespmem:s25+$0x4090] =	vst v3;
	v3 =	vadd.f32 v44, v21  }
0x342: {  	v61 =	vadd.f32 v45, v21;
	v23 =	vld [tilespmem:s25+$0x41A0];
	[tilespmem:s25+$0x4110] =	vst v58  }
0x343: {  	v31 =	vld [tilespmem:s26+$0x180B0];
	[tilespmem:s25+$0x4190] =	vst v3;
	v3 =	vadd.f32 v47, v21  }
0x344: {  	v18 =	vadd.f32 v48, v21;
	v35 =	vld [tilespmem:s25+$0x130];
	[tilespmem:s25+$0x4210] =	vst v61  }
0x345: {  	v27 =	vadd.f32 v59, v51;
	v59 =	vld [tilespmem:s25+$0xC0];
	[tilespmem:s25+$0x4290] =	vst v3;
	v3 =	vadd.f32 v50, v21  }
0x346: {  	v60 =	vld [tilespmem:s25+$0x2A0];
	[tilespmem:s25+$0x4310] =	vst v18  }
0x347: {  	v16 =	vld [tilespmem:s25+$0x240];
	[tilespmem:s25+$0x4390] =	vst v3;
	v3 =	vadd.f32 v54, v51  }
0x348: {  	v17 =	vld [tilespmem:s25+$0x2C0];
	v24 =	vadd.f32 v56, v51;
	[tilespmem:s25+$0x220] =	vst v27  }
0x349: {  	v62 =	vld [tilespmem:s25+$0x320];
	[tilespmem:s25+$0xA0] =	vst v3;
	v3 =	vadd.f32 v57, v51  }
0x34a: {  	v20 =	vld [tilespmem:s25+$0x40A0];
	[tilespmem:s25+$0x120] =	vst v24;
	v48 =	vadd.f32 v35, v31  }
0x34b: {  	v22 =	vld [tilespmem:s25+$0x4120];
	[tilespmem:s25+$0x1A0] =	vst v3;
	v3 =	vadd.f32 v60, v51  }
0x34c: {  	v25 =	vld [tilespmem:s25+$0x4220];
	v33 =	vadd.f32 v19, v51;
	[tilespmem:s25+$0x130] =	vst v48  }
0x34d: {  	v26 =	vld [tilespmem:s25+$0x42A0];
	[tilespmem:s25+$0x2A0] =	vst v3;
	v3 =	vadd.f32 v63, v51  }
0x34e: {  	v28 =	vld [tilespmem:s25+$0x4320];
	v30 =	vadd.f32 v62, v51;
	[tilespmem:s25+$0x4020] =	vst v33  }
0x34f: {  	v32 =	vld [tilespmem:s25+$0x30];
	[tilespmem:s25+$0x3A0] =	vst v3;
	v3 =	vadd.f32 v20, v51  }
0x350: {  	v29 =	vld [tilespmem:s25+$0x43A0];
	v36 =	vadd.f32 v22, v51;
	[tilespmem:s25+$0x320] =	vst v30  }
0x351: {  	v34 =	vld [tilespmem:s25+$0xB0];
	[tilespmem:s25+$0x40A0] =	vst v3;
	v3 =	vadd.f32 v23, v51  }
0x352: {  	v56 =	vld [tilespmem:s26+$0x180C0];
	v39 =	vadd.f32 v25, v51;
	[tilespmem:s25+$0x4120] =	vst v36  }
0x353: {  	v61 =	vld [tilespmem:s25+$0x140];
	[tilespmem:s25+$0x41A0] =	vst v3;
	v3 =	vadd.f32 v26, v51  }
0x354: {  	v42 =	vadd.f32 v28, v51;
	v37 =	vld [tilespmem:s25+$0x1B0];
	[tilespmem:s25+$0x4220] =	vst v39  }
0x355: {  	v38 =	vld [tilespmem:s25+$0x230];
	[tilespmem:s25+$0x42A0] =	vst v3;
	v3 =	vadd.f32 v29, v51  }
0x356: {  	v40 =	vld [tilespmem:s25+$0x2B0];
	v45 =	vadd.f32 v32, v31;
	[tilespmem:s25+$0x4320] =	vst v42  }
0x357: {  	v19 =	vld [tilespmem:s25+$0x340];
	[tilespmem:s25+$0x43A0] =	vst v3;
	v3 =	vadd.f32 v34, v31  }
0x358: {  	v43 =	vld [tilespmem:s25+$0x3B0];
	v24 =	vadd.f32 v61, v56;
	[tilespmem:s25+$0x30] =	vst v45  }
0x359: {  	v22 =	vld [tilespmem:s25+$0x4040];
	[tilespmem:s25+$0xB0] =	vst v3;
	v3 =	vadd.f32 v37, v31  }
0x35a: {  	v46 =	vld [tilespmem:s25+$0x40B0];
	v27 =	vadd.f32 v16, v56;
	[tilespmem:s25+$0x140] =	vst v24  }
0x35b: {  	v25 =	vld [tilespmem:s25+$0x4140];
	[tilespmem:s25+$0x1B0] =	vst v3;
	v3 =	vadd.f32 v40, v31  }
0x35c: {  	v49 =	vld [tilespmem:s25+$0x41B0];
	[tilespmem:s25+$0x240] =	vst v27;
	v30 =	vadd.f32 v19, v56  }
0x35d: {  	v28 =	vld [tilespmem:s25+$0x4240];
	[tilespmem:s25+$0x2B0] =	vst v3;
	v3 =	vadd.f32 v43, v31  }
0x35e: {  	v52 =	vld [tilespmem:s25+$0x42B0];
	v33 =	vadd.f32 v22, v56;
	[tilespmem:s25+$0x340] =	vst v30  }
0x35f: {  	v55 =	vld [tilespmem:s25+$0x43B0];
	[tilespmem:s25+$0x3B0] =	vst v3;
	v3 =	vadd.f32 v46, v31  }
0x360: {  	v58 =	vld [tilespmem:s25+$0x40];
	v36 =	vadd.f32 v25, v56;
	[tilespmem:s25+$0x4040] =	vst v33  }
0x361: {  	v41 =	vld [tilespmem:s25+$0x330];
	[tilespmem:s25+$0x40B0] =	vst v3;
	v3 =	vadd.f32 v49, v31  }
0x362: {  	v35 =	vld [tilespmem:s25+$0x50];
	v39 =	vadd.f32 v28, v56;
	[tilespmem:s25+$0x4140] =	vst v36  }
0x363: {  	v62 =	vld [tilespmem:s25+$0x1C0];
	[tilespmem:s25+$0x41B0] =	vst v3;
	v3 =	vadd.f32 v52, v31  }
0x364: {  	v32 =	vld [tilespmem:s25+$0x43C0];
	[tilespmem:s25+$0x4240] =	vst v39;
	v21 =	vadd.f32 v53, v51  }
0x365: {  	v44 =	vld [tilespmem:s25+$0x4030];
	[tilespmem:s25+$0x42B0] =	vst v3;
	v3 =	vadd.f32 v55, v31  }
0x366: {  	v61 =	vld [tilespmem:s25+$0x60];
	[tilespmem:s25+$0x20] =	vst v21;
	v54 =	vadd.f32 v41, v31  }
0x367: {  	v53 =	vld [tilespmem:s25+$0x4330];
	[tilespmem:s25+$0x43B0] =	vst v3;
	v3 =	vadd.f32 v59, v56  }
0x368: {  	v21 =	vadd.f32 v58, v56;
	[tilespmem:s25+$0x330] =	vst v54;
	v20 =	vld [tilespmem:s25+$0x3C0]  }
0x369: {  	v47 =	vld [tilespmem:s25+$0x4130];
	[tilespmem:s25+$0xC0] =	vst v3;
	v3 =	vadd.f32 v62, v56  }
0x36a: {  	v57 =	vadd.f32 v44, v31;
	[tilespmem:s25+$0x40] =	vst v21;
	v23 =	vld [tilespmem:s25+$0x40C0]  }
0x36b: {  	v50 =	vld [tilespmem:s25+$0x4230];
	[tilespmem:s25+$0x1C0] =	vst v3;
	v3 =	vadd.f32 v17, v56  }
0x36c: {  	v18 =	vadd.f32 v53, v31;
	[tilespmem:s25+$0x4030] =	vst v57;
	v26 =	vld [tilespmem:s25+$0x41C0]  }
0x36d: {  	v16 =	vld [tilespmem:s25+$0x160];
	[tilespmem:s25+$0x2C0] =	vst v3;
	v3 =	vadd.f32 v20, v56  }
0x36e: {  	v60 =	vadd.f32 v47, v31;
	[tilespmem:s25+$0x4330] =	vst v18;
	v29 =	vld [tilespmem:s25+$0x42C0]  }
0x36f: {  	v34 =	vld [tilespmem:s26+$0x180D0];
	[tilespmem:s25+$0x3C0] =	vst v3;
	v3 =	vadd.f32 v23, v56  }
0x370: {  	v19 =	vld [tilespmem:s25+$0x260];
	[tilespmem:s25+$0x4130] =	vst v60;
	v63 =	vadd.f32 v50, v31  }
0x371: {  	v51 =	vadd.f32 v38, v31;
	v38 =	vld [tilespmem:s25+$0x150];
	[tilespmem:s25+$0x40C0] =	vst v3;
	v3 =	vadd.f32 v26, v56  }
0x372: {  	[tilespmem:s25+$0x4230] =	vst v63;
	v37 =	vld [tilespmem:s25+$0xD0]  }
0x373: {  	v41 =	vld [tilespmem:s25+$0x250];
	[tilespmem:s25+$0x41C0] =	vst v3;
	v3 =	vadd.f32 v29, v56  }
0x374: {  	[tilespmem:s25+$0x230] =	vst v51;
	v40 =	vld [tilespmem:s25+$0x1D0];
	v45 =	vadd.f32 v35, v34  }
0x375: {  	v44 =	vld [tilespmem:s25+$0x350];
	[tilespmem:s25+$0x42C0] =	vst v3;
	v3 =	vadd.f32 v32, v56  }
0x376: {  	v48 =	vadd.f32 v38, v34;
	v43 =	vld [tilespmem:s25+$0x2D0];
	[tilespmem:s25+$0x50] =	vst v45  }
0x377: {  	v47 =	vld [tilespmem:s25+$0x4050];
	[tilespmem:s25+$0x43C0] =	vst v3;
	v3 =	vadd.f32 v37, v34  }
0x378: {  	v51 =	vadd.f32 v41, v34;
	[tilespmem:s25+$0x150] =	vst v48;
	v46 =	vld [tilespmem:s25+$0x3D0]  }
0x379: {  	v50 =	vld [tilespmem:s25+$0x4150];
	[tilespmem:s25+$0xD0] =	vst v3;
	v3 =	vadd.f32 v40, v34  }
0x37a: {  	v54 =	vadd.f32 v44, v34;
	[tilespmem:s25+$0x250] =	vst v51;
	v49 =	vld [tilespmem:s25+$0x40D0]  }
0x37b: {  	v53 =	vld [tilespmem:s25+$0x4250];
	[tilespmem:s25+$0x1D0] =	vst v3;
	v3 =	vadd.f32 v43, v34  }
0x37c: {  	v57 =	vadd.f32 v47, v34;
	[tilespmem:s25+$0x350] =	vst v54;
	v52 =	vld [tilespmem:s25+$0x41D0]  }
0x37d: {  	v31 =	vld [tilespmem:s25+$0x4340];
	[tilespmem:s25+$0x2D0] =	vst v3;
	v3 =	vadd.f32 v46, v34  }
0x37e: {  	v60 =	vadd.f32 v50, v34;
	[tilespmem:s25+$0x4050] =	vst v57;
	v55 =	vld [tilespmem:s25+$0x42D0]  }
0x37f: {  	v59 =	vld [tilespmem:s26+$0x180E0];
	[tilespmem:s25+$0x3D0] =	vst v3;
	v3 =	vadd.f32 v49, v34  }
0x380: {  	v58 =	vld [tilespmem:s25+$0x43D0];
	v63 =	vadd.f32 v53, v34;
	[tilespmem:s25+$0x4150] =	vst v60  }
0x381: {  	v22 =	vld [tilespmem:s25+$0x360];
	[tilespmem:s25+$0x40D0] =	vst v3;
	v3 =	vadd.f32 v52, v34  }
0x382: {  	[tilespmem:s25+$0x4250] =	vst v63;
	v62 =	vld [tilespmem:s25+$0xE0];
	v42 =	vadd.f32 v31, v56  }
0x383: {  	v25 =	vld [tilespmem:s25+$0x4060];
	[tilespmem:s25+$0x41D0] =	vst v3;
	v3 =	vadd.f32 v55, v34  }
0x384: {  	v17 =	vld [tilespmem:s25+$0x1E0];
	[tilespmem:s25+$0x4340] =	vst v42;
	v21 =	vadd.f32 v61, v59  }
0x385: {  	v28 =	vld [tilespmem:s25+$0x4160];
	[tilespmem:s25+$0x42D0] =	vst v3;
	v3 =	vadd.f32 v58, v34  }
0x386: {  	v24 =	vadd.f32 v16, v59;
	v20 =	vld [tilespmem:s25+$0x2E0];
	[tilespmem:s25+$0x60] =	vst v21  }
0x387: {  	v35 =	vld [tilespmem:s25+$0x43E0];
	[tilespmem:s25+$0x43D0] =	vst v3;
	v3 =	vadd.f32 v62, v59  }
0x388: {  	v27 =	vadd.f32 v19, v59;
	[tilespmem:s25+$0x160] =	vst v24;
	v23 =	vld [tilespmem:s25+$0x3E0]  }
0x389: {  	v38 =	vld [tilespmem:s25+$0x70];
	[tilespmem:s25+$0xE0] =	vst v3;
	v3 =	vadd.f32 v17, v59  }
0x38a: {  	v30 =	vadd.f32 v22, v59;
	[tilespmem:s25+$0x260] =	vst v27;
	v26 =	vld [tilespmem:s25+$0x40E0]  }
0x38b: {  	v31 =	vld [tilespmem:s25+$0x4260];
	[tilespmem:s25+$0x1E0] =	vst v3;
	v3 =	vadd.f32 v20, v59  }
0x38c: {  	v33 =	vadd.f32 v25, v59;
	[tilespmem:s25+$0x360] =	vst v30;
	v29 =	vld [tilespmem:s25+$0x41E0]  }
0x38d: {  	v56 =	vld [tilespmem:s25+$0x4350];
	[tilespmem:s25+$0x2E0] =	vst v3;
	v3 =	vadd.f32 v23, v59  }
0x38e: {  	v36 =	vadd.f32 v28, v59;
	[tilespmem:s25+$0x4060] =	vst v33;
	v32 =	vld [tilespmem:s25+$0x42E0]  }
0x38f: {  	v37 =	vld [tilespmem:s26+$0x180F0];
	[tilespmem:s25+$0x3E0] =	vst v3;
	v3 =	vadd.f32 v26, v59  }
0x390: {  	v41 =	vld [tilespmem:s25+$0x170];
	[tilespmem:s25+$0x4160] =	vst v36;
	v39 =	vadd.f32 v31, v59  }
0x391: {  	v44 =	vld [tilespmem:s25+$0x270];
	[tilespmem:s25+$0x40E0] =	vst v3;
	v3 =	vadd.f32 v29, v59  }
0x392: {  	[tilespmem:s25+$0x4260] =	vst v39;
	v40 =	vld [tilespmem:s25+$0xF0];
	v18 =	vadd.f32 v56, v34  }
0x393: {  	v47 =	vld [tilespmem:s25+$0x370];
	[tilespmem:s25+$0x41E0] =	vst v3;
	v3 =	vadd.f32 v32, v59  }
0x394: {  	v43 =	vld [tilespmem:s25+$0x1F0];
	[tilespmem:s25+$0x4350] =	vst v18;
	v45 =	vadd.f32 v38, v37  }
0x395: {  	v50 =	vld [tilespmem:s25+$0x4070];
	[tilespmem:s25+$0x42E0] =	vst v3;
	v3 =	vadd.f32 v35, v59  }
0x396: {  	v48 =	vadd.f32 v41, v37;
	v46 =	vld [tilespmem:s25+$0x2F0];
	[tilespmem:s25+$0x70] =	vst v45  }
0x397: {  	v53 =	vld [tilespmem:s25+$0x4170];
	[tilespmem:s25+$0x43E0] =	vst v3;
	v3 =	vadd.f32 v40, v37  }
0x398: {  	v51 =	vadd.f32 v44, v37;
	[tilespmem:s25+$0x170] =	vst v48;
	v49 =	vld [tilespmem:s25+$0x3F0]  }
0x399: {  	v52 =	vld [tilespmem:s25+$0x40F0];
	[tilespmem:s25+$0xF0] =	vst v3;
	v3 =	vadd.f32 v43, v37  }
0x39a: {  	v54 =	vadd.f32 v47, v37;
	[tilespmem:s25+$0x270] =	vst v51;
	v34 =	vld [tilespmem:s25+$0x4360]  }
0x39b: {  	v56 =	vld [tilespmem:s25+$0x4270];
	[tilespmem:s25+$0x1F0] =	vst v3;
	v3 =	vadd.f32 v46, v37  }
0x39c: {  	v57 =	vadd.f32 v50, v37;
	[tilespmem:s25+$0x370] =	vst v54;
	v55 =	vld [tilespmem:s25+$0x41F0]  }
0x39d: {  	[tilespmem:s25+$0x2F0] =	vst v3;
	v3 =	vadd.f32 v49, v37  }
0x39e: {  	v60 =	vadd.f32 v53, v37;
	[tilespmem:s25+$0x4070] =	vst v57;
	v58 =	vld [tilespmem:s25+$0x42F0]  }
0x39f: {  	v42 =	vadd.f32 v34, v59;
	v59 =	vld [tilespmem:s25+$0x4370];
	[tilespmem:s25+$0x3F0] =	vst v3;
	v3 =	vadd.f32 v52, v37  }
0x3a0: {  	v61 =	vld [tilespmem:s25+$0x43F0];
	[tilespmem:s25+$0x4170] =	vst v60;
	v62 =	vadd.f32 v56, v37  }
0x3a1: {  	[tilespmem:s25+$0x40F0] =	vst v3;
	v3 =	vadd.f32 v55, v37  }
0x3a2: {  	p0 =	slt.u32 s24, $0x78;
	[tilespmem:s25+$0x4270] =	vst v62  }
.Ltmp16:
0x3a3: {  	[tilespmem:s25+$0x41F0] =	vst v3;
	v3 =	vadd.f32 v58, v37;
	(pc) =	sbr.rel @p0 .LBB2_24-.Ltmp16, $4  }
0x3a4: {  	[tilespmem:s25+$0x4360] =	vst v42;
	v63 =	vadd.f32 v59, v37  }
0x3a5: {  	[tilespmem:s25+$0x42F0] =	vst v3;
	v3 =	vadd.f32 v61, v37  }
0x3a6: {  	s26 =	sadd.s32 $0x8, s24;
	[tilespmem:s25+$0x4370] =	vst v63  }
0x3a7: {  	s24 =	smov.u32 s26;
	[tilespmem:s25+$0x43F0] =	vst v3  }
.Ltmp17:
0x3a8: {  	s24 =	sshll.u32 s23, $0xF;
	(pc) =	sbr.rel .LBB2_26-.Ltmp17, $4  }
0x3a9: {  	s24 =	sadd.s32 s12, s24  }
0x3aa: {  	s24 =	sshrl.u32 s24, $0x3  }
0x3ab: {  	s24 =	sadd.s32 s3, s24  }
0x3ac: {  	[hbm4b:s24+s4] =	stream.linear.scatter [tilespmem:s4], [sflag:$0x4], $0x8000, $0x38;
	[tilespmem:$0x1A180] =	vst v63  }
.LBB2_17:
0x3ad: {  	_ =	swait.ge [sflag:s21], $0x8000  }
0x3ae: {  	[sflag:s21] =	ssyncset.done $0x0  }
0x3af: {  	s24 =	simm.s32 @!p0 $0x4;
	[sflag:s21] =	ssyncadd.s32 $0xFFFF8000  }
0x3b0: {  	_ =	swait.ge @!p0 [sflag:s24], $0x8000  }
0x3b1: {  	p1 =	por p0, !p1;
	[sflag:s24] =	ssyncset.done @!p0 $0x0  }
0x3b2: {  	[sflag:s24] =	ssyncadd.s32 @!p0 $0xFFFF8000;
	s24 =	sshll.u32 @p1 s23, $0xC  }
0x3b3: {  	s24 =	sadd.s32 @p1 s24, s11  }
0x3b4: {  	[tilespmem:s4], [sflag:$0x1] =	stream.linear.gather @p1 [hbm4b:s24+s4], $0x8000, $0x38;
	[tilespmem:$0x1A180] =	vst v63  }
0x3b5: {  	s24 =	simm.s32 $0x0  }
.LBB2_18:
0x3b6: {  	s25 =	sshll.u32 s24, $0x6  }
0x3b7: {  	s26 =	sand.u32 $0x3FFFFFC0, s25  }
0x3b8: {  	v3 =	vld [tilespmem:s26+$0x18080]  }
0x3b9: {  	s25 =	sshll.u32 s24, $0x7;
	v21 =	vld [tilespmem:s26+$0x18090]  }
0x3ba: {  	s25 =	sand.u32 $0x3FFFFF80, s25;
	v51 =	vld [tilespmem:s26+$0x180A0]  }
0x3bb: {  	v4 =	vld [tilespmem:s25+$0x10000]  }
0x3bc: {  	v5 =	vld [tilespmem:s25+$0x10080]  }
0x3bd: {  	v6 =	vld [tilespmem:s25+$0x10100]  }
0x3be: {  	v7 =	vld [tilespmem:s25+$0x10180]  }
0x3bf: {  	v8 =	vld [tilespmem:s25+$0x10200]  }
0x3c0: {  	v9 =	vld [tilespmem:s25+$0x10280]  }
0x3c1: {  	v10 =	vld [tilespmem:s25+$0x10300]  }
0x3c2: {  	v11 =	vld [tilespmem:s25+$0x10380]  }
0x3c3: {  	v12 =	vld [tilespmem:s25+$0x14000]  }
0x3c4: {  	v13 =	vld [tilespmem:s25+$0x14080]  }
0x3c5: {  	v14 =	vld [tilespmem:s25+$0x14100]  }
0x3c6: {  	v15 =	vld [tilespmem:s25+$0x14180];
	v4 =	vadd.f32 v4, v3  }
0x3c7: {  	v16 =	vld [tilespmem:s25+$0x14200];
	v5 =	vadd.f32 v5, v3  }
0x3c8: {  	v17 =	vld [tilespmem:s25+$0x14280];
	v60 =	vadd.f32 v6, v3;
	[tilespmem:s25+$0x10000] =	vst v4  }
0x3c9: {  	v61 =	vld [tilespmem:s25+$0x14300];
	v62 =	vadd.f32 v7, v3;
	[tilespmem:s25+$0x10080] =	vst v5  }
0x3ca: {  	v63 =	vld [tilespmem:s25+$0x14380];
	v20 =	vadd.f32 v8, v3;
	[tilespmem:s25+$0x10100] =	vst v60  }
0x3cb: {  	v23 =	vld [tilespmem:s25+$0x10010];
	v22 =	vadd.f32 v9, v3;
	[tilespmem:s25+$0x10180] =	vst v62  }
0x3cc: {  	v25 =	vld [tilespmem:s25+$0x10090];
	v24 =	vadd.f32 v10, v3;
	[tilespmem:s25+$0x10200] =	vst v20  }
0x3cd: {  	v27 =	vld [tilespmem:s25+$0x10110];
	v26 =	vadd.f32 v11, v3;
	[tilespmem:s25+$0x10280] =	vst v22  }
0x3ce: {  	v29 =	vld [tilespmem:s25+$0x10190];
	v28 =	vadd.f32 v12, v3;
	[tilespmem:s25+$0x10300] =	vst v24  }
0x3cf: {  	v31 =	vld [tilespmem:s25+$0x10210];
	v30 =	vadd.f32 v13, v3;
	[tilespmem:s25+$0x10380] =	vst v26  }
0x3d0: {  	v33 =	vld [tilespmem:s25+$0x10290];
	v32 =	vadd.f32 v14, v3;
	[tilespmem:s25+$0x14000] =	vst v28  }
0x3d1: {  	v35 =	vld [tilespmem:s25+$0x10310];
	v34 =	vadd.f32 v15, v3;
	[tilespmem:s25+$0x14080] =	vst v30  }
0x3d2: {  	v37 =	vld [tilespmem:s25+$0x10390];
	v36 =	vadd.f32 v16, v3;
	[tilespmem:s25+$0x14100] =	vst v32  }
0x3d3: {  	v39 =	vld [tilespmem:s25+$0x14010];
	v38 =	vadd.f32 v17, v3;
	[tilespmem:s25+$0x14180] =	vst v34  }
0x3d4: {  	v41 =	vld [tilespmem:s25+$0x14090];
	v40 =	vadd.f32 v61, v3;
	[tilespmem:s25+$0x14200] =	vst v36  }
0x3d5: {  	v42 =	vld [tilespmem:s25+$0x14110];
	v3 =	vadd.f32 v63, v3;
	[tilespmem:s25+$0x14280] =	vst v38  }
0x3d6: {  	v44 =	vld [tilespmem:s25+$0x14190];
	v43 =	vadd.f32 v23, v21;
	[tilespmem:s25+$0x14300] =	vst v40  }
0x3d7: {  	v45 =	vld [tilespmem:s25+$0x14210];
	[tilespmem:s25+$0x14380] =	vst v3;
	v3 =	vadd.f32 v25, v21  }
0x3d8: {  	v47 =	vld [tilespmem:s25+$0x14290];
	v46 =	vadd.f32 v27, v21;
	[tilespmem:s25+$0x10010] =	vst v43  }
0x3d9: {  	v48 =	vld [tilespmem:s25+$0x14310];
	[tilespmem:s25+$0x10090] =	vst v3;
	v3 =	vadd.f32 v29, v21  }
0x3da: {  	v50 =	vld [tilespmem:s25+$0x14390];
	v49 =	vadd.f32 v31, v21;
	[tilespmem:s25+$0x10110] =	vst v46  }
0x3db: {  	v53 =	vld [tilespmem:s25+$0x10020];
	[tilespmem:s25+$0x10190] =	vst v3;
	v3 =	vadd.f32 v33, v21  }
0x3dc: {  	v54 =	vld [tilespmem:s25+$0x100A0];
	v52 =	vadd.f32 v35, v21;
	[tilespmem:s25+$0x10210] =	vst v49  }
0x3dd: {  	v56 =	vld [tilespmem:s25+$0x10120];
	[tilespmem:s25+$0x10290] =	vst v3;
	v3 =	vadd.f32 v37, v21  }
0x3de: {  	v57 =	vld [tilespmem:s25+$0x101A0];
	v55 =	vadd.f32 v39, v21;
	[tilespmem:s25+$0x10310] =	vst v52  }
0x3df: {  	v59 =	vld [tilespmem:s25+$0x10220];
	[tilespmem:s25+$0x10390] =	vst v3;
	v3 =	vadd.f32 v41, v21  }
0x3e0: {  	v19 =	vld [tilespmem:s25+$0x14020];
	v58 =	vadd.f32 v42, v21;
	[tilespmem:s25+$0x14010] =	vst v55  }
0x3e1: {  	v63 =	vld [tilespmem:s25+$0x103A0];
	[tilespmem:s25+$0x14090] =	vst v3;
	v3 =	vadd.f32 v44, v21  }
0x3e2: {  	v61 =	vadd.f32 v45, v21;
	v23 =	vld [tilespmem:s25+$0x141A0];
	[tilespmem:s25+$0x14110] =	vst v58  }
0x3e3: {  	v31 =	vld [tilespmem:s26+$0x180B0];
	[tilespmem:s25+$0x14190] =	vst v3;
	v3 =	vadd.f32 v47, v21  }
0x3e4: {  	v18 =	vadd.f32 v48, v21;
	v35 =	vld [tilespmem:s25+$0x10130];
	[tilespmem:s25+$0x14210] =	vst v61  }
0x3e5: {  	v27 =	vadd.f32 v59, v51;
	v59 =	vld [tilespmem:s25+$0x100C0];
	[tilespmem:s25+$0x14290] =	vst v3;
	v3 =	vadd.f32 v50, v21  }
0x3e6: {  	v60 =	vld [tilespmem:s25+$0x102A0];
	[tilespmem:s25+$0x14310] =	vst v18  }
0x3e7: {  	v16 =	vld [tilespmem:s25+$0x10240];
	[tilespmem:s25+$0x14390] =	vst v3;
	v3 =	vadd.f32 v54, v51  }
0x3e8: {  	v17 =	vld [tilespmem:s25+$0x102C0];
	v24 =	vadd.f32 v56, v51;
	[tilespmem:s25+$0x10220] =	vst v27  }
0x3e9: {  	v62 =	vld [tilespmem:s25+$0x10320];
	[tilespmem:s25+$0x100A0] =	vst v3;
	v3 =	vadd.f32 v57, v51  }
0x3ea: {  	v20 =	vld [tilespmem:s25+$0x140A0];
	[tilespmem:s25+$0x10120] =	vst v24;
	v48 =	vadd.f32 v35, v31  }
0x3eb: {  	v22 =	vld [tilespmem:s25+$0x14120];
	[tilespmem:s25+$0x101A0] =	vst v3;
	v3 =	vadd.f32 v60, v51  }
0x3ec: {  	v25 =	vld [tilespmem:s25+$0x14220];
	v33 =	vadd.f32 v19, v51;
	[tilespmem:s25+$0x10130] =	vst v48  }
0x3ed: {  	v26 =	vld [tilespmem:s25+$0x142A0];
	[tilespmem:s25+$0x102A0] =	vst v3;
	v3 =	vadd.f32 v63, v51  }
0x3ee: {  	v28 =	vld [tilespmem:s25+$0x14320];
	v30 =	vadd.f32 v62, v51;
	[tilespmem:s25+$0x14020] =	vst v33  }
0x3ef: {  	v32 =	vld [tilespmem:s25+$0x10030];
	[tilespmem:s25+$0x103A0] =	vst v3;
	v3 =	vadd.f32 v20, v51  }
0x3f0: {  	v29 =	vld [tilespmem:s25+$0x143A0];
	v36 =	vadd.f32 v22, v51;
	[tilespmem:s25+$0x10320] =	vst v30  }
0x3f1: {  	v34 =	vld [tilespmem:s25+$0x100B0];
	[tilespmem:s25+$0x140A0] =	vst v3;
	v3 =	vadd.f32 v23, v51  }
0x3f2: {  	v56 =	vld [tilespmem:s26+$0x180C0];
	v39 =	vadd.f32 v25, v51;
	[tilespmem:s25+$0x14120] =	vst v36  }
0x3f3: {  	v61 =	vld [tilespmem:s25+$0x10140];
	[tilespmem:s25+$0x141A0] =	vst v3;
	v3 =	vadd.f32 v26, v51  }
0x3f4: {  	v42 =	vadd.f32 v28, v51;
	v37 =	vld [tilespmem:s25+$0x101B0];
	[tilespmem:s25+$0x14220] =	vst v39  }
0x3f5: {  	v38 =	vld [tilespmem:s25+$0x10230];
	[tilespmem:s25+$0x142A0] =	vst v3;
	v3 =	vadd.f32 v29, v51  }
0x3f6: {  	v40 =	vld [tilespmem:s25+$0x102B0];
	v45 =	vadd.f32 v32, v31;
	[tilespmem:s25+$0x14320] =	vst v42  }
0x3f7: {  	v19 =	vld [tilespmem:s25+$0x10340];
	[tilespmem:s25+$0x143A0] =	vst v3;
	v3 =	vadd.f32 v34, v31  }
0x3f8: {  	v43 =	vld [tilespmem:s25+$0x103B0];
	v24 =	vadd.f32 v61, v56;
	[tilespmem:s25+$0x10030] =	vst v45  }
0x3f9: {  	v22 =	vld [tilespmem:s25+$0x14040];
	[tilespmem:s25+$0x100B0] =	vst v3;
	v3 =	vadd.f32 v37, v31  }
0x3fa: {  	v46 =	vld [tilespmem:s25+$0x140B0];
	v27 =	vadd.f32 v16, v56;
	[tilespmem:s25+$0x10140] =	vst v24  }
0x3fb: {  	v25 =	vld [tilespmem:s25+$0x14140];
	[tilespmem:s25+$0x101B0] =	vst v3;
	v3 =	vadd.f32 v40, v31  }
0x3fc: {  	v49 =	vld [tilespmem:s25+$0x141B0];
	[tilespmem:s25+$0x10240] =	vst v27;
	v30 =	vadd.f32 v19, v56  }
0x3fd: {  	v28 =	vld [tilespmem:s25+$0x14240];
	[tilespmem:s25+$0x102B0] =	vst v3;
	v3 =	vadd.f32 v43, v31  }
0x3fe: {  	v52 =	vld [tilespmem:s25+$0x142B0];
	v33 =	vadd.f32 v22, v56;
	[tilespmem:s25+$0x10340] =	vst v30  }
0x3ff: {  	v55 =	vld [tilespmem:s25+$0x143B0];
	[tilespmem:s25+$0x103B0] =	vst v3;
	v3 =	vadd.f32 v46, v31  }
0x400: {  	v58 =	vld [tilespmem:s25+$0x10040];
	v36 =	vadd.f32 v25, v56;
	[tilespmem:s25+$0x14040] =	vst v33  }
0x401: {  	v41 =	vld [tilespmem:s25+$0x10330];
	[tilespmem:s25+$0x140B0] =	vst v3;
	v3 =	vadd.f32 v49, v31  }
0x402: {  	v35 =	vld [tilespmem:s25+$0x10050];
	v39 =	vadd.f32 v28, v56;
	[tilespmem:s25+$0x14140] =	vst v36  }
0x403: {  	v62 =	vld [tilespmem:s25+$0x101C0];
	[tilespmem:s25+$0x141B0] =	vst v3;
	v3 =	vadd.f32 v52, v31  }
0x404: {  	v32 =	vld [tilespmem:s25+$0x143C0];
	[tilespmem:s25+$0x14240] =	vst v39;
	v21 =	vadd.f32 v53, v51  }
0x405: {  	v44 =	vld [tilespmem:s25+$0x14030];
	[tilespmem:s25+$0x142B0] =	vst v3;
	v3 =	vadd.f32 v55, v31  }
0x406: {  	v61 =	vld [tilespmem:s25+$0x10060];
	[tilespmem:s25+$0x10020] =	vst v21;
	v54 =	vadd.f32 v41, v31  }
0x407: {  	v53 =	vld [tilespmem:s25+$0x14330];
	[tilespmem:s25+$0x143B0] =	vst v3;
	v3 =	vadd.f32 v59, v56  }
0x408: {  	v21 =	vadd.f32 v58, v56;
	[tilespmem:s25+$0x10330] =	vst v54;
	v20 =	vld [tilespmem:s25+$0x103C0]  }
0x409: {  	v47 =	vld [tilespmem:s25+$0x14130];
	[tilespmem:s25+$0x100C0] =	vst v3;
	v3 =	vadd.f32 v62, v56  }
0x40a: {  	v57 =	vadd.f32 v44, v31;
	[tilespmem:s25+$0x10040] =	vst v21;
	v23 =	vld [tilespmem:s25+$0x140C0]  }
0x40b: {  	v50 =	vld [tilespmem:s25+$0x14230];
	[tilespmem:s25+$0x101C0] =	vst v3;
	v3 =	vadd.f32 v17, v56  }
0x40c: {  	v18 =	vadd.f32 v53, v31;
	[tilespmem:s25+$0x14030] =	vst v57;
	v26 =	vld [tilespmem:s25+$0x141C0]  }
0x40d: {  	v16 =	vld [tilespmem:s25+$0x10160];
	[tilespmem:s25+$0x102C0] =	vst v3;
	v3 =	vadd.f32 v20, v56  }
0x40e: {  	v60 =	vadd.f32 v47, v31;
	[tilespmem:s25+$0x14330] =	vst v18;
	v29 =	vld [tilespmem:s25+$0x142C0]  }
0x40f: {  	v34 =	vld [tilespmem:s26+$0x180D0];
	[tilespmem:s25+$0x103C0] =	vst v3;
	v3 =	vadd.f32 v23, v56  }
0x410: {  	v19 =	vld [tilespmem:s25+$0x10260];
	[tilespmem:s25+$0x14130] =	vst v60;
	v63 =	vadd.f32 v50, v31  }
0x411: {  	v51 =	vadd.f32 v38, v31;
	v38 =	vld [tilespmem:s25+$0x10150];
	[tilespmem:s25+$0x140C0] =	vst v3;
	v3 =	vadd.f32 v26, v56  }
0x412: {  	[tilespmem:s25+$0x14230] =	vst v63;
	v37 =	vld [tilespmem:s25+$0x100D0]  }
0x413: {  	v41 =	vld [tilespmem:s25+$0x10250];
	[tilespmem:s25+$0x141C0] =	vst v3;
	v3 =	vadd.f32 v29, v56  }
0x414: {  	[tilespmem:s25+$0x10230] =	vst v51;
	v40 =	vld [tilespmem:s25+$0x101D0];
	v45 =	vadd.f32 v35, v34  }
0x415: {  	v44 =	vld [tilespmem:s25+$0x10350];
	[tilespmem:s25+$0x142C0] =	vst v3;
	v3 =	vadd.f32 v32, v56  }
0x416: {  	v48 =	vadd.f32 v38, v34;
	v43 =	vld [tilespmem:s25+$0x102D0];
	[tilespmem:s25+$0x10050] =	vst v45  }
0x417: {  	v47 =	vld [tilespmem:s25+$0x14050];
	[tilespmem:s25+$0x143C0] =	vst v3;
	v3 =	vadd.f32 v37, v34  }
0x418: {  	v51 =	vadd.f32 v41, v34;
	[tilespmem:s25+$0x10150] =	vst v48;
	v46 =	vld [tilespmem:s25+$0x103D0]  }
0x419: {  	v50 =	vld [tilespmem:s25+$0x14150];
	[tilespmem:s25+$0x100D0] =	vst v3;
	v3 =	vadd.f32 v40, v34  }
0x41a: {  	v54 =	vadd.f32 v44, v34;
	[tilespmem:s25+$0x10250] =	vst v51;
	v49 =	vld [tilespmem:s25+$0x140D0]  }
0x41b: {  	v53 =	vld [tilespmem:s25+$0x14250];
	[tilespmem:s25+$0x101D0] =	vst v3;
	v3 =	vadd.f32 v43, v34  }
0x41c: {  	v57 =	vadd.f32 v47, v34;
	[tilespmem:s25+$0x10350] =	vst v54;
	v52 =	vld [tilespmem:s25+$0x141D0]  }
0x41d: {  	v31 =	vld [tilespmem:s25+$0x14340];
	[tilespmem:s25+$0x102D0] =	vst v3;
	v3 =	vadd.f32 v46, v34  }
0x41e: {  	v60 =	vadd.f32 v50, v34;
	[tilespmem:s25+$0x14050] =	vst v57;
	v55 =	vld [tilespmem:s25+$0x142D0]  }
0x41f: {  	v59 =	vld [tilespmem:s26+$0x180E0];
	[tilespmem:s25+$0x103D0] =	vst v3;
	v3 =	vadd.f32 v49, v34  }
0x420: {  	v58 =	vld [tilespmem:s25+$0x143D0];
	v63 =	vadd.f32 v53, v34;
	[tilespmem:s25+$0x14150] =	vst v60  }
0x421: {  	v22 =	vld [tilespmem:s25+$0x10360];
	[tilespmem:s25+$0x140D0] =	vst v3;
	v3 =	vadd.f32 v52, v34  }
0x422: {  	[tilespmem:s25+$0x14250] =	vst v63;
	v62 =	vld [tilespmem:s25+$0x100E0];
	v42 =	vadd.f32 v31, v56  }
0x423: {  	v25 =	vld [tilespmem:s25+$0x14060];
	[tilespmem:s25+$0x141D0] =	vst v3;
	v3 =	vadd.f32 v55, v34  }
0x424: {  	v17 =	vld [tilespmem:s25+$0x101E0];
	[tilespmem:s25+$0x14340] =	vst v42;
	v21 =	vadd.f32 v61, v59  }
0x425: {  	v28 =	vld [tilespmem:s25+$0x14160];
	[tilespmem:s25+$0x142D0] =	vst v3;
	v3 =	vadd.f32 v58, v34  }
0x426: {  	v24 =	vadd.f32 v16, v59;
	v20 =	vld [tilespmem:s25+$0x102E0];
	[tilespmem:s25+$0x10060] =	vst v21  }
0x427: {  	v35 =	vld [tilespmem:s25+$0x143E0];
	[tilespmem:s25+$0x143D0] =	vst v3;
	v3 =	vadd.f32 v62, v59  }
0x428: {  	v27 =	vadd.f32 v19, v59;
	[tilespmem:s25+$0x10160] =	vst v24;
	v23 =	vld [tilespmem:s25+$0x103E0]  }
0x429: {  	v38 =	vld [tilespmem:s25+$0x10070];
	[tilespmem:s25+$0x100E0] =	vst v3;
	v3 =	vadd.f32 v17, v59  }
0x42a: {  	v30 =	vadd.f32 v22, v59;
	[tilespmem:s25+$0x10260] =	vst v27;
	v26 =	vld [tilespmem:s25+$0x140E0]  }
0x42b: {  	v31 =	vld [tilespmem:s25+$0x14260];
	[tilespmem:s25+$0x101E0] =	vst v3;
	v3 =	vadd.f32 v20, v59  }
0x42c: {  	v33 =	vadd.f32 v25, v59;
	[tilespmem:s25+$0x10360] =	vst v30;
	v29 =	vld [tilespmem:s25+$0x141E0]  }
0x42d: {  	v56 =	vld [tilespmem:s25+$0x14350];
	[tilespmem:s25+$0x102E0] =	vst v3;
	v3 =	vadd.f32 v23, v59  }
0x42e: {  	v36 =	vadd.f32 v28, v59;
	[tilespmem:s25+$0x14060] =	vst v33;
	v32 =	vld [tilespmem:s25+$0x142E0]  }
0x42f: {  	v37 =	vld [tilespmem:s26+$0x180F0];
	[tilespmem:s25+$0x103E0] =	vst v3;
	v3 =	vadd.f32 v26, v59  }
0x430: {  	v41 =	vld [tilespmem:s25+$0x10170];
	[tilespmem:s25+$0x14160] =	vst v36;
	v39 =	vadd.f32 v31, v59  }
0x431: {  	v44 =	vld [tilespmem:s25+$0x10270];
	[tilespmem:s25+$0x140E0] =	vst v3;
	v3 =	vadd.f32 v29, v59  }
0x432: {  	[tilespmem:s25+$0x14260] =	vst v39;
	v40 =	vld [tilespmem:s25+$0x100F0];
	v18 =	vadd.f32 v56, v34  }
0x433: {  	v47 =	vld [tilespmem:s25+$0x10370];
	[tilespmem:s25+$0x141E0] =	vst v3;
	v3 =	vadd.f32 v32, v59  }
0x434: {  	v43 =	vld [tilespmem:s25+$0x101F0];
	[tilespmem:s25+$0x14350] =	vst v18;
	v45 =	vadd.f32 v38, v37  }
0x435: {  	v50 =	vld [tilespmem:s25+$0x14070];
	[tilespmem:s25+$0x142E0] =	vst v3;
	v3 =	vadd.f32 v35, v59  }
0x436: {  	v48 =	vadd.f32 v41, v37;
	v46 =	vld [tilespmem:s25+$0x102F0];
	[tilespmem:s25+$0x10070] =	vst v45  }
0x437: {  	v53 =	vld [tilespmem:s25+$0x14170];
	[tilespmem:s25+$0x143E0] =	vst v3;
	v3 =	vadd.f32 v40, v37  }
0x438: {  	v51 =	vadd.f32 v44, v37;
	[tilespmem:s25+$0x10170] =	vst v48;
	v49 =	vld [tilespmem:s25+$0x103F0]  }
0x439: {  	v52 =	vld [tilespmem:s25+$0x140F0];
	[tilespmem:s25+$0x100F0] =	vst v3;
	v3 =	vadd.f32 v43, v37  }
0x43a: {  	v54 =	vadd.f32 v47, v37;
	[tilespmem:s25+$0x10270] =	vst v51;
	v34 =	vld [tilespmem:s25+$0x14360]  }
0x43b: {  	v56 =	vld [tilespmem:s25+$0x14270];
	[tilespmem:s25+$0x101F0] =	vst v3;
	v3 =	vadd.f32 v46, v37  }
0x43c: {  	v57 =	vadd.f32 v50, v37;
	[tilespmem:s25+$0x10370] =	vst v54;
	v55 =	vld [tilespmem:s25+$0x141F0]  }
0x43d: {  	[tilespmem:s25+$0x102F0] =	vst v3;
	v3 =	vadd.f32 v49, v37  }
0x43e: {  	v60 =	vadd.f32 v53, v37;
	[tilespmem:s25+$0x14070] =	vst v57;
	v58 =	vld [tilespmem:s25+$0x142F0]  }
0x43f: {  	v42 =	vadd.f32 v34, v59;
	v59 =	vld [tilespmem:s25+$0x14370];
	[tilespmem:s25+$0x103F0] =	vst v3;
	v3 =	vadd.f32 v52, v37  }
0x440: {  	v61 =	vld [tilespmem:s25+$0x143F0];
	[tilespmem:s25+$0x14170] =	vst v60;
	v62 =	vadd.f32 v56, v37  }
0x441: {  	[tilespmem:s25+$0x140F0] =	vst v3;
	v3 =	vadd.f32 v55, v37  }
0x442: {  	p0 =	slt.u32 s24, $0x78;
	[tilespmem:s25+$0x14270] =	vst v62  }
.Ltmp18:
0x443: {  	[tilespmem:s25+$0x141F0] =	vst v3;
	v3 =	vadd.f32 v58, v37;
	(pc) =	sbr.rel @p0 .LBB2_18-.Ltmp18, $4  }
0x444: {  	[tilespmem:s25+$0x14360] =	vst v42;
	v63 =	vadd.f32 v59, v37  }
0x445: {  	[tilespmem:s25+$0x142F0] =	vst v3;
	v3 =	vadd.f32 v61, v37  }
0x446: {  	s26 =	sadd.s32 $0x8, s24;
	[tilespmem:s25+$0x14370] =	vst v63  }
0x447: {  	s24 =	smov.u32 s26;
	[tilespmem:s25+$0x143F0] =	vst v3  }
.Ltmp19:
0x448: {  	s24 =	sshll.u32 s23, $0xF;
	(pc) =	sbr.rel .LBB2_26-.Ltmp19, $4  }
0x449: {  	s24 =	sadd.s32 s12, s24  }
0x44a: {  	s24 =	sshrl.u32 s24, $0x3  }
0x44b: {  	s24 =	sadd.s32 s3, s24  }
0x44c: {  	[hbm4b:s24+s4] =	stream.linear.scatter [tilespmem:s20], [sflag:$0x6], $0x8000, $0x38;
	[tilespmem:$0x1A180] =	vst v63  }
.LBB2_27:
0x44d: {  	_ =	swait.ge [sflag:s15], $0x8000  }
0x44e: {  	[sflag:s15] =	ssyncset.done $0x0  }
0x44f: {  	[sflag:s15] =	ssyncadd.s32 $0xFFFF8000  }
0x450: {  	_ =	swait.ge [sflag:s16], $0x8000  }
0x451: {  	[sflag:s16] =	ssyncset.done $0x0  }
0x452: {  	[sflag:s16] =	ssyncadd.s32 $0xFFFF8000  }
0x453: {  	[tilespmem:$0x1A140] =	vst v2  }
0x454: {  	s23 =	simm.s32 $0x0;
	s25 =	simm.s32 $0x1A140;
	s24 =	rddreg [dreg:$0x9];
	[tilespmem:$0x1A150] =	vst v2  }
0x455: {  	[hbm4b:s24+s23] =	stream.linear.scatter [tilespmem:s25], [sflag:$0x7], $0x20, $0x38;
	[tilespmem:$0x1A180] =	vst v63  }
0x456: {  	_ = 	snop  }
0x457: {  	[tilespmem:s23], [sflag:$0x1] =	stream.linear.gather [hbm4b:s13+s23], $0x8000, $0x38;
	[tilespmem:$0x1A180] =	vst v63  }
0x458: {  	_ =	swait.ge [sflag:s10], $0x8000  }
0x459: {  	[sflag:s10] =	ssyncset.done $0x0  }
0x45a: {  	s26 =	rddreg [dreg:$0xa];
	[sflag:s10] =	ssyncadd.s32 $0xFFFF8000  }
0x45b: {  	[tilespmem:s14], [sflag:$0x2] =	stream.linear.gather [hbm4b:s26+s23], $0x8000, $0x38;
	[tilespmem:$0x1A180] =	vst v63  }
.LBB2_28:
0x45c: {  	s24 =	sshll.u32 s23, $0x6  }
0x45d: {  	s26 =	sshll.u32 s23, $0x7;
	s25 =	sand.u32 $0x3FFFFFC0, s24  }
0x45e: {  	s24 =	sand.u32 $0x3FFFFF80, s26;
	v3 =	vld [tilespmem:s25+$0x18100]  }
0x45f: {  	v4 =	vld [tilespmem:s24+$0x0]  }
0x460: {  	v5 =	vld [tilespmem:s24+$0x80]  }
0x461: {  	v6 =	vld [tilespmem:s24+$0x100]  }
0x462: {  	v7 =	vld [tilespmem:s24+$0x180]  }
0x463: {  	v8 =	vld [tilespmem:s24+$0x200]  }
0x464: {  	v9 =	vld [tilespmem:s24+$0x280]  }
0x465: {  	v10 =	vld [tilespmem:s24+$0x300]  }
0x466: {  	v11 =	vld [tilespmem:s24+$0x380]  }
0x467: {  	v12 =	vld [tilespmem:s24+$0x4000]  }
0x468: {  	v13 =	vld [tilespmem:s24+$0x4080]  }
0x469: {  	v14 =	vld [tilespmem:s24+$0x4100]  }
0x46a: {  	v15 =	vld [tilespmem:s24+$0x4180]  }
0x46b: {  	v16 =	vld [tilespmem:s24+$0x4200]  }
0x46c: {  	v17 =	vld [tilespmem:s24+$0x4280];
	v4 =	vadd.f32 v4, v3  }
0x46d: {  	v61 =	vld [tilespmem:s24+$0x4300];
	v5 =	vadd.f32 v5, v3  }
0x46e: {  	v63 =	vld [tilespmem:s24+$0x4380];
	v60 =	vadd.f32 v6, v3;
	[tilespmem:s24+$0x0] =	vst v4  }
0x46f: {  	v21 =	vld [tilespmem:s25+$0x18110];
	v62 =	vadd.f32 v7, v3;
	[tilespmem:s24+$0x80] =	vst v5  }
0x470: {  	v23 =	vld [tilespmem:s24+$0x10];
	v20 =	vadd.f32 v8, v3;
	[tilespmem:s24+$0x100] =	vst v60  }
0x471: {  	v25 =	vld [tilespmem:s24+$0x90];
	v22 =	vadd.f32 v9, v3;
	[tilespmem:s24+$0x180] =	vst v62  }
0x472: {  	v27 =	vld [tilespmem:s24+$0x110];
	v24 =	vadd.f32 v10, v3;
	[tilespmem:s24+$0x200] =	vst v20  }
0x473: {  	v29 =	vld [tilespmem:s24+$0x190];
	v26 =	vadd.f32 v11, v3;
	[tilespmem:s24+$0x280] =	vst v22  }
0x474: {  	v31 =	vld [tilespmem:s24+$0x210];
	v28 =	vadd.f32 v12, v3;
	[tilespmem:s24+$0x300] =	vst v24  }
0x475: {  	v33 =	vld [tilespmem:s24+$0x290];
	v30 =	vadd.f32 v13, v3;
	[tilespmem:s24+$0x380] =	vst v26  }
0x476: {  	v35 =	vld [tilespmem:s24+$0x310];
	v32 =	vadd.f32 v14, v3;
	[tilespmem:s24+$0x4000] =	vst v28  }
0x477: {  	v37 =	vld [tilespmem:s24+$0x390];
	v34 =	vadd.f32 v15, v3;
	[tilespmem:s24+$0x4080] =	vst v30  }
0x478: {  	v39 =	vld [tilespmem:s24+$0x4010];
	v36 =	vadd.f32 v16, v3;
	[tilespmem:s24+$0x4100] =	vst v32  }
0x479: {  	v41 =	vld [tilespmem:s24+$0x4090];
	v38 =	vadd.f32 v17, v3;
	[tilespmem:s24+$0x4180] =	vst v34  }
0x47a: {  	v42 =	vld [tilespmem:s24+$0x4110];
	v40 =	vadd.f32 v61, v3;
	[tilespmem:s24+$0x4200] =	vst v36  }
0x47b: {  	v44 =	vld [tilespmem:s24+$0x4190];
	v3 =	vadd.f32 v63, v3;
	[tilespmem:s24+$0x4280] =	vst v38  }
0x47c: {  	v45 =	vld [tilespmem:s24+$0x4210];
	v43 =	vadd.f32 v23, v21;
	[tilespmem:s24+$0x4300] =	vst v40  }
0x47d: {  	v47 =	vld [tilespmem:s24+$0x4290];
	[tilespmem:s24+$0x4380] =	vst v3;
	v3 =	vadd.f32 v25, v21  }
0x47e: {  	v48 =	vld [tilespmem:s24+$0x4310];
	v46 =	vadd.f32 v27, v21;
	[tilespmem:s24+$0x10] =	vst v43  }
0x47f: {  	v50 =	vld [tilespmem:s24+$0x4390];
	[tilespmem:s24+$0x90] =	vst v3;
	v3 =	vadd.f32 v29, v21  }
0x480: {  	v51 =	vld [tilespmem:s25+$0x18120];
	v49 =	vadd.f32 v31, v21;
	[tilespmem:s24+$0x110] =	vst v46  }
0x481: {  	v53 =	vld [tilespmem:s24+$0x20];
	[tilespmem:s24+$0x190] =	vst v3;
	v3 =	vadd.f32 v33, v21  }
0x482: {  	v54 =	vld [tilespmem:s24+$0xA0];
	v52 =	vadd.f32 v35, v21;
	[tilespmem:s24+$0x210] =	vst v49  }
0x483: {  	v56 =	vld [tilespmem:s24+$0x120];
	[tilespmem:s24+$0x290] =	vst v3;
	v3 =	vadd.f32 v37, v21  }
0x484: {  	v57 =	vld [tilespmem:s24+$0x1A0];
	v55 =	vadd.f32 v39, v21;
	[tilespmem:s24+$0x310] =	vst v52  }
0x485: {  	v59 =	vld [tilespmem:s24+$0x220];
	[tilespmem:s24+$0x390] =	vst v3;
	v3 =	vadd.f32 v41, v21  }
0x486: {  	v19 =	vld [tilespmem:s24+$0x4020];
	v58 =	vadd.f32 v42, v21;
	[tilespmem:s24+$0x4010] =	vst v55  }
0x487: {  	v63 =	vld [tilespmem:s24+$0x3A0];
	[tilespmem:s24+$0x4090] =	vst v3;
	v3 =	vadd.f32 v44, v21  }
0x488: {  	v61 =	vadd.f32 v45, v21;
	v23 =	vld [tilespmem:s24+$0x41A0];
	[tilespmem:s24+$0x4110] =	vst v58  }
0x489: {  	v31 =	vld [tilespmem:s25+$0x18130];
	[tilespmem:s24+$0x4190] =	vst v3;
	v3 =	vadd.f32 v47, v21  }
0x48a: {  	v18 =	vadd.f32 v48, v21;
	v35 =	vld [tilespmem:s24+$0x130];
	[tilespmem:s24+$0x4210] =	vst v61  }
0x48b: {  	v27 =	vadd.f32 v59, v51;
	v59 =	vld [tilespmem:s24+$0xC0];
	[tilespmem:s24+$0x4290] =	vst v3;
	v3 =	vadd.f32 v50, v21  }
0x48c: {  	v60 =	vld [tilespmem:s24+$0x2A0];
	[tilespmem:s24+$0x4310] =	vst v18  }
0x48d: {  	v16 =	vld [tilespmem:s24+$0x240];
	[tilespmem:s24+$0x4390] =	vst v3;
	v3 =	vadd.f32 v54, v51  }
0x48e: {  	v17 =	vld [tilespmem:s24+$0x2C0];
	v24 =	vadd.f32 v56, v51;
	[tilespmem:s24+$0x220] =	vst v27  }
0x48f: {  	v62 =	vld [tilespmem:s24+$0x320];
	[tilespmem:s24+$0xA0] =	vst v3;
	v3 =	vadd.f32 v57, v51  }
0x490: {  	v20 =	vld [tilespmem:s24+$0x40A0];
	[tilespmem:s24+$0x120] =	vst v24;
	v48 =	vadd.f32 v35, v31  }
0x491: {  	v22 =	vld [tilespmem:s24+$0x4120];
	[tilespmem:s24+$0x1A0] =	vst v3;
	v3 =	vadd.f32 v60, v51  }
0x492: {  	v25 =	vld [tilespmem:s24+$0x4220];
	v33 =	vadd.f32 v19, v51;
	[tilespmem:s24+$0x130] =	vst v48  }
0x493: {  	v26 =	vld [tilespmem:s24+$0x42A0];
	[tilespmem:s24+$0x2A0] =	vst v3;
	v3 =	vadd.f32 v63, v51  }
0x494: {  	v28 =	vld [tilespmem:s24+$0x4320];
	v30 =	vadd.f32 v62, v51;
	[tilespmem:s24+$0x4020] =	vst v33  }
0x495: {  	v32 =	vld [tilespmem:s24+$0x30];
	[tilespmem:s24+$0x3A0] =	vst v3;
	v3 =	vadd.f32 v20, v51  }
0x496: {  	v29 =	vld [tilespmem:s24+$0x43A0];
	v36 =	vadd.f32 v22, v51;
	[tilespmem:s24+$0x320] =	vst v30  }
0x497: {  	v34 =	vld [tilespmem:s24+$0xB0];
	[tilespmem:s24+$0x40A0] =	vst v3;
	v3 =	vadd.f32 v23, v51  }
0x498: {  	v56 =	vld [tilespmem:s25+$0x18140];
	v39 =	vadd.f32 v25, v51;
	[tilespmem:s24+$0x4120] =	vst v36  }
0x499: {  	v61 =	vld [tilespmem:s24+$0x140];
	[tilespmem:s24+$0x41A0] =	vst v3;
	v3 =	vadd.f32 v26, v51  }
0x49a: {  	v42 =	vadd.f32 v28, v51;
	v37 =	vld [tilespmem:s24+$0x1B0];
	[tilespmem:s24+$0x4220] =	vst v39  }
0x49b: {  	v38 =	vld [tilespmem:s24+$0x230];
	[tilespmem:s24+$0x42A0] =	vst v3;
	v3 =	vadd.f32 v29, v51  }
0x49c: {  	v40 =	vld [tilespmem:s24+$0x2B0];
	v45 =	vadd.f32 v32, v31;
	[tilespmem:s24+$0x4320] =	vst v42  }
0x49d: {  	v19 =	vld [tilespmem:s24+$0x340];
	[tilespmem:s24+$0x43A0] =	vst v3;
	v3 =	vadd.f32 v34, v31  }
0x49e: {  	v43 =	vld [tilespmem:s24+$0x3B0];
	v24 =	vadd.f32 v61, v56;
	[tilespmem:s24+$0x30] =	vst v45  }
0x49f: {  	v22 =	vld [tilespmem:s24+$0x4040];
	[tilespmem:s24+$0xB0] =	vst v3;
	v3 =	vadd.f32 v37, v31  }
0x4a0: {  	v46 =	vld [tilespmem:s24+$0x40B0];
	v27 =	vadd.f32 v16, v56;
	[tilespmem:s24+$0x140] =	vst v24  }
0x4a1: {  	v25 =	vld [tilespmem:s24+$0x4140];
	[tilespmem:s24+$0x1B0] =	vst v3;
	v3 =	vadd.f32 v40, v31  }
0x4a2: {  	v49 =	vld [tilespmem:s24+$0x41B0];
	[tilespmem:s24+$0x240] =	vst v27;
	v30 =	vadd.f32 v19, v56  }
0x4a3: {  	v28 =	vld [tilespmem:s24+$0x4240];
	[tilespmem:s24+$0x2B0] =	vst v3;
	v3 =	vadd.f32 v43, v31  }
0x4a4: {  	v52 =	vld [tilespmem:s24+$0x42B0];
	v33 =	vadd.f32 v22, v56;
	[tilespmem:s24+$0x340] =	vst v30  }
0x4a5: {  	v55 =	vld [tilespmem:s24+$0x43B0];
	[tilespmem:s24+$0x3B0] =	vst v3;
	v3 =	vadd.f32 v46, v31  }
0x4a6: {  	v58 =	vld [tilespmem:s24+$0x40];
	v36 =	vadd.f32 v25, v56;
	[tilespmem:s24+$0x4040] =	vst v33  }
0x4a7: {  	v41 =	vld [tilespmem:s24+$0x330];
	[tilespmem:s24+$0x40B0] =	vst v3;
	v3 =	vadd.f32 v49, v31  }
0x4a8: {  	v35 =	vld [tilespmem:s24+$0x50];
	v39 =	vadd.f32 v28, v56;
	[tilespmem:s24+$0x4140] =	vst v36  }
0x4a9: {  	v62 =	vld [tilespmem:s24+$0x1C0];
	[tilespmem:s24+$0x41B0] =	vst v3;
	v3 =	vadd.f32 v52, v31  }
0x4aa: {  	v32 =	vld [tilespmem:s24+$0x43C0];
	[tilespmem:s24+$0x4240] =	vst v39;
	v21 =	vadd.f32 v53, v51  }
0x4ab: {  	v44 =	vld [tilespmem:s24+$0x4030];
	[tilespmem:s24+$0x42B0] =	vst v3;
	v3 =	vadd.f32 v55, v31  }
0x4ac: {  	v61 =	vld [tilespmem:s24+$0x60];
	[tilespmem:s24+$0x20] =	vst v21;
	v54 =	vadd.f32 v41, v31  }
0x4ad: {  	v53 =	vld [tilespmem:s24+$0x4330];
	[tilespmem:s24+$0x43B0] =	vst v3;
	v3 =	vadd.f32 v59, v56  }
0x4ae: {  	v21 =	vadd.f32 v58, v56;
	[tilespmem:s24+$0x330] =	vst v54;
	v20 =	vld [tilespmem:s24+$0x3C0]  }
0x4af: {  	v47 =	vld [tilespmem:s24+$0x4130];
	[tilespmem:s24+$0xC0] =	vst v3;
	v3 =	vadd.f32 v62, v56  }
0x4b0: {  	v57 =	vadd.f32 v44, v31;
	[tilespmem:s24+$0x40] =	vst v21;
	v23 =	vld [tilespmem:s24+$0x40C0]  }
0x4b1: {  	v50 =	vld [tilespmem:s24+$0x4230];
	[tilespmem:s24+$0x1C0] =	vst v3;
	v3 =	vadd.f32 v17, v56  }
0x4b2: {  	v18 =	vadd.f32 v53, v31;
	[tilespmem:s24+$0x4030] =	vst v57;
	v26 =	vld [tilespmem:s24+$0x41C0]  }
0x4b3: {  	v16 =	vld [tilespmem:s24+$0x160];
	[tilespmem:s24+$0x2C0] =	vst v3;
	v3 =	vadd.f32 v20, v56  }
0x4b4: {  	v60 =	vadd.f32 v47, v31;
	[tilespmem:s24+$0x4330] =	vst v18;
	v29 =	vld [tilespmem:s24+$0x42C0]  }
0x4b5: {  	v34 =	vld [tilespmem:s25+$0x18150];
	[tilespmem:s24+$0x3C0] =	vst v3;
	v3 =	vadd.f32 v23, v56  }
0x4b6: {  	v19 =	vld [tilespmem:s24+$0x260];
	[tilespmem:s24+$0x4130] =	vst v60;
	v63 =	vadd.f32 v50, v31  }
0x4b7: {  	v51 =	vadd.f32 v38, v31;
	v38 =	vld [tilespmem:s24+$0x150];
	[tilespmem:s24+$0x40C0] =	vst v3;
	v3 =	vadd.f32 v26, v56  }
0x4b8: {  	[tilespmem:s24+$0x4230] =	vst v63;
	v37 =	vld [tilespmem:s24+$0xD0]  }
0x4b9: {  	v41 =	vld [tilespmem:s24+$0x250];
	[tilespmem:s24+$0x41C0] =	vst v3;
	v3 =	vadd.f32 v29, v56  }
0x4ba: {  	[tilespmem:s24+$0x230] =	vst v51;
	v40 =	vld [tilespmem:s24+$0x1D0];
	v45 =	vadd.f32 v35, v34  }
0x4bb: {  	v44 =	vld [tilespmem:s24+$0x350];
	[tilespmem:s24+$0x42C0] =	vst v3;
	v3 =	vadd.f32 v32, v56  }
0x4bc: {  	v48 =	vadd.f32 v38, v34;
	v43 =	vld [tilespmem:s24+$0x2D0];
	[tilespmem:s24+$0x50] =	vst v45  }
0x4bd: {  	v47 =	vld [tilespmem:s24+$0x4050];
	[tilespmem:s24+$0x43C0] =	vst v3;
	v3 =	vadd.f32 v37, v34  }
0x4be: {  	v51 =	vadd.f32 v41, v34;
	[tilespmem:s24+$0x150] =	vst v48;
	v46 =	vld [tilespmem:s24+$0x3D0]  }
0x4bf: {  	v50 =	vld [tilespmem:s24+$0x4150];
	[tilespmem:s24+$0xD0] =	vst v3;
	v3 =	vadd.f32 v40, v34  }
0x4c0: {  	v54 =	vadd.f32 v44, v34;
	[tilespmem:s24+$0x250] =	vst v51;
	v49 =	vld [tilespmem:s24+$0x40D0]  }
0x4c1: {  	v53 =	vld [tilespmem:s24+$0x4250];
	[tilespmem:s24+$0x1D0] =	vst v3;
	v3 =	vadd.f32 v43, v34  }
0x4c2: {  	v57 =	vadd.f32 v47, v34;
	[tilespmem:s24+$0x350] =	vst v54;
	v52 =	vld [tilespmem:s24+$0x41D0]  }
0x4c3: {  	v31 =	vld [tilespmem:s24+$0x4340];
	[tilespmem:s24+$0x2D0] =	vst v3;
	v3 =	vadd.f32 v46, v34  }
0x4c4: {  	v60 =	vadd.f32 v50, v34;
	[tilespmem:s24+$0x4050] =	vst v57;
	v55 =	vld [tilespmem:s24+$0x42D0]  }
0x4c5: {  	v59 =	vld [tilespmem:s25+$0x18160];
	[tilespmem:s24+$0x3D0] =	vst v3;
	v3 =	vadd.f32 v49, v34  }
0x4c6: {  	v58 =	vld [tilespmem:s24+$0x43D0];
	v63 =	vadd.f32 v53, v34;
	[tilespmem:s24+$0x4150] =	vst v60  }
0x4c7: {  	v22 =	vld [tilespmem:s24+$0x360];
	[tilespmem:s24+$0x40D0] =	vst v3;
	v3 =	vadd.f32 v52, v34  }
0x4c8: {  	[tilespmem:s24+$0x4250] =	vst v63;
	v62 =	vld [tilespmem:s24+$0xE0];
	v42 =	vadd.f32 v31, v56  }
0x4c9: {  	v25 =	vld [tilespmem:s24+$0x4060];
	[tilespmem:s24+$0x41D0] =	vst v3;
	v3 =	vadd.f32 v55, v34  }
0x4ca: {  	v17 =	vld [tilespmem:s24+$0x1E0];
	[tilespmem:s24+$0x4340] =	vst v42;
	v21 =	vadd.f32 v61, v59  }
0x4cb: {  	v28 =	vld [tilespmem:s24+$0x4160];
	[tilespmem:s24+$0x42D0] =	vst v3;
	v3 =	vadd.f32 v58, v34  }
0x4cc: {  	v24 =	vadd.f32 v16, v59;
	v20 =	vld [tilespmem:s24+$0x2E0];
	[tilespmem:s24+$0x60] =	vst v21  }
0x4cd: {  	v35 =	vld [tilespmem:s24+$0x43E0];
	[tilespmem:s24+$0x43D0] =	vst v3;
	v3 =	vadd.f32 v62, v59  }
0x4ce: {  	v27 =	vadd.f32 v19, v59;
	[tilespmem:s24+$0x160] =	vst v24;
	v23 =	vld [tilespmem:s24+$0x3E0]  }
0x4cf: {  	v38 =	vld [tilespmem:s24+$0x70];
	[tilespmem:s24+$0xE0] =	vst v3;
	v3 =	vadd.f32 v17, v59  }
0x4d0: {  	v30 =	vadd.f32 v22, v59;
	[tilespmem:s24+$0x260] =	vst v27;
	v26 =	vld [tilespmem:s24+$0x40E0]  }
0x4d1: {  	v31 =	vld [tilespmem:s24+$0x4260];
	[tilespmem:s24+$0x1E0] =	vst v3;
	v3 =	vadd.f32 v20, v59  }
0x4d2: {  	v33 =	vadd.f32 v25, v59;
	[tilespmem:s24+$0x360] =	vst v30;
	v29 =	vld [tilespmem:s24+$0x41E0]  }
0x4d3: {  	v56 =	vld [tilespmem:s24+$0x4350];
	[tilespmem:s24+$0x2E0] =	vst v3;
	v3 =	vadd.f32 v23, v59  }
0x4d4: {  	v36 =	vadd.f32 v28, v59;
	[tilespmem:s24+$0x4060] =	vst v33;
	v32 =	vld [tilespmem:s24+$0x42E0]  }
0x4d5: {  	v37 =	vld [tilespmem:s25+$0x18170];
	[tilespmem:s24+$0x3E0] =	vst v3;
	v3 =	vadd.f32 v26, v59  }
0x4d6: {  	v41 =	vld [tilespmem:s24+$0x170];
	[tilespmem:s24+$0x4160] =	vst v36;
	v39 =	vadd.f32 v31, v59  }
0x4d7: {  	v44 =	vld [tilespmem:s24+$0x270];
	[tilespmem:s24+$0x40E0] =	vst v3;
	v3 =	vadd.f32 v29, v59  }
0x4d8: {  	[tilespmem:s24+$0x4260] =	vst v39;
	v40 =	vld [tilespmem:s24+$0xF0];
	v18 =	vadd.f32 v56, v34  }
0x4d9: {  	v47 =	vld [tilespmem:s24+$0x370];
	[tilespmem:s24+$0x41E0] =	vst v3;
	v3 =	vadd.f32 v32, v59  }
0x4da: {  	v43 =	vld [tilespmem:s24+$0x1F0];
	[tilespmem:s24+$0x4350] =	vst v18;
	v45 =	vadd.f32 v38, v37  }
0x4db: {  	v50 =	vld [tilespmem:s24+$0x4070];
	[tilespmem:s24+$0x42E0] =	vst v3;
	v3 =	vadd.f32 v35, v59  }
0x4dc: {  	v48 =	vadd.f32 v41, v37;
	v46 =	vld [tilespmem:s24+$0x2F0];
	[tilespmem:s24+$0x70] =	vst v45  }
0x4dd: {  	v53 =	vld [tilespmem:s24+$0x4170];
	[tilespmem:s24+$0x43E0] =	vst v3;
	v3 =	vadd.f32 v40, v37  }
0x4de: {  	v51 =	vadd.f32 v44, v37;
	[tilespmem:s24+$0x170] =	vst v48;
	v49 =	vld [tilespmem:s24+$0x3F0]  }
0x4df: {  	v52 =	vld [tilespmem:s24+$0x40F0];
	[tilespmem:s24+$0xF0] =	vst v3;
	v3 =	vadd.f32 v43, v37  }
0x4e0: {  	v54 =	vadd.f32 v47, v37;
	[tilespmem:s24+$0x270] =	vst v51;
	v34 =	vld [tilespmem:s24+$0x4360]  }
0x4e1: {  	v56 =	vld [tilespmem:s24+$0x4270];
	[tilespmem:s24+$0x1F0] =	vst v3;
	v3 =	vadd.f32 v46, v37  }
0x4e2: {  	v57 =	vadd.f32 v50, v37;
	[tilespmem:s24+$0x370] =	vst v54;
	v55 =	vld [tilespmem:s24+$0x41F0]  }
0x4e3: {  	[tilespmem:s24+$0x2F0] =	vst v3;
	v3 =	vadd.f32 v49, v37  }
0x4e4: {  	v60 =	vadd.f32 v53, v37;
	[tilespmem:s24+$0x4070] =	vst v57;
	v58 =	vld [tilespmem:s24+$0x42F0]  }
0x4e5: {  	v42 =	vadd.f32 v34, v59;
	v59 =	vld [tilespmem:s24+$0x4370];
	[tilespmem:s24+$0x3F0] =	vst v3;
	v3 =	vadd.f32 v52, v37  }
0x4e6: {  	v61 =	vld [tilespmem:s24+$0x43F0];
	[tilespmem:s24+$0x4170] =	vst v60;
	v62 =	vadd.f32 v56, v37  }
0x4e7: {  	[tilespmem:s24+$0x40F0] =	vst v3;
	v3 =	vadd.f32 v55, v37  }
0x4e8: {  	p0 =	slt.u32 s23, $0x78;
	[tilespmem:s24+$0x4270] =	vst v62  }
.Ltmp20:
0x4e9: {  	[tilespmem:s24+$0x41F0] =	vst v3;
	v3 =	vadd.f32 v58, v37;
	(pc) =	sbr.rel @p0 .LBB2_28-.Ltmp20, $4  }
0x4ea: {  	[tilespmem:s24+$0x4360] =	vst v42;
	v63 =	vadd.f32 v59, v37  }
0x4eb: {  	[tilespmem:s24+$0x42F0] =	vst v3;
	v3 =	vadd.f32 v61, v37  }
0x4ec: {  	s26 =	sadd.s32 $0x8, s23;
	[tilespmem:s24+$0x4370] =	vst v63  }
0x4ed: {  	s23 =	smov.u32 s26;
	[tilespmem:s24+$0x43F0] =	vst v3  }
0x4ee: {  	s23 =	simm.s32 $0x0;
	s24 =	rddreg [dreg:$0xb]  }
0x4ef: {  	[hbm4b:s24+s23] =	stream.linear.scatter [tilespmem:s23], [sflag:$0x4], $0x8000, $0x38;
	[tilespmem:$0x1A180] =	vst v63  }
0x4f0: {  	_ =	swait.ge [sflag:s17], $0x8000  }
0x4f1: {  	[sflag:s17] =	ssyncset.done $0x0  }
0x4f2: {  	[sflag:s17] =	ssyncadd.s32 $0xFFFF8000  }
.LBB2_30:
0x4f3: {  	s24 =	sshll.u32 s23, $0x6  }
0x4f4: {  	s26 =	sshll.u32 s23, $0x7;
	s25 =	sand.u32 $0x3FFFFFC0, s24  }
0x4f5: {  	s24 =	sand.u32 $0x3FFFFF80, s26;
	v3 =	vld [tilespmem:s25+$0x18100]  }
0x4f6: {  	v4 =	vld [tilespmem:s24+$0x8000]  }
0x4f7: {  	v5 =	vld [tilespmem:s24+$0x8080]  }
0x4f8: {  	v6 =	vld [tilespmem:s24+$0x8100]  }
0x4f9: {  	v7 =	vld [tilespmem:s24+$0x8180]  }
0x4fa: {  	v8 =	vld [tilespmem:s24+$0x8200]  }
0x4fb: {  	v9 =	vld [tilespmem:s24+$0x8280]  }
0x4fc: {  	v10 =	vld [tilespmem:s24+$0x8300]  }
0x4fd: {  	v11 =	vld [tilespmem:s24+$0x8380]  }
0x4fe: {  	v12 =	vld [tilespmem:s24+$0xC000]  }
0x4ff: {  	v13 =	vld [tilespmem:s24+$0xC080]  }
0x500: {  	v14 =	vld [tilespmem:s24+$0xC100]  }
0x501: {  	v15 =	vld [tilespmem:s24+$0xC180]  }
0x502: {  	v16 =	vld [tilespmem:s24+$0xC200]  }
0x503: {  	v17 =	vld [tilespmem:s24+$0xC280];
	v4 =	vadd.f32 v4, v3  }
0x504: {  	v61 =	vld [tilespmem:s24+$0xC300];
	v5 =	vadd.f32 v5, v3  }
0x505: {  	v63 =	vld [tilespmem:s24+$0xC380];
	v60 =	vadd.f32 v6, v3;
	[tilespmem:s24+$0x8000] =	vst v4  }
0x506: {  	v21 =	vld [tilespmem:s25+$0x18110];
	v62 =	vadd.f32 v7, v3;
	[tilespmem:s24+$0x8080] =	vst v5  }
0x507: {  	v23 =	vld [tilespmem:s24+$0x8010];
	v20 =	vadd.f32 v8, v3;
	[tilespmem:s24+$0x8100] =	vst v60  }
0x508: {  	v25 =	vld [tilespmem:s24+$0x8090];
	v22 =	vadd.f32 v9, v3;
	[tilespmem:s24+$0x8180] =	vst v62  }
0x509: {  	v27 =	vld [tilespmem:s24+$0x8110];
	v24 =	vadd.f32 v10, v3;
	[tilespmem:s24+$0x8200] =	vst v20  }
0x50a: {  	v29 =	vld [tilespmem:s24+$0x8190];
	v26 =	vadd.f32 v11, v3;
	[tilespmem:s24+$0x8280] =	vst v22  }
0x50b: {  	v31 =	vld [tilespmem:s24+$0x8210];
	v28 =	vadd.f32 v12, v3;
	[tilespmem:s24+$0x8300] =	vst v24  }
0x50c: {  	v33 =	vld [tilespmem:s24+$0x8290];
	v30 =	vadd.f32 v13, v3;
	[tilespmem:s24+$0x8380] =	vst v26  }
0x50d: {  	v35 =	vld [tilespmem:s24+$0x8310];
	v32 =	vadd.f32 v14, v3;
	[tilespmem:s24+$0xC000] =	vst v28  }
0x50e: {  	v37 =	vld [tilespmem:s24+$0x8390];
	v34 =	vadd.f32 v15, v3;
	[tilespmem:s24+$0xC080] =	vst v30  }
0x50f: {  	v39 =	vld [tilespmem:s24+$0xC010];
	v36 =	vadd.f32 v16, v3;
	[tilespmem:s24+$0xC100] =	vst v32  }
0x510: {  	v41 =	vld [tilespmem:s24+$0xC090];
	v38 =	vadd.f32 v17, v3;
	[tilespmem:s24+$0xC180] =	vst v34  }
0x511: {  	v42 =	vld [tilespmem:s24+$0xC110];
	v40 =	vadd.f32 v61, v3;
	[tilespmem:s24+$0xC200] =	vst v36  }
0x512: {  	v44 =	vld [tilespmem:s24+$0xC190];
	v3 =	vadd.f32 v63, v3;
	[tilespmem:s24+$0xC280] =	vst v38  }
0x513: {  	v45 =	vld [tilespmem:s24+$0xC210];
	v43 =	vadd.f32 v23, v21;
	[tilespmem:s24+$0xC300] =	vst v40  }
0x514: {  	v47 =	vld [tilespmem:s24+$0xC290];
	[tilespmem:s24+$0xC380] =	vst v3;
	v3 =	vadd.f32 v25, v21  }
0x515: {  	v48 =	vld [tilespmem:s24+$0xC310];
	v46 =	vadd.f32 v27, v21;
	[tilespmem:s24+$0x8010] =	vst v43  }
0x516: {  	v50 =	vld [tilespmem:s24+$0xC390];
	[tilespmem:s24+$0x8090] =	vst v3;
	v3 =	vadd.f32 v29, v21  }
0x517: {  	v51 =	vld [tilespmem:s25+$0x18120];
	v49 =	vadd.f32 v31, v21;
	[tilespmem:s24+$0x8110] =	vst v46  }
0x518: {  	v53 =	vld [tilespmem:s24+$0x8020];
	[tilespmem:s24+$0x8190] =	vst v3;
	v3 =	vadd.f32 v33, v21  }
0x519: {  	v54 =	vld [tilespmem:s24+$0x80A0];
	v52 =	vadd.f32 v35, v21;
	[tilespmem:s24+$0x8210] =	vst v49  }
0x51a: {  	v56 =	vld [tilespmem:s24+$0x8120];
	[tilespmem:s24+$0x8290] =	vst v3;
	v3 =	vadd.f32 v37, v21  }
0x51b: {  	v57 =	vld [tilespmem:s24+$0x81A0];
	v55 =	vadd.f32 v39, v21;
	[tilespmem:s24+$0x8310] =	vst v52  }
0x51c: {  	v59 =	vld [tilespmem:s24+$0x8220];
	[tilespmem:s24+$0x8390] =	vst v3;
	v3 =	vadd.f32 v41, v21  }
0x51d: {  	v19 =	vld [tilespmem:s24+$0xC020];
	v58 =	vadd.f32 v42, v21;
	[tilespmem:s24+$0xC010] =	vst v55  }
0x51e: {  	v63 =	vld [tilespmem:s24+$0x83A0];
	[tilespmem:s24+$0xC090] =	vst v3;
	v3 =	vadd.f32 v44, v21  }
0x51f: {  	v61 =	vadd.f32 v45, v21;
	v23 =	vld [tilespmem:s24+$0xC1A0];
	[tilespmem:s24+$0xC110] =	vst v58  }
0x520: {  	v31 =	vld [tilespmem:s25+$0x18130];
	[tilespmem:s24+$0xC190] =	vst v3;
	v3 =	vadd.f32 v47, v21  }
0x521: {  	v18 =	vadd.f32 v48, v21;
	v35 =	vld [tilespmem:s24+$0x8130];
	[tilespmem:s24+$0xC210] =	vst v61  }
0x522: {  	v27 =	vadd.f32 v59, v51;
	v59 =	vld [tilespmem:s24+$0x80C0];
	[tilespmem:s24+$0xC290] =	vst v3;
	v3 =	vadd.f32 v50, v21  }
0x523: {  	v60 =	vld [tilespmem:s24+$0x82A0];
	[tilespmem:s24+$0xC310] =	vst v18  }
0x524: {  	v16 =	vld [tilespmem:s24+$0x8240];
	[tilespmem:s24+$0xC390] =	vst v3;
	v3 =	vadd.f32 v54, v51  }
0x525: {  	v17 =	vld [tilespmem:s24+$0x82C0];
	v24 =	vadd.f32 v56, v51;
	[tilespmem:s24+$0x8220] =	vst v27  }
0x526: {  	v62 =	vld [tilespmem:s24+$0x8320];
	[tilespmem:s24+$0x80A0] =	vst v3;
	v3 =	vadd.f32 v57, v51  }
0x527: {  	v20 =	vld [tilespmem:s24+$0xC0A0];
	[tilespmem:s24+$0x8120] =	vst v24;
	v48 =	vadd.f32 v35, v31  }
0x528: {  	v22 =	vld [tilespmem:s24+$0xC120];
	[tilespmem:s24+$0x81A0] =	vst v3;
	v3 =	vadd.f32 v60, v51  }
0x529: {  	v25 =	vld [tilespmem:s24+$0xC220];
	v33 =	vadd.f32 v19, v51;
	[tilespmem:s24+$0x8130] =	vst v48  }
0x52a: {  	v26 =	vld [tilespmem:s24+$0xC2A0];
	[tilespmem:s24+$0x82A0] =	vst v3;
	v3 =	vadd.f32 v63, v51  }
0x52b: {  	v28 =	vld [tilespmem:s24+$0xC320];
	v30 =	vadd.f32 v62, v51;
	[tilespmem:s24+$0xC020] =	vst v33  }
0x52c: {  	v32 =	vld [tilespmem:s24+$0x8030];
	[tilespmem:s24+$0x83A0] =	vst v3;
	v3 =	vadd.f32 v20, v51  }
0x52d: {  	v29 =	vld [tilespmem:s24+$0xC3A0];
	v36 =	vadd.f32 v22, v51;
	[tilespmem:s24+$0x8320] =	vst v30  }
0x52e: {  	v34 =	vld [tilespmem:s24+$0x80B0];
	[tilespmem:s24+$0xC0A0] =	vst v3;
	v3 =	vadd.f32 v23, v51  }
0x52f: {  	v56 =	vld [tilespmem:s25+$0x18140];
	v39 =	vadd.f32 v25, v51;
	[tilespmem:s24+$0xC120] =	vst v36  }
0x530: {  	v61 =	vld [tilespmem:s24+$0x8140];
	[tilespmem:s24+$0xC1A0] =	vst v3;
	v3 =	vadd.f32 v26, v51  }
0x531: {  	v42 =	vadd.f32 v28, v51;
	v37 =	vld [tilespmem:s24+$0x81B0];
	[tilespmem:s24+$0xC220] =	vst v39  }
0x532: {  	v38 =	vld [tilespmem:s24+$0x8230];
	[tilespmem:s24+$0xC2A0] =	vst v3;
	v3 =	vadd.f32 v29, v51  }
0x533: {  	v40 =	vld [tilespmem:s24+$0x82B0];
	v45 =	vadd.f32 v32, v31;
	[tilespmem:s24+$0xC320] =	vst v42  }
0x534: {  	v19 =	vld [tilespmem:s24+$0x8340];
	[tilespmem:s24+$0xC3A0] =	vst v3;
	v3 =	vadd.f32 v34, v31  }
0x535: {  	v43 =	vld [tilespmem:s24+$0x83B0];
	v24 =	vadd.f32 v61, v56;
	[tilespmem:s24+$0x8030] =	vst v45  }
0x536: {  	v22 =	vld [tilespmem:s24+$0xC040];
	[tilespmem:s24+$0x80B0] =	vst v3;
	v3 =	vadd.f32 v37, v31  }
0x537: {  	v46 =	vld [tilespmem:s24+$0xC0B0];
	v27 =	vadd.f32 v16, v56;
	[tilespmem:s24+$0x8140] =	vst v24  }
0x538: {  	v25 =	vld [tilespmem:s24+$0xC140];
	[tilespmem:s24+$0x81B0] =	vst v3;
	v3 =	vadd.f32 v40, v31  }
0x539: {  	v49 =	vld [tilespmem:s24+$0xC1B0];
	[tilespmem:s24+$0x8240] =	vst v27;
	v30 =	vadd.f32 v19, v56  }
0x53a: {  	v28 =	vld [tilespmem:s24+$0xC240];
	[tilespmem:s24+$0x82B0] =	vst v3;
	v3 =	vadd.f32 v43, v31  }
0x53b: {  	v52 =	vld [tilespmem:s24+$0xC2B0];
	v33 =	vadd.f32 v22, v56;
	[tilespmem:s24+$0x8340] =	vst v30  }
0x53c: {  	v55 =	vld [tilespmem:s24+$0xC3B0];
	[tilespmem:s24+$0x83B0] =	vst v3;
	v3 =	vadd.f32 v46, v31  }
0x53d: {  	v58 =	vld [tilespmem:s24+$0x8040];
	v36 =	vadd.f32 v25, v56;
	[tilespmem:s24+$0xC040] =	vst v33  }
0x53e: {  	v41 =	vld [tilespmem:s24+$0x8330];
	[tilespmem:s24+$0xC0B0] =	vst v3;
	v3 =	vadd.f32 v49, v31  }
0x53f: {  	v35 =	vld [tilespmem:s24+$0x8050];
	v39 =	vadd.f32 v28, v56;
	[tilespmem:s24+$0xC140] =	vst v36  }
0x540: {  	v62 =	vld [tilespmem:s24+$0x81C0];
	[tilespmem:s24+$0xC1B0] =	vst v3;
	v3 =	vadd.f32 v52, v31  }
0x541: {  	v32 =	vld [tilespmem:s24+$0xC3C0];
	[tilespmem:s24+$0xC240] =	vst v39;
	v21 =	vadd.f32 v53, v51  }
0x542: {  	v44 =	vld [tilespmem:s24+$0xC030];
	[tilespmem:s24+$0xC2B0] =	vst v3;
	v3 =	vadd.f32 v55, v31  }
0x543: {  	v61 =	vld [tilespmem:s24+$0x8060];
	[tilespmem:s24+$0x8020] =	vst v21;
	v54 =	vadd.f32 v41, v31  }
0x544: {  	v53 =	vld [tilespmem:s24+$0xC330];
	[tilespmem:s24+$0xC3B0] =	vst v3;
	v3 =	vadd.f32 v59, v56  }
0x545: {  	v21 =	vadd.f32 v58, v56;
	[tilespmem:s24+$0x8330] =	vst v54;
	v20 =	vld [tilespmem:s24+$0x83C0]  }
0x546: {  	v47 =	vld [tilespmem:s24+$0xC130];
	[tilespmem:s24+$0x80C0] =	vst v3;
	v3 =	vadd.f32 v62, v56  }
0x547: {  	v57 =	vadd.f32 v44, v31;
	[tilespmem:s24+$0x8040] =	vst v21;
	v23 =	vld [tilespmem:s24+$0xC0C0]  }
0x548: {  	v50 =	vld [tilespmem:s24+$0xC230];
	[tilespmem:s24+$0x81C0] =	vst v3;
	v3 =	vadd.f32 v17, v56  }
0x549: {  	v18 =	vadd.f32 v53, v31;
	[tilespmem:s24+$0xC030] =	vst v57;
	v26 =	vld [tilespmem:s24+$0xC1C0]  }
0x54a: {  	v16 =	vld [tilespmem:s24+$0x8160];
	[tilespmem:s24+$0x82C0] =	vst v3;
	v3 =	vadd.f32 v20, v56  }
0x54b: {  	v60 =	vadd.f32 v47, v31;
	[tilespmem:s24+$0xC330] =	vst v18;
	v29 =	vld [tilespmem:s24+$0xC2C0]  }
0x54c: {  	v34 =	vld [tilespmem:s25+$0x18150];
	[tilespmem:s24+$0x83C0] =	vst v3;
	v3 =	vadd.f32 v23, v56  }
0x54d: {  	v19 =	vld [tilespmem:s24+$0x8260];
	[tilespmem:s24+$0xC130] =	vst v60;
	v63 =	vadd.f32 v50, v31  }
0x54e: {  	v51 =	vadd.f32 v38, v31;
	v38 =	vld [tilespmem:s24+$0x8150];
	[tilespmem:s24+$0xC0C0] =	vst v3;
	v3 =	vadd.f32 v26, v56  }
0x54f: {  	[tilespmem:s24+$0xC230] =	vst v63;
	v37 =	vld [tilespmem:s24+$0x80D0]  }
0x550: {  	v41 =	vld [tilespmem:s24+$0x8250];
	[tilespmem:s24+$0xC1C0] =	vst v3;
	v3 =	vadd.f32 v29, v56  }
0x551: {  	[tilespmem:s24+$0x8230] =	vst v51;
	v40 =	vld [tilespmem:s24+$0x81D0];
	v45 =	vadd.f32 v35, v34  }
0x552: {  	v44 =	vld [tilespmem:s24+$0x8350];
	[tilespmem:s24+$0xC2C0] =	vst v3;
	v3 =	vadd.f32 v32, v56  }
0x553: {  	v48 =	vadd.f32 v38, v34;
	v43 =	vld [tilespmem:s24+$0x82D0];
	[tilespmem:s24+$0x8050] =	vst v45  }
0x554: {  	v47 =	vld [tilespmem:s24+$0xC050];
	[tilespmem:s24+$0xC3C0] =	vst v3;
	v3 =	vadd.f32 v37, v34  }
0x555: {  	v51 =	vadd.f32 v41, v34;
	[tilespmem:s24+$0x8150] =	vst v48;
	v46 =	vld [tilespmem:s24+$0x83D0]  }
0x556: {  	v50 =	vld [tilespmem:s24+$0xC150];
	[tilespmem:s24+$0x80D0] =	vst v3;
	v3 =	vadd.f32 v40, v34  }
0x557: {  	v54 =	vadd.f32 v44, v34;
	[tilespmem:s24+$0x8250] =	vst v51;
	v49 =	vld [tilespmem:s24+$0xC0D0]  }
0x558: {  	v53 =	vld [tilespmem:s24+$0xC250];
	[tilespmem:s24+$0x81D0] =	vst v3;
	v3 =	vadd.f32 v43, v34  }
0x559: {  	v57 =	vadd.f32 v47, v34;
	[tilespmem:s24+$0x8350] =	vst v54;
	v52 =	vld [tilespmem:s24+$0xC1D0]  }
0x55a: {  	v31 =	vld [tilespmem:s24+$0xC340];
	[tilespmem:s24+$0x82D0] =	vst v3;
	v3 =	vadd.f32 v46, v34  }
0x55b: {  	v60 =	vadd.f32 v50, v34;
	[tilespmem:s24+$0xC050] =	vst v57;
	v55 =	vld [tilespmem:s24+$0xC2D0]  }
0x55c: {  	v59 =	vld [tilespmem:s25+$0x18160];
	[tilespmem:s24+$0x83D0] =	vst v3;
	v3 =	vadd.f32 v49, v34  }
0x55d: {  	v58 =	vld [tilespmem:s24+$0xC3D0];
	v63 =	vadd.f32 v53, v34;
	[tilespmem:s24+$0xC150] =	vst v60  }
0x55e: {  	v22 =	vld [tilespmem:s24+$0x8360];
	[tilespmem:s24+$0xC0D0] =	vst v3;
	v3 =	vadd.f32 v52, v34  }
0x55f: {  	[tilespmem:s24+$0xC250] =	vst v63;
	v62 =	vld [tilespmem:s24+$0x80E0];
	v42 =	vadd.f32 v31, v56  }
0x560: {  	v25 =	vld [tilespmem:s24+$0xC060];
	[tilespmem:s24+$0xC1D0] =	vst v3;
	v3 =	vadd.f32 v55, v34  }
0x561: {  	v17 =	vld [tilespmem:s24+$0x81E0];
	[tilespmem:s24+$0xC340] =	vst v42;
	v21 =	vadd.f32 v61, v59  }
0x562: {  	v28 =	vld [tilespmem:s24+$0xC160];
	[tilespmem:s24+$0xC2D0] =	vst v3;
	v3 =	vadd.f32 v58, v34  }
0x563: {  	v24 =	vadd.f32 v16, v59;
	v20 =	vld [tilespmem:s24+$0x82E0];
	[tilespmem:s24+$0x8060] =	vst v21  }
0x564: {  	v35 =	vld [tilespmem:s24+$0xC3E0];
	[tilespmem:s24+$0xC3D0] =	vst v3;
	v3 =	vadd.f32 v62, v59  }
0x565: {  	v27 =	vadd.f32 v19, v59;
	[tilespmem:s24+$0x8160] =	vst v24;
	v23 =	vld [tilespmem:s24+$0x83E0]  }
0x566: {  	v38 =	vld [tilespmem:s24+$0x8070];
	[tilespmem:s24+$0x80E0] =	vst v3;
	v3 =	vadd.f32 v17, v59  }
0x567: {  	v30 =	vadd.f32 v22, v59;
	[tilespmem:s24+$0x8260] =	vst v27;
	v26 =	vld [tilespmem:s24+$0xC0E0]  }
0x568: {  	v31 =	vld [tilespmem:s24+$0xC260];
	[tilespmem:s24+$0x81E0] =	vst v3;
	v3 =	vadd.f32 v20, v59  }
0x569: {  	v33 =	vadd.f32 v25, v59;
	[tilespmem:s24+$0x8360] =	vst v30;
	v29 =	vld [tilespmem:s24+$0xC1E0]  }
0x56a: {  	v56 =	vld [tilespmem:s24+$0xC350];
	[tilespmem:s24+$0x82E0] =	vst v3;
	v3 =	vadd.f32 v23, v59  }
0x56b: {  	v36 =	vadd.f32 v28, v59;
	[tilespmem:s24+$0xC060] =	vst v33;
	v32 =	vld [tilespmem:s24+$0xC2E0]  }
0x56c: {  	v37 =	vld [tilespmem:s25+$0x18170];
	[tilespmem:s24+$0x83E0] =	vst v3;
	v3 =	vadd.f32 v26, v59  }
0x56d: {  	v41 =	vld [tilespmem:s24+$0x8170];
	[tilespmem:s24+$0xC160] =	vst v36;
	v39 =	vadd.f32 v31, v59  }
0x56e: {  	v44 =	vld [tilespmem:s24+$0x8270];
	[tilespmem:s24+$0xC0E0] =	vst v3;
	v3 =	vadd.f32 v29, v59  }
0x56f: {  	[tilespmem:s24+$0xC260] =	vst v39;
	v40 =	vld [tilespmem:s24+$0x80F0];
	v18 =	vadd.f32 v56, v34  }
0x570: {  	v47 =	vld [tilespmem:s24+$0x8370];
	[tilespmem:s24+$0xC1E0] =	vst v3;
	v3 =	vadd.f32 v32, v59  }
0x571: {  	v43 =	vld [tilespmem:s24+$0x81F0];
	[tilespmem:s24+$0xC350] =	vst v18;
	v45 =	vadd.f32 v38, v37  }
0x572: {  	v50 =	vld [tilespmem:s24+$0xC070];
	[tilespmem:s24+$0xC2E0] =	vst v3;
	v3 =	vadd.f32 v35, v59  }
0x573: {  	v48 =	vadd.f32 v41, v37;
	v46 =	vld [tilespmem:s24+$0x82F0];
	[tilespmem:s24+$0x8070] =	vst v45  }
0x574: {  	v53 =	vld [tilespmem:s24+$0xC170];
	[tilespmem:s24+$0xC3E0] =	vst v3;
	v3 =	vadd.f32 v40, v37  }
0x575: {  	v51 =	vadd.f32 v44, v37;
	[tilespmem:s24+$0x8170] =	vst v48;
	v49 =	vld [tilespmem:s24+$0x83F0]  }
0x576: {  	v52 =	vld [tilespmem:s24+$0xC0F0];
	[tilespmem:s24+$0x80F0] =	vst v3;
	v3 =	vadd.f32 v43, v37  }
0x577: {  	v54 =	vadd.f32 v47, v37;
	[tilespmem:s24+$0x8270] =	vst v51;
	v34 =	vld [tilespmem:s24+$0xC360]  }
0x578: {  	v56 =	vld [tilespmem:s24+$0xC270];
	[tilespmem:s24+$0x81F0] =	vst v3;
	v3 =	vadd.f32 v46, v37  }
0x579: {  	v57 =	vadd.f32 v50, v37;
	[tilespmem:s24+$0x8370] =	vst v54;
	v55 =	vld [tilespmem:s24+$0xC1F0]  }
0x57a: {  	[tilespmem:s24+$0x82F0] =	vst v3;
	v3 =	vadd.f32 v49, v37  }
0x57b: {  	v60 =	vadd.f32 v53, v37;
	[tilespmem:s24+$0xC070] =	vst v57;
	v58 =	vld [tilespmem:s24+$0xC2F0]  }
0x57c: {  	v42 =	vadd.f32 v34, v59;
	v59 =	vld [tilespmem:s24+$0xC370];
	[tilespmem:s24+$0x83F0] =	vst v3;
	v3 =	vadd.f32 v52, v37  }
0x57d: {  	v61 =	vld [tilespmem:s24+$0xC3F0];
	[tilespmem:s24+$0xC170] =	vst v60;
	v62 =	vadd.f32 v56, v37  }
0x57e: {  	[tilespmem:s24+$0xC0F0] =	vst v3;
	v3 =	vadd.f32 v55, v37  }
0x57f: {  	p0 =	slt.u32 s23, $0x78;
	[tilespmem:s24+$0xC270] =	vst v62  }
.Ltmp21:
0x580: {  	[tilespmem:s24+$0xC1F0] =	vst v3;
	v3 =	vadd.f32 v58, v37;
	(pc) =	sbr.rel @p0 .LBB2_30-.Ltmp21, $4  }
0x581: {  	[tilespmem:s24+$0xC360] =	vst v42;
	v63 =	vadd.f32 v59, v37  }
0x582: {  	[tilespmem:s24+$0xC2F0] =	vst v3;
	v3 =	vadd.f32 v61, v37  }
0x583: {  	s26 =	sadd.s32 $0x8, s23;
	[tilespmem:s24+$0xC370] =	vst v63  }
0x584: {  	s23 =	smov.u32 s26;
	[tilespmem:s24+$0xC3F0] =	vst v3  }
0x585: {  	s23 =	rddreg [dreg:$0x14]  }
0x586: {  	[hbm4b:s23+s4] =	stream.linear.scatter [tilespmem:s14], [sflag:$0x5], $0x8000, $0x38;
	[tilespmem:$0x1A180] =	vst v63  }
0x587: {  	_ =	swait.ge [sflag:s16], $0x8000  }
0x588: {  	[sflag:s16] =	ssyncset.done $0x0  }
0x589: {  	[sflag:s16] =	ssyncadd.s32 $0xFFFF8000  }
0x58a: {  	_ =	swait.ge [sflag:s18], $0x8000  }
0x58b: {  	[sflag:s18] =	ssyncset.done $0x0  }
0x58c: {  	[sflag:s18] =	ssyncadd.s32 $0xFFFF8000  }
0x58d: {  	_ =	swait.ge [sflag:s19], $0x100  }
0x58e: {  	[sflag:s19] =	ssyncset.done $0x0  }
0x58f: {  	[sflag:s19] =	ssyncadd.s32 $0xFFFFFF00  }
0x590: {  	_ =	swait.ge [sflag:s19], $0x40  }
0x591: {  	[sflag:s19] =	ssyncset.done $0x0  }
0x592: {  	[sflag:s19] =	ssyncadd.s32 $0xFFFFFFC0  }
0x593: {  	_ =	swait.ge [sflag:s19], $0x20  }
0x594: {  	s22 =	sadd.s32 $0x1, s22;
	s26 =	rddreg [dreg:$0xc]  }
0x595: {  	p0 =	sne.s32 s22, s26  }
.Ltmp22:
0x596: {  	_ = 	snop;
	(pc) =	sbr.rel @p0 .LBB2_1-.Ltmp22, $3  }
0x597: {  	_ =	sdelay $0x1  }
0x598: {  	[sflag:s19] =	ssyncset.done $0x0  }
0x599: {  	[sflag:s19] =	ssyncadd.s32 $0xFFFFFFE0  }
0x59a: {  	_ =	sfence.sel $0x180000  }
0x59b: {  	[bflag:$0x0] =	sbarrier.arrive $0xFFFF  }
0x59c: {  	_ =	strace $0x90000047  }
0x59d: {  	s0 =	stileid.u32;
	[bflag:$0x2] =	sbarrier.arrive $0xFFFF  }
0x59e: {  	p0 =	sne.s32 s0, $0x0;
	s0 =	rddreg [dreg:$0x6]  }
0x59f: {  	s0 =	sadd.s32 @!p0 $0x100000, s0  }
0x5a0: {  	[sflag:s0] =	ssyncadd.tile.s32 @!p0 $0x1;
	_ =	shalt  }
.Lfunc_end2:
_tile_overlayer_lowered:
.L_overlay_start_2:
0x5a1: {  	(tag) =	ssettag $0x2  }
0x5a2: {  	s0 =	rddreg [dreg:$0x0];
	s2 =	stileid.u32  }
0x5a3: {  	s1 =	rddreg [dreg:$0x1];
	p0 =	sne.s32 s2, $0x0  }
0x5a4: {  	s3 =	rddreg [dreg:$0x2];
	[bflag:$0x3] =	sbarrier.arrive $0xFFFF;
	s2 =	simm.s32 @!p0 $0x1C08  }
0x5a5: {  	[timem:s3], [sflag:s2] =	dma.local @!p0 [hbm:s0], s1  }
0x5a6: {  	s0 =	simm.s32 @!p0 $0x8  }
0x5a7: {  	_ =	swait.ge @!p0 [sflag:s0], s1  }
0x5a8: {  	s1 =	ssub.s32 @!p0 $0x0, s1;
	[sflag:s0] =	ssyncset.done @!p0 $0x0  }
0x5a9: {  	[sflag:s0] =	ssyncadd.s32 @!p0 s1  }
0x5aa: {  	[bflag:$0x3] =	sbarrier.arrive $0xFFFF  }
0x5ab: {  	_ =	shalt  }

</sc_bundles>
